<compile_context>
chip_gen: v7x
topology: tpu7x:2x2x1
jax: 0.10.2.dev20260603
libtpu: 0.0.44.dev20260713+nightly
codegen_flags: <defaults>
</compile_context>

<pallas_src>
import functools

import jax
import jax.numpy as jnp
from jax import lax
from jax.experimental import pallas as pl
from jax.experimental.pallas import tpu as pltpu, tpu_sc as plsc

N = 10000
D = 128
NPAD = 10240
EPAD = 327680
NGRP = EPAD // 128
NW = 32
G = NGRP // NW
ROWS_PER_TILE = NPAD // 16

_mesh = plsc.VectorSubcoreMesh(core_axis_name="c", subcore_axis_name="s")


@functools.partial(
    pl.kernel,
    out_type=jax.ShapeDtypeStruct((2, 2, NPAD), jnp.float32),
    mesh=_mesh,
    scratch_types=[
        pltpu.VMEM((G, 128), jnp.int32),
        pltpu.VMEM((128,), jnp.float32),
        pltpu.VMEM((128,), jnp.float32),
        pltpu.VMEM_SHARED((NPAD,), jnp.float32),
        pltpu.VMEM_SHARED((NPAD,), jnp.float32),
    ],
)
def _deg_kernel(src_hbm, dst_hbm, out_hbm, idx_v, ones_v, zeros_v, dego_sh, degi_sh):
    c = lax.axis_index("c")
    s = lax.axis_index("s")
    for j in range(8):
        ones_v[pl.ds(j * 16, 16)] = jnp.full((16,), 1.0, jnp.float32)
        zeros_v[pl.ds(j * 16, 16)] = jnp.zeros((16,), jnp.float32)
    base = s * ROWS_PER_TILE
    for r in range(ROWS_PER_TILE // 128):
        pltpu.sync_copy(zeros_v, dego_sh.at[pl.ds(base + r * 128, 128)])
        pltpu.sync_copy(zeros_v, degi_sh.at[pl.ds(base + r * 128, 128)])
    plsc.subcore_barrier()
    wid = s * 2 + c
    g0 = wid * G
    pltpu.sync_copy(src_hbm.at[pl.ds(g0, G)], idx_v)

    def body_src(j, carry):
        pltpu.sync_copy(ones_v, dego_sh.at[idx_v.at[j]], add=True)
        return carry

    lax.fori_loop(0, G, body_src, 0)
    pltpu.sync_copy(dst_hbm.at[pl.ds(g0, G)], idx_v)

    def body_dst(j, carry):
        pltpu.sync_copy(ones_v, degi_sh.at[idx_v.at[j]], add=True)
        return carry

    lax.fori_loop(0, G, body_dst, 0)
    plsc.subcore_barrier()
    pltpu.sync_copy(dego_sh.at[pl.ds(base, ROWS_PER_TILE)],
                    out_hbm.at[c, 0, pl.ds(base, ROWS_PER_TILE)])
    pltpu.sync_copy(degi_sh.at[pl.ds(base, ROWS_PER_TILE)],
                    out_hbm.at[c, 1, pl.ds(base, ROWS_PER_TILE)])


QROW = 256
EPT = EPAD // 16
FAST_C = 0
NG_SLOW = 20
NG_FAST = 60


@functools.partial(
    pl.kernel,
    out_type=jax.ShapeDtypeStruct((2, NPAD, D), jnp.float32),
    mesh=_mesh,
    scratch_types=[
        pltpu.VMEM((QROW,), jnp.int32),
        pltpu.VMEM((QROW,), jnp.int32),
        pltpu.VMEM((QROW, D), jnp.float32),
        pltpu.VMEM((16, D), jnp.float32),
        pltpu.VMEM_SHARED((NPAD, D), jnp.float32),
    ],
)
def _prop_kernel(hw_hbm, src_hbm, dst_hbm, out_hbm,
                 srcg, dstg, buf0, zb, acc_sh):
    c = lax.axis_index("c")
    s = lax.axis_index("s")
    for r in range(16):
        for j in range(8):
            zb[r, pl.ds(j * 16, 16)] = jnp.zeros((16,), jnp.float32)

    def zbody(r, carry):
        pltpu.sync_copy(zb, acc_sh.at[pl.ds(s * ROWS_PER_TILE + r * 16, 16)])
        return carry

    lax.fori_loop(0, ROWS_PER_TILE // 16, zbody, 0)
    plsc.subcore_barrier()

    ng = jnp.where(c == FAST_C, NG_FAST, NG_SLOW)
    base = s * EPT + jnp.where(c == FAST_C, NG_SLOW * QROW, 0)

    def gbody(t, carry):
        @pl.when(t < ng)
        def _():
            e0 = base + t * QROW
            pltpu.sync_copy(src_hbm.at[pl.ds(e0, QROW)], srcg)
            pltpu.sync_copy(dst_hbm.at[pl.ds(e0, QROW)], dstg)
            pltpu.sync_copy(hw_hbm.at[srcg], buf0)
            pltpu.sync_copy(buf0, acc_sh.at[dstg], add=True)
        return carry

    lax.fori_loop(0, NG_FAST, gbody, 0)
    plsc.subcore_barrier()
    pltpu.sync_copy(acc_sh.at[pl.ds(s * ROWS_PER_TILE, ROWS_PER_TILE)],
                    out_hbm.at[c, pl.ds(s * ROWS_PER_TILE, ROWS_PER_TILE)])


def _tc_pre_body(feat_ref, degt_ref, w_ref, out_ref):
    dego = degt_ref[:, 0:1] + degt_ref[:, 2:3]
    ns = lax.rsqrt(jnp.maximum(dego, 1.0))
    out_ref[...] = jnp.dot(feat_ref[...] * ns, w_ref[...],
                           preferred_element_type=jnp.float32)


_tc_pre = pl.pallas_call(
    _tc_pre_body,
    out_shape=jax.ShapeDtypeStruct((NPAD, D), jnp.float32),
)


def _tc_mid_body(agg_ref, degt_ref, b_ref, w_ref, out_ref):
    dego = degt_ref[:, 0:1] + degt_ref[:, 2:3]
    degi = degt_ref[:, 1:2] + degt_ref[:, 3:4]
    ns = lax.rsqrt(jnp.maximum(dego, 1.0))
    nd = lax.rsqrt(jnp.maximum(degi, 1.0))
    agg = agg_ref[0] + agg_ref[1]
    h = jnp.maximum(agg * nd + b_ref[...], 0.0)
    out_ref[...] = jnp.dot(h * ns, w_ref[...], preferred_element_type=jnp.float32)


_tc_mid = pl.pallas_call(
    _tc_mid_body,
    out_shape=jax.ShapeDtypeStruct((NPAD, D), jnp.float32),
)


def _tc_post_body(agg_ref, degt_ref, b_ref, out_ref):
    degi = degt_ref[:, 1:2] + degt_ref[:, 3:4]
    nd = lax.rsqrt(jnp.maximum(degi, 1.0))
    agg = agg_ref[0] + agg_ref[1]
    out_ref[...] = jnp.maximum(agg * nd + b_ref[...], 0.0)


_tc_post = pl.pallas_call(
    _tc_post_body,
    out_shape=jax.ShapeDtypeStruct((NPAD, D), jnp.float32),
)


def kernel(features, edge_index, W0, b0, W1, b1):
    src = edge_index[0].astype(jnp.int32)
    dst = edge_index[1].astype(jnp.int32)
    e = src.shape[0]
    pad = jnp.full((EPAD - e,), N, jnp.int32)
    srcp = jnp.concatenate([src, pad])
    dstp = jnp.concatenate([dst, pad])
    srcp2d = srcp.reshape(NGRP, 128)
    dstp2d = dstp.reshape(NGRP, 128)
    featp = jnp.concatenate(
        [features, jnp.zeros((NPAD - N, D), jnp.float32)], axis=0)
    b0r = b0.reshape(1, D)
    b1r = b1.reshape(1, D)

    degp = _deg_kernel(srcp2d, dstp2d)
    degt = jnp.transpose(degp.reshape(4, NPAD))
    hw0 = _tc_pre(featp, degt, W0)
    agg0 = _prop_kernel(hw0, srcp, dstp)
    hw1 = _tc_mid(agg0, degt, b0r, W1)
    agg1 = _prop_kernel(hw1, srcp, dstp)
    out = _tc_post(agg1, degt, b1r)
    return out[:N]

# --- scband reference (transcript-rebuilt; emitter-appended) ---
"""Pipeline reference for scband-gcn-89867895702007 (READ-ONLY COPY).

The authoritative reference and input builder live on the scoring server;
editing this copy changes nothing except your own understanding.
"""

import jax, jax.numpy as jnp
import numpy as np

N_NODES = 10000
N_EDGES = 320000
D_IN = 128
D_HID = 128
D_OUT = 128

def setup_inputs(seed: int = 0) -> dict:
    key = jax.random.key(seed)
    k1, k2, k3, k4, k5, k6 = jax.random.split(key, 6)
    features = jax.random.normal(k1, (N_NODES, D_IN), dtype=jnp.float32)
    edge_index = jax.random.randint(k2, (2, N_EDGES), 0, N_NODES, dtype=jnp.int64)
    # GraphConv weights (glorot-ish scale)
    W0 = jax.random.normal(k3, (D_IN, D_HID), dtype=jnp.float32) * (1.0 / np.sqrt(D_IN))
    b0 = jnp.zeros((D_HID,), dtype=jnp.float32)
    W1 = jax.random.normal(k4, (D_HID, D_OUT), dtype=jnp.float32) * (1.0 / np.sqrt(D_HID))
    b1 = jnp.zeros((D_OUT,), dtype=jnp.float32)
    return {"features": features, "edge_index": edge_index, "W0": W0, "b0": b0, "W1": W1, "b1": b1}

def reference(features, edge_index, W0, b0, W1, b1):
    # Faithful GCN (DGL GraphConv, norm='both'): h' = relu(D_dst^{-1/2} A D_src^{-1/2} h W + b)
    src = edge_index[0]
    dst = edge_index[1]
    N = features.shape[0]
    ones = jnp.ones((src.shape[0],), dtype=jnp.float32)
    deg_out = jax.ops.segment_sum(ones, src, num_segments=N)
    deg_in = jax.ops.segment_sum(ones, dst, num_segments=N)
    norm_src = jax.lax.rsqrt(jnp.clip(deg_out, 1.0, None))
    norm_dst = jax.lax.rsqrt(jnp.clip(deg_in, 1.0, None))

    def conv(h, W, b):
        h = h * norm_src[:, None]
        h = h @ W
        msg = jnp.take(h, src, axis=0)
        agg = jax.ops.segment_sum(msg, dst, num_segments=N)
        agg = agg * norm_dst[:, None]
        return jax.nn.relu(agg + b)

    h = conv(features, W0, b0)
    h = conv(h, W1, b1)
    return h

if __name__ == "__main__":
    import jax
    _d = setup_inputs()
    print(jax.jit(kernel)(*tuple(_d.values())))

</pallas_src>

<mosaic_0001>
#map = affine_map<(d0, d1) -> (0, 0)>
#map1 = affine_map<(d0, d1) -> (0, 0, 0)>
module attributes {stable_mosaic.version = 14 : i64} {
  func.func @_deg_kernel(%arg0: i32, %arg1: i32, %arg2: memref<2560x128xi32, #tpu.memory_space<hbm>>, %arg3: memref<2560x128xi32, #tpu.memory_space<hbm>>, %arg4: memref<2x2x10240xf32, #tpu.memory_space<hbm>>, %arg5: memref<80x128xi32, #tpu.memory_space<vmem>>, %arg6: memref<128xf32, #tpu.memory_space<vmem>>, %arg7: memref<128xf32, #tpu.memory_space<vmem>>, %arg8: memref<10240xf32, #tpu.memory_space<vmem_shared>>, %arg9: memref<10240xf32, #tpu.memory_space<vmem_shared>>) attributes {dimension_semantics = [#tpu.dimension_semantics<core_parallel>, #tpu.dimension_semantics<subcore_parallel>], iteration_bounds = array<i64: 2, 16>, scalar_prefetch = 0 : i64, scratch_operands = 5 : i64, tpu.core_type = #tpu.core_type<sc_vector_subcore>, window_params = [{transform_indices = #map}, {transform_indices = #map}, {transform_indices = #map1}]} {
    %broadcast_in_dim3A = arith.constant 1.000000e+00 : f32
    %broadcast_in_dim3A_0 = vector.broadcast %broadcast_in_dim3A : f32 to vector<16xf32>
    %swap3A = arith.constant 0 : index
    %swap3A_1 = tpu.vector_load %arg6[%swap3A] {strides = array<i32>} : memref<128xf32, #tpu.memory_space<vmem>>, vector<16xf32>,
    %swap3A_2 = vector.shape_cast %swap3A_1 : vector<16xf32> to vector<16xf32>
    %swap3A_3 = vector.shape_cast %broadcast_in_dim3A_0 : vector<16xf32> to vector<16xf32>
    tpu.vector_store %arg6[%swap3A], %swap3A_3 {strides = array<i32>} : memref<128xf32, #tpu.memory_space<vmem>>, vector<16xf32>,
    %broadcast_in_dim3A_4 = arith.constant 0.000000e+00 : f32
    %broadcast_in_dim3A_5 = vector.broadcast %broadcast_in_dim3A_4 : f32 to vector<16xf32>
    %swap3A_6 = arith.constant 0 : index
    %swap3A_7 = tpu.vector_load %arg7[%swap3A_6] {strides = array<i32>} : memref<128xf32, #tpu.memory_space<vmem>>, vector<16xf32>,
    %swap3A_8 = vector.shape_cast %swap3A_7 : vector<16xf32> to vector<16xf32>
    %swap3A_9 = vector.shape_cast %broadcast_in_dim3A_5 : vector<16xf32> to vector<16xf32>
    tpu.vector_store %arg7[%swap3A_6], %swap3A_9 {strides = array<i32>} : memref<128xf32, #tpu.memory_space<vmem>>, vector<16xf32>,
    %broadcast_in_dim3A_10 = arith.constant 1.000000e+00 : f32
    %broadcast_in_dim3A_11 = vector.broadcast %broadcast_in_dim3A_10 : f32 to vector<16xf32>
    %swap3A_12 = arith.constant 16 : index
    %swap3A_13 = tpu.vector_load %arg6[%swap3A_12] {strides = array<i32>} : memref<128xf32, #tpu.memory_space<vmem>>, vector<16xf32>,
    %swap3A_14 = vector.shape_cast %swap3A_13 : vector<16xf32> to vector<16xf32>
    %swap3A_15 = vector.shape_cast %broadcast_in_dim3A_11 : vector<16xf32> to vector<16xf32>
    tpu.vector_store %arg6[%swap3A_12], %swap3A_15 {strides = array<i32>} : memref<128xf32, #tpu.memory_space<vmem>>, vector<16xf32>,
    %broadcast_in_dim3A_16 = arith.constant 0.000000e+00 : f32
    %broadcast_in_dim3A_17 = vector.broadcast %broadcast_in_dim3A_16 : f32 to vector<16xf32>
    %swap3A_18 = arith.constant 16 : index
    %swap3A_19 = tpu.vector_load %arg7[%swap3A_18] {strides = array<i32>} : memref<128xf32, #tpu.memory_space<vmem>>, vector<16xf32>,
    %swap3A_20 = vector.shape_cast %swap3A_19 : vector<16xf32> to vector<16xf32>
    %swap3A_21 = vector.shape_cast %broadcast_in_dim3A_17 : vector<16xf32> to vector<16xf32>
    tpu.vector_store %arg7[%swap3A_18], %swap3A_21 {strides = array<i32>} : memref<128xf32, #tpu.memory_space<vmem>>, vector<16xf32>,
    %broadcast_in_dim3A_22 = arith.constant 1.000000e+00 : f32
    %broadcast_in_dim3A_23 = vector.broadcast %broadcast_in_dim3A_22 : f32 to vector<16xf32>
    %swap3A_24 = arith.constant 32 : index
    %swap3A_25 = tpu.vector_load %arg6[%swap3A_24] {strides = array<i32>} : memref<128xf32, #tpu.memory_space<vmem>>, vector<16xf32>,
    %swap3A_26 = vector.shape_cast %swap3A_25 : vector<16xf32> to vector<16xf32>
    %swap3A_27 = vector.shape_cast %broadcast_in_dim3A_23 : vector<16xf32> to vector<16xf32>
    tpu.vector_store %arg6[%swap3A_24], %swap3A_27 {strides = array<i32>} : memref<128xf32, #tpu.memory_space<vmem>>, vector<16xf32>,
    %broadcast_in_dim3A_28 = arith.constant 0.000000e+00 : f32
    %broadcast_in_dim3A_29 = vector.broadcast %broadcast_in_dim3A_28 : f32 to vector<16xf32>
    %swap3A_30 = arith.constant 32 : index
    %swap3A_31 = tpu.vector_load %arg7[%swap3A_30] {strides = array<i32>} : memref<128xf32, #tpu.memory_space<vmem>>, vector<16xf32>,
    %swap3A_32 = vector.shape_cast %swap3A_31 : vector<16xf32> to vector<16xf32>
    %swap3A_33 = vector.shape_cast %broadcast_in_dim3A_29 : vector<16xf32> to vector<16xf32>
    tpu.vector_store %arg7[%swap3A_30], %swap3A_33 {strides = array<i32>} : memref<128xf32, #tpu.memory_space<vmem>>, vector<16xf32>,
    %broadcast_in_dim3A_34 = arith.constant 1.000000e+00 : f32
    %broadcast_in_dim3A_35 = vector.broadcast %broadcast_in_dim3A_34 : f32 to vector<16xf32>
    %swap3A_36 = arith.constant 48 : index
    %swap3A_37 = tpu.vector_load %arg6[%swap3A_36] {strides = array<i32>} : memref<128xf32, #tpu.memory_space<vmem>>, vector<16xf32>,
    %swap3A_38 = vector.shape_cast %swap3A_37 : vector<16xf32> to vector<16xf32>
    %swap3A_39 = vector.shape_cast %broadcast_in_dim3A_35 : vector<16xf32> to vector<16xf32>
    tpu.vector_store %arg6[%swap3A_36], %swap3A_39 {strides = array<i32>} : memref<128xf32, #tpu.memory_space<vmem>>, vector<16xf32>,
    %broadcast_in_dim3A_40 = arith.constant 0.000000e+00 : f32
    %broadcast_in_dim3A_41 = vector.broadcast %broadcast_in_dim3A_40 : f32 to vector<16xf32>
    %swap3A_42 = arith.constant 48 : index
    %swap3A_43 = tpu.vector_load %arg7[%swap3A_42] {strides = array<i32>} : memref<128xf32, #tpu.memory_space<vmem>>, vector<16xf32>,
    %swap3A_44 = vector.shape_cast %swap3A_43 : vector<16xf32> to vector<16xf32>
    %swap3A_45 = vector.shape_cast %broadcast_in_dim3A_41 : vector<16xf32> to vector<16xf32>
    tpu.vector_store %arg7[%swap3A_42], %swap3A_45 {strides = array<i32>} : memref<128xf32, #tpu.memory_space<vmem>>, vector<16xf32>,
    %broadcast_in_dim3A_46 = arith.constant 1.000000e+00 : f32
    %broadcast_in_dim3A_47 = vector.broadcast %broadcast_in_dim3A_46 : f32 to vector<16xf32>
    %swap3A_48 = arith.constant 64 : index
    %swap3A_49 = tpu.vector_load %arg6[%swap3A_48] {strides = array<i32>} : memref<128xf32, #tpu.memory_space<vmem>>, vector<16xf32>,
    %swap3A_50 = vector.shape_cast %swap3A_49 : vector<16xf32> to vector<16xf32>
    %swap3A_51 = vector.shape_cast %broadcast_in_dim3A_47 : vector<16xf32> to vector<16xf32>
    tpu.vector_store %arg6[%swap3A_48], %swap3A_51 {strides = array<i32>} : memref<128xf32, #tpu.memory_space<vmem>>, vector<16xf32>,
    %broadcast_in_dim3A_52 = arith.constant 0.000000e+00 : f32
    %broadcast_in_dim3A_53 = vector.broadcast %broadcast_in_dim3A_52 : f32 to vector<16xf32>
    %swap3A_54 = arith.constant 64 : index
    %swap3A_55 = tpu.vector_load %arg7[%swap3A_54] {strides = array<i32>} : memref<128xf32, #tpu.memory_space<vmem>>, vector<16xf32>,
    %swap3A_56 = vector.shape_cast %swap3A_55 : vector<16xf32> to vector<16xf32>
    %swap3A_57 = vector.shape_cast %broadcast_in_dim3A_53 : vector<16xf32> to vector<16xf32>
    tpu.vector_store %arg7[%swap3A_54], %swap3A_57 {strides = array<i32>} : memref<128xf32, #tpu.memory_space<vmem>>, vector<16xf32>,
    %broadcast_in_dim3A_58 = arith.constant 1.000000e+00 : f32
    %broadcast_in_dim3A_59 = vector.broadcast %broadcast_in_dim3A_58 : f32 to vector<16xf32>
    %swap3A_60 = arith.constant 80 : index
    %swap3A_61 = tpu.vector_load %arg6[%swap3A_60] {strides = array<i32>} : memref<128xf32, #tpu.memory_space<vmem>>, vector<16xf32>,
    %swap3A_62 = vector.shape_cast %swap3A_61 : vector<16xf32> to vector<16xf32>
    %swap3A_63 = vector.shape_cast %broadcast_in_dim3A_59 : vector<16xf32> to vector<16xf32>
    tpu.vector_store %arg6[%swap3A_60], %swap3A_63 {strides = array<i32>} : memref<128xf32, #tpu.memory_space<vmem>>, vector<16xf32>,
    %broadcast_in_dim3A_64 = arith.constant 0.000000e+00 : f32
    %broadcast_in_dim3A_65 = vector.broadcast %broadcast_in_dim3A_64 : f32 to vector<16xf32>
    %swap3A_66 = arith.constant 80 : index
    %swap3A_67 = tpu.vector_load %arg7[%swap3A_66] {strides = array<i32>} : memref<128xf32, #tpu.memory_space<vmem>>, vector<16xf32>,
    %swap3A_68 = vector.shape_cast %swap3A_67 : vector<16xf32> to vector<16xf32>
    %swap3A_69 = vector.shape_cast %broadcast_in_dim3A_65 : vector<16xf32> to vector<16xf32>
    tpu.vector_store %arg7[%swap3A_66], %swap3A_69 {strides = array<i32>} : memref<128xf32, #tpu.memory_space<vmem>>, vector<16xf32>,
    %broadcast_in_dim3A_70 = arith.constant 1.000000e+00 : f32
    %broadcast_in_dim3A_71 = vector.broadcast %broadcast_in_dim3A_70 : f32 to vector<16xf32>
    %swap3A_72 = arith.constant 96 : index
    %swap3A_73 = tpu.vector_load %arg6[%swap3A_72] {strides = array<i32>} : memref<128xf32, #tpu.memory_space<vmem>>, vector<16xf32>,
    %swap3A_74 = vector.shape_cast %swap3A_73 : vector<16xf32> to vector<16xf32>
    %swap3A_75 = vector.shape_cast %broadcast_in_dim3A_71 : vector<16xf32> to vector<16xf32>
    tpu.vector_store %arg6[%swap3A_72], %swap3A_75 {strides = array<i32>} : memref<128xf32, #tpu.memory_space<vmem>>, vector<16xf32>,
    %broadcast_in_dim3A_76 = arith.constant 0.000000e+00 : f32
    %broadcast_in_dim3A_77 = vector.broadcast %broadcast_in_dim3A_76 : f32 to vector<16xf32>
    %swap3A_78 = arith.constant 96 : index
    %swap3A_79 = tpu.vector_load %arg7[%swap3A_78] {strides = array<i32>} : memref<128xf32, #tpu.memory_space<vmem>>, vector<16xf32>,
    %swap3A_80 = vector.shape_cast %swap3A_79 : vector<16xf32> to vector<16xf32>
    %swap3A_81 = vector.shape_cast %broadcast_in_dim3A_77 : vector<16xf32> to vector<16xf32>
    tpu.vector_store %arg7[%swap3A_78], %swap3A_81 {strides = array<i32>} : memref<128xf32, #tpu.memory_space<vmem>>, vector<16xf32>,
    %broadcast_in_dim3A_82 = arith.constant 1.000000e+00 : f32
    %broadcast_in_dim3A_83 = vector.broadcast %broadcast_in_dim3A_82 : f32 to vector<16xf32>
    %swap3A_84 = arith.constant 112 : index
    %swap3A_85 = tpu.vector_load %arg6[%swap3A_84] {strides = array<i32>} : memref<128xf32, #tpu.memory_space<vmem>>, vector<16xf32>,
    %swap3A_86 = vector.shape_cast %swap3A_85 : vector<16xf32> to vector<16xf32>
    %swap3A_87 = vector.shape_cast %broadcast_in_dim3A_83 : vector<16xf32> to vector<16xf32>
    tpu.vector_store %arg6[%swap3A_84], %swap3A_87 {strides = array<i32>} : memref<128xf32, #tpu.memory_space<vmem>>, vector<16xf32>,
    %broadcast_in_dim3A_88 = arith.constant 0.000000e+00 : f32
    %broadcast_in_dim3A_89 = vector.broadcast %broadcast_in_dim3A_88 : f32 to vector<16xf32>
    %swap3A_90 = arith.constant 112 : index
    %swap3A_91 = tpu.vector_load %arg7[%swap3A_90] {strides = array<i32>} : memref<128xf32, #tpu.memory_space<vmem>>, vector<16xf32>,
    %swap3A_92 = vector.shape_cast %swap3A_91 : vector<16xf32> to vector<16xf32>
    %swap3A_93 = vector.shape_cast %broadcast_in_dim3A_89 : vector<16xf32> to vector<16xf32>
    tpu.vector_store %arg7[%swap3A_90], %swap3A_93 {strides = array<i32>} : memref<128xf32, #tpu.memory_space<vmem>>, vector<16xf32>,
    %mul3A = arith.constant 640 : i32
    %mul3A_94 = arith.muli %arg1, %mul3A : i32
    %add3A = arith.constant 0 : i32
    %add3A_95 = arith.addi %mul3A_94, %add3A : i32
    "tpu.region"() ({
      %run_scoped3A_132 = tpu.sem_alloc : memref<!tpu.dma_semaphore, #tpu.memory_space<semaphore_mem>>
      %dma_start3A = tpu.memref_slice %arg8[%add3A_95] : memref<10240xf32, #tpu.memory_space<vmem_shared>> -> memref<128xf32, #tpu.memory_space<vmem_shared>>
      %dma_start3A_133 = tpu.memref_slice %arg8[%add3A_95] : memref<10240xf32, #tpu.memory_space<vmem_shared>> -> memref<128xf32, #tpu.memory_space<vmem_shared>>
      tpu.enqueue_dma source(%arg7 : memref<128xf32, #tpu.memory_space<vmem>>) target(%dma_start3A_133 : memref<128xf32, #tpu.memory_space<vmem_shared>>) target_semaphore(%run_scoped3A_132 : memref<!tpu.dma_semaphore, #tpu.memory_space<semaphore_mem>>)
      %dma_wait3A = tpu.memref_slice %arg8[%add3A_95] : memref<10240xf32, #tpu.memory_space<vmem_shared>> -> memref<128xf32, #tpu.memory_space<vmem_shared>>
      %dma_wait3A_134 = tpu.memref_slice %arg8[%add3A_95] : memref<10240xf32, #tpu.memory_space<vmem_shared>> -> memref<128xf32, #tpu.memory_space<vmem_shared>>
      tpu.wait_dma2 semaphore(%run_scoped3A_132 : memref<!tpu.dma_semaphore, #tpu.memory_space<semaphore_mem>>) src(%arg7 : memref<128xf32, #tpu.memory_space<vmem>>) dst(%dma_wait3A_134 : memref<128xf32, #tpu.memory_space<vmem_shared>>)
      tpu.yield
    }) : () -> ()
    %add3A_96 = arith.constant 0 : i32
    %add3A_97 = arith.addi %mul3A_94, %add3A_96 : i32
    "tpu.region"() ({
      %run_scoped3A_132 = tpu.sem_alloc : memref<!tpu.dma_semaphore, #tpu.memory_space<semaphore_mem>>
      %dma_start3A = tpu.memref_slice %arg9[%add3A_97] : memref<10240xf32, #tpu.memory_space<vmem_shared>> -> memref<128xf32, #tpu.memory_space<vmem_shared>>
      %dma_start3A_133 = tpu.memref_slice %arg9[%add3A_97] : memref<10240xf32, #tpu.memory_space<vmem_shared>> -> memref<128xf32, #tpu.memory_space<vmem_shared>>
      tpu.enqueue_dma source(%arg7 : memref<128xf32, #tpu.memory_space<vmem>>) target(%dma_start3A_133 : memref<128xf32, #tpu.memory_space<vmem_shared>>) target_semaphore(%run_scoped3A_132 : memref<!tpu.dma_semaphore, #tpu.memory_space<semaphore_mem>>)
      %dma_wait3A = tpu.memref_slice %arg9[%add3A_97] : memref<10240xf32, #tpu.memory_space<vmem_shared>> -> memref<128xf32, #tpu.memory_space<vmem_shared>>
      %dma_wait3A_134 = tpu.memref_slice %arg9[%add3A_97] : memref<10240xf32, #tpu.memory_space<vmem_shared>> -> memref<128xf32, #tpu.memory_space<vmem_shared>>
      tpu.wait_dma2 semaphore(%run_scoped3A_132 : memref<!tpu.dma_semaphore, #tpu.memory_space<semaphore_mem>>) src(%arg7 : memref<128xf32, #tpu.memory_space<vmem>>) dst(%dma_wait3A_134 : memref<128xf32, #tpu.memory_space<vmem_shared>>)
      tpu.yield
    }) : () -> ()
    %add3A_98 = arith.constant 128 : i32
    %add3A_99 = arith.addi %mul3A_94, %add3A_98 : i32
    "tpu.region"() ({
      %run_scoped3A_132 = tpu.sem_alloc : memref<!tpu.dma_semaphore, #tpu.memory_space<semaphore_mem>>
      %dma_start3A = tpu.memref_slice %arg8[%add3A_99] : memref<10240xf32, #tpu.memory_space<vmem_shared>> -> memref<128xf32, #tpu.memory_space<vmem_shared>>
      %dma_start3A_133 = tpu.memref_slice %arg8[%add3A_99] : memref<10240xf32, #tpu.memory_space<vmem_shared>> -> memref<128xf32, #tpu.memory_space<vmem_shared>>
      tpu.enqueue_dma source(%arg7 : memref<128xf32, #tpu.memory_space<vmem>>) target(%dma_start3A_133 : memref<128xf32, #tpu.memory_space<vmem_shared>>) target_semaphore(%run_scoped3A_132 : memref<!tpu.dma_semaphore, #tpu.memory_space<semaphore_mem>>)
      %dma_wait3A = tpu.memref_slice %arg8[%add3A_99] : memref<10240xf32, #tpu.memory_space<vmem_shared>> -> memref<128xf32, #tpu.memory_space<vmem_shared>>
      %dma_wait3A_134 = tpu.memref_slice %arg8[%add3A_99] : memref<10240xf32, #tpu.memory_space<vmem_shared>> -> memref<128xf32, #tpu.memory_space<vmem_shared>>
      tpu.wait_dma2 semaphore(%run_scoped3A_132 : memref<!tpu.dma_semaphore, #tpu.memory_space<semaphore_mem>>) src(%arg7 : memref<128xf32, #tpu.memory_space<vmem>>) dst(%dma_wait3A_134 : memref<128xf32, #tpu.memory_space<vmem_shared>>)
      tpu.yield
    }) : () -> ()
    %add3A_100 = arith.constant 128 : i32
    %add3A_101 = arith.addi %mul3A_94, %add3A_100 : i32
    "tpu.region"() ({
      %run_scoped3A_132 = tpu.sem_alloc : memref<!tpu.dma_semaphore, #tpu.memory_space<semaphore_mem>>
      %dma_start3A = tpu.memref_slice %arg9[%add3A_101] : memref<10240xf32, #tpu.memory_space<vmem_shared>> -> memref<128xf32, #tpu.memory_space<vmem_shared>>
      %dma_start3A_133 = tpu.memref_slice %arg9[%add3A_101] : memref<10240xf32, #tpu.memory_space<vmem_shared>> -> memref<128xf32, #tpu.memory_space<vmem_shared>>
      tpu.enqueue_dma source(%arg7 : memref<128xf32, #tpu.memory_space<vmem>>) target(%dma_start3A_133 : memref<128xf32, #tpu.memory_space<vmem_shared>>) target_semaphore(%run_scoped3A_132 : memref<!tpu.dma_semaphore, #tpu.memory_space<semaphore_mem>>)
      %dma_wait3A = tpu.memref_slice %arg9[%add3A_101] : memref<10240xf32, #tpu.memory_space<vmem_shared>> -> memref<128xf32, #tpu.memory_space<vmem_shared>>
      %dma_wait3A_134 = tpu.memref_slice %arg9[%add3A_101] : memref<10240xf32, #tpu.memory_space<vmem_shared>> -> memref<128xf32, #tpu.memory_space<vmem_shared>>
      tpu.wait_dma2 semaphore(%run_scoped3A_132 : memref<!tpu.dma_semaphore, #tpu.memory_space<semaphore_mem>>) src(%arg7 : memref<128xf32, #tpu.memory_space<vmem>>) dst(%dma_wait3A_134 : memref<128xf32, #tpu.memory_space<vmem_shared>>)
      tpu.yield
    }) : () -> ()
    %add3A_102 = arith.constant 256 : i32
    %add3A_103 = arith.addi %mul3A_94, %add3A_102 : i32
    "tpu.region"() ({
      %run_scoped3A_132 = tpu.sem_alloc : memref<!tpu.dma_semaphore, #tpu.memory_space<semaphore_mem>>
      %dma_start3A = tpu.memref_slice %arg8[%add3A_103] : memref<10240xf32, #tpu.memory_space<vmem_shared>> -> memref<128xf32, #tpu.memory_space<vmem_shared>>
      %dma_start3A_133 = tpu.memref_slice %arg8[%add3A_103] : memref<10240xf32, #tpu.memory_space<vmem_shared>> -> memref<128xf32, #tpu.memory_space<vmem_shared>>
      tpu.enqueue_dma source(%arg7 : memref<128xf32, #tpu.memory_space<vmem>>) target(%dma_start3A_133 : memref<128xf32, #tpu.memory_space<vmem_shared>>) target_semaphore(%run_scoped3A_132 : memref<!tpu.dma_semaphore, #tpu.memory_space<semaphore_mem>>)
      %dma_wait3A = tpu.memref_slice %arg8[%add3A_103] : memref<10240xf32, #tpu.memory_space<vmem_shared>> -> memref<128xf32, #tpu.memory_space<vmem_shared>>
      %dma_wait3A_134 = tpu.memref_slice %arg8[%add3A_103] : memref<10240xf32, #tpu.memory_space<vmem_shared>> -> memref<128xf32, #tpu.memory_space<vmem_shared>>
      tpu.wait_dma2 semaphore(%run_scoped3A_132 : memref<!tpu.dma_semaphore, #tpu.memory_space<semaphore_mem>>) src(%arg7 : memref<128xf32, #tpu.memory_space<vmem>>) dst(%dma_wait3A_134 : memref<128xf32, #tpu.memory_space<vmem_shared>>)
      tpu.yield
    }) : () -> ()
    %add3A_104 = arith.constant 256 : i32
    %add3A_105 = arith.addi %mul3A_94, %add3A_104 : i32
    "tpu.region"() ({
      %run_scoped3A_132 = tpu.sem_alloc : memref<!tpu.dma_semaphore, #tpu.memory_space<semaphore_mem>>
      %dma_start3A = tpu.memref_slice %arg9[%add3A_105] : memref<10240xf32, #tpu.memory_space<vmem_shared>> -> memref<128xf32, #tpu.memory_space<vmem_shared>>
      %dma_start3A_133 = tpu.memref_slice %arg9[%add3A_105] : memref<10240xf32, #tpu.memory_space<vmem_shared>> -> memref<128xf32, #tpu.memory_space<vmem_shared>>
      tpu.enqueue_dma source(%arg7 : memref<128xf32, #tpu.memory_space<vmem>>) target(%dma_start3A_133 : memref<128xf32, #tpu.memory_space<vmem_shared>>) target_semaphore(%run_scoped3A_132 : memref<!tpu.dma_semaphore, #tpu.memory_space<semaphore_mem>>)
      %dma_wait3A = tpu.memref_slice %arg9[%add3A_105] : memref<10240xf32, #tpu.memory_space<vmem_shared>> -> memref<128xf32, #tpu.memory_space<vmem_shared>>
      %dma_wait3A_134 = tpu.memref_slice %arg9[%add3A_105] : memref<10240xf32, #tpu.memory_space<vmem_shared>> -> memref<128xf32, #tpu.memory_space<vmem_shared>>
      tpu.wait_dma2 semaphore(%run_scoped3A_132 : memref<!tpu.dma_semaphore, #tpu.memory_space<semaphore_mem>>) src(%arg7 : memref<128xf32, #tpu.memory_space<vmem>>) dst(%dma_wait3A_134 : memref<128xf32, #tpu.memory_space<vmem_shared>>)
      tpu.yield
    }) : () -> ()
    %add3A_106 = arith.constant 384 : i32
    %add3A_107 = arith.addi %mul3A_94, %add3A_106 : i32
    "tpu.region"() ({
      %run_scoped3A_132 = tpu.sem_alloc : memref<!tpu.dma_semaphore, #tpu.memory_space<semaphore_mem>>
      %dma_start3A = tpu.memref_slice %arg8[%add3A_107] : memref<10240xf32, #tpu.memory_space<vmem_shared>> -> memref<128xf32, #tpu.memory_space<vmem_shared>>
      %dma_start3A_133 = tpu.memref_slice %arg8[%add3A_107] : memref<10240xf32, #tpu.memory_space<vmem_shared>> -> memref<128xf32, #tpu.memory_space<vmem_shared>>
      tpu.enqueue_dma source(%arg7 : memref<128xf32, #tpu.memory_space<vmem>>) target(%dma_start3A_133 : memref<128xf32, #tpu.memory_space<vmem_shared>>) target_semaphore(%run_scoped3A_132 : memref<!tpu.dma_semaphore, #tpu.memory_space<semaphore_mem>>)
      %dma_wait3A = tpu.memref_slice %arg8[%add3A_107] : memref<10240xf32, #tpu.memory_space<vmem_shared>> -> memref<128xf32, #tpu.memory_space<vmem_shared>>
      %dma_wait3A_134 = tpu.memref_slice %arg8[%add3A_107] : memref<10240xf32, #tpu.memory_space<vmem_shared>> -> memref<128xf32, #tpu.memory_space<vmem_shared>>
      tpu.wait_dma2 semaphore(%run_scoped3A_132 : memref<!tpu.dma_semaphore, #tpu.memory_space<semaphore_mem>>) src(%arg7 : memref<128xf32, #tpu.memory_space<vmem>>) dst(%dma_wait3A_134 : memref<128xf32, #tpu.memory_space<vmem_shared>>)
      tpu.yield
    }) : () -> ()
    %add3A_108 = arith.constant 384 : i32
    %add3A_109 = arith.addi %mul3A_94, %add3A_108 : i32
    "tpu.region"() ({
      %run_scoped3A_132 = tpu.sem_alloc : memref<!tpu.dma_semaphore, #tpu.memory_space<semaphore_mem>>
      %dma_start3A = tpu.memref_slice %arg9[%add3A_109] : memref<10240xf32, #tpu.memory_space<vmem_shared>> -> memref<128xf32, #tpu.memory_space<vmem_shared>>
      %dma_start3A_133 = tpu.memref_slice %arg9[%add3A_109] : memref<10240xf32, #tpu.memory_space<vmem_shared>> -> memref<128xf32, #tpu.memory_space<vmem_shared>>
      tpu.enqueue_dma source(%arg7 : memref<128xf32, #tpu.memory_space<vmem>>) target(%dma_start3A_133 : memref<128xf32, #tpu.memory_space<vmem_shared>>) target_semaphore(%run_scoped3A_132 : memref<!tpu.dma_semaphore, #tpu.memory_space<semaphore_mem>>)
      %dma_wait3A = tpu.memref_slice %arg9[%add3A_109] : memref<10240xf32, #tpu.memory_space<vmem_shared>> -> memref<128xf32, #tpu.memory_space<vmem_shared>>
      %dma_wait3A_134 = tpu.memref_slice %arg9[%add3A_109] : memref<10240xf32, #tpu.memory_space<vmem_shared>> -> memref<128xf32, #tpu.memory_space<vmem_shared>>
      tpu.wait_dma2 semaphore(%run_scoped3A_132 : memref<!tpu.dma_semaphore, #tpu.memory_space<semaphore_mem>>) src(%arg7 : memref<128xf32, #tpu.memory_space<vmem>>) dst(%dma_wait3A_134 : memref<128xf32, #tpu.memory_space<vmem_shared>>)
      tpu.yield
    }) : () -> ()
    %add3A_110 = arith.constant 512 : i32
    %add3A_111 = arith.addi %mul3A_94, %add3A_110 : i32
    "tpu.region"() ({
      %run_scoped3A_132 = tpu.sem_alloc : memref<!tpu.dma_semaphore, #tpu.memory_space<semaphore_mem>>
      %dma_start3A = tpu.memref_slice %arg8[%add3A_111] : memref<10240xf32, #tpu.memory_space<vmem_shared>> -> memref<128xf32, #tpu.memory_space<vmem_shared>>
      %dma_start3A_133 = tpu.memref_slice %arg8[%add3A_111] : memref<10240xf32, #tpu.memory_space<vmem_shared>> -> memref<128xf32, #tpu.memory_space<vmem_shared>>
      tpu.enqueue_dma source(%arg7 : memref<128xf32, #tpu.memory_space<vmem>>) target(%dma_start3A_133 : memref<128xf32, #tpu.memory_space<vmem_shared>>) target_semaphore(%run_scoped3A_132 : memref<!tpu.dma_semaphore, #tpu.memory_space<semaphore_mem>>)
      %dma_wait3A = tpu.memref_slice %arg8[%add3A_111] : memref<10240xf32, #tpu.memory_space<vmem_shared>> -> memref<128xf32, #tpu.memory_space<vmem_shared>>
      %dma_wait3A_134 = tpu.memref_slice %arg8[%add3A_111] : memref<10240xf32, #tpu.memory_space<vmem_shared>> -> memref<128xf32, #tpu.memory_space<vmem_shared>>
      tpu.wait_dma2 semaphore(%run_scoped3A_132 : memref<!tpu.dma_semaphore, #tpu.memory_space<semaphore_mem>>) src(%arg7 : memref<128xf32, #tpu.memory_space<vmem>>) dst(%dma_wait3A_134 : memref<128xf32, #tpu.memory_space<vmem_shared>>)
      tpu.yield
    }) : () -> ()
    %add3A_112 = arith.constant 512 : i32
    %add3A_113 = arith.addi %mul3A_94, %add3A_112 : i32
    "tpu.region"() ({
      %run_scoped3A_132 = tpu.sem_alloc : memref<!tpu.dma_semaphore, #tpu.memory_space<semaphore_mem>>
      %dma_start3A = tpu.memref_slice %arg9[%add3A_113] : memref<10240xf32, #tpu.memory_space<vmem_shared>> -> memref<128xf32, #tpu.memory_space<vmem_shared>>
      %dma_start3A_133 = tpu.memref_slice %arg9[%add3A_113] : memref<10240xf32, #tpu.memory_space<vmem_shared>> -> memref<128xf32, #tpu.memory_space<vmem_shared>>
      tpu.enqueue_dma source(%arg7 : memref<128xf32, #tpu.memory_space<vmem>>) target(%dma_start3A_133 : memref<128xf32, #tpu.memory_space<vmem_shared>>) target_semaphore(%run_scoped3A_132 : memref<!tpu.dma_semaphore, #tpu.memory_space<semaphore_mem>>)
      %dma_wait3A = tpu.memref_slice %arg9[%add3A_113] : memref<10240xf32, #tpu.memory_space<vmem_shared>> -> memref<128xf32, #tpu.memory_space<vmem_shared>>
      %dma_wait3A_134 = tpu.memref_slice %arg9[%add3A_113] : memref<10240xf32, #tpu.memory_space<vmem_shared>> -> memref<128xf32, #tpu.memory_space<vmem_shared>>
      tpu.wait_dma2 semaphore(%run_scoped3A_132 : memref<!tpu.dma_semaphore, #tpu.memory_space<semaphore_mem>>) src(%arg7 : memref<128xf32, #tpu.memory_space<vmem>>) dst(%dma_wait3A_134 : memref<128xf32, #tpu.memory_space<vmem_shared>>)
      tpu.yield
    }) : () -> ()
    %barrier3A = arith.constant 0 : index
    tpu.barrier barrier_id(%barrier3A)
    %mul3A_114 = arith.constant 2 : i32
    %mul3A_115 = arith.muli %arg1, %mul3A_114 : i32
    %add3A_116 = arith.addi %mul3A_115, %arg0 : i32
    %mul3A_117 = arith.constant 80 : i32
    %mul3A_118 = arith.muli %add3A_116, %mul3A_117 : i32
    "tpu.region"() ({
      %run_scoped3A_132 = tpu.sem_alloc : memref<!tpu.dma_semaphore, #tpu.memory_space<semaphore_mem>>
      %dma_start3A = arith.constant 0 : i32
      %dma_start3A_133 = tpu.memref_slice %arg2[%mul3A_118, %dma_start3A] : memref<2560x128xi32, #tpu.memory_space<hbm>> -> memref<80x128xi32, #tpu.memory_space<hbm>>
      %dma_start3A_134 = arith.constant 0 : i32
      %dma_start3A_135 = tpu.memref_slice %arg2[%mul3A_118, %dma_start3A_134] : memref<2560x128xi32, #tpu.memory_space<hbm>> -> memref<80x128xi32, #tpu.memory_space<hbm>>
      tpu.enqueue_dma source(%dma_start3A_135 : memref<80x128xi32, #tpu.memory_space<hbm>>) target(%arg5 : memref<80x128xi32, #tpu.memory_space<vmem>>) target_semaphore(%run_scoped3A_132 : memref<!tpu.dma_semaphore, #tpu.memory_space<semaphore_mem>>)
      %dma_wait3A = arith.constant 0 : i32
      %dma_wait3A_136 = tpu.memref_slice %arg2[%mul3A_118, %dma_wait3A] : memref<2560x128xi32, #tpu.memory_space<hbm>> -> memref<80x128xi32, #tpu.memory_space<hbm>>
      %dma_wait3A_137 = arith.constant 0 : i32
      %dma_wait3A_138 = tpu.memref_slice %arg2[%mul3A_118, %dma_wait3A_137] : memref<2560x128xi32, #tpu.memory_space<hbm>> -> memref<80x128xi32, #tpu.memory_space<hbm>>
      tpu.wait_dma2 semaphore(%run_scoped3A_132 : memref<!tpu.dma_semaphore, #tpu.memory_space<semaphore_mem>>) src(%dma_wait3A_138 : memref<80x128xi32, #tpu.memory_space<hbm>>) dst(%arg5 : memref<80x128xi32, #tpu.memory_space<vmem>>)
      tpu.yield
    }) : () -> ()
    %scan3A = arith.constant 0 : i32
    %scan3A_119 = arith.constant 0 : i32
    %scan3A_120 = arith.constant 80 : i32
    %scan3A_121 = arith.addi %scan3A_119, %scan3A_120 : i32
    %scan3A_122 = arith.constant 1 : i32
    scf.for %scan3A_132 = %scan3A_119 to %scan3A_121 step %scan3A_122  : i32 {
      "tpu.region"() ({
        %run_scoped3A_133 = tpu.sem_alloc : memref<!tpu.dma_semaphore, #tpu.memory_space<semaphore_mem>>
        %dma_start3A = arith.constant 0 : i32
        %dma_start3A_134 = tpu.memref_slice %arg5[%scan3A_132, %dma_start3A] : memref<80x128xi32, #tpu.memory_space<vmem>> -> memref<1x128xi32, #tpu.memory_space<vmem>>
        %dma_start3A_135 = tpu.memref_squeeze %dma_start3A_134 : memref<1x128xi32, #tpu.memory_space<vmem>> -> memref<128xi32, #tpu.memory_space<vmem>>
        %dma_start3A_136 = arith.constant 0 : i32
        %dma_start3A_137 = tpu.memref_slice %arg8[%dma_start3A_136] : memref<10240xf32, #tpu.memory_space<vmem_shared>> -> memref<10240xf32, #tpu.memory_space<vmem_shared>>
        tpu.enqueue_indirect_dma source(%arg6 : memref<128xf32, #tpu.memory_space<vmem>>) target(%dma_start3A_137 : memref<10240xf32, #tpu.memory_space<vmem_shared>>) offsets(%dma_start3A_135 : memref<128xi32, #tpu.memory_space<vmem>>) semaphore(%run_scoped3A_133 : memref<!tpu.dma_semaphore, #tpu.memory_space<semaphore_mem>>) {add = true}
        %dma_wait3A = arith.constant 0 : i32
        %dma_wait3A_138 = tpu.memref_slice %arg5[%scan3A_132, %dma_wait3A] : memref<80x128xi32, #tpu.memory_space<vmem>> -> memref<1x128xi32, #tpu.memory_space<vmem>>
        %dma_wait3A_139 = tpu.memref_squeeze %dma_wait3A_138 : memref<1x128xi32, #tpu.memory_space<vmem>> -> memref<128xi32, #tpu.memory_space<vmem>>
        %dma_wait3A_140 = arith.constant 0 : i32
        %dma_wait3A_141 = tpu.memref_slice %arg8[%dma_wait3A_140] : memref<10240xf32, #tpu.memory_space<vmem_shared>> -> memref<10240xf32, #tpu.memory_space<vmem_shared>>
        tpu.wait_indirect_dma semaphore(%run_scoped3A_133 : memref<!tpu.dma_semaphore, #tpu.memory_space<semaphore_mem>>) src(%arg6 : memref<128xf32, #tpu.memory_space<vmem>>) dst(%dma_wait3A_141 : memref<10240xf32, #tpu.memory_space<vmem_shared>>)
        tpu.yield
      }) : () -> ()
    }
    %scan3A_123 = arith.constant 80 : i32
    "tpu.region"() ({
      %run_scoped3A_132 = tpu.sem_alloc : memref<!tpu.dma_semaphore, #tpu.memory_space<semaphore_mem>>
      %dma_start3A = arith.constant 0 : i32
      %dma_start3A_133 = tpu.memref_slice %arg3[%mul3A_118, %dma_start3A] : memref<2560x128xi32, #tpu.memory_space<hbm>> -> memref<80x128xi32, #tpu.memory_space<hbm>>
      %dma_start3A_134 = arith.constant 0 : i32
      %dma_start3A_135 = tpu.memref_slice %arg3[%mul3A_118, %dma_start3A_134] : memref<2560x128xi32, #tpu.memory_space<hbm>> -> memref<80x128xi32, #tpu.memory_space<hbm>>
      tpu.enqueue_dma source(%dma_start3A_135 : memref<80x128xi32, #tpu.memory_space<hbm>>) target(%arg5 : memref<80x128xi32, #tpu.memory_space<vmem>>) target_semaphore(%run_scoped3A_132 : memref<!tpu.dma_semaphore, #tpu.memory_space<semaphore_mem>>)
      %dma_wait3A = arith.constant 0 : i32
      %dma_wait3A_136 = tpu.memref_slice %arg3[%mul3A_118, %dma_wait3A] : memref<2560x128xi32, #tpu.memory_space<hbm>> -> memref<80x128xi32, #tpu.memory_space<hbm>>
      %dma_wait3A_137 = arith.constant 0 : i32
      %dma_wait3A_138 = tpu.memref_slice %arg3[%mul3A_118, %dma_wait3A_137] : memref<2560x128xi32, #tpu.memory_space<hbm>> -> memref<80x128xi32, #tpu.memory_space<hbm>>
      tpu.wait_dma2 semaphore(%run_scoped3A_132 : memref<!tpu.dma_semaphore, #tpu.memory_space<semaphore_mem>>) src(%dma_wait3A_138 : memref<80x128xi32, #tpu.memory_space<hbm>>) dst(%arg5 : memref<80x128xi32, #tpu.memory_space<vmem>>)
      tpu.yield
    }) : () -> ()
    %scan3A_124 = arith.constant 0 : i32
    %scan3A_125 = arith.constant 0 : i32
    %scan3A_126 = arith.constant 80 : i32
    %scan3A_127 = arith.addi %scan3A_125, %scan3A_126 : i32
    %scan3A_128 = arith.constant 1 : i32
    scf.for %scan3A_132 = %scan3A_125 to %scan3A_127 step %scan3A_128  : i32 {
      "tpu.region"() ({
        %run_scoped3A_133 = tpu.sem_alloc : memref<!tpu.dma_semaphore, #tpu.memory_space<semaphore_mem>>
        %dma_start3A = arith.constant 0 : i32
        %dma_start3A_134 = tpu.memref_slice %arg5[%scan3A_132, %dma_start3A] : memref<80x128xi32, #tpu.memory_space<vmem>> -> memref<1x128xi32, #tpu.memory_space<vmem>>
        %dma_start3A_135 = tpu.memref_squeeze %dma_start3A_134 : memref<1x128xi32, #tpu.memory_space<vmem>> -> memref<128xi32, #tpu.memory_space<vmem>>
        %dma_start3A_136 = arith.constant 0 : i32
        %dma_start3A_137 = tpu.memref_slice %arg9[%dma_start3A_136] : memref<10240xf32, #tpu.memory_space<vmem_shared>> -> memref<10240xf32, #tpu.memory_space<vmem_shared>>
        tpu.enqueue_indirect_dma source(%arg6 : memref<128xf32, #tpu.memory_space<vmem>>) target(%dma_start3A_137 : memref<10240xf32, #tpu.memory_space<vmem_shared>>) offsets(%dma_start3A_135 : memref<128xi32, #tpu.memory_space<vmem>>) semaphore(%run_scoped3A_133 : memref<!tpu.dma_semaphore, #tpu.memory_space<semaphore_mem>>) {add = true}
        %dma_wait3A = arith.constant 0 : i32
        %dma_wait3A_138 = tpu.memref_slice %arg5[%scan3A_132, %dma_wait3A] : memref<80x128xi32, #tpu.memory_space<vmem>> -> memref<1x128xi32, #tpu.memory_space<vmem>>
        %dma_wait3A_139 = tpu.memref_squeeze %dma_wait3A_138 : memref<1x128xi32, #tpu.memory_space<vmem>> -> memref<128xi32, #tpu.memory_space<vmem>>
        %dma_wait3A_140 = arith.constant 0 : i32
        %dma_wait3A_141 = tpu.memref_slice %arg9[%dma_wait3A_140] : memref<10240xf32, #tpu.memory_space<vmem_shared>> -> memref<10240xf32, #tpu.memory_space<vmem_shared>>
        tpu.wait_indirect_dma semaphore(%run_scoped3A_133 : memref<!tpu.dma_semaphore, #tpu.memory_space<semaphore_mem>>) src(%arg6 : memref<128xf32, #tpu.memory_space<vmem>>) dst(%dma_wait3A_141 : memref<10240xf32, #tpu.memory_space<vmem_shared>>)
        tpu.yield
      }) : () -> ()
    }
    %scan3A_129 = arith.constant 80 : i32
    %barrier3A_130 = arith.constant 0 : index
    tpu.barrier barrier_id(%barrier3A_130)
    %run_scoped3A = arith.constant 0 : i32
    "tpu.region"() ({
      %run_scoped3A_132 = tpu.sem_alloc : memref<!tpu.dma_semaphore, #tpu.memory_space<semaphore_mem>>
      %dma_start3A = tpu.memref_slice %arg4[%arg0, %run_scoped3A, %mul3A_94] : memref<2x2x10240xf32, #tpu.memory_space<hbm>> -> memref<1x1x640xf32, #tpu.memory_space<hbm>>
      %dma_start3A_133 = tpu.memref_squeeze %dma_start3A : memref<1x1x640xf32, #tpu.memory_space<hbm>> -> memref<640xf32, #tpu.memory_space<hbm>>
      %dma_start3A_134 = tpu.memref_slice %arg8[%mul3A_94] : memref<10240xf32, #tpu.memory_space<vmem_shared>> -> memref<640xf32, #tpu.memory_space<vmem_shared>>
      tpu.enqueue_dma source(%dma_start3A_134 : memref<640xf32, #tpu.memory_space<vmem_shared>>) target(%dma_start3A_133 : memref<640xf32, #tpu.memory_space<hbm>>) target_semaphore(%run_scoped3A_132 : memref<!tpu.dma_semaphore, #tpu.memory_space<semaphore_mem>>)
      %dma_wait3A = tpu.memref_slice %arg4[%arg0, %run_scoped3A, %mul3A_94] : memref<2x2x10240xf32, #tpu.memory_space<hbm>> -> memref<1x1x640xf32, #tpu.memory_space<hbm>>
      %dma_wait3A_135 = tpu.memref_squeeze %dma_wait3A : memref<1x1x640xf32, #tpu.memory_space<hbm>> -> memref<640xf32, #tpu.memory_space<hbm>>
      %dma_wait3A_136 = tpu.memref_slice %arg8[%mul3A_94] : memref<10240xf32, #tpu.memory_space<vmem_shared>> -> memref<640xf32, #tpu.memory_space<vmem_shared>>
      tpu.wait_dma2 semaphore(%run_scoped3A_132 : memref<!tpu.dma_semaphore, #tpu.memory_space<semaphore_mem>>) src(%dma_wait3A_136 : memref<640xf32, #tpu.memory_space<vmem_shared>>) dst(%dma_wait3A_135 : memref<640xf32, #tpu.memory_space<hbm>>)
      tpu.yield
    }) : () -> ()
    %run_scoped3A_131 = arith.constant 1 : i32
    "tpu.region"() ({
      %run_scoped3A_132 = tpu.sem_alloc : memref<!tpu.dma_semaphore, #tpu.memory_space<semaphore_mem>>
      %dma_start3A = tpu.memref_slice %arg4[%arg0, %run_scoped3A_131, %mul3A_94] : memref<2x2x10240xf32, #tpu.memory_space<hbm>> -> memref<1x1x640xf32, #tpu.memory_space<hbm>>
      %dma_start3A_133 = tpu.memref_squeeze %dma_start3A : memref<1x1x640xf32, #tpu.memory_space<hbm>> -> memref<640xf32, #tpu.memory_space<hbm>>
      %dma_start3A_134 = tpu.memref_slice %arg9[%mul3A_94] : memref<10240xf32, #tpu.memory_space<vmem_shared>> -> memref<640xf32, #tpu.memory_space<vmem_shared>>
      tpu.enqueue_dma source(%dma_start3A_134 : memref<640xf32, #tpu.memory_space<vmem_shared>>) target(%dma_start3A_133 : memref<640xf32, #tpu.memory_space<hbm>>) target_semaphore(%run_scoped3A_132 : memref<!tpu.dma_semaphore, #tpu.memory_space<semaphore_mem>>)
      %dma_wait3A = tpu.memref_slice %arg4[%arg0, %run_scoped3A_131, %mul3A_94] : memref<2x2x10240xf32, #tpu.memory_space<hbm>> -> memref<1x1x640xf32, #tpu.memory_space<hbm>>
      %dma_wait3A_135 = tpu.memref_squeeze %dma_wait3A : memref<1x1x640xf32, #tpu.memory_space<hbm>> -> memref<640xf32, #tpu.memory_space<hbm>>
      %dma_wait3A_136 = tpu.memref_slice %arg9[%mul3A_94] : memref<10240xf32, #tpu.memory_space<vmem_shared>> -> memref<640xf32, #tpu.memory_space<vmem_shared>>
      tpu.wait_dma2 semaphore(%run_scoped3A_132 : memref<!tpu.dma_semaphore, #tpu.memory_space<semaphore_mem>>) src(%dma_wait3A_136 : memref<640xf32, #tpu.memory_space<vmem_shared>>) dst(%dma_wait3A_135 : memref<640xf32, #tpu.memory_space<hbm>>)
      tpu.yield
    }) : () -> ()
    return
  }
}

#map = affine_map<(d0, d1) -> (0, 0)>
#map1 = affine_map<(d0, d1) -> (0)>
#map2 = affine_map<(d0, d1) -> (0, 0, 0)>
module attributes {stable_mosaic.version = 14 : i64} {
  func.func @_prop_kernel(%arg0: i32, %arg1: i32, %arg2: memref<10240x128xf32, #tpu.memory_space<hbm>>, %arg3: memref<327680xi32, #tpu.memory_space<hbm>>, %arg4: memref<327680xi32, #tpu.memory_space<hbm>>, %arg5: memref<2x10240x128xf32, #tpu.memory_space<hbm>>, %arg6: memref<256xi32, #tpu.memory_space<vmem>>, %arg7: memref<256xi32, #tpu.memory_space<vmem>>, %arg8: memref<256x128xf32, #tpu.memory_space<vmem>>, %arg9: memref<16x128xf32, #tpu.memory_space<vmem>>, %arg10: memref<10240x128xf32, #tpu.memory_space<vmem_shared>>) attributes {dimension_semantics = [#tpu.dimension_semantics<core_parallel>, #tpu.dimension_semantics<subcore_parallel>], iteration_bounds = array<i64: 2, 16>, scalar_prefetch = 0 : i64, scratch_operands = 5 : i64, tpu.core_type = #tpu.core_type<sc_vector_subcore>, window_params = [{transform_indices = #map}, {transform_indices = #map1}, {transform_indices = #map1}, {transform_indices = #map2}]} {
    %broadcast_in_dim3A = arith.constant 0.000000e+00 : f32
    %broadcast_in_dim3A_0 = vector.broadcast %broadcast_in_dim3A : f32 to vector<16xf32>
    %swap3A = arith.constant 0 : i32
    %swap3A_1 = arith.index_cast %swap3A : i32 to index
    %swap3A_2 = arith.constant 0 : index
    %swap3A_3 = tpu.vector_load %arg9[%swap3A_1, %swap3A_2] {strides = array<i32>} : memref<16x128xf32, #tpu.memory_space<vmem>>, vector<1x16xf32>,
    %swap3A_4 = vector.shape_cast %swap3A_3 : vector<1x16xf32> to vector<16xf32>
    %swap3A_5 = vector.shape_cast %broadcast_in_dim3A_0 : vector<16xf32> to vector<1x16xf32>
    tpu.vector_store %arg9[%swap3A_1, %swap3A_2], %swap3A_5 {strides = array<i32>} : memref<16x128xf32, #tpu.memory_space<vmem>>, vector<1x16xf32>,
    %broadcast_in_dim3A_6 = arith.constant 0.000000e+00 : f32
    %broadcast_in_dim3A_7 = vector.broadcast %broadcast_in_dim3A_6 : f32 to vector<16xf32>
    %swap3A_8 = arith.constant 0 : i32
    %swap3A_9 = arith.index_cast %swap3A_8 : i32 to index
    %swap3A_10 = arith.constant 16 : index
    %swap3A_11 = tpu.vector_load %arg9[%swap3A_9, %swap3A_10] {strides = array<i32>} : memref<16x128xf32, #tpu.memory_space<vmem>>, vector<1x16xf32>,
    %swap3A_12 = vector.shape_cast %swap3A_11 : vector<1x16xf32> to vector<16xf32>
    %swap3A_13 = vector.shape_cast %broadcast_in_dim3A_7 : vector<16xf32> to vector<1x16xf32>
    tpu.vector_store %arg9[%swap3A_9, %swap3A_10], %swap3A_13 {strides = array<i32>} : memref<16x128xf32, #tpu.memory_space<vmem>>, vector<1x16xf32>,
    %broadcast_in_dim3A_14 = arith.constant 0.000000e+00 : f32
    %broadcast_in_dim3A_15 = vector.broadcast %broadcast_in_dim3A_14 : f32 to vector<16xf32>
    %swap3A_16 = arith.constant 0 : i32
    %swap3A_17 = arith.index_cast %swap3A_16 : i32 to index
    %swap3A_18 = arith.constant 32 : index
    %swap3A_19 = tpu.vector_load %arg9[%swap3A_17, %swap3A_18] {strides = array<i32>} : memref<16x128xf32, #tpu.memory_space<vmem>>, vector<1x16xf32>,
    %swap3A_20 = vector.shape_cast %swap3A_19 : vector<1x16xf32> to vector<16xf32>
    %swap3A_21 = vector.shape_cast %broadcast_in_dim3A_15 : vector<16xf32> to vector<1x16xf32>
    tpu.vector_store %arg9[%swap3A_17, %swap3A_18], %swap3A_21 {strides = array<i32>} : memref<16x128xf32, #tpu.memory_space<vmem>>, vector<1x16xf32>,
    %broadcast_in_dim3A_22 = arith.constant 0.000000e+00 : f32
    %broadcast_in_dim3A_23 = vector.broadcast %broadcast_in_dim3A_22 : f32 to vector<16xf32>
    %swap3A_24 = arith.constant 0 : i32
    %swap3A_25 = arith.index_cast %swap3A_24 : i32 to index
    %swap3A_26 = arith.constant 48 : index
    %swap3A_27 = tpu.vector_load %arg9[%swap3A_25, %swap3A_26] {strides = array<i32>} : memref<16x128xf32, #tpu.memory_space<vmem>>, vector<1x16xf32>,
    %swap3A_28 = vector.shape_cast %swap3A_27 : vector<1x16xf32> to vector<16xf32>
    %swap3A_29 = vector.shape_cast %broadcast_in_dim3A_23 : vector<16xf32> to vector<1x16xf32>
    tpu.vector_store %arg9[%swap3A_25, %swap3A_26], %swap3A_29 {strides = array<i32>} : memref<16x128xf32, #tpu.memory_space<vmem>>, vector<1x16xf32>,
    %broadcast_in_dim3A_30 = arith.constant 0.000000e+00 : f32
    %broadcast_in_dim3A_31 = vector.broadcast %broadcast_in_dim3A_30 : f32 to vector<16xf32>
    %swap3A_32 = arith.constant 0 : i32
    %swap3A_33 = arith.index_cast %swap3A_32 : i32 to index
    %swap3A_34 = arith.constant 64 : index
    %swap3A_35 = tpu.vector_load %arg9[%swap3A_33, %swap3A_34] {strides = array<i32>} : memref<16x128xf32, #tpu.memory_space<vmem>>, vector<1x16xf32>,
    %swap3A_36 = vector.shape_cast %swap3A_35 : vector<1x16xf32> to vector<16xf32>
    %swap3A_37 = vector.shape_cast %broadcast_in_dim3A_31 : vector<16xf32> to vector<1x16xf32>
    tpu.vector_store %arg9[%swap3A_33, %swap3A_34], %swap3A_37 {strides = array<i32>} : memref<16x128xf32, #tpu.memory_space<vmem>>, vector<1x16xf32>,
    %broadcast_in_dim3A_38 = arith.constant 0.000000e+00 : f32
    %broadcast_in_dim3A_39 = vector.broadcast %broadcast_in_dim3A_38 : f32 to vector<16xf32>
    %swap3A_40 = arith.constant 0 : i32
    %swap3A_41 = arith.index_cast %swap3A_40 : i32 to index
    %swap3A_42 = arith.constant 80 : index
    %swap3A_43 = tpu.vector_load %arg9[%swap3A_41, %swap3A_42] {strides = array<i32>} : memref<16x128xf32, #tpu.memory_space<vmem>>, vector<1x16xf32>,
    %swap3A_44 = vector.shape_cast %swap3A_43 : vector<1x16xf32> to vector<16xf32>
    %swap3A_45 = vector.shape_cast %broadcast_in_dim3A_39 : vector<16xf32> to vector<1x16xf32>
    tpu.vector_store %arg9[%swap3A_41, %swap3A_42], %swap3A_45 {strides = array<i32>} : memref<16x128xf32, #tpu.memory_space<vmem>>, vector<1x16xf32>,
    %broadcast_in_dim3A_46 = arith.constant 0.000000e+00 : f32
    %broadcast_in_dim3A_47 = vector.broadcast %broadcast_in_dim3A_46 : f32 to vector<16xf32>
    %swap3A_48 = arith.constant 0 : i32
    %swap3A_49 = arith.index_cast %swap3A_48 : i32 to index
    %swap3A_50 = arith.constant 96 : index
    %swap3A_51 = tpu.vector_load %arg9[%swap3A_49, %swap3A_50] {strides = array<i32>} : memref<16x128xf32, #tpu.memory_space<vmem>>, vector<1x16xf32>,
    %swap3A_52 = vector.shape_cast %swap3A_51 : vector<1x16xf32> to vector<16xf32>
    %swap3A_53 = vector.shape_cast %broadcast_in_dim3A_47 : vector<16xf32> to vector<1x16xf32>
    tpu.vector_store %arg9[%swap3A_49, %swap3A_50], %swap3A_53 {strides = array<i32>} : memref<16x128xf32, #tpu.memory_space<vmem>>, vector<1x16xf32>,
    %broadcast_in_dim3A_54 = arith.constant 0.000000e+00 : f32
    %broadcast_in_dim3A_55 = vector.broadcast %broadcast_in_dim3A_54 : f32 to vector<16xf32>
    %swap3A_56 = arith.constant 0 : i32
    %swap3A_57 = arith.index_cast %swap3A_56 : i32 to index
    %swap3A_58 = arith.constant 112 : index
    %swap3A_59 = tpu.vector_load %arg9[%swap3A_57, %swap3A_58] {strides = array<i32>} : memref<16x128xf32, #tpu.memory_space<vmem>>, vector<1x16xf32>,
    %swap3A_60 = vector.shape_cast %swap3A_59 : vector<1x16xf32> to vector<16xf32>
    %swap3A_61 = vector.shape_cast %broadcast_in_dim3A_55 : vector<16xf32> to vector<1x16xf32>
    tpu.vector_store %arg9[%swap3A_57, %swap3A_58], %swap3A_61 {strides = array<i32>} : memref<16x128xf32, #tpu.memory_space<vmem>>, vector<1x16xf32>,
    %broadcast_in_dim3A_62 = arith.constant 0.000000e+00 : f32
    %broadcast_in_dim3A_63 = vector.broadcast %broadcast_in_dim3A_62 : f32 to vector<16xf32>
    %swap3A_64 = arith.constant 1 : i32
    %swap3A_65 = arith.index_cast %swap3A_64 : i32 to index
    %swap3A_66 = arith.constant 0 : index
    %swap3A_67 = tpu.vector_load %arg9[%swap3A_65, %swap3A_66] {strides = array<i32>} : memref<16x128xf32, #tpu.memory_space<vmem>>, vector<1x16xf32>,
    %swap3A_68 = vector.shape_cast %swap3A_67 : vector<1x16xf32> to vector<16xf32>
    %swap3A_69 = vector.shape_cast %broadcast_in_dim3A_63 : vector<16xf32> to vector<1x16xf32>
    tpu.vector_store %arg9[%swap3A_65, %swap3A_66], %swap3A_69 {strides = array<i32>} : memref<16x128xf32, #tpu.memory_space<vmem>>, vector<1x16xf32>,
    %broadcast_in_dim3A_70 = arith.constant 0.000000e+00 : f32
    %broadcast_in_dim3A_71 = vector.broadcast %broadcast_in_dim3A_70 : f32 to vector<16xf32>
    %swap3A_72 = arith.constant 1 : i32
    %swap3A_73 = arith.index_cast %swap3A_72 : i32 to index
    %swap3A_74 = arith.constant 16 : index
    %swap3A_75 = tpu.vector_load %arg9[%swap3A_73, %swap3A_74] {strides = array<i32>} : memref<16x128xf32, #tpu.memory_space<vmem>>, vector<1x16xf32>,
    %swap3A_76 = vector.shape_cast %swap3A_75 : vector<1x16xf32> to vector<16xf32>
    %swap3A_77 = vector.shape_cast %broadcast_in_dim3A_71 : vector<16xf32> to vector<1x16xf32>
    tpu.vector_store %arg9[%swap3A_73, %swap3A_74], %swap3A_77 {strides = array<i32>} : memref<16x128xf32, #tpu.memory_space<vmem>>, vector<1x16xf32>,
    %broadcast_in_dim3A_78 = arith.constant 0.000000e+00 : f32
    %broadcast_in_dim3A_79 = vector.broadcast %broadcast_in_dim3A_78 : f32 to vector<16xf32>
    %swap3A_80 = arith.constant 1 : i32
    %swap3A_81 = arith.index_cast %swap3A_80 : i32 to index
    %swap3A_82 = arith.constant 32 : index
    %swap3A_83 = tpu.vector_load %arg9[%swap3A_81, %swap3A_82] {strides = array<i32>} : memref<16x128xf32, #tpu.memory_space<vmem>>, vector<1x16xf32>,
    %swap3A_84 = vector.shape_cast %swap3A_83 : vector<1x16xf32> to vector<16xf32>
    %swap3A_85 = vector.shape_cast %broadcast_in_dim3A_79 : vector<16xf32> to vector<1x16xf32>
    tpu.vector_store %arg9[%swap3A_81, %swap3A_82], %swap3A_85 {strides = array<i32>} : memref<16x128xf32, #tpu.memory_space<vmem>>, vector<1x16xf32>,
    %broadcast_in_dim3A_86 = arith.constant 0.000000e+00 : f32
    %broadcast_in_dim3A_87 = vector.broadcast %broadcast_in_dim3A_86 : f32 to vector<16xf32>
    %swap3A_88 = arith.constant 1 : i32
    %swap3A_89 = arith.index_cast %swap3A_88 : i32 to index
    %swap3A_90 = arith.constant 48 : index
    %swap3A_91 = tpu.vector_load %arg9[%swap3A_89, %swap3A_90] {strides = array<i32>} : memref<16x128xf32, #tpu.memory_space<vmem>>, vector<1x16xf32>,
    %swap3A_92 = vector.shape_cast %swap3A_91 : vector<1x16xf32> to vector<16xf32>
    %swap3A_93 = vector.shape_cast %broadcast_in_dim3A_87 : vector<16xf32> to vector<1x16xf32>
    tpu.vector_store %arg9[%swap3A_89, %swap3A_90], %swap3A_93 {strides = array<i32>} : memref<16x128xf32, #tpu.memory_space<vmem>>, vector<1x16xf32>,
    %broadcast_in_dim3A_94 = arith.constant 0.000000e+00 : f32
    %broadcast_in_dim3A_95 = vector.broadcast %broadcast_in_dim3A_94 : f32 to vector<16xf32>
    %swap3A_96 = arith.constant 1 : i32
    %swap3A_97 = arith.index_cast %swap3A_96 : i32 to index
    %swap3A_98 = arith.constant 64 : index
    %swap3A_99 = tpu.vector_load %arg9[%swap3A_97, %swap3A_98] {strides = array<i32>} : memref<16x128xf32, #tpu.memory_space<vmem>>, vector<1x16xf32>,
    %swap3A_100 = vector.shape_cast %swap3A_99 : vector<1x16xf32> to vector<16xf32>
    %swap3A_101 = vector.shape_cast %broadcast_in_dim3A_95 : vector<16xf32> to vector<1x16xf32>
    tpu.vector_store %arg9[%swap3A_97, %swap3A_98], %swap3A_101 {strides = array<i32>} : memref<16x128xf32, #tpu.memory_space<vmem>>, vector<1x16xf32>,
    %broadcast_in_dim3A_102 = arith.constant 0.000000e+00 : f32
    %broadcast_in_dim3A_103 = vector.broadcast %broadcast_in_dim3A_102 : f32 to vector<16xf32>
    %swap3A_104 = arith.constant 1 : i32
    %swap3A_105 = arith.index_cast %swap3A_104 : i32 to index
    %swap3A_106 = arith.constant 80 : index
    %swap3A_107 = tpu.vector_load %arg9[%swap3A_105, %swap3A_106] {strides = array<i32>} : memref<16x128xf32, #tpu.memory_space<vmem>>, vector<1x16xf32>,
    %swap3A_108 = vector.shape_cast %swap3A_107 : vector<1x16xf32> to vector<16xf32>
    %swap3A_109 = vector.shape_cast %broadcast_in_dim3A_103 : vector<16xf32> to vector<1x16xf32>
    tpu.vector_store %arg9[%swap3A_105, %swap3A_106], %swap3A_109 {strides = array<i32>} : memref<16x128xf32, #tpu.memory_space<vmem>>, vector<1x16xf32>,
    %broadcast_in_dim3A_110 = arith.constant 0.000000e+00 : f32
    %broadcast_in_dim3A_111 = vector.broadcast %broadcast_in_dim3A_110 : f32 to vector<16xf32>
    %swap3A_112 = arith.constant 1 : i32
    %swap3A_113 = arith.index_cast %swap3A_112 : i32 to index
    %swap3A_114 = arith.constant 96 : index
    %swap3A_115 = tpu.vector_load %arg9[%swap3A_113, %swap3A_114] {strides = array<i32>} : memref<16x128xf32, #tpu.memory_space<vmem>>, vector<1x16xf32>,
    %swap3A_116 = vector.shape_cast %swap3A_115 : vector<1x16xf32> to vector<16xf32>
    %swap3A_117 = vector.shape_cast %broadcast_in_dim3A_111 : vector<16xf32> to vector<1x16xf32>
    tpu.vector_store %arg9[%swap3A_113, %swap3A_114], %swap3A_117 {strides = array<i32>} : memref<16x128xf32, #tpu.memory_space<vmem>>, vector<1x16xf32>,
    %broadcast_in_dim3A_118 = arith.constant 0.000000e+00 : f32
    %broadcast_in_dim3A_119 = vector.broadcast %broadcast_in_dim3A_118 : f32 to vector<16xf32>
    %swap3A_120 = arith.constant 1 : i32
    %swap3A_121 = arith.index_cast %swap3A_120 : i32 to index
    %swap3A_122 = arith.constant 112 : index
    %swap3A_123 = tpu.vector_load %arg9[%swap3A_121, %swap3A_122] {strides = array<i32>} : memref<16x128xf32, #tpu.memory_space<vmem>>, vector<1x16xf32>,
    %swap3A_124 = vector.shape_cast %swap3A_123 : vector<1x16xf32> to vector<16xf32>
    %swap3A_125 = vector.shape_cast %broadcast_in_dim3A_119 : vector<16xf32> to vector<1x16xf32>
    tpu.vector_store %arg9[%swap3A_121, %swap3A_122], %swap3A_125 {strides = array<i32>} : memref<16x128xf32, #tpu.memory_space<vmem>>, vector<1x16xf32>,
    %broadcast_in_dim3A_126 = arith.constant 0.000000e+00 : f32
    %broadcast_in_dim3A_127 = vector.broadcast %broadcast_in_dim3A_126 : f32 to vector<16xf32>
    %swap3A_128 = arith.constant 2 : i32
    %swap3A_129 = arith.index_cast %swap3A_128 : i32 to index
    %swap3A_130 = arith.constant 0 : index
    %swap3A_131 = tpu.vector_load %arg9[%swap3A_129, %swap3A_130] {strides = array<i32>} : memref<16x128xf32, #tpu.memory_space<vmem>>, vector<1x16xf32>,
    %swap3A_132 = vector.shape_cast %swap3A_131 : vector<1x16xf32> to vector<16xf32>
    %swap3A_133 = vector.shape_cast %broadcast_in_dim3A_127 : vector<16xf32> to vector<1x16xf32>
    tpu.vector_store %arg9[%swap3A_129, %swap3A_130], %swap3A_133 {strides = array<i32>} : memref<16x128xf32, #tpu.memory_space<vmem>>, vector<1x16xf32>,
    %broadcast_in_dim3A_134 = arith.constant 0.000000e+00 : f32
    %broadcast_in_dim3A_135 = vector.broadcast %broadcast_in_dim3A_134 : f32 to vector<16xf32>
    %swap3A_136 = arith.constant 2 : i32
    %swap3A_137 = arith.index_cast %swap3A_136 : i32 to index
    %swap3A_138 = arith.constant 16 : index
    %swap3A_139 = tpu.vector_load %arg9[%swap3A_137, %swap3A_138] {strides = array<i32>} : memref<16x128xf32, #tpu.memory_space<vmem>>, vector<1x16xf32>,
    %swap3A_140 = vector.shape_cast %swap3A_139 : vector<1x16xf32> to vector<16xf32>
    %swap3A_141 = vector.shape_cast %broadcast_in_dim3A_135 : vector<16xf32> to vector<1x16xf32>
    tpu.vector_store %arg9[%swap3A_137, %swap3A_138], %swap3A_141 {strides = array<i32>} : memref<16x128xf32, #tpu.memory_space<vmem>>, vector<1x16xf32>,
    %broadcast_in_dim3A_142 = arith.constant 0.000000e+00 : f32
    %broadcast_in_dim3A_143 = vector.broadcast %broadcast_in_dim3A_142 : f32 to vector<16xf32>
    %swap3A_144 = arith.constant 2 : i32
    %swap3A_145 = arith.index_cast %swap3A_144 : i32 to index
    %swap3A_146 = arith.constant 32 : index
    %swap3A_147 = tpu.vector_load %arg9[%swap3A_145, %swap3A_146] {strides = array<i32>} : memref<16x128xf32, #tpu.memory_space<vmem>>, vector<1x16xf32>,
    %swap3A_148 = vector.shape_cast %swap3A_147 : vector<1x16xf32> to vector<16xf32>
    %swap3A_149 = vector.shape_cast %broadcast_in_dim3A_143 : vector<16xf32> to vector<1x16xf32>
    tpu.vector_store %arg9[%swap3A_145, %swap3A_146], %swap3A_149 {strides = array<i32>} : memref<16x128xf32, #tpu.memory_space<vmem>>, vector<1x16xf32>,
    %broadcast_in_dim3A_150 = arith.constant 0.000000e+00 : f32
    %broadcast_in_dim3A_151 = vector.broadcast %broadcast_in_dim3A_150 : f32 to vector<16xf32>
    %swap3A_152 = arith.constant 2 : i32
    %swap3A_153 = arith.index_cast %swap3A_152 : i32 to index
    %swap3A_154 = arith.constant 48 : index
    %swap3A_155 = tpu.vector_load %arg9[%swap3A_153, %swap3A_154] {strides = array<i32>} : memref<16x128xf32, #tpu.memory_space<vmem>>, vector<1x16xf32>,
    %swap3A_156 = vector.shape_cast %swap3A_155 : vector<1x16xf32> to vector<16xf32>
    %swap3A_157 = vector.shape_cast %broadcast_in_dim3A_151 : vector<16xf32> to vector<1x16xf32>
    tpu.vector_store %arg9[%swap3A_153, %swap3A_154], %swap3A_157 {strides = array<i32>} : memref<16x128xf32, #tpu.memory_space<vmem>>, vector<1x16xf32>,
    %broadcast_in_dim3A_158 = arith.constant 0.000000e+00 : f32
    %broadcast_in_dim3A_159 = vector.broadcast %broadcast_in_dim3A_158 : f32 to vector<16xf32>
    %swap3A_160 = arith.constant 2 : i32
    %swap3A_161 = arith.index_cast %swap3A_160 : i32 to index
    %swap3A_162 = arith.constant 64 : index
    %swap3A_163 = tpu.vector_load %arg9[%swap3A_161, %swap3A_162] {strides = array<i32>} : memref<16x128xf32, #tpu.memory_space<vmem>>, vector<1x16xf32>,
    %swap3A_164 = vector.shape_cast %swap3A_163 : vector<1x16xf32> to vector<16xf32>
    %swap3A_165 = vector.shape_cast %broadcast_in_dim3A_159 : vector<16xf32> to vector<1x16xf32>
    tpu.vector_store %arg9[%swap3A_161, %swap3A_162], %swap3A_165 {strides = array<i32>} : memref<16x128xf32, #tpu.memory_space<vmem>>, vector<1x16xf32>,
    %broadcast_in_dim3A_166 = arith.constant 0.000000e+00 : f32
    %broadcast_in_dim3A_167 = vector.broadcast %broadcast_in_dim3A_166 : f32 to vector<16xf32>
    %swap3A_168 = arith.constant 2 : i32
    %swap3A_169 = arith.index_cast %swap3A_168 : i32 to index
    %swap3A_170 = arith.constant 80 : index
    %swap3A_171 = tpu.vector_load %arg9[%swap3A_169, %swap3A_170] {strides = array<i32>} : memref<16x128xf32, #tpu.memory_space<vmem>>, vector<1x16xf32>,
    %swap3A_172 = vector.shape_cast %swap3A_171 : vector<1x16xf32> to vector<16xf32>
    %swap3A_173 = vector.shape_cast %broadcast_in_dim3A_167 : vector<16xf32> to vector<1x16xf32>
    tpu.vector_store %arg9[%swap3A_169, %swap3A_170], %swap3A_173 {strides = array<i32>} : memref<16x128xf32, #tpu.memory_space<vmem>>, vector<1x16xf32>,
    %broadcast_in_dim3A_174 = arith.constant 0.000000e+00 : f32
    %broadcast_in_dim3A_175 = vector.broadcast %broadcast_in_dim3A_174 : f32 to vector<16xf32>
    %swap3A_176 = arith.constant 2 : i32
    %swap3A_177 = arith.index_cast %swap3A_176 : i32 to index
    %swap3A_178 = arith.constant 96 : index
    %swap3A_179 = tpu.vector_load %arg9[%swap3A_177, %swap3A_178] {strides = array<i32>} : memref<16x128xf32, #tpu.memory_space<vmem>>, vector<1x16xf32>,
    %swap3A_180 = vector.shape_cast %swap3A_179 : vector<1x16xf32> to vector<16xf32>
    %swap3A_181 = vector.shape_cast %broadcast_in_dim3A_175 : vector<16xf32> to vector<1x16xf32>
    tpu.vector_store %arg9[%swap3A_177, %swap3A_178], %swap3A_181 {strides = array<i32>} : memref<16x128xf32, #tpu.memory_space<vmem>>, vector<1x16xf32>,
    %broadcast_in_dim3A_182 = arith.constant 0.000000e+00 : f32
    %broadcast_in_dim3A_183 = vector.broadcast %broadcast_in_dim3A_182 : f32 to vector<16xf32>
    %swap3A_184 = arith.constant 2 : i32
    %swap3A_185 = arith.index_cast %swap3A_184 : i32 to index
    %swap3A_186 = arith.constant 112 : index
    %swap3A_187 = tpu.vector_load %arg9[%swap3A_185, %swap3A_186] {strides = array<i32>} : memref<16x128xf32, #tpu.memory_space<vmem>>, vector<1x16xf32>,
    %swap3A_188 = vector.shape_cast %swap3A_187 : vector<1x16xf32> to vector<16xf32>
    %swap3A_189 = vector.shape_cast %broadcast_in_dim3A_183 : vector<16xf32> to vector<1x16xf32>
    tpu.vector_store %arg9[%swap3A_185, %swap3A_186], %swap3A_189 {strides = array<i32>} : memref<16x128xf32, #tpu.memory_space<vmem>>, vector<1x16xf32>,
    %broadcast_in_dim3A_190 = arith.constant 0.000000e+00 : f32
    %broadcast_in_dim3A_191 = vector.broadcast %broadcast_in_dim3A_190 : f32 to vector<16xf32>
    %swap3A_192 = arith.constant 3 : i32
    %swap3A_193 = arith.index_cast %swap3A_192 : i32 to index
    %swap3A_194 = arith.constant 0 : index
    %swap3A_195 = tpu.vector_load %arg9[%swap3A_193, %swap3A_194] {strides = array<i32>} : memref<16x128xf32, #tpu.memory_space<vmem>>, vector<1x16xf32>,
    %swap3A_196 = vector.shape_cast %swap3A_195 : vector<1x16xf32> to vector<16xf32>
    %swap3A_197 = vector.shape_cast %broadcast_in_dim3A_191 : vector<16xf32> to vector<1x16xf32>
    tpu.vector_store %arg9[%swap3A_193, %swap3A_194], %swap3A_197 {strides = array<i32>} : memref<16x128xf32, #tpu.memory_space<vmem>>, vector<1x16xf32>,
    %broadcast_in_dim3A_198 = arith.constant 0.000000e+00 : f32
    %broadcast_in_dim3A_199 = vector.broadcast %broadcast_in_dim3A_198 : f32 to vector<16xf32>
    %swap3A_200 = arith.constant 3 : i32
    %swap3A_201 = arith.index_cast %swap3A_200 : i32 to index
    %swap3A_202 = arith.constant 16 : index
    %swap3A_203 = tpu.vector_load %arg9[%swap3A_201, %swap3A_202] {strides = array<i32>} : memref<16x128xf32, #tpu.memory_space<vmem>>, vector<1x16xf32>,
    %swap3A_204 = vector.shape_cast %swap3A_203 : vector<1x16xf32> to vector<16xf32>
    %swap3A_205 = vector.shape_cast %broadcast_in_dim3A_199 : vector<16xf32> to vector<1x16xf32>
    tpu.vector_store %arg9[%swap3A_201, %swap3A_202], %swap3A_205 {strides = array<i32>} : memref<16x128xf32, #tpu.memory_space<vmem>>, vector<1x16xf32>,
    %broadcast_in_dim3A_206 = arith.constant 0.000000e+00 : f32
    %broadcast_in_dim3A_207 = vector.broadcast %broadcast_in_dim3A_206 : f32 to vector<16xf32>
    %swap3A_208 = arith.constant 3 : i32
    %swap3A_209 = arith.index_cast %swap3A_208 : i32 to index
    %swap3A_210 = arith.constant 32 : index
    %swap3A_211 = tpu.vector_load %arg9[%swap3A_209, %swap3A_210] {strides = array<i32>} : memref<16x128xf32, #tpu.memory_space<vmem>>, vector<1x16xf32>,
    %swap3A_212 = vector.shape_cast %swap3A_211 : vector<1x16xf32> to vector<16xf32>
    %swap3A_213 = vector.shape_cast %broadcast_in_dim3A_207 : vector<16xf32> to vector<1x16xf32>
    tpu.vector_store %arg9[%swap3A_209, %swap3A_210], %swap3A_213 {strides = array<i32>} : memref<16x128xf32, #tpu.memory_space<vmem>>, vector<1x16xf32>,
    %broadcast_in_dim3A_214 = arith.constant 0.000000e+00 : f32
    %broadcast_in_dim3A_215 = vector.broadcast %broadcast_in_dim3A_214 : f32 to vector<16xf32>
    %swap3A_216 = arith.constant 3 : i32
    %swap3A_217 = arith.index_cast %swap3A_216 : i32 to index
    %swap3A_218 = arith.constant 48 : index
    %swap3A_219 = tpu.vector_load %arg9[%swap3A_217, %swap3A_218] {strides = array<i32>} : memref<16x128xf32, #tpu.memory_space<vmem>>, vector<1x16xf32>,
    %swap3A_220 = vector.shape_cast %swap3A_219 : vector<1x16xf32> to vector<16xf32>
    %swap3A_221 = vector.shape_cast %broadcast_in_dim3A_215 : vector<16xf32> to vector<1x16xf32>
    tpu.vector_store %arg9[%swap3A_217, %swap3A_218], %swap3A_221 {strides = array<i32>} : memref<16x128xf32, #tpu.memory_space<vmem>>, vector<1x16xf32>,
    %broadcast_in_dim3A_222 = arith.constant 0.000000e+00 : f32
    %broadcast_in_dim3A_223 = vector.broadcast %broadcast_in_dim3A_222 : f32 to vector<16xf32>
    %swap3A_224 = arith.constant 3 : i32
    %swap3A_225 = arith.index_cast %swap3A_224 : i32 to index
    %swap3A_226 = arith.constant 64 : index
    %swap3A_227 = tpu.vector_load %arg9[%swap3A_225, %swap3A_226] {strides = array<i32>} : memref<16x128xf32, #tpu.memory_space<vmem>>, vector<1x16xf32>,
    %swap3A_228 = vector.shape_cast %swap3A_227 : vector<1x16xf32> to vector<16xf32>
    %swap3A_229 = vector.shape_cast %broadcast_in_dim3A_223 : vector<16xf32> to vector<1x16xf32>
    tpu.vector_store %arg9[%swap3A_225, %swap3A_226], %swap3A_229 {strides = array<i32>} : memref<16x128xf32, #tpu.memory_space<vmem>>, vector<1x16xf32>,
    %broadcast_in_dim3A_230 = arith.constant 0.000000e+00 : f32
    %broadcast_in_dim3A_231 = vector.broadcast %broadcast_in_dim3A_230 : f32 to vector<16xf32>
    %swap3A_232 = arith.constant 3 : i32
    %swap3A_233 = arith.index_cast %swap3A_232 : i32 to index
    %swap3A_234 = arith.constant 80 : index
    %swap3A_235 = tpu.vector_load %arg9[%swap3A_233, %swap3A_234] {strides = array<i32>} : memref<16x128xf32, #tpu.memory_space<vmem>>, vector<1x16xf32>,
    %swap3A_236 = vector.shape_cast %swap3A_235 : vector<1x16xf32> to vector<16xf32>
    %swap3A_237 = vector.shape_cast %broadcast_in_dim3A_231 : vector<16xf32> to vector<1x16xf32>
    tpu.vector_store %arg9[%swap3A_233, %swap3A_234], %swap3A_237 {strides = array<i32>} : memref<16x128xf32, #tpu.memory_space<vmem>>, vector<1x16xf32>,
    %broadcast_in_dim3A_238 = arith.constant 0.000000e+00 : f32
    %broadcast_in_dim3A_239 = vector.broadcast %broadcast_in_dim3A_238 : f32 to vector<16xf32>
    %swap3A_240 = arith.constant 3 : i32
    %swap3A_241 = arith.index_cast %swap3A_240 : i32 to index
    %swap3A_242 = arith.constant 96 : index
    %swap3A_243 = tpu.vector_load %arg9[%swap3A_241, %swap3A_242] {strides = array<i32>} : memref<16x128xf32, #tpu.memory_space<vmem>>, vector<1x16xf32>,
    %swap3A_244 = vector.shape_cast %swap3A_243 : vector<1x16xf32> to vector<16xf32>
    %swap3A_245 = vector.shape_cast %broadcast_in_dim3A_239 : vector<16xf32> to vector<1x16xf32>
    tpu.vector_store %arg9[%swap3A_241, %swap3A_242], %swap3A_245 {strides = array<i32>} : memref<16x128xf32, #tpu.memory_space<vmem>>, vector<1x16xf32>,
    %broadcast_in_dim3A_246 = arith.constant 0.000000e+00 : f32
    %broadcast_in_dim3A_247 = vector.broadcast %broadcast_in_dim3A_246 : f32 to vector<16xf32>
    %swap3A_248 = arith.constant 3 : i32
    %swap3A_249 = arith.index_cast %swap3A_248 : i32 to index
    %swap3A_250 = arith.constant 112 : index
    %swap3A_251 = tpu.vector_load %arg9[%swap3A_249, %swap3A_250] {strides = array<i32>} : memref<16x128xf32, #tpu.memory_space<vmem>>, vector<1x16xf32>,
    %swap3A_252 = vector.shape_cast %swap3A_251 : vector<1x16xf32> to vector<16xf32>
    %swap3A_253 = vector.shape_cast %broadcast_in_dim3A_247 : vector<16xf32> to vector<1x16xf32>
    tpu.vector_store %arg9[%swap3A_249, %swap3A_250], %swap3A_253 {strides = array<i32>} : memref<16x128xf32, #tpu.memory_space<vmem>>, vector<1x16xf32>,
    %broadcast_in_dim3A_254 = arith.constant 0.000000e+00 : f32
    %broadcast_in_dim3A_255 = vector.broadcast %broadcast_in_dim3A_254 : f32 to vector<16xf32>
    %swap3A_256 = arith.constant 4 : i32
    %swap3A_257 = arith.index_cast %swap3A_256 : i32 to index
    %swap3A_258 = arith.constant 0 : index
    %swap3A_259 = tpu.vector_load %arg9[%swap3A_257, %swap3A_258] {strides = array<i32>} : memref<16x128xf32, #tpu.memory_space<vmem>>, vector<1x16xf32>,
    %swap3A_260 = vector.shape_cast %swap3A_259 : vector<1x16xf32> to vector<16xf32>
    %swap3A_261 = vector.shape_cast %broadcast_in_dim3A_255 : vector<16xf32> to vector<1x16xf32>
    tpu.vector_store %arg9[%swap3A_257, %swap3A_258], %swap3A_261 {strides = array<i32>} : memref<16x128xf32, #tpu.memory_space<vmem>>, vector<1x16xf32>,
    %broadcast_in_dim3A_262 = arith.constant 0.000000e+00 : f32
    %broadcast_in_dim3A_263 = vector.broadcast %broadcast_in_dim3A_262 : f32 to vector<16xf32>
    %swap3A_264 = arith.constant 4 : i32
    %swap3A_265 = arith.index_cast %swap3A_264 : i32 to index
    %swap3A_266 = arith.constant 16 : index
    %swap3A_267 = tpu.vector_load %arg9[%swap3A_265, %swap3A_266] {strides = array<i32>} : memref<16x128xf32, #tpu.memory_space<vmem>>, vector<1x16xf32>,
    %swap3A_268 = vector.shape_cast %swap3A_267 : vector<1x16xf32> to vector<16xf32>
    %swap3A_269 = vector.shape_cast %broadcast_in_dim3A_263 : vector<16xf32> to vector<1x16xf32>
    tpu.vector_store %arg9[%swap3A_265, %swap3A_266], %swap3A_269 {strides = array<i32>} : memref<16x128xf32, #tpu.memory_space<vmem>>, vector<1x16xf32>,
    %broadcast_in_dim3A_270 = arith.constant 0.000000e+00 : f32
    %broadcast_in_dim3A_271 = vector.broadcast %broadcast_in_dim3A_270 : f32 to vector<16xf32>
    %swap3A_272 = arith.constant 4 : i32
    %swap3A_273 = arith.index_cast %swap3A_272 : i32 to index
    %swap3A_274 = arith.constant 32 : index
    %swap3A_275 = tpu.vector_load %arg9[%swap3A_273, %swap3A_274] {strides = array<i32>} : memref<16x128xf32, #tpu.memory_space<vmem>>, vector<1x16xf32>,
    %swap3A_276 = vector.shape_cast %swap3A_275 : vector<1x16xf32> to vector<16xf32>
    %swap3A_277 = vector.shape_cast %broadcast_in_dim3A_271 : vector<16xf32> to vector<1x16xf32>
    tpu.vector_store %arg9[%swap3A_273, %swap3A_274], %swap3A_277 {strides = array<i32>} : memref<16x128xf32, #tpu.memory_space<vmem>>, vector<1x16xf32>,
    %broadcast_in_dim3A_278 = arith.constant 0.000000e+00 : f32
    %broadcast_in_dim3A_279 = vector.broadcast %broadcast_in_dim3A_278 : f32 to vector<16xf32>
    %swap3A_280 = arith.constant 4 : i32
    %swap3A_281 = arith.index_cast %swap3A_280 : i32 to index
    %swap3A_282 = arith.constant 48 : index
    %swap3A_283 = tpu.vector_load %arg9[%swap3A_281, %swap3A_282] {strides = array<i32>} : memref<16x128xf32, #tpu.memory_space<vmem>>, vector<1x16xf32>,
    %swap3A_284 = vector.shape_cast %swap3A_283 : vector<1x16xf32> to vector<16xf32>
    %swap3A_285 = vector.shape_cast %broadcast_in_dim3A_279 : vector<16xf32> to vector<1x16xf32>
    tpu.vector_store %arg9[%swap3A_281, %swap3A_282], %swap3A_285 {strides = array<i32>} : memref<16x128xf32, #tpu.memory_space<vmem>>, vector<1x16xf32>,
    %broadcast_in_dim3A_286 = arith.constant 0.000000e+00 : f32
    %broadcast_in_dim3A_287 = vector.broadcast %broadcast_in_dim3A_286 : f32 to vector<16xf32>
    %swap3A_288 = arith.constant 4 : i32
    %swap3A_289 = arith.index_cast %swap3A_288 : i32 to index
    %swap3A_290 = arith.constant 64 : index
    %swap3A_291 = tpu.vector_load %arg9[%swap3A_289, %swap3A_290] {strides = array<i32>} : memref<16x128xf32, #tpu.memory_space<vmem>>, vector<1x16xf32>,
    %swap3A_292 = vector.shape_cast %swap3A_291 : vector<1x16xf32> to vector<16xf32>
    %swap3A_293 = vector.shape_cast %broadcast_in_dim3A_287 : vector<16xf32> to vector<1x16xf32>
    tpu.vector_store %arg9[%swap3A_289, %swap3A_290], %swap3A_293 {strides = array<i32>} : memref<16x128xf32, #tpu.memory_space<vmem>>, vector<1x16xf32>,
    %broadcast_in_dim3A_294 = arith.constant 0.000000e+00 : f32
    %broadcast_in_dim3A_295 = vector.broadcast %broadcast_in_dim3A_294 : f32 to vector<16xf32>
    %swap3A_296 = arith.constant 4 : i32
    %swap3A_297 = arith.index_cast %swap3A_296 : i32 to index
    %swap3A_298 = arith.constant 80 : index
    %swap3A_299 = tpu.vector_load %arg9[%swap3A_297, %swap3A_298] {strides = array<i32>} : memref<16x128xf32, #tpu.memory_space<vmem>>, vector<1x16xf32>,
    %swap3A_300 = vector.shape_cast %swap3A_299 : vector<1x16xf32> to vector<16xf32>
    %swap3A_301 = vector.shape_cast %broadcast_in_dim3A_295 : vector<16xf32> to vector<1x16xf32>
    tpu.vector_store %arg9[%swap3A_297, %swap3A_298], %swap3A_301 {strides = array<i32>} : memref<16x128xf32, #tpu.memory_space<vmem>>, vector<1x16xf32>,
    %broadcast_in_dim3A_302 = arith.constant 0.000000e+00 : f32
    %broadcast_in_dim3A_303 = vector.broadcast %broadcast_in_dim3A_302 : f32 to vector<16xf32>
    %swap3A_304 = arith.constant 4 : i32
    %swap3A_305 = arith.index_cast %swap3A_304 : i32 to index
    %swap3A_306 = arith.constant 96 : index
    %swap3A_307 = tpu.vector_load %arg9[%swap3A_305, %swap3A_306] {strides = array<i32>} : memref<16x128xf32, #tpu.memory_space<vmem>>, vector<1x16xf32>,
    %swap3A_308 = vector.shape_cast %swap3A_307 : vector<1x16xf32> to vector<16xf32>
    %swap3A_309 = vector.shape_cast %broadcast_in_dim3A_303 : vector<16xf32> to vector<1x16xf32>
    tpu.vector_store %arg9[%swap3A_305, %swap3A_306], %swap3A_309 {strides = array<i32>} : memref<16x128xf32, #tpu.memory_space<vmem>>, vector<1x16xf32>,
    %broadcast_in_dim3A_310 = arith.constant 0.000000e+00 : f32
    %broadcast_in_dim3A_311 = vector.broadcast %broadcast_in_dim3A_310 : f32 to vector<16xf32>
    %swap3A_312 = arith.constant 4 : i32
    %swap3A_313 = arith.index_cast %swap3A_312 : i32 to index
    %swap3A_314 = arith.constant 112 : index
    %swap3A_315 = tpu.vector_load %arg9[%swap3A_313, %swap3A_314] {strides = array<i32>} : memref<16x128xf32, #tpu.memory_space<vmem>>, vector<1x16xf32>,
    %swap3A_316 = vector.shape_cast %swap3A_315 : vector<1x16xf32> to vector<16xf32>
    %swap3A_317 = vector.shape_cast %broadcast_in_dim3A_311 : vector<16xf32> to vector<1x16xf32>
    tpu.vector_store %arg9[%swap3A_313, %swap3A_314], %swap3A_317 {strides = array<i32>} : memref<16x128xf32, #tpu.memory_space<vmem>>, vector<1x16xf32>,
    %broadcast_in_dim3A_318 = arith.constant 0.000000e+00 : f32
    %broadcast_in_dim3A_319 = vector.broadcast %broadcast_in_dim3A_318 : f32 to vector<16xf32>
    %swap3A_320 = arith.constant 5 : i32
    %swap3A_321 = arith.index_cast %swap3A_320 : i32 to index
    %swap3A_322 = arith.constant 0 : index
    %swap3A_323 = tpu.vector_load %arg9[%swap3A_321, %swap3A_322] {strides = array<i32>} : memref<16x128xf32, #tpu.memory_space<vmem>>, vector<1x16xf32>,
    %swap3A_324 = vector.shape_cast %swap3A_323 : vector<1x16xf32> to vector<16xf32>
    %swap3A_325 = vector.shape_cast %broadcast_in_dim3A_319 : vector<16xf32> to vector<1x16xf32>
    tpu.vector_store %arg9[%swap3A_321, %swap3A_322], %swap3A_325 {strides = array<i32>} : memref<16x128xf32, #tpu.memory_space<vmem>>, vector<1x16xf32>,
    %broadcast_in_dim3A_326 = arith.constant 0.000000e+00 : f32
    %broadcast_in_dim3A_327 = vector.broadcast %broadcast_in_dim3A_326 : f32 to vector<16xf32>
    %swap3A_328 = arith.constant 5 : i32
    %swap3A_329 = arith.index_cast %swap3A_328 : i32 to index
    %swap3A_330 = arith.constant 16 : index
    %swap3A_331 = tpu.vector_load %arg9[%swap3A_329, %swap3A_330] {strides = array<i32>} : memref<16x128xf32, #tpu.memory_space<vmem>>, vector<1x16xf32>,
    %swap3A_332 = vector.shape_cast %swap3A_331 : vector<1x16xf32> to vector<16xf32>
    %swap3A_333 = vector.shape_cast %broadcast_in_dim3A_327 : vector<16xf32> to vector<1x16xf32>
    tpu.vector_store %arg9[%swap3A_329, %swap3A_330], %swap3A_333 {strides = array<i32>} : memref<16x128xf32, #tpu.memory_space<vmem>>, vector<1x16xf32>,
    %broadcast_in_dim3A_334 = arith.constant 0.000000e+00 : f32
    %broadcast_in_dim3A_335 = vector.broadcast %broadcast_in_dim3A_334 : f32 to vector<16xf32>
    %swap3A_336 = arith.constant 5 : i32
    %swap3A_337 = arith.index_cast %swap3A_336 : i32 to index
    %swap3A_338 = arith.constant 32 : index
    %swap3A_339 = tpu.vector_load %arg9[%swap3A_337, %swap3A_338] {strides = array<i32>} : memref<16x128xf32, #tpu.memory_space<vmem>>, vector<1x16xf32>,
    %swap3A_340 = vector.shape_cast %swap3A_339 : vector<1x16xf32> to vector<16xf32>
    %swap3A_341 = vector.shape_cast %broadcast_in_dim3A_335 : vector<16xf32> to vector<1x16xf32>
    tpu.vector_store %arg9[%swap3A_337, %swap3A_338], %swap3A_341 {strides = array<i32>} : memref<16x128xf32, #tpu.memory_space<vmem>>, vector<1x16xf32>,
    %broadcast_in_dim3A_342 = arith.constant 0.000000e+00 : f32
    %broadcast_in_dim3A_343 = vector.broadcast %broadcast_in_dim3A_342 : f32 to vector<16xf32>
    %swap3A_344 = arith.constant 5 : i32
    %swap3A_345 = arith.index_cast %swap3A_344 : i32 to index
    %swap3A_346 = arith.constant 48 : index
    %swap3A_347 = tpu.vector_load %arg9[%swap3A_345, %swap3A_346] {strides = array<i32>} : memref<16x128xf32, #tpu.memory_space<vmem>>, vector<1x16xf32>,
    %swap3A_348 = vector.shape_cast %swap3A_347 : vector<1x16xf32> to vector<16xf32>
    %swap3A_349 = vector.shape_cast %broadcast_in_dim3A_343 : vector<16xf32> to vector<1x16xf32>
    tpu.vector_store %arg9[%swap3A_345, %swap3A_346], %swap3A_349 {strides = array<i32>} : memref<16x128xf32, #tpu.memory_space<vmem>>, vector<1x16xf32>,
    %broadcast_in_dim3A_350 = arith.constant 0.000000e+00 : f32
    %broadcast_in_dim3A_351 = vector.broadcast %broadcast_in_dim3A_350 : f32 to vector<16xf32>
    %swap3A_352 = arith.constant 5 : i32
    %swap3A_353 = arith.index_cast %swap3A_352 : i32 to index
    %swap3A_354 = arith.constant 64 : index
    %swap3A_355 = tpu.vector_load %arg9[%swap3A_353, %swap3A_354] {strides = array<i32>} : memref<16x128xf32, #tpu.memory_space<vmem>>, vector<1x16xf32>,
    %swap3A_356 = vector.shape_cast %swap3A_355 : vector<1x16xf32> to vector<16xf32>
    %swap3A_357 = vector.shape_cast %broadcast_in_dim3A_351 : vector<16xf32> to vector<1x16xf32>
    tpu.vector_store %arg9[%swap3A_353, %swap3A_354], %swap3A_357 {strides = array<i32>} : memref<16x128xf32, #tpu.memory_space<vmem>>, vector<1x16xf32>,
    %broadcast_in_dim3A_358 = arith.constant 0.000000e+00 : f32
    %broadcast_in_dim3A_359 = vector.broadcast %broadcast_in_dim3A_358 : f32 to vector<16xf32>
    %swap3A_360 = arith.constant 5 : i32
    %swap3A_361 = arith.index_cast %swap3A_360 : i32 to index
    %swap3A_362 = arith.constant 80 : index
    %swap3A_363 = tpu.vector_load %arg9[%swap3A_361, %swap3A_362] {strides = array<i32>} : memref<16x128xf32, #tpu.memory_space<vmem>>, vector<1x16xf32>,
    %swap3A_364 = vector.shape_cast %swap3A_363 : vector<1x16xf32> to vector<16xf32>
    %swap3A_365 = vector.shape_cast %broadcast_in_dim3A_359 : vector<16xf32> to vector<1x16xf32>
    tpu.vector_store %arg9[%swap3A_361, %swap3A_362], %swap3A_365 {strides = array<i32>} : memref<16x128xf32, #tpu.memory_space<vmem>>, vector<1x16xf32>,
    %broadcast_in_dim3A_366 = arith.constant 0.000000e+00 : f32
    %broadcast_in_dim3A_367 = vector.broadcast %broadcast_in_dim3A_366 : f32 to vector<16xf32>
    %swap3A_368 = arith.constant 5 : i32
    %swap3A_369 = arith.index_cast %swap3A_368 : i32 to index
    %swap3A_370 = arith.constant 96 : index
    %swap3A_371 = tpu.vector_load %arg9[%swap3A_369, %swap3A_370] {strides = array<i32>} : memref<16x128xf32, #tpu.memory_space<vmem>>, vector<1x16xf32>,
    %swap3A_372 = vector.shape_cast %swap3A_371 : vector<1x16xf32> to vector<16xf32>
    %swap3A_373 = vector.shape_cast %broadcast_in_dim3A_367 : vector<16xf32> to vector<1x16xf32>
    tpu.vector_store %arg9[%swap3A_369, %swap3A_370], %swap3A_373 {strides = array<i32>} : memref<16x128xf32, #tpu.memory_space<vmem>>, vector<1x16xf32>,
    %broadcast_in_dim3A_374 = arith.constant 0.000000e+00 : f32
    %broadcast_in_dim3A_375 = vector.broadcast %broadcast_in_dim3A_374 : f32 to vector<16xf32>
    %swap3A_376 = arith.constant 5 : i32
    %swap3A_377 = arith.index_cast %swap3A_376 : i32 to index
    %swap3A_378 = arith.constant 112 : index
    %swap3A_379 = tpu.vector_load %arg9[%swap3A_377, %swap3A_378] {strides = array<i32>} : memref<16x128xf32, #tpu.memory_space<vmem>>, vector<1x16xf32>,
    %swap3A_380 = vector.shape_cast %swap3A_379 : vector<1x16xf32> to vector<16xf32>
    %swap3A_381 = vector.shape_cast %broadcast_in_dim3A_375 : vector<16xf32> to vector<1x16xf32>
    tpu.vector_store %arg9[%swap3A_377, %swap3A_378], %swap3A_381 {strides = array<i32>} : memref<16x128xf32, #tpu.memory_space<vmem>>, vector<1x16xf32>,
    %broadcast_in_dim3A_382 = arith.constant 0.000000e+00 : f32
    %broadcast_in_dim3A_383 = vector.broadcast %broadcast_in_dim3A_382 : f32 to vector<16xf32>
    %swap3A_384 = arith.constant 6 : i32
    %swap3A_385 = arith.index_cast %swap3A_384 : i32 to index
    %swap3A_386 = arith.constant 0 : index
    %swap3A_387 = tpu.vector_load %arg9[%swap3A_385, %swap3A_386] {strides = array<i32>} : memref<16x128xf32, #tpu.memory_space<vmem>>, vector<1x16xf32>,
    %swap3A_388 = vector.shape_cast %swap3A_387 : vector<1x16xf32> to vector<16xf32>
    %swap3A_389 = vector.shape_cast %broadcast_in_dim3A_383 : vector<16xf32> to vector<1x16xf32>
    tpu.vector_store %arg9[%swap3A_385, %swap3A_386], %swap3A_389 {strides = array<i32>} : memref<16x128xf32, #tpu.memory_space<vmem>>, vector<1x16xf32>,
    %broadcast_in_dim3A_390 = arith.constant 0.000000e+00 : f32
    %broadcast_in_dim3A_391 = vector.broadcast %broadcast_in_dim3A_390 : f32 to vector<16xf32>
    %swap3A_392 = arith.constant 6 : i32
    %swap3A_393 = arith.index_cast %swap3A_392 : i32 to index
    %swap3A_394 = arith.constant 16 : index
    %swap3A_395 = tpu.vector_load %arg9[%swap3A_393, %swap3A_394] {strides = array<i32>} : memref<16x128xf32, #tpu.memory_space<vmem>>, vector<1x16xf32>,
    %swap3A_396 = vector.shape_cast %swap3A_395 : vector<1x16xf32> to vector<16xf32>
    %swap3A_397 = vector.shape_cast %broadcast_in_dim3A_391 : vector<16xf32> to vector<1x16xf32>
    tpu.vector_store %arg9[%swap3A_393, %swap3A_394], %swap3A_397 {strides = array<i32>} : memref<16x128xf32, #tpu.memory_space<vmem>>, vector<1x16xf32>,
    %broadcast_in_dim3A_398 = arith.constant 0.000000e+00 : f32
    %broadcast_in_dim3A_399 = vector.broadcast %broadcast_in_dim3A_398 : f32 to vector<16xf32>
    %swap3A_400 = arith.constant 6 : i32
    %swap3A_401 = arith.index_cast %swap3A_400 : i32 to index
    %swap3A_402 = arith.constant 32 : index
    %swap3A_403 = tpu.vector_load %arg9[%swap3A_401, %swap3A_402] {strides = array<i32>} : memref<16x128xf32, #tpu.memory_space<vmem>>, vector<1x16xf32>,
    %swap3A_404 = vector.shape_cast %swap3A_403 : vector<1x16xf32> to vector<16xf32>
    %swap3A_405 = vector.shape_cast %broadcast_in_dim3A_399 : vector<16xf32> to vector<1x16xf32>
    tpu.vector_store %arg9[%swap3A_401, %swap3A_402], %swap3A_405 {strides = array<i32>} : memref<16x128xf32, #tpu.memory_space<vmem>>, vector<1x16xf32>,
    %broadcast_in_dim3A_406 = arith.constant 0.000000e+00 : f32
    %broadcast_in_dim3A_407 = vector.broadcast %broadcast_in_dim3A_406 : f32 to vector<16xf32>
    %swap3A_408 = arith.constant 6 : i32
    %swap3A_409 = arith.index_cast %swap3A_408 : i32 to index
    %swap3A_410 = arith.constant 48 : index
    %swap3A_411 = tpu.vector_load %arg9[%swap3A_409, %swap3A_410] {strides = array<i32>} : memref<16x128xf32, #tpu.memory_space<vmem>>, vector<1x16xf32>,
    %swap3A_412 = vector.shape_cast %swap3A_411 : vector<1x16xf32> to vector<16xf32>
    %swap3A_413 = vector.shape_cast %broadcast_in_dim3A_407 : vector<16xf32> to vector<1x16xf32>
    tpu.vector_store %arg9[%swap3A_409, %swap3A_410], %swap3A_413 {strides = array<i32>} : memref<16x128xf32, #tpu.memory_space<vmem>>, vector<1x16xf32>,
    %broadcast_in_dim3A_414 = arith.constant 0.000000e+00 : f32
    %broadcast_in_dim3A_415 = vector.broadcast %broadcast_in_dim3A_414 : f32 to vector<16xf32>
    %swap3A_416 = arith.constant 6 : i32
    %swap3A_417 = arith.index_cast %swap3A_416 : i32 to index
    %swap3A_418 = arith.constant 64 : index
    %swap3A_419 = tpu.vector_load %arg9[%swap3A_417, %swap3A_418] {strides = array<i32>} : memref<16x128xf32, #tpu.memory_space<vmem>>, vector<1x16xf32>,
    %swap3A_420 = vector.shape_cast %swap3A_419 : vector<1x16xf32> to vector<16xf32>
    %swap3A_421 = vector.shape_cast %broadcast_in_dim3A_415 : vector<16xf32> to vector<1x16xf32>
    tpu.vector_store %arg9[%swap3A_417, %swap3A_418], %swap3A_421 {strides = array<i32>} : memref<16x128xf32, #tpu.memory_space<vmem>>, vector<1x16xf32>,
    %broadcast_in_dim3A_422 = arith.constant 0.000000e+00 : f32
    %broadcast_in_dim3A_423 = vector.broadcast %broadcast_in_dim3A_422 : f32 to vector<16xf32>
    %swap3A_424 = arith.constant 6 : i32
    %swap3A_425 = arith.index_cast %swap3A_424 : i32 to index
    %swap3A_426 = arith.constant 80 : index
    %swap3A_427 = tpu.vector_load %arg9[%swap3A_425, %swap3A_426] {strides = array<i32>} : memref<16x128xf32, #tpu.memory_space<vmem>>, vector<1x16xf32>,
    %swap3A_428 = vector.shape_cast %swap3A_427 : vector<1x16xf32> to vector<16xf32>
    %swap3A_429 = vector.shape_cast %broadcast_in_dim3A_423 : vector<16xf32> to vector<1x16xf32>
    tpu.vector_store %arg9[%swap3A_425, %swap3A_426], %swap3A_429 {strides = array<i32>} : memref<16x128xf32, #tpu.memory_space<vmem>>, vector<1x16xf32>,
    %broadcast_in_dim3A_430 = arith.constant 0.000000e+00 : f32
    %broadcast_in_dim3A_431 = vector.broadcast %broadcast_in_dim3A_430 : f32 to vector<16xf32>
    %swap3A_432 = arith.constant 6 : i32
    %swap3A_433 = arith.index_cast %swap3A_432 : i32 to index
    %swap3A_434 = arith.constant 96 : index
    %swap3A_435 = tpu.vector_load %arg9[%swap3A_433, %swap3A_434] {strides = array<i32>} : memref<16x128xf32, #tpu.memory_space<vmem>>, vector<1x16xf32>,
    %swap3A_436 = vector.shape_cast %swap3A_435 : vector<1x16xf32> to vector<16xf32>
    %swap3A_437 = vector.shape_cast %broadcast_in_dim3A_431 : vector<16xf32> to vector<1x16xf32>
    tpu.vector_store %arg9[%swap3A_433, %swap3A_434], %swap3A_437 {strides = array<i32>} : memref<16x128xf32, #tpu.memory_space<vmem>>, vector<1x16xf32>,
    %broadcast_in_dim3A_438 = arith.constant 0.000000e+00 : f32
    %broadcast_in_dim3A_439 = vector.broadcast %broadcast_in_dim3A_438 : f32 to vector<16xf32>
    %swap3A_440 = arith.constant 6 : i32
    %swap3A_441 = arith.index_cast %swap3A_440 : i32 to index
    %swap3A_442 = arith.constant 112 : index
    %swap3A_443 = tpu.vector_load %arg9[%swap3A_441, %swap3A_442] {strides = array<i32>} : memref<16x128xf32, #tpu.memory_space<vmem>>, vector<1x16xf32>,
    %swap3A_444 = vector.shape_cast %swap3A_443 : vector<1x16xf32> to vector<16xf32>
    %swap3A_445 = vector.shape_cast %broadcast_in_dim3A_439 : vector<16xf32> to vector<1x16xf32>
    tpu.vector_store %arg9[%swap3A_441, %swap3A_442], %swap3A_445 {strides = array<i32>} : memref<16x128xf32, #tpu.memory_space<vmem>>, vector<1x16xf32>,
    %broadcast_in_dim3A_446 = arith.constant 0.000000e+00 : f32
    %broadcast_in_dim3A_447 = vector.broadcast %broadcast_in_dim3A_446 : f32 to vector<16xf32>
    %swap3A_448 = arith.constant 7 : i32
    %swap3A_449 = arith.index_cast %swap3A_448 : i32 to index
    %swap3A_450 = arith.constant 0 : index
    %swap3A_451 = tpu.vector_load %arg9[%swap3A_449, %swap3A_450] {strides = array<i32>} : memref<16x128xf32, #tpu.memory_space<vmem>>, vector<1x16xf32>,
    %swap3A_452 = vector.shape_cast %swap3A_451 : vector<1x16xf32> to vector<16xf32>
    %swap3A_453 = vector.shape_cast %broadcast_in_dim3A_447 : vector<16xf32> to vector<1x16xf32>
    tpu.vector_store %arg9[%swap3A_449, %swap3A_450], %swap3A_453 {strides = array<i32>} : memref<16x128xf32, #tpu.memory_space<vmem>>, vector<1x16xf32>,
    %broadcast_in_dim3A_454 = arith.constant 0.000000e+00 : f32
    %broadcast_in_dim3A_455 = vector.broadcast %broadcast_in_dim3A_454 : f32 to vector<16xf32>
    %swap3A_456 = arith.constant 7 : i32
    %swap3A_457 = arith.index_cast %swap3A_456 : i32 to index
    %swap3A_458 = arith.constant 16 : index
    %swap3A_459 = tpu.vector_load %arg9[%swap3A_457, %swap3A_458] {strides = array<i32>} : memref<16x128xf32, #tpu.memory_space<vmem>>, vector<1x16xf32>,
    %swap3A_460 = vector.shape_cast %swap3A_459 : vector<1x16xf32> to vector<16xf32>
    %swap3A_461 = vector.shape_cast %broadcast_in_dim3A_455 : vector<16xf32> to vector<1x16xf32>
    tpu.vector_store %arg9[%swap3A_457, %swap3A_458], %swap3A_461 {strides = array<i32>} : memref<16x128xf32, #tpu.memory_space<vmem>>, vector<1x16xf32>,
    %broadcast_in_dim3A_462 = arith.constant 0.000000e+00 : f32
    %broadcast_in_dim3A_463 = vector.broadcast %broadcast_in_dim3A_462 : f32 to vector<16xf32>
    %swap3A_464 = arith.constant 7 : i32
    %swap3A_465 = arith.index_cast %swap3A_464 : i32 to index
    %swap3A_466 = arith.constant 32 : index
    %swap3A_467 = tpu.vector_load %arg9[%swap3A_465, %swap3A_466] {strides = array<i32>} : memref<16x128xf32, #tpu.memory_space<vmem>>, vector<1x16xf32>,
    %swap3A_468 = vector.shape_cast %swap3A_467 : vector<1x16xf32> to vector<16xf32>
    %swap3A_469 = vector.shape_cast %broadcast_in_dim3A_463 : vector<16xf32> to vector<1x16xf32>
    tpu.vector_store %arg9[%swap3A_465, %swap3A_466], %swap3A_469 {strides = array<i32>} : memref<16x128xf32, #tpu.memory_space<vmem>>, vector<1x16xf32>,
    %broadcast_in_dim3A_470 = arith.constant 0.000000e+00 : f32
    %broadcast_in_dim3A_471 = vector.broadcast %broadcast_in_dim3A_470 : f32 to vector<16xf32>
    %swap3A_472 = arith.constant 7 : i32
    %swap3A_473 = arith.index_cast %swap3A_472 : i32 to index
    %swap3A_474 = arith.constant 48 : index
    %swap3A_475 = tpu.vector_load %arg9[%swap3A_473, %swap3A_474] {strides = array<i32>} : memref<16x128xf32, #tpu.memory_space<vmem>>, vector<1x16xf32>,
    %swap3A_476 = vector.shape_cast %swap3A_475 : vector<1x16xf32> to vector<16xf32>
    %swap3A_477 = vector.shape_cast %broadcast_in_dim3A_471 : vector<16xf32> to vector<1x16xf32>
    tpu.vector_store %arg9[%swap3A_473, %swap3A_474], %swap3A_477 {strides = array<i32>} : memref<16x128xf32, #tpu.memory_space<vmem>>, vector<1x16xf32>,
    %broadcast_in_dim3A_478 = arith.constant 0.000000e+00 : f32
    %broadcast_in_dim3A_479 = vector.broadcast %broadcast_in_dim3A_478 : f32 to vector<16xf32>
    %swap3A_480 = arith.constant 7 : i32
    %swap3A_481 = arith.index_cast %swap3A_480 : i32 to index
    %swap3A_482 = arith.constant 64 : index
    %swap3A_483 = tpu.vector_load %arg9[%swap3A_481, %swap3A_482] {strides = array<i32>} : memref<16x128xf32, #tpu.memory_space<vmem>>, vector<1x16xf32>,
    %swap3A_484 = vector.shape_cast %swap3A_483 : vector<1x16xf32> to vector<16xf32>
    %swap3A_485 = vector.shape_cast %broadcast_in_dim3A_479 : vector<16xf32> to vector<1x16xf32>
    tpu.vector_store %arg9[%swap3A_481, %swap3A_482], %swap3A_485 {strides = array<i32>} : memref<16x128xf32, #tpu.memory_space<vmem>>, vector<1x16xf32>,
    %broadcast_in_dim3A_486 = arith.constant 0.000000e+00 : f32
    %broadcast_in_dim3A_487 = vector.broadcast %broadcast_in_dim3A_486 : f32 to vector<16xf32>
    %swap3A_488 = arith.constant 7 : i32
    %swap3A_489 = arith.index_cast %swap3A_488 : i32 to index
    %swap3A_490 = arith.constant 80 : index
    %swap3A_491 = tpu.vector_load %arg9[%swap3A_489, %swap3A_490] {strides = array<i32>} : memref<16x128xf32, #tpu.memory_space<vmem>>, vector<1x16xf32>,
    %swap3A_492 = vector.shape_cast %swap3A_491 : vector<1x16xf32> to vector<16xf32>
    %swap3A_493 = vector.shape_cast %broadcast_in_dim3A_487 : vector<16xf32> to vector<1x16xf32>
    tpu.vector_store %arg9[%swap3A_489, %swap3A_490], %swap3A_493 {strides = array<i32>} : memref<16x128xf32, #tpu.memory_space<vmem>>, vector<1x16xf32>,
    %broadcast_in_dim3A_494 = arith.constant 0.000000e+00 : f32
    %broadcast_in_dim3A_495 = vector.broadcast %broadcast_in_dim3A_494 : f32 to vector<16xf32>
    %swap3A_496 = arith.constant 7 : i32
    %swap3A_497 = arith.index_cast %swap3A_496 : i32 to index
    %swap3A_498 = arith.constant 96 : index
    %swap3A_499 = tpu.vector_load %arg9[%swap3A_497, %swap3A_498] {strides = array<i32>} : memref<16x128xf32, #tpu.memory_space<vmem>>, vector<1x16xf32>,
    %swap3A_500 = vector.shape_cast %swap3A_499 : vector<1x16xf32> to vector<16xf32>
    %swap3A_501 = vector.shape_cast %broadcast_in_dim3A_495 : vector<16xf32> to vector<1x16xf32>
    tpu.vector_store %arg9[%swap3A_497, %swap3A_498], %swap3A_501 {strides = array<i32>} : memref<16x128xf32, #tpu.memory_space<vmem>>, vector<1x16xf32>,
    %broadcast_in_dim3A_502 = arith.constant 0.000000e+00 : f32
    %broadcast_in_dim3A_503 = vector.broadcast %broadcast_in_dim3A_502 : f32 to vector<16xf32>
    %swap3A_504 = arith.constant 7 : i32
    %swap3A_505 = arith.index_cast %swap3A_504 : i32 to index
    %swap3A_506 = arith.constant 112 : index
    %swap3A_507 = tpu.vector_load %arg9[%swap3A_505, %swap3A_506] {strides = array<i32>} : memref<16x128xf32, #tpu.memory_space<vmem>>, vector<1x16xf32>,
    %swap3A_508 = vector.shape_cast %swap3A_507 : vector<1x16xf32> to vector<16xf32>
    %swap3A_509 = vector.shape_cast %broadcast_in_dim3A_503 : vector<16xf32> to vector<1x16xf32>
    tpu.vector_store %arg9[%swap3A_505, %swap3A_506], %swap3A_509 {strides = array<i32>} : memref<16x128xf32, #tpu.memory_space<vmem>>, vector<1x16xf32>,
    %broadcast_in_dim3A_510 = arith.constant 0.000000e+00 : f32
    %broadcast_in_dim3A_511 = vector.broadcast %broadcast_in_dim3A_510 : f32 to vector<16xf32>
    %swap3A_512 = arith.constant 8 : i32
    %swap3A_513 = arith.index_cast %swap3A_512 : i32 to index
    %swap3A_514 = arith.constant 0 : index
    %swap3A_515 = tpu.vector_load %arg9[%swap3A_513, %swap3A_514] {strides = array<i32>} : memref<16x128xf32, #tpu.memory_space<vmem>>, vector<1x16xf32>,
    %swap3A_516 = vector.shape_cast %swap3A_515 : vector<1x16xf32> to vector<16xf32>
    %swap3A_517 = vector.shape_cast %broadcast_in_dim3A_511 : vector<16xf32> to vector<1x16xf32>
    tpu.vector_store %arg9[%swap3A_513, %swap3A_514], %swap3A_517 {strides = array<i32>} : memref<16x128xf32, #tpu.memory_space<vmem>>, vector<1x16xf32>,
    %broadcast_in_dim3A_518 = arith.constant 0.000000e+00 : f32
    %broadcast_in_dim3A_519 = vector.broadcast %broadcast_in_dim3A_518 : f32 to vector<16xf32>
    %swap3A_520 = arith.constant 8 : i32
    %swap3A_521 = arith.index_cast %swap3A_520 : i32 to index
    %swap3A_522 = arith.constant 16 : index
    %swap3A_523 = tpu.vector_load %arg9[%swap3A_521, %swap3A_522] {strides = array<i32>} : memref<16x128xf32, #tpu.memory_space<vmem>>, vector<1x16xf32>,
    %swap3A_524 = vector.shape_cast %swap3A_523 : vector<1x16xf32> to vector<16xf32>
    %swap3A_525 = vector.shape_cast %broadcast_in_dim3A_519 : vector<16xf32> to vector<1x16xf32>
    tpu.vector_store %arg9[%swap3A_521, %swap3A_522], %swap3A_525 {strides = array<i32>} : memref<16x128xf32, #tpu.memory_space<vmem>>, vector<1x16xf32>,
    %broadcast_in_dim3A_526 = arith.constant 0.000000e+00 : f32
    %broadcast_in_dim3A_527 = vector.broadcast %broadcast_in_dim3A_526 : f32 to vector<16xf32>
    %swap3A_528 = arith.constant 8 : i32
    %swap3A_529 = arith.index_cast %swap3A_528 : i32 to index
    %swap3A_530 = arith.constant 32 : index
    %swap3A_531 = tpu.vector_load %arg9[%swap3A_529, %swap3A_530] {strides = array<i32>} : memref<16x128xf32, #tpu.memory_space<vmem>>, vector<1x16xf32>,
    %swap3A_532 = vector.shape_cast %swap3A_531 : vector<1x16xf32> to vector<16xf32>
    %swap3A_533 = vector.shape_cast %broadcast_in_dim3A_527 : vector<16xf32> to vector<1x16xf32>
    tpu.vector_store %arg9[%swap3A_529, %swap3A_530], %swap3A_533 {strides = array<i32>} : memref<16x128xf32, #tpu.memory_space<vmem>>, vector<1x16xf32>,
    %broadcast_in_dim3A_534 = arith.constant 0.000000e+00 : f32
    %broadcast_in_dim3A_535 = vector.broadcast %broadcast_in_dim3A_534 : f32 to vector<16xf32>
    %swap3A_536 = arith.constant 8 : i32
    %swap3A_537 = arith.index_cast %swap3A_536 : i32 to index
    %swap3A_538 = arith.constant 48 : index
    %swap3A_539 = tpu.vector_load %arg9[%swap3A_537, %swap3A_538] {strides = array<i32>} : memref<16x128xf32, #tpu.memory_space<vmem>>, vector<1x16xf32>,
    %swap3A_540 = vector.shape_cast %swap3A_539 : vector<1x16xf32> to vector<16xf32>
    %swap3A_541 = vector.shape_cast %broadcast_in_dim3A_535 : vector<16xf32> to vector<1x16xf32>
    tpu.vector_store %arg9[%swap3A_537, %swap3A_538], %swap3A_541 {strides = array<i32>} : memref<16x128xf32, #tpu.memory_space<vmem>>, vector<1x16xf32>,
    %broadcast_in_dim3A_542 = arith.constant 0.000000e+00 : f32
    %broadcast_in_dim3A_543 = vector.broadcast %broadcast_in_dim3A_542 : f32 to vector<16xf32>
    %swap3A_544 = arith.constant 8 : i32
    %swap3A_545 = arith.index_cast %swap3A_544 : i32 to index
    %swap3A_546 = arith.constant 64 : index
    %swap3A_547 = tpu.vector_load %arg9[%swap3A_545, %swap3A_546] {strides = array<i32>} : memref<16x128xf32, #tpu.memory_space<vmem>>, vector<1x16xf32>,
    %swap3A_548 = vector.shape_cast %swap3A_547 : vector<1x16xf32> to vector<16xf32>
    %swap3A_549 = vector.shape_cast %broadcast_in_dim3A_543 : vector<16xf32> to vector<1x16xf32>
    tpu.vector_store %arg9[%swap3A_545, %swap3A_546], %swap3A_549 {strides = array<i32>} : memref<16x128xf32, #tpu.memory_space<vmem>>, vector<1x16xf32>,
    %broadcast_in_dim3A_550 = arith.constant 0.000000e+00 : f32
    %broadcast_in_dim3A_551 = vector.broadcast %broadcast_in_dim3A_550 : f32 to vector<16xf32>
    %swap3A_552 = arith.constant 8 : i32
    %swap3A_553 = arith.index_cast %swap3A_552 : i32 to index
    %swap3A_554 = arith.constant 80 : index
    %swap3A_555 = tpu.vector_load %arg9[%swap3A_553, %swap3A_554] {strides = array<i32>} : memref<16x128xf32, #tpu.memory_space<vmem>>, vector<1x16xf32>,
    %swap3A_556 = vector.shape_cast %swap3A_555 : vector<1x16xf32> to vector<16xf32>
    %swap3A_557 = vector.shape_cast %broadcast_in_dim3A_551 : vector<16xf32> to vector<1x16xf32>
    tpu.vector_store %arg9[%swap3A_553, %swap3A_554], %swap3A_557 {strides = array<i32>} : memref<16x128xf32, #tpu.memory_space<vmem>>, vector<1x16xf32>,
    %broadcast_in_dim3A_558 = arith.constant 0.000000e+00 : f32
    %broadcast_in_dim3A_559 = vector.broadcast %broadcast_in_dim3A_558 : f32 to vector<16xf32>
    %swap3A_560 = arith.constant 8 : i32
    %swap3A_561 = arith.index_cast %swap3A_560 : i32 to index
    %swap3A_562 = arith.constant 96 : index
    %swap3A_563 = tpu.vector_load %arg9[%swap3A_561, %swap3A_562] {strides = array<i32>} : memref<16x128xf32, #tpu.memory_space<vmem>>, vector<1x16xf32>,
    %swap3A_564 = vector.shape_cast %swap3A_563 : vector<1x16xf32> to vector<16xf32>
    %swap3A_565 = vector.shape_cast %broadcast_in_dim3A_559 : vector<16xf32> to vector<1x16xf32>
    tpu.vector_store %arg9[%swap3A_561, %swap3A_562], %swap3A_565 {strides = array<i32>} : memref<16x128xf32, #tpu.memory_space<vmem>>, vector<1x16xf32>,
    %broadcast_in_dim3A_566 = arith.constant 0.000000e+00 : f32
    %broadcast_in_dim3A_567 = vector.broadcast %broadcast_in_dim3A_566 : f32 to vector<16xf32>
    %swap3A_568 = arith.constant 8 : i32
    %swap3A_569 = arith.index_cast %swap3A_568 : i32 to index
    %swap3A_570 = arith.constant 112 : index
    %swap3A_571 = tpu.vector_load %arg9[%swap3A_569, %swap3A_570] {strides = array<i32>} : memref<16x128xf32, #tpu.memory_space<vmem>>, vector<1x16xf32>,
    %swap3A_572 = vector.shape_cast %swap3A_571 : vector<1x16xf32> to vector<16xf32>
    %swap3A_573 = vector.shape_cast %broadcast_in_dim3A_567 : vector<16xf32> to vector<1x16xf32>
    tpu.vector_store %arg9[%swap3A_569, %swap3A_570], %swap3A_573 {strides = array<i32>} : memref<16x128xf32, #tpu.memory_space<vmem>>, vector<1x16xf32>,
    %broadcast_in_dim3A_574 = arith.constant 0.000000e+00 : f32
    %broadcast_in_dim3A_575 = vector.broadcast %broadcast_in_dim3A_574 : f32 to vector<16xf32>
    %swap3A_576 = arith.constant 9 : i32
    %swap3A_577 = arith.index_cast %swap3A_576 : i32 to index
    %swap3A_578 = arith.constant 0 : index
    %swap3A_579 = tpu.vector_load %arg9[%swap3A_577, %swap3A_578] {strides = array<i32>} : memref<16x128xf32, #tpu.memory_space<vmem>>, vector<1x16xf32>,
    %swap3A_580 = vector.shape_cast %swap3A_579 : vector<1x16xf32> to vector<16xf32>
    %swap3A_581 = vector.shape_cast %broadcast_in_dim3A_575 : vector<16xf32> to vector<1x16xf32>
    tpu.vector_store %arg9[%swap3A_577, %swap3A_578], %swap3A_581 {strides = array<i32>} : memref<16x128xf32, #tpu.memory_space<vmem>>, vector<1x16xf32>,
    %broadcast_in_dim3A_582 = arith.constant 0.000000e+00 : f32
    %broadcast_in_dim3A_583 = vector.broadcast %broadcast_in_dim3A_582 : f32 to vector<16xf32>
    %swap3A_584 = arith.constant 9 : i32
    %swap3A_585 = arith.index_cast %swap3A_584 : i32 to index
    %swap3A_586 = arith.constant 16 : index
    %swap3A_587 = tpu.vector_load %arg9[%swap3A_585, %swap3A_586] {strides = array<i32>} : memref<16x128xf32, #tpu.memory_space<vmem>>, vector<1x16xf32>,
    %swap3A_588 = vector.shape_cast %swap3A_587 : vector<1x16xf32> to vector<16xf32>
    %swap3A_589 = vector.shape_cast %broadcast_in_dim3A_583 : vector<16xf32> to vector<1x16xf32>
    tpu.vector_store %arg9[%swap3A_585, %swap3A_586], %swap3A_589 {strides = array<i32>} : memref<16x128xf32, #tpu.memory_space<vmem>>, vector<1x16xf32>,
    %broadcast_in_dim3A_590 = arith.constant 0.000000e+00 : f32
    %broadcast_in_dim3A_591 = vector.broadcast %broadcast_in_dim3A_590 : f32 to vector<16xf32>
    %swap3A_592 = arith.constant 9 : i32
    %swap3A_593 = arith.index_cast %swap3A_592 : i32 to index
    %swap3A_594 = arith.constant 32 : index
    %swap3A_595 = tpu.vector_load %arg9[%swap3A_593, %swap3A_594] {strides = array<i32>} : memref<16x128xf32, #tpu.memory_space<vmem>>, vector<1x16xf32>,
    %swap3A_596 = vector.shape_cast %swap3A_595 : vector<1x16xf32> to vector<16xf32>
    %swap3A_597 = vector.shape_cast %broadcast_in_dim3A_591 : vector<16xf32> to vector<1x16xf32>
    tpu.vector_store %arg9[%swap3A_593, %swap3A_594], %swap3A_597 {strides = array<i32>} : memref<16x128xf32, #tpu.memory_space<vmem>>, vector<1x16xf32>,
    %broadcast_in_dim3A_598 = arith.constant 0.000000e+00 : f32
    %broadcast_in_dim3A_599 = vector.broadcast %broadcast_in_dim3A_598 : f32 to vector<16xf32>
    %swap3A_600 = arith.constant 9 : i32
    %swap3A_601 = arith.index_cast %swap3A_600 : i32 to index
    %swap3A_602 = arith.constant 48 : index
    %swap3A_603 = tpu.vector_load %arg9[%swap3A_601, %swap3A_602] {strides = array<i32>} : memref<16x128xf32, #tpu.memory_space<vmem>>, vector<1x16xf32>,
    %swap3A_604 = vector.shape_cast %swap3A_603 : vector<1x16xf32> to vector<16xf32>
    %swap3A_605 = vector.shape_cast %broadcast_in_dim3A_599 : vector<16xf32> to vector<1x16xf32>
    tpu.vector_store %arg9[%swap3A_601, %swap3A_602], %swap3A_605 {strides = array<i32>} : memref<16x128xf32, #tpu.memory_space<vmem>>, vector<1x16xf32>,
    %broadcast_in_dim3A_606 = arith.constant 0.000000e+00 : f32
    %broadcast_in_dim3A_607 = vector.broadcast %broadcast_in_dim3A_606 : f32 to vector<16xf32>
    %swap3A_608 = arith.constant 9 : i32
    %swap3A_609 = arith.index_cast %swap3A_608 : i32 to index
    %swap3A_610 = arith.constant 64 : index
    %swap3A_611 = tpu.vector_load %arg9[%swap3A_609, %swap3A_610] {strides = array<i32>} : memref<16x128xf32, #tpu.memory_space<vmem>>, vector<1x16xf32>,
    %swap3A_612 = vector.shape_cast %swap3A_611 : vector<1x16xf32> to vector<16xf32>
    %swap3A_613 = vector.shape_cast %broadcast_in_dim3A_607 : vector<16xf32> to vector<1x16xf32>
    tpu.vector_store %arg9[%swap3A_609, %swap3A_610], %swap3A_613 {strides = array<i32>} : memref<16x128xf32, #tpu.memory_space<vmem>>, vector<1x16xf32>,
    %broadcast_in_dim3A_614 = arith.constant 0.000000e+00 : f32
    %broadcast_in_dim3A_615 = vector.broadcast %broadcast_in_dim3A_614 : f32 to vector<16xf32>
    %swap3A_616 = arith.constant 9 : i32
    %swap3A_617 = arith.index_cast %swap3A_616 : i32 to index
    %swap3A_618 = arith.constant 80 : index
    %swap3A_619 = tpu.vector_load %arg9[%swap3A_617, %swap3A_618] {strides = array<i32>} : memref<16x128xf32, #tpu.memory_space<vmem>>, vector<1x16xf32>,
    %swap3A_620 = vector.shape_cast %swap3A_619 : vector<1x16xf32> to vector<16xf32>
    %swap3A_621 = vector.shape_cast %broadcast_in_dim3A_615 : vector<16xf32> to vector<1x16xf32>
    tpu.vector_store %arg9[%swap3A_617, %swap3A_618], %swap3A_621 {strides = array<i32>} : memref<16x128xf32, #tpu.memory_space<vmem>>, vector<1x16xf32>,
    %broadcast_in_dim3A_622 = arith.constant 0.000000e+00 : f32
    %broadcast_in_dim3A_623 = vector.broadcast %broadcast_in_dim3A_622 : f32 to vector<16xf32>
    %swap3A_624 = arith.constant 9 : i32
    %swap3A_625 = arith.index_cast %swap3A_624 : i32 to index
    %swap3A_626 = arith.constant 96 : index
    %swap3A_627 = tpu.vector_load %arg9[%swap3A_625, %swap3A_626] {strides = array<i32>} : memref<16x128xf32, #tpu.memory_space<vmem>>, vector<1x16xf32>,
    %swap3A_628 = vector.shape_cast %swap3A_627 : vector<1x16xf32> to vector<16xf32>
    %swap3A_629 = vector.shape_cast %broadcast_in_dim3A_623 : vector<16xf32> to vector<1x16xf32>
    tpu.vector_store %arg9[%swap3A_625, %swap3A_626], %swap3A_629 {strides = array<i32>} : memref<16x128xf32, #tpu.memory_space<vmem>>, vector<1x16xf32>,
    %broadcast_in_dim3A_630 = arith.constant 0.000000e+00 : f32
    %broadcast_in_dim3A_631 = vector.broadcast %broadcast_in_dim3A_630 : f32 to vector<16xf32>
    %swap3A_632 = arith.constant 9 : i32
    %swap3A_633 = arith.index_cast %swap3A_632 : i32 to index
    %swap3A_634 = arith.constant 112 : index
    %swap3A_635 = tpu.vector_load %arg9[%swap3A_633, %swap3A_634] {strides = array<i32>} : memref<16x128xf32, #tpu.memory_space<vmem>>, vector<1x16xf32>,
    %swap3A_636 = vector.shape_cast %swap3A_635 : vector<1x16xf32> to vector<16xf32>
    %swap3A_637 = vector.shape_cast %broadcast_in_dim3A_631 : vector<16xf32> to vector<1x16xf32>
    tpu.vector_store %arg9[%swap3A_633, %swap3A_634], %swap3A_637 {strides = array<i32>} : memref<16x128xf32, #tpu.memory_space<vmem>>, vector<1x16xf32>,
    %broadcast_in_dim3A_638 = arith.constant 0.000000e+00 : f32
    %broadcast_in_dim3A_639 = vector.broadcast %broadcast_in_dim3A_638 : f32 to vector<16xf32>
    %swap3A_640 = arith.constant 10 : i32
    %swap3A_641 = arith.index_cast %swap3A_640 : i32 to index
    %swap3A_642 = arith.constant 0 : index
    %swap3A_643 = tpu.vector_load %arg9[%swap3A_641, %swap3A_642] {strides = array<i32>} : memref<16x128xf32, #tpu.memory_space<vmem>>, vector<1x16xf32>,
    %swap3A_644 = vector.shape_cast %swap3A_643 : vector<1x16xf32> to vector<16xf32>
    %swap3A_645 = vector.shape_cast %broadcast_in_dim3A_639 : vector<16xf32> to vector<1x16xf32>
    tpu.vector_store %arg9[%swap3A_641, %swap3A_642], %swap3A_645 {strides = array<i32>} : memref<16x128xf32, #tpu.memory_space<vmem>>, vector<1x16xf32>,
    %broadcast_in_dim3A_646 = arith.constant 0.000000e+00 : f32
    %broadcast_in_dim3A_647 = vector.broadcast %broadcast_in_dim3A_646 : f32 to vector<16xf32>
    %swap3A_648 = arith.constant 10 : i32
    %swap3A_649 = arith.index_cast %swap3A_648 : i32 to index
    %swap3A_650 = arith.constant 16 : index
    %swap3A_651 = tpu.vector_load %arg9[%swap3A_649, %swap3A_650] {strides = array<i32>} : memref<16x128xf32, #tpu.memory_space<vmem>>, vector<1x16xf32>,
    %swap3A_652 = vector.shape_cast %swap3A_651 : vector<1x16xf32> to vector<16xf32>
    %swap3A_653 = vector.shape_cast %broadcast_in_dim3A_647 : vector<16xf32> to vector<1x16xf32>
    tpu.vector_store %arg9[%swap3A_649, %swap3A_650], %swap3A_653 {strides = array<i32>} : memref<16x128xf32, #tpu.memory_space<vmem>>, vector<1x16xf32>,
    %broadcast_in_dim3A_654 = arith.constant 0.000000e+00 : f32
    %broadcast_in_dim3A_655 = vector.broadcast %broadcast_in_dim3A_654 : f32 to vector<16xf32>
    %swap3A_656 = arith.constant 10 : i32
    %swap3A_657 = arith.index_cast %swap3A_656 : i32 to index
    %swap3A_658 = arith.constant 32 : index
    %swap3A_659 = tpu.vector_load %arg9[%swap3A_657, %swap3A_658] {strides = array<i32>} : memref<16x128xf32, #tpu.memory_space<vmem>>, vector<1x16xf32>,
    %swap3A_660 = vector.shape_cast %swap3A_659 : vector<1x16xf32> to vector<16xf32>
    %swap3A_661 = vector.shape_cast %broadcast_in_dim3A_655 : vector<16xf32> to vector<1x16xf32>
    tpu.vector_store %arg9[%swap3A_657, %swap3A_658], %swap3A_661 {strides = array<i32>} : memref<16x128xf32, #tpu.memory_space<vmem>>, vector<1x16xf32>,
    %broadcast_in_dim3A_662 = arith.constant 0.000000e+00 : f32
    %broadcast_in_dim3A_663 = vector.broadcast %broadcast_in_dim3A_662 : f32 to vector<16xf32>
    %swap3A_664 = arith.constant 10 : i32
    %swap3A_665 = arith.index_cast %swap3A_664 : i32 to index
    %swap3A_666 = arith.constant 48 : index
    %swap3A_667 = tpu.vector_load %arg9[%swap3A_665, %swap3A_666] {strides = array<i32>} : memref<16x128xf32, #tpu.memory_space<vmem>>, vector<1x16xf32>,
    %swap3A_668 = vector.shape_cast %swap3A_667 : vector<1x16xf32> to vector<16xf32>
    %swap3A_669 = vector.shape_cast %broadcast_in_dim3A_663 : vector<16xf32> to vector<1x16xf32>
    tpu.vector_store %arg9[%swap3A_665, %swap3A_666], %swap3A_669 {strides = array<i32>} : memref<16x128xf32, #tpu.memory_space<vmem>>, vector<1x16xf32>,
    %broadcast_in_dim3A_670 = arith.constant 0.000000e+00 : f32
    %broadcast_in_dim3A_671 = vector.broadcast %broadcast_in_dim3A_670 : f32 to vector<16xf32>
    %swap3A_672 = arith.constant 10 : i32
    %swap3A_673 = arith.index_cast %swap3A_672 : i32 to index
    %swap3A_674 = arith.constant 64 : index
    %swap3A_675 = tpu.vector_load %arg9[%swap3A_673, %swap3A_674] {strides = array<i32>} : memref<16x128xf32, #tpu.memory_space<vmem>>, vector<1x16xf32>,
    %swap3A_676 = vector.shape_cast %swap3A_675 : vector<1x16xf32> to vector<16xf32>
    %swap3A_677 = vector.shape_cast %broadcast_in_dim3A_671 : vector<16xf32> to vector<1x16xf32>
    tpu.vector_store %arg9[%swap3A_673, %swap3A_674], %swap3A_677 {strides = array<i32>} : memref<16x128xf32, #tpu.memory_space<vmem>>, vector<1x16xf32>,
    %broadcast_in_dim3A_678 = arith.constant 0.000000e+00 : f32
    %broadcast_in_dim3A_679 = vector.broadcast %broadcast_in_dim3A_678 : f32 to vector<16xf32>
    %swap3A_680 = arith.constant 10 : i32
    %swap3A_681 = arith.index_cast %swap3A_680 : i32 to index
    %swap3A_682 = arith.constant 80 : index
    %swap3A_683 = tpu.vector_load %arg9[%swap3A_681, %swap3A_682] {strides = array<i32>} : memref<16x128xf32, #tpu.memory_space<vmem>>, vector<1x16xf32>,
    %swap3A_684 = vector.shape_cast %swap3A_683 : vector<1x16xf32> to vector<16xf32>
    %swap3A_685 = vector.shape_cast %broadcast_in_dim3A_679 : vector<16xf32> to vector<1x16xf32>
    tpu.vector_store %arg9[%swap3A_681, %swap3A_682], %swap3A_685 {strides = array<i32>} : memref<16x128xf32, #tpu.memory_space<vmem>>, vector<1x16xf32>,
    %broadcast_in_dim3A_686 = arith.constant 0.000000e+00 : f32
    %broadcast_in_dim3A_687 = vector.broadcast %broadcast_in_dim3A_686 : f32 to vector<16xf32>
    %swap3A_688 = arith.constant 10 : i32
    %swap3A_689 = arith.index_cast %swap3A_688 : i32 to index
    %swap3A_690 = arith.constant 96 : index
    %swap3A_691 = tpu.vector_load %arg9[%swap3A_689, %swap3A_690] {strides = array<i32>} : memref<16x128xf32, #tpu.memory_space<vmem>>, vector<1x16xf32>,
    %swap3A_692 = vector.shape_cast %swap3A_691 : vector<1x16xf32> to vector<16xf32>
    %swap3A_693 = vector.shape_cast %broadcast_in_dim3A_687 : vector<16xf32> to vector<1x16xf32>
    tpu.vector_store %arg9[%swap3A_689, %swap3A_690], %swap3A_693 {strides = array<i32>} : memref<16x128xf32, #tpu.memory_space<vmem>>, vector<1x16xf32>,
    %broadcast_in_dim3A_694 = arith.constant 0.000000e+00 : f32
    %broadcast_in_dim3A_695 = vector.broadcast %broadcast_in_dim3A_694 : f32 to vector<16xf32>
    %swap3A_696 = arith.constant 10 : i32
    %swap3A_697 = arith.index_cast %swap3A_696 : i32 to index
    %swap3A_698 = arith.constant 112 : index
    %swap3A_699 = tpu.vector_load %arg9[%swap3A_697, %swap3A_698] {strides = array<i32>} : memref<16x128xf32, #tpu.memory_space<vmem>>, vector<1x16xf32>,
    %swap3A_700 = vector.shape_cast %swap3A_699 : vector<1x16xf32> to vector<16xf32>
    %swap3A_701 = vector.shape_cast %broadcast_in_dim3A_695 : vector<16xf32> to vector<1x16xf32>
    tpu.vector_store %arg9[%swap3A_697, %swap3A_698], %swap3A_701 {strides = array<i32>} : memref<16x128xf32, #tpu.memory_space<vmem>>, vector<1x16xf32>,
    %broadcast_in_dim3A_702 = arith.constant 0.000000e+00 : f32
    %broadcast_in_dim3A_703 = vector.broadcast %broadcast_in_dim3A_702 : f32 to vector<16xf32>
    %swap3A_704 = arith.constant 11 : i32
    %swap3A_705 = arith.index_cast %swap3A_704 : i32 to index
    %swap3A_706 = arith.constant 0 : index
    %swap3A_707 = tpu.vector_load %arg9[%swap3A_705, %swap3A_706] {strides = array<i32>} : memref<16x128xf32, #tpu.memory_space<vmem>>, vector<1x16xf32>,
    %swap3A_708 = vector.shape_cast %swap3A_707 : vector<1x16xf32> to vector<16xf32>
    %swap3A_709 = vector.shape_cast %broadcast_in_dim3A_703 : vector<16xf32> to vector<1x16xf32>
    tpu.vector_store %arg9[%swap3A_705, %swap3A_706], %swap3A_709 {strides = array<i32>} : memref<16x128xf32, #tpu.memory_space<vmem>>, vector<1x16xf32>,
    %broadcast_in_dim3A_710 = arith.constant 0.000000e+00 : f32
    %broadcast_in_dim3A_711 = vector.broadcast %broadcast_in_dim3A_710 : f32 to vector<16xf32>
    %swap3A_712 = arith.constant 11 : i32
    %swap3A_713 = arith.index_cast %swap3A_712 : i32 to index
    %swap3A_714 = arith.constant 16 : index
    %swap3A_715 = tpu.vector_load %arg9[%swap3A_713, %swap3A_714] {strides = array<i32>} : memref<16x128xf32, #tpu.memory_space<vmem>>, vector<1x16xf32>,
    %swap3A_716 = vector.shape_cast %swap3A_715 : vector<1x16xf32> to vector<16xf32>
    %swap3A_717 = vector.shape_cast %broadcast_in_dim3A_711 : vector<16xf32> to vector<1x16xf32>
    tpu.vector_store %arg9[%swap3A_713, %swap3A_714], %swap3A_717 {strides = array<i32>} : memref<16x128xf32, #tpu.memory_space<vmem>>, vector<1x16xf32>,
    %broadcast_in_dim3A_718 = arith.constant 0.000000e+00 : f32
    %broadcast_in_dim3A_719 = vector.broadcast %broadcast_in_dim3A_718 : f32 to vector<16xf32>
    %swap3A_720 = arith.constant 11 : i32
    %swap3A_721 = arith.index_cast %swap3A_720 : i32 to index
    %swap3A_722 = arith.constant 32 : index
    %swap3A_723 = tpu.vector_load %arg9[%swap3A_721, %swap3A_722] {strides = array<i32>} : memref<16x128xf32, #tpu.memory_space<vmem>>, vector<1x16xf32>,
    %swap3A_724 = vector.shape_cast %swap3A_723 : vector<1x16xf32> to vector<16xf32>
    %swap3A_725 = vector.shape_cast %broadcast_in_dim3A_719 : vector<16xf32> to vector<1x16xf32>
    tpu.vector_store %arg9[%swap3A_721, %swap3A_722], %swap3A_725 {strides = array<i32>} : memref<16x128xf32, #tpu.memory_space<vmem>>, vector<1x16xf32>,
    %broadcast_in_dim3A_726 = arith.constant 0.000000e+00 : f32
    %broadcast_in_dim3A_727 = vector.broadcast %broadcast_in_dim3A_726 : f32 to vector<16xf32>
    %swap3A_728 = arith.constant 11 : i32
    %swap3A_729 = arith.index_cast %swap3A_728 : i32 to index
    %swap3A_730 = arith.constant 48 : index
    %swap3A_731 = tpu.vector_load %arg9[%swap3A_729, %swap3A_730] {strides = array<i32>} : memref<16x128xf32, #tpu.memory_space<vmem>>, vector<1x16xf32>,
    %swap3A_732 = vector.shape_cast %swap3A_731 : vector<1x16xf32> to vector<16xf32>
    %swap3A_733 = vector.shape_cast %broadcast_in_dim3A_727 : vector<16xf32> to vector<1x16xf32>
    tpu.vector_store %arg9[%swap3A_729, %swap3A_730], %swap3A_733 {strides = array<i32>} : memref<16x128xf32, #tpu.memory_space<vmem>>, vector<1x16xf32>,
    %broadcast_in_dim3A_734 = arith.constant 0.000000e+00 : f32
    %broadcast_in_dim3A_735 = vector.broadcast %broadcast_in_dim3A_734 : f32 to vector<16xf32>
    %swap3A_736 = arith.constant 11 : i32
    %swap3A_737 = arith.index_cast %swap3A_736 : i32 to index
    %swap3A_738 = arith.constant 64 : index
    %swap3A_739 = tpu.vector_load %arg9[%swap3A_737, %swap3A_738] {strides = array<i32>} : memref<16x128xf32, #tpu.memory_space<vmem>>, vector<1x16xf32>,
    %swap3A_740 = vector.shape_cast %swap3A_739 : vector<1x16xf32> to vector<16xf32>
    %swap3A_741 = vector.shape_cast %broadcast_in_dim3A_735 : vector<16xf32> to vector<1x16xf32>
    tpu.vector_store %arg9[%swap3A_737, %swap3A_738], %swap3A_741 {strides = array<i32>} : memref<16x128xf32, #tpu.memory_space<vmem>>, vector<1x16xf32>,
    %broadcast_in_dim3A_742 = arith.constant 0.000000e+00 : f32
    %broadcast_in_dim3A_743 = vector.broadcast %broadcast_in_dim3A_742 : f32 to vector<16xf32>
    %swap3A_744 = arith.constant 11 : i32
    %swap3A_745 = arith.index_cast %swap3A_744 : i32 to index
    %swap3A_746 = arith.constant 80 : index
    %swap3A_747 = tpu.vector_load %arg9[%swap3A_745, %swap3A_746] {strides = array<i32>} : memref<16x128xf32, #tpu.memory_space<vmem>>, vector<1x16xf32>,
    %swap3A_748 = vector.shape_cast %swap3A_747 : vector<1x16xf32> to vector<16xf32>
    %swap3A_749 = vector.shape_cast %broadcast_in_dim3A_743 : vector<16xf32> to vector<1x16xf32>
    tpu.vector_store %arg9[%swap3A_745, %swap3A_746], %swap3A_749 {strides = array<i32>} : memref<16x128xf32, #tpu.memory_space<vmem>>, vector<1x16xf32>,
    %broadcast_in_dim3A_750 = arith.constant 0.000000e+00 : f32
    %broadcast_in_dim3A_751 = vector.broadcast %broadcast_in_dim3A_750 : f32 to vector<16xf32>
    %swap3A_752 = arith.constant 11 : i32
    %swap3A_753 = arith.index_cast %swap3A_752 : i32 to index
    %swap3A_754 = arith.constant 96 : index
    %swap3A_755 = tpu.vector_load %arg9[%swap3A_753, %swap3A_754] {strides = array<i32>} : memref<16x128xf32, #tpu.memory_space<vmem>>, vector<1x16xf32>,
    %swap3A_756 = vector.shape_cast %swap3A_755 : vector<1x16xf32> to vector<16xf32>
    %swap3A_757 = vector.shape_cast %broadcast_in_dim3A_751 : vector<16xf32> to vector<1x16xf32>
    tpu.vector_store %arg9[%swap3A_753, %swap3A_754], %swap3A_757 {strides = array<i32>} : memref<16x128xf32, #tpu.memory_space<vmem>>, vector<1x16xf32>,
    %broadcast_in_dim3A_758 = arith.constant 0.000000e+00 : f32
    %broadcast_in_dim3A_759 = vector.broadcast %broadcast_in_dim3A_758 : f32 to vector<16xf32>
    %swap3A_760 = arith.constant 11 : i32
    %swap3A_761 = arith.index_cast %swap3A_760 : i32 to index
    %swap3A_762 = arith.constant 112 : index
    %swap3A_763 = tpu.vector_load %arg9[%swap3A_761, %swap3A_762] {strides = array<i32>} : memref<16x128xf32, #tpu.memory_space<vmem>>, vector<1x16xf32>,
    %swap3A_764 = vector.shape_cast %swap3A_763 : vector<1x16xf32> to vector<16xf32>
    %swap3A_765 = vector.shape_cast %broadcast_in_dim3A_759 : vector<16xf32> to vector<1x16xf32>
    tpu.vector_store %arg9[%swap3A_761, %swap3A_762], %swap3A_765 {strides = array<i32>} : memref<16x128xf32, #tpu.memory_space<vmem>>, vector<1x16xf32>,
    %broadcast_in_dim3A_766 = arith.constant 0.000000e+00 : f32
    %broadcast_in_dim3A_767 = vector.broadcast %broadcast_in_dim3A_766 : f32 to vector<16xf32>
    %swap3A_768 = arith.constant 12 : i32
    %swap3A_769 = arith.index_cast %swap3A_768 : i32 to index
    %swap3A_770 = arith.constant 0 : index
    %swap3A_771 = tpu.vector_load %arg9[%swap3A_769, %swap3A_770] {strides = array<i32>} : memref<16x128xf32, #tpu.memory_space<vmem>>, vector<1x16xf32>,
    %swap3A_772 = vector.shape_cast %swap3A_771 : vector<1x16xf32> to vector<16xf32>
    %swap3A_773 = vector.shape_cast %broadcast_in_dim3A_767 : vector<16xf32> to vector<1x16xf32>
    tpu.vector_store %arg9[%swap3A_769, %swap3A_770], %swap3A_773 {strides = array<i32>} : memref<16x128xf32, #tpu.memory_space<vmem>>, vector<1x16xf32>,
    %broadcast_in_dim3A_774 = arith.constant 0.000000e+00 : f32
    %broadcast_in_dim3A_775 = vector.broadcast %broadcast_in_dim3A_774 : f32 to vector<16xf32>
    %swap3A_776 = arith.constant 12 : i32
    %swap3A_777 = arith.index_cast %swap3A_776 : i32 to index
    %swap3A_778 = arith.constant 16 : index
    %swap3A_779 = tpu.vector_load %arg9[%swap3A_777, %swap3A_778] {strides = array<i32>} : memref<16x128xf32, #tpu.memory_space<vmem>>, vector<1x16xf32>,
    %swap3A_780 = vector.shape_cast %swap3A_779 : vector<1x16xf32> to vector<16xf32>
    %swap3A_781 = vector.shape_cast %broadcast_in_dim3A_775 : vector<16xf32> to vector<1x16xf32>
    tpu.vector_store %arg9[%swap3A_777, %swap3A_778], %swap3A_781 {strides = array<i32>} : memref<16x128xf32, #tpu.memory_space<vmem>>, vector<1x16xf32>,
    %broadcast_in_dim3A_782 = arith.constant 0.000000e+00 : f32
    %broadcast_in_dim3A_783 = vector.broadcast %broadcast_in_dim3A_782 : f32 to vector<16xf32>
    %swap3A_784 = arith.constant 12 : i32
    %swap3A_785 = arith.index_cast %swap3A_784 : i32 to index
    %swap3A_786 = arith.constant 32 : index
    %swap3A_787 = tpu.vector_load %arg9[%swap3A_785, %swap3A_786] {strides = array<i32>} : memref<16x128xf32, #tpu.memory_space<vmem>>, vector<1x16xf32>,
    %swap3A_788 = vector.shape_cast %swap3A_787 : vector<1x16xf32> to vector<16xf32>
    %swap3A_789 = vector.shape_cast %broadcast_in_dim3A_783 : vector<16xf32> to vector<1x16xf32>
    tpu.vector_store %arg9[%swap3A_785, %swap3A_786], %swap3A_789 {strides = array<i32>} : memref<16x128xf32, #tpu.memory_space<vmem>>, vector<1x16xf32>,
    %broadcast_in_dim3A_790 = arith.constant 0.000000e+00 : f32
    %broadcast_in_dim3A_791 = vector.broadcast %broadcast_in_dim3A_790 : f32 to vector<16xf32>
    %swap3A_792 = arith.constant 12 : i32
    %swap3A_793 = arith.index_cast %swap3A_792 : i32 to index
    %swap3A_794 = arith.constant 48 : index
    %swap3A_795 = tpu.vector_load %arg9[%swap3A_793, %swap3A_794] {strides = array<i32>} : memref<16x128xf32, #tpu.memory_space<vmem>>, vector<1x16xf32>,
    %swap3A_796 = vector.shape_cast %swap3A_795 : vector<1x16xf32> to vector<16xf32>
    %swap3A_797 = vector.shape_cast %broadcast_in_dim3A_791 : vector<16xf32> to vector<1x16xf32>
    tpu.vector_store %arg9[%swap3A_793, %swap3A_794], %swap3A_797 {strides = array<i32>} : memref<16x128xf32, #tpu.memory_space<vmem>>, vector<1x16xf32>,
    %broadcast_in_dim3A_798 = arith.constant 0.000000e+00 : f32
    %broadcast_in_dim3A_799 = vector.broadcast %broadcast_in_dim3A_798 : f32 to vector<16xf32>
    %swap3A_800 = arith.constant 12 : i32
    %swap3A_801 = arith.index_cast %swap3A_800 : i32 to index
    %swap3A_802 = arith.constant 64 : index
    %swap3A_803 = tpu.vector_load %arg9[%swap3A_801, %swap3A_802] {strides = array<i32>} : memref<16x128xf32, #tpu.memory_space<vmem>>, vector<1x16xf32>,
    %swap3A_804 = vector.shape_cast %swap3A_803 : vector<1x16xf32> to vector<16xf32>
    %swap3A_805 = vector.shape_cast %broadcast_in_dim3A_799 : vector<16xf32> to vector<1x16xf32>
    tpu.vector_store %arg9[%swap3A_801, %swap3A_802], %swap3A_805 {strides = array<i32>} : memref<16x128xf32, #tpu.memory_space<vmem>>, vector<1x16xf32>,
    %broadcast_in_dim3A_806 = arith.constant 0.000000e+00 : f32
    %broadcast_in_dim3A_807 = vector.broadcast %broadcast_in_dim3A_806 : f32 to vector<16xf32>
    %swap3A_808 = arith.constant 12 : i32
    %swap3A_809 = arith.index_cast %swap3A_808 : i32 to index
    %swap3A_810 = arith.constant 80 : index
    %swap3A_811 = tpu.vector_load %arg9[%swap3A_809, %swap3A_810] {strides = array<i32>} : memref<16x128xf32, #tpu.memory_space<vmem>>, vector<1x16xf32>,
    %swap3A_812 = vector.shape_cast %swap3A_811 : vector<1x16xf32> to vector<16xf32>
    %swap3A_813 = vector.shape_cast %broadcast_in_dim3A_807 : vector<16xf32> to vector<1x16xf32>
    tpu.vector_store %arg9[%swap3A_809, %swap3A_810], %swap3A_813 {strides = array<i32>} : memref<16x128xf32, #tpu.memory_space<vmem>>, vector<1x16xf32>,
    %broadcast_in_dim3A_814 = arith.constant 0.000000e+00 : f32
    %broadcast_in_dim3A_815 = vector.broadcast %broadcast_in_dim3A_814 : f32 to vector<16xf32>
    %swap3A_816 = arith.constant 12 : i32
    %swap3A_817 = arith.index_cast %swap3A_816 : i32 to index
    %swap3A_818 = arith.constant 96 : index
    %swap3A_819 = tpu.vector_load %arg9[%swap3A_817, %swap3A_818] {strides = array<i32>} : memref<16x128xf32, #tpu.memory_space<vmem>>, vector<1x16xf32>,
    %swap3A_820 = vector.shape_cast %swap3A_819 : vector<1x16xf32> to vector<16xf32>
    %swap3A_821 = vector.shape_cast %broadcast_in_dim3A_815 : vector<16xf32> to vector<1x16xf32>
    tpu.vector_store %arg9[%swap3A_817, %swap3A_818], %swap3A_821 {strides = array<i32>} : memref<16x128xf32, #tpu.memory_space<vmem>>, vector<1x16xf32>,
    %broadcast_in_dim3A_822 = arith.constant 0.000000e+00 : f32
    %broadcast_in_dim3A_823 = vector.broadcast %broadcast_in_dim3A_822 : f32 to vector<16xf32>
    %swap3A_824 = arith.constant 12 : i32
    %swap3A_825 = arith.index_cast %swap3A_824 : i32 to index
    %swap3A_826 = arith.constant 112 : index
    %swap3A_827 = tpu.vector_load %arg9[%swap3A_825, %swap3A_826] {strides = array<i32>} : memref<16x128xf32, #tpu.memory_space<vmem>>, vector<1x16xf32>,
    %swap3A_828 = vector.shape_cast %swap3A_827 : vector<1x16xf32> to vector<16xf32>
    %swap3A_829 = vector.shape_cast %broadcast_in_dim3A_823 : vector<16xf32> to vector<1x16xf32>
    tpu.vector_store %arg9[%swap3A_825, %swap3A_826], %swap3A_829 {strides = array<i32>} : memref<16x128xf32, #tpu.memory_space<vmem>>, vector<1x16xf32>,
    %broadcast_in_dim3A_830 = arith.constant 0.000000e+00 : f32
    %broadcast_in_dim3A_831 = vector.broadcast %broadcast_in_dim3A_830 : f32 to vector<16xf32>
    %swap3A_832 = arith.constant 13 : i32
    %swap3A_833 = arith.index_cast %swap3A_832 : i32 to index
    %swap3A_834 = arith.constant 0 : index
    %swap3A_835 = tpu.vector_load %arg9[%swap3A_833, %swap3A_834] {strides = array<i32>} : memref<16x128xf32, #tpu.memory_space<vmem>>, vector<1x16xf32>,
    %swap3A_836 = vector.shape_cast %swap3A_835 : vector<1x16xf32> to vector<16xf32>
    %swap3A_837 = vector.shape_cast %broadcast_in_dim3A_831 : vector<16xf32> to vector<1x16xf32>
    tpu.vector_store %arg9[%swap3A_833, %swap3A_834], %swap3A_837 {strides = array<i32>} : memref<16x128xf32, #tpu.memory_space<vmem>>, vector<1x16xf32>,
    %broadcast_in_dim3A_838 = arith.constant 0.000000e+00 : f32
    %broadcast_in_dim3A_839 = vector.broadcast %broadcast_in_dim3A_838 : f32 to vector<16xf32>
    %swap3A_840 = arith.constant 13 : i32
    %swap3A_841 = arith.index_cast %swap3A_840 : i32 to index
    %swap3A_842 = arith.constant 16 : index
    %swap3A_843 = tpu.vector_load %arg9[%swap3A_841, %swap3A_842] {strides = array<i32>} : memref<16x128xf32, #tpu.memory_space<vmem>>, vector<1x16xf32>,
    %swap3A_844 = vector.shape_cast %swap3A_843 : vector<1x16xf32> to vector<16xf32>
    %swap3A_845 = vector.shape_cast %broadcast_in_dim3A_839 : vector<16xf32> to vector<1x16xf32>
    tpu.vector_store %arg9[%swap3A_841, %swap3A_842], %swap3A_845 {strides = array<i32>} : memref<16x128xf32, #tpu.memory_space<vmem>>, vector<1x16xf32>,
    %broadcast_in_dim3A_846 = arith.constant 0.000000e+00 : f32
    %broadcast_in_dim3A_847 = vector.broadcast %broadcast_in_dim3A_846 : f32 to vector<16xf32>
    %swap3A_848 = arith.constant 13 : i32
    %swap3A_849 = arith.index_cast %swap3A_848 : i32 to index
    %swap3A_850 = arith.constant 32 : index
    %swap3A_851 = tpu.vector_load %arg9[%swap3A_849, %swap3A_850] {strides = array<i32>} : memref<16x128xf32, #tpu.memory_space<vmem>>, vector<1x16xf32>,
    %swap3A_852 = vector.shape_cast %swap3A_851 : vector<1x16xf32> to vector<16xf32>
    %swap3A_853 = vector.shape_cast %broadcast_in_dim3A_847 : vector<16xf32> to vector<1x16xf32>
    tpu.vector_store %arg9[%swap3A_849, %swap3A_850], %swap3A_853 {strides = array<i32>} : memref<16x128xf32, #tpu.memory_space<vmem>>, vector<1x16xf32>,
    %broadcast_in_dim3A_854 = arith.constant 0.000000e+00 : f32
    %broadcast_in_dim3A_855 = vector.broadcast %broadcast_in_dim3A_854 : f32 to vector<16xf32>
    %swap3A_856 = arith.constant 13 : i32
    %swap3A_857 = arith.index_cast %swap3A_856 : i32 to index
    %swap3A_858 = arith.constant 48 : index
    %swap3A_859 = tpu.vector_load %arg9[%swap3A_857, %swap3A_858] {strides = array<i32>} : memref<16x128xf32, #tpu.memory_space<vmem>>, vector<1x16xf32>,
    %swap3A_860 = vector.shape_cast %swap3A_859 : vector<1x16xf32> to vector<16xf32>
    %swap3A_861 = vector.shape_cast %broadcast_in_dim3A_855 : vector<16xf32> to vector<1x16xf32>
    tpu.vector_store %arg9[%swap3A_857, %swap3A_858], %swap3A_861 {strides = array<i32>} : memref<16x128xf32, #tpu.memory_space<vmem>>, vector<1x16xf32>,
    %broadcast_in_dim3A_862 = arith.constant 0.000000e+00 : f32
    %broadcast_in_dim3A_863 = vector.broadcast %broadcast_in_dim3A_862 : f32 to vector<16xf32>
    %swap3A_864 = arith.constant 13 : i32
    %swap3A_865 = arith.index_cast %swap3A_864 : i32 to index
    %swap3A_866 = arith.constant 64 : index
    %swap3A_867 = tpu.vector_load %arg9[%swap3A_865, %swap3A_866] {strides = array<i32>} : memref<16x128xf32, #tpu.memory_space<vmem>>, vector<1x16xf32>,
    %swap3A_868 = vector.shape_cast %swap3A_867 : vector<1x16xf32> to vector<16xf32>
    %swap3A_869 = vector.shape_cast %broadcast_in_dim3A_863 : vector<16xf32> to vector<1x16xf32>
    tpu.vector_store %arg9[%swap3A_865, %swap3A_866], %swap3A_869 {strides = array<i32>} : memref<16x128xf32, #tpu.memory_space<vmem>>, vector<1x16xf32>,
    %broadcast_in_dim3A_870 = arith.constant 0.000000e+00 : f32
    %broadcast_in_dim3A_871 = vector.broadcast %broadcast_in_dim3A_870 : f32 to vector<16xf32>
    %swap3A_872 = arith.constant 13 : i32
    %swap3A_873 = arith.index_cast %swap3A_872 : i32 to index
    %swap3A_874 = arith.constant 80 : index
    %swap3A_875 = tpu.vector_load %arg9[%swap3A_873, %swap3A_874] {strides = array<i32>} : memref<16x128xf32, #tpu.memory_space<vmem>>, vector<1x16xf32>,
    %swap3A_876 = vector.shape_cast %swap3A_875 : vector<1x16xf32> to vector<16xf32>
    %swap3A_877 = vector.shape_cast %broadcast_in_dim3A_871 : vector<16xf32> to vector<1x16xf32>
    tpu.vector_store %arg9[%swap3A_873, %swap3A_874], %swap3A_877 {strides = array<i32>} : memref<16x128xf32, #tpu.memory_space<vmem>>, vector<1x16xf32>,
    %broadcast_in_dim3A_878 = arith.constant 0.000000e+00 : f32
    %broadcast_in_dim3A_879 = vector.broadcast %broadcast_in_dim3A_878 : f32 to vector<16xf32>
    %swap3A_880 = arith.constant 13 : i32
    %swap3A_881 = arith.index_cast %swap3A_880 : i32 to index
    %swap3A_882 = arith.constant 96 : index
    %swap3A_883 = tpu.vector_load %arg9[%swap3A_881, %swap3A_882] {strides = array<i32>} : memref<16x128xf32, #tpu.memory_space<vmem>>, vector<1x16xf32>,
    %swap3A_884 = vector.shape_cast %swap3A_883 : vector<1x16xf32> to vector<16xf32>
    %swap3A_885 = vector.shape_cast %broadcast_in_dim3A_879 : vector<16xf32> to vector<1x16xf32>
    tpu.vector_store %arg9[%swap3A_881, %swap3A_882], %swap3A_885 {strides = array<i32>} : memref<16x128xf32, #tpu.memory_space<vmem>>, vector<1x16xf32>,
    %broadcast_in_dim3A_886 = arith.constant 0.000000e+00 : f32
    %broadcast_in_dim3A_887 = vector.broadcast %broadcast_in_dim3A_886 : f32 to vector<16xf32>
    %swap3A_888 = arith.constant 13 : i32
    %swap3A_889 = arith.index_cast %swap3A_888 : i32 to index
    %swap3A_890 = arith.constant 112 : index
    %swap3A_891 = tpu.vector_load %arg9[%swap3A_889, %swap3A_890] {strides = array<i32>} : memref<16x128xf32, #tpu.memory_space<vmem>>, vector<1x16xf32>,
    %swap3A_892 = vector.shape_cast %swap3A_891 : vector<1x16xf32> to vector<16xf32>
    %swap3A_893 = vector.shape_cast %broadcast_in_dim3A_887 : vector<16xf32> to vector<1x16xf32>
    tpu.vector_store %arg9[%swap3A_889, %swap3A_890], %swap3A_893 {strides = array<i32>} : memref<16x128xf32, #tpu.memory_space<vmem>>, vector<1x16xf32>,
    %broadcast_in_dim3A_894 = arith.constant 0.000000e+00 : f32
    %broadcast_in_dim3A_895 = vector.broadcast %broadcast_in_dim3A_894 : f32 to vector<16xf32>
    %swap3A_896 = arith.constant 14 : i32
    %swap3A_897 = arith.index_cast %swap3A_896 : i32 to index
    %swap3A_898 = arith.constant 0 : index
    %swap3A_899 = tpu.vector_load %arg9[%swap3A_897, %swap3A_898] {strides = array<i32>} : memref<16x128xf32, #tpu.memory_space<vmem>>, vector<1x16xf32>,
    %swap3A_900 = vector.shape_cast %swap3A_899 : vector<1x16xf32> to vector<16xf32>
    %swap3A_901 = vector.shape_cast %broadcast_in_dim3A_895 : vector<16xf32> to vector<1x16xf32>
    tpu.vector_store %arg9[%swap3A_897, %swap3A_898], %swap3A_901 {strides = array<i32>} : memref<16x128xf32, #tpu.memory_space<vmem>>, vector<1x16xf32>,
    %broadcast_in_dim3A_902 = arith.constant 0.000000e+00 : f32
    %broadcast_in_dim3A_903 = vector.broadcast %broadcast_in_dim3A_902 : f32 to vector<16xf32>
    %swap3A_904 = arith.constant 14 : i32
    %swap3A_905 = arith.index_cast %swap3A_904 : i32 to index
    %swap3A_906 = arith.constant 16 : index
    %swap3A_907 = tpu.vector_load %arg9[%swap3A_905, %swap3A_906] {strides = array<i32>} : memref<16x128xf32, #tpu.memory_space<vmem>>, vector<1x16xf32>,
    %swap3A_908 = vector.shape_cast %swap3A_907 : vector<1x16xf32> to vector<16xf32>
    %swap3A_909 = vector.shape_cast %broadcast_in_dim3A_903 : vector<16xf32> to vector<1x16xf32>
    tpu.vector_store %arg9[%swap3A_905, %swap3A_906], %swap3A_909 {strides = array<i32>} : memref<16x128xf32, #tpu.memory_space<vmem>>, vector<1x16xf32>,
    %broadcast_in_dim3A_910 = arith.constant 0.000000e+00 : f32
    %broadcast_in_dim3A_911 = vector.broadcast %broadcast_in_dim3A_910 : f32 to vector<16xf32>
    %swap3A_912 = arith.constant 14 : i32
    %swap3A_913 = arith.index_cast %swap3A_912 : i32 to index
    %swap3A_914 = arith.constant 32 : index
    %swap3A_915 = tpu.vector_load %arg9[%swap3A_913, %swap3A_914] {strides = array<i32>} : memref<16x128xf32, #tpu.memory_space<vmem>>, vector<1x16xf32>,
    %swap3A_916 = vector.shape_cast %swap3A_915 : vector<1x16xf32> to vector<16xf32>
    %swap3A_917 = vector.shape_cast %broadcast_in_dim3A_911 : vector<16xf32> to vector<1x16xf32>
    tpu.vector_store %arg9[%swap3A_913, %swap3A_914], %swap3A_917 {strides = array<i32>} : memref<16x128xf32, #tpu.memory_space<vmem>>, vector<1x16xf32>,
    %broadcast_in_dim3A_918 = arith.constant 0.000000e+00 : f32
    %broadcast_in_dim3A_919 = vector.broadcast %broadcast_in_dim3A_918 : f32 to vector<16xf32>
    %swap3A_920 = arith.constant 14 : i32
    %swap3A_921 = arith.index_cast %swap3A_920 : i32 to index
    %swap3A_922 = arith.constant 48 : index
    %swap3A_923 = tpu.vector_load %arg9[%swap3A_921, %swap3A_922] {strides = array<i32>} : memref<16x128xf32, #tpu.memory_space<vmem>>, vector<1x16xf32>,
    %swap3A_924 = vector.shape_cast %swap3A_923 : vector<1x16xf32> to vector<16xf32>
    %swap3A_925 = vector.shape_cast %broadcast_in_dim3A_919 : vector<16xf32> to vector<1x16xf32>
    tpu.vector_store %arg9[%swap3A_921, %swap3A_922], %swap3A_925 {strides = array<i32>} : memref<16x128xf32, #tpu.memory_space<vmem>>, vector<1x16xf32>,
    %broadcast_in_dim3A_926 = arith.constant 0.000000e+00 : f32
    %broadcast_in_dim3A_927 = vector.broadcast %broadcast_in_dim3A_926 : f32 to vector<16xf32>
    %swap3A_928 = arith.constant 14 : i32
    %swap3A_929 = arith.index_cast %swap3A_928 : i32 to index
    %swap3A_930 = arith.constant 64 : index
    %swap3A_931 = tpu.vector_load %arg9[%swap3A_929, %swap3A_930] {strides = array<i32>} : memref<16x128xf32, #tpu.memory_space<vmem>>, vector<1x16xf32>,
    %swap3A_932 = vector.shape_cast %swap3A_931 : vector<1x16xf32> to vector<16xf32>
    %swap3A_933 = vector.shape_cast %broadcast_in_dim3A_927 : vector<16xf32> to vector<1x16xf32>
    tpu.vector_store %arg9[%swap3A_929, %swap3A_930], %swap3A_933 {strides = array<i32>} : memref<16x128xf32, #tpu.memory_space<vmem>>, vector<1x16xf32>,
    %broadcast_in_dim3A_934 = arith.constant 0.000000e+00 : f32
    %broadcast_in_dim3A_935 = vector.broadcast %broadcast_in_dim3A_934 : f32 to vector<16xf32>
    %swap3A_936 = arith.constant 14 : i32
    %swap3A_937 = arith.index_cast %swap3A_936 : i32 to index
    %swap3A_938 = arith.constant 80 : index
    %swap3A_939 = tpu.vector_load %arg9[%swap3A_937, %swap3A_938] {strides = array<i32>} : memref<16x128xf32, #tpu.memory_space<vmem>>, vector<1x16xf32>,
    %swap3A_940 = vector.shape_cast %swap3A_939 : vector<1x16xf32> to vector<16xf32>
    %swap3A_941 = vector.shape_cast %broadcast_in_dim3A_935 : vector<16xf32> to vector<1x16xf32>
    tpu.vector_store %arg9[%swap3A_937, %swap3A_938], %swap3A_941 {strides = array<i32>} : memref<16x128xf32, #tpu.memory_space<vmem>>, vector<1x16xf32>,
    %broadcast_in_dim3A_942 = arith.constant 0.000000e+00 : f32
    %broadcast_in_dim3A_943 = vector.broadcast %broadcast_in_dim3A_942 : f32 to vector<16xf32>
    %swap3A_944 = arith.constant 14 : i32
    %swap3A_945 = arith.index_cast %swap3A_944 : i32 to index
    %swap3A_946 = arith.constant 96 : index
    %swap3A_947 = tpu.vector_load %arg9[%swap3A_945, %swap3A_946] {strides = array<i32>} : memref<16x128xf32, #tpu.memory_space<vmem>>, vector<1x16xf32>,
    %swap3A_948 = vector.shape_cast %swap3A_947 : vector<1x16xf32> to vector<16xf32>
    %swap3A_949 = vector.shape_cast %broadcast_in_dim3A_943 : vector<16xf32> to vector<1x16xf32>
    tpu.vector_store %arg9[%swap3A_945, %swap3A_946], %swap3A_949 {strides = array<i32>} : memref<16x128xf32, #tpu.memory_space<vmem>>, vector<1x16xf32>,
    %broadcast_in_dim3A_950 = arith.constant 0.000000e+00 : f32
    %broadcast_in_dim3A_951 = vector.broadcast %broadcast_in_dim3A_950 : f32 to vector<16xf32>
    %swap3A_952 = arith.constant 14 : i32
    %swap3A_953 = arith.index_cast %swap3A_952 : i32 to index
    %swap3A_954 = arith.constant 112 : index
    %swap3A_955 = tpu.vector_load %arg9[%swap3A_953, %swap3A_954] {strides = array<i32>} : memref<16x128xf32, #tpu.memory_space<vmem>>, vector<1x16xf32>,
    %swap3A_956 = vector.shape_cast %swap3A_955 : vector<1x16xf32> to vector<16xf32>
    %swap3A_957 = vector.shape_cast %broadcast_in_dim3A_951 : vector<16xf32> to vector<1x16xf32>
    tpu.vector_store %arg9[%swap3A_953, %swap3A_954], %swap3A_957 {strides = array<i32>} : memref<16x128xf32, #tpu.memory_space<vmem>>, vector<1x16xf32>,
    %broadcast_in_dim3A_958 = arith.constant 0.000000e+00 : f32
    %broadcast_in_dim3A_959 = vector.broadcast %broadcast_in_dim3A_958 : f32 to vector<16xf32>
    %swap3A_960 = arith.constant 15 : i32
    %swap3A_961 = arith.index_cast %swap3A_960 : i32 to index
    %swap3A_962 = arith.constant 0 : index
    %swap3A_963 = tpu.vector_load %arg9[%swap3A_961, %swap3A_962] {strides = array<i32>} : memref<16x128xf32, #tpu.memory_space<vmem>>, vector<1x16xf32>,
    %swap3A_964 = vector.shape_cast %swap3A_963 : vector<1x16xf32> to vector<16xf32>
    %swap3A_965 = vector.shape_cast %broadcast_in_dim3A_959 : vector<16xf32> to vector<1x16xf32>
    tpu.vector_store %arg9[%swap3A_961, %swap3A_962], %swap3A_965 {strides = array<i32>} : memref<16x128xf32, #tpu.memory_space<vmem>>, vector<1x16xf32>,
    %broadcast_in_dim3A_966 = arith.constant 0.000000e+00 : f32
    %broadcast_in_dim3A_967 = vector.broadcast %broadcast_in_dim3A_966 : f32 to vector<16xf32>
    %swap3A_968 = arith.constant 15 : i32
    %swap3A_969 = arith.index_cast %swap3A_968 : i32 to index
    %swap3A_970 = arith.constant 16 : index
    %swap3A_971 = tpu.vector_load %arg9[%swap3A_969, %swap3A_970] {strides = array<i32>} : memref<16x128xf32, #tpu.memory_space<vmem>>, vector<1x16xf32>,
    %swap3A_972 = vector.shape_cast %swap3A_971 : vector<1x16xf32> to vector<16xf32>
    %swap3A_973 = vector.shape_cast %broadcast_in_dim3A_967 : vector<16xf32> to vector<1x16xf32>
    tpu.vector_store %arg9[%swap3A_969, %swap3A_970], %swap3A_973 {strides = array<i32>} : memref<16x128xf32, #tpu.memory_space<vmem>>, vector<1x16xf32>,
    %broadcast_in_dim3A_974 = arith.constant 0.000000e+00 : f32
    %broadcast_in_dim3A_975 = vector.broadcast %broadcast_in_dim3A_974 : f32 to vector<16xf32>
    %swap3A_976 = arith.constant 15 : i32
    %swap3A_977 = arith.index_cast %swap3A_976 : i32 to index
    %swap3A_978 = arith.constant 32 : index
    %swap3A_979 = tpu.vector_load %arg9[%swap3A_977, %swap3A_978] {strides = array<i32>} : memref<16x128xf32, #tpu.memory_space<vmem>>, vector<1x16xf32>,
    %swap3A_980 = vector.shape_cast %swap3A_979 : vector<1x16xf32> to vector<16xf32>
    %swap3A_981 = vector.shape_cast %broadcast_in_dim3A_975 : vector<16xf32> to vector<1x16xf32>
    tpu.vector_store %arg9[%swap3A_977, %swap3A_978], %swap3A_981 {strides = array<i32>} : memref<16x128xf32, #tpu.memory_space<vmem>>, vector<1x16xf32>,
    %broadcast_in_dim3A_982 = arith.constant 0.000000e+00 : f32
    %broadcast_in_dim3A_983 = vector.broadcast %broadcast_in_dim3A_982 : f32 to vector<16xf32>
    %swap3A_984 = arith.constant 15 : i32
    %swap3A_985 = arith.index_cast %swap3A_984 : i32 to index
    %swap3A_986 = arith.constant 48 : index
    %swap3A_987 = tpu.vector_load %arg9[%swap3A_985, %swap3A_986] {strides = array<i32>} : memref<16x128xf32, #tpu.memory_space<vmem>>, vector<1x16xf32>,
    %swap3A_988 = vector.shape_cast %swap3A_987 : vector<1x16xf32> to vector<16xf32>
    %swap3A_989 = vector.shape_cast %broadcast_in_dim3A_983 : vector<16xf32> to vector<1x16xf32>
    tpu.vector_store %arg9[%swap3A_985, %swap3A_986], %swap3A_989 {strides = array<i32>} : memref<16x128xf32, #tpu.memory_space<vmem>>, vector<1x16xf32>,
    %broadcast_in_dim3A_990 = arith.constant 0.000000e+00 : f32
    %broadcast_in_dim3A_991 = vector.broadcast %broadcast_in_dim3A_990 : f32 to vector<16xf32>
    %swap3A_992 = arith.constant 15 : i32
    %swap3A_993 = arith.index_cast %swap3A_992 : i32 to index
    %swap3A_994 = arith.constant 64 : index
    %swap3A_995 = tpu.vector_load %arg9[%swap3A_993, %swap3A_994] {strides = array<i32>} : memref<16x128xf32, #tpu.memory_space<vmem>>, vector<1x16xf32>,
    %swap3A_996 = vector.shape_cast %swap3A_995 : vector<1x16xf32> to vector<16xf32>
    %swap3A_997 = vector.shape_cast %broadcast_in_dim3A_991 : vector<16xf32> to vector<1x16xf32>
    tpu.vector_store %arg9[%swap3A_993, %swap3A_994], %swap3A_997 {strides = array<i32>} : memref<16x128xf32, #tpu.memory_space<vmem>>, vector<1x16xf32>,
    %broadcast_in_dim3A_998 = arith.constant 0.000000e+00 : f32
    %broadcast_in_dim3A_999 = vector.broadcast %broadcast_in_dim3A_998 : f32 to vector<16xf32>
    %swap3A_1000 = arith.constant 15 : i32
    %swap3A_1001 = arith.index_cast %swap3A_1000 : i32 to index
    %swap3A_1002 = arith.constant 80 : index
    %swap3A_1003 = tpu.vector_load %arg9[%swap3A_1001, %swap3A_1002] {strides = array<i32>} : memref<16x128xf32, #tpu.memory_space<vmem>>, vector<1x16xf32>,
    %swap3A_1004 = vector.shape_cast %swap3A_1003 : vector<1x16xf32> to vector<16xf32>
    %swap3A_1005 = vector.shape_cast %broadcast_in_dim3A_999 : vector<16xf32> to vector<1x16xf32>
    tpu.vector_store %arg9[%swap3A_1001, %swap3A_1002], %swap3A_1005 {strides = array<i32>} : memref<16x128xf32, #tpu.memory_space<vmem>>, vector<1x16xf32>,
    %broadcast_in_dim3A_1006 = arith.constant 0.000000e+00 : f32
    %broadcast_in_dim3A_1007 = vector.broadcast %broadcast_in_dim3A_1006 : f32 to vector<16xf32>
    %swap3A_1008 = arith.constant 15 : i32
    %swap3A_1009 = arith.index_cast %swap3A_1008 : i32 to index
    %swap3A_1010 = arith.constant 96 : index
    %swap3A_1011 = tpu.vector_load %arg9[%swap3A_1009, %swap3A_1010] {strides = array<i32>} : memref<16x128xf32, #tpu.memory_space<vmem>>, vector<1x16xf32>,
    %swap3A_1012 = vector.shape_cast %swap3A_1011 : vector<1x16xf32> to vector<16xf32>
    %swap3A_1013 = vector.shape_cast %broadcast_in_dim3A_1007 : vector<16xf32> to vector<1x16xf32>
    tpu.vector_store %arg9[%swap3A_1009, %swap3A_1010], %swap3A_1013 {strides = array<i32>} : memref<16x128xf32, #tpu.memory_space<vmem>>, vector<1x16xf32>,
    %broadcast_in_dim3A_1014 = arith.constant 0.000000e+00 : f32
    %broadcast_in_dim3A_1015 = vector.broadcast %broadcast_in_dim3A_1014 : f32 to vector<16xf32>
    %swap3A_1016 = arith.constant 15 : i32
    %swap3A_1017 = arith.index_cast %swap3A_1016 : i32 to index
    %swap3A_1018 = arith.constant 112 : index
    %swap3A_1019 = tpu.vector_load %arg9[%swap3A_1017, %swap3A_1018] {strides = array<i32>} : memref<16x128xf32, #tpu.memory_space<vmem>>, vector<1x16xf32>,
    %swap3A_1020 = vector.shape_cast %swap3A_1019 : vector<1x16xf32> to vector<16xf32>
    %swap3A_1021 = vector.shape_cast %broadcast_in_dim3A_1015 : vector<16xf32> to vector<1x16xf32>
    tpu.vector_store %arg9[%swap3A_1017, %swap3A_1018], %swap3A_1021 {strides = array<i32>} : memref<16x128xf32, #tpu.memory_space<vmem>>, vector<1x16xf32>,
    %scan3A = arith.constant 0 : i32
    %scan3A_1022 = arith.constant 0 : i32
    %scan3A_1023 = arith.constant 40 : i32
    %scan3A_1024 = arith.addi %scan3A_1022, %scan3A_1023 : i32
    %scan3A_1025 = arith.constant 1 : i32
    scf.for %scan3A_1046 = %scan3A_1022 to %scan3A_1024 step %scan3A_1025  : i32 {
      %mul3A_1047 = arith.constant 640 : i32
      %mul3A_1048 = arith.muli %arg1, %mul3A_1047 : i32
      %mul3A_1049 = arith.constant 16 : i32
      %mul3A_1050 = arith.muli %scan3A_1046, %mul3A_1049 : i32
      %add3A_1051 = arith.addi %mul3A_1048, %mul3A_1050 : i32
      "tpu.region"() ({
        %run_scoped3A = tpu.sem_alloc : memref<!tpu.dma_semaphore, #tpu.memory_space<semaphore_mem>>
        %dma_start3A = arith.constant 0 : i32
        %dma_start3A_1052 = tpu.memref_slice %arg10[%add3A_1051, %dma_start3A] : memref<10240x128xf32, #tpu.memory_space<vmem_shared>> -> memref<16x128xf32, #tpu.memory_space<vmem_shared>>
        %dma_start3A_1053 = arith.constant 0 : i32
        %dma_start3A_1054 = tpu.memref_slice %arg10[%add3A_1051, %dma_start3A_1053] : memref<10240x128xf32, #tpu.memory_space<vmem_shared>> -> memref<16x128xf32, #tpu.memory_space<vmem_shared>>
        tpu.enqueue_dma source(%arg9 : memref<16x128xf32, #tpu.memory_space<vmem>>) target(%dma_start3A_1054 : memref<16x128xf32, #tpu.memory_space<vmem_shared>>) target_semaphore(%run_scoped3A : memref<!tpu.dma_semaphore, #tpu.memory_space<semaphore_mem>>)
        %dma_wait3A = arith.constant 0 : i32
        %dma_wait3A_1055 = tpu.memref_slice %arg10[%add3A_1051, %dma_wait3A] : memref<10240x128xf32, #tpu.memory_space<vmem_shared>> -> memref<16x128xf32, #tpu.memory_space<vmem_shared>>
        %dma_wait3A_1056 = arith.constant 0 : i32
        %dma_wait3A_1057 = tpu.memref_slice %arg10[%add3A_1051, %dma_wait3A_1056] : memref<10240x128xf32, #tpu.memory_space<vmem_shared>> -> memref<16x128xf32, #tpu.memory_space<vmem_shared>>
        tpu.wait_dma2 semaphore(%run_scoped3A : memref<!tpu.dma_semaphore, #tpu.memory_space<semaphore_mem>>) src(%arg9 : memref<16x128xf32, #tpu.memory_space<vmem>>) dst(%dma_wait3A_1057 : memref<16x128xf32, #tpu.memory_space<vmem_shared>>)
        tpu.yield
      }) : () -> ()
    }
    %scan3A_1026 = arith.constant 40 : i32
    %barrier3A = arith.constant 0 : index
    tpu.barrier barrier_id(%barrier3A)
    %eq3A = arith.constant 0 : i32
    %eq3A_1027 = arith.cmpi eq, %arg0, %eq3A : i32
    %jit3A = arith.constant 60 : i32
    %jit3A_1028 = arith.constant 20 : i32
    %select_n3A = arith.select %eq3A_1027, %jit3A, %jit3A_1028 : i32
    %mul3A = arith.constant 20480 : i32
    %mul3A_1029 = arith.muli %arg1, %mul3A : i32
    %eq3A_1030 = arith.constant 0 : i32
    %eq3A_1031 = arith.cmpi eq, %arg0, %eq3A_1030 : i32
    %jit3A_1032 = arith.constant 5120 : i32
    %jit3A_1033 = arith.constant 0 : i32
    %select_n3A_1034 = arith.select %eq3A_1031, %jit3A_1032, %jit3A_1033 : i32
    %add3A = arith.addi %mul3A_1029, %select_n3A_1034 : i32
    %scan3A_1035 = arith.constant 0 : i32
    %scan3A_1036 = arith.constant 0 : i32
    %scan3A_1037 = arith.constant 60 : i32
    %scan3A_1038 = arith.addi %scan3A_1036, %scan3A_1037 : i32
    %scan3A_1039 = arith.constant 1 : i32
    scf.for %scan3A_1046 = %scan3A_1036 to %scan3A_1038 step %scan3A_1039  : i32 {
      %lt3A = arith.cmpi slt, %scan3A_1046, %select_n3A : i32
      %convert_element_type3A = arith.extui %lt3A : i1 to i32
      %cond3A = arith.constant 0 : i32
      %cond3A_1047 = arith.cmpi ne, %convert_element_type3A, %cond3A : i32
      scf.if %cond3A_1047 {
        %mul3A_1048 = arith.constant 256 : i32
        %mul3A_1049 = arith.muli %scan3A_1046, %mul3A_1048 : i32
        %add3A_1050 = arith.addi %add3A, %mul3A_1049 : i32
        "tpu.region"() ({
          %run_scoped3A = tpu.sem_alloc : memref<!tpu.dma_semaphore, #tpu.memory_space<semaphore_mem>>
          %dma_start3A = tpu.memref_slice %arg3[%add3A_1050] : memref<327680xi32, #tpu.memory_space<hbm>> -> memref<256xi32, #tpu.memory_space<hbm>>
          %dma_start3A_1051 = tpu.memref_slice %arg3[%add3A_1050] : memref<327680xi32, #tpu.memory_space<hbm>> -> memref<256xi32, #tpu.memory_space<hbm>>
          tpu.enqueue_dma source(%dma_start3A_1051 : memref<256xi32, #tpu.memory_space<hbm>>) target(%arg6 : memref<256xi32, #tpu.memory_space<vmem>>) target_semaphore(%run_scoped3A : memref<!tpu.dma_semaphore, #tpu.memory_space<semaphore_mem>>)
          %dma_wait3A = tpu.memref_slice %arg3[%add3A_1050] : memref<327680xi32, #tpu.memory_space<hbm>> -> memref<256xi32, #tpu.memory_space<hbm>>
          %dma_wait3A_1052 = tpu.memref_slice %arg3[%add3A_1050] : memref<327680xi32, #tpu.memory_space<hbm>> -> memref<256xi32, #tpu.memory_space<hbm>>
          tpu.wait_dma2 semaphore(%run_scoped3A : memref<!tpu.dma_semaphore, #tpu.memory_space<semaphore_mem>>) src(%dma_wait3A_1052 : memref<256xi32, #tpu.memory_space<hbm>>) dst(%arg6 : memref<256xi32, #tpu.memory_space<vmem>>)
          tpu.yield
        }) : () -> ()
        "tpu.region"() ({
          %run_scoped3A = tpu.sem_alloc : memref<!tpu.dma_semaphore, #tpu.memory_space<semaphore_mem>>
          %dma_start3A = tpu.memref_slice %arg4[%add3A_1050] : memref<327680xi32, #tpu.memory_space<hbm>> -> memref<256xi32, #tpu.memory_space<hbm>>
          %dma_start3A_1051 = tpu.memref_slice %arg4[%add3A_1050] : memref<327680xi32, #tpu.memory_space<hbm>> -> memref<256xi32, #tpu.memory_space<hbm>>
          tpu.enqueue_dma source(%dma_start3A_1051 : memref<256xi32, #tpu.memory_space<hbm>>) target(%arg7 : memref<256xi32, #tpu.memory_space<vmem>>) target_semaphore(%run_scoped3A : memref<!tpu.dma_semaphore, #tpu.memory_space<semaphore_mem>>)
          %dma_wait3A = tpu.memref_slice %arg4[%add3A_1050] : memref<327680xi32, #tpu.memory_space<hbm>> -> memref<256xi32, #tpu.memory_space<hbm>>
          %dma_wait3A_1052 = tpu.memref_slice %arg4[%add3A_1050] : memref<327680xi32, #tpu.memory_space<hbm>> -> memref<256xi32, #tpu.memory_space<hbm>>
          tpu.wait_dma2 semaphore(%run_scoped3A : memref<!tpu.dma_semaphore, #tpu.memory_space<semaphore_mem>>) src(%dma_wait3A_1052 : memref<256xi32, #tpu.memory_space<hbm>>) dst(%arg7 : memref<256xi32, #tpu.memory_space<vmem>>)
          tpu.yield
        }) : () -> ()
        "tpu.region"() ({
          %run_scoped3A = tpu.sem_alloc : memref<!tpu.dma_semaphore, #tpu.memory_space<semaphore_mem>>
          %dma_start3A = arith.constant 0 : i32
          %dma_start3A_1051 = arith.constant 0 : i32
          %dma_start3A_1052 = tpu.memref_slice %arg2[%dma_start3A, %dma_start3A_1051] : memref<10240x128xf32, #tpu.memory_space<hbm>> -> memref<10240x128xf32, #tpu.memory_space<hbm>>
          tpu.enqueue_indirect_dma source(%dma_start3A_1052 : memref<10240x128xf32, #tpu.memory_space<hbm>>) target(%arg8 : memref<256x128xf32, #tpu.memory_space<vmem>>) offsets(%arg6 : memref<256xi32, #tpu.memory_space<vmem>>) semaphore(%run_scoped3A : memref<!tpu.dma_semaphore, #tpu.memory_space<semaphore_mem>>)
          %dma_wait3A = arith.constant 0 : i32
          %dma_wait3A_1053 = arith.constant 0 : i32
          %dma_wait3A_1054 = tpu.memref_slice %arg2[%dma_wait3A, %dma_wait3A_1053] : memref<10240x128xf32, #tpu.memory_space<hbm>> -> memref<10240x128xf32, #tpu.memory_space<hbm>>
          tpu.wait_indirect_dma semaphore(%run_scoped3A : memref<!tpu.dma_semaphore, #tpu.memory_space<semaphore_mem>>) src(%dma_wait3A_1054 : memref<10240x128xf32, #tpu.memory_space<hbm>>) dst(%arg8 : memref<256x128xf32, #tpu.memory_space<vmem>>)
          tpu.yield
        }) : () -> ()
        "tpu.region"() ({
          %run_scoped3A = tpu.sem_alloc : memref<!tpu.dma_semaphore, #tpu.memory_space<semaphore_mem>>
          %dma_start3A = arith.constant 0 : i32
          %dma_start3A_1051 = arith.constant 0 : i32
          %dma_start3A_1052 = tpu.memref_slice %arg10[%dma_start3A, %dma_start3A_1051] : memref<10240x128xf32, #tpu.memory_space<vmem_shared>> -> memref<10240x128xf32, #tpu.memory_space<vmem_shared>>
          tpu.enqueue_indirect_dma source(%arg8 : memref<256x128xf32, #tpu.memory_space<vmem>>) target(%dma_start3A_1052 : memref<10240x128xf32, #tpu.memory_space<vmem_shared>>) offsets(%arg7 : memref<256xi32, #tpu.memory_space<vmem>>) semaphore(%run_scoped3A : memref<!tpu.dma_semaphore, #tpu.memory_space<semaphore_mem>>) {add = true}
          %dma_wait3A = arith.constant 0 : i32
          %dma_wait3A_1053 = arith.constant 0 : i32
          %dma_wait3A_1054 = tpu.memref_slice %arg10[%dma_wait3A, %dma_wait3A_1053] : memref<10240x128xf32, #tpu.memory_space<vmem_shared>> -> memref<10240x128xf32, #tpu.memory_space<vmem_shared>>
          tpu.wait_indirect_dma semaphore(%run_scoped3A : memref<!tpu.dma_semaphore, #tpu.memory_space<semaphore_mem>>) src(%arg8 : memref<256x128xf32, #tpu.memory_space<vmem>>) dst(%dma_wait3A_1054 : memref<10240x128xf32, #tpu.memory_space<vmem_shared>>)
          tpu.yield
        }) : () -> ()
      } else {
      }
    }
    %scan3A_1040 = arith.constant 60 : i32
    %barrier3A_1041 = arith.constant 0 : index
    tpu.barrier barrier_id(%barrier3A_1041)
    %mul3A_1042 = arith.constant 640 : i32
    %mul3A_1043 = arith.muli %arg1, %mul3A_1042 : i32
    %mul3A_1044 = arith.constant 640 : i32
    %mul3A_1045 = arith.muli %arg1, %mul3A_1044 : i32
    "tpu.region"() ({
      %run_scoped3A = tpu.sem_alloc : memref<!tpu.dma_semaphore, #tpu.memory_space<semaphore_mem>>
      %dma_start3A = arith.constant 0 : i32
      %dma_start3A_1046 = tpu.memref_slice %arg5[%arg0, %mul3A_1045, %dma_start3A] : memref<2x10240x128xf32, #tpu.memory_space<hbm>> -> memref<1x640x128xf32, #tpu.memory_space<hbm>>
      %dma_start3A_1047 = tpu.memref_squeeze %dma_start3A_1046 : memref<1x640x128xf32, #tpu.memory_space<hbm>> -> memref<640x128xf32, #tpu.memory_space<hbm>>
      %dma_start3A_1048 = arith.constant 0 : i32
      %dma_start3A_1049 = tpu.memref_slice %arg10[%mul3A_1043, %dma_start3A_1048] : memref<10240x128xf32, #tpu.memory_space<vmem_shared>> -> memref<640x128xf32, #tpu.memory_space<vmem_shared>>
      tpu.enqueue_dma source(%dma_start3A_1049 : memref<640x128xf32, #tpu.memory_space<vmem_shared>>) target(%dma_start3A_1047 : memref<640x128xf32, #tpu.memory_space<hbm>>) target_semaphore(%run_scoped3A : memref<!tpu.dma_semaphore, #tpu.memory_space<semaphore_mem>>)
      %dma_wait3A = arith.constant 0 : i32
      %dma_wait3A_1050 = tpu.memref_slice %arg5[%arg0, %mul3A_1045, %dma_wait3A] : memref<2x10240x128xf32, #tpu.memory_space<hbm>> -> memref<1x640x128xf32, #tpu.memory_space<hbm>>
      %dma_wait3A_1051 = tpu.memref_squeeze %dma_wait3A_1050 : memref<1x640x128xf32, #tpu.memory_space<hbm>> -> memref<640x128xf32, #tpu.memory_space<hbm>>
      %dma_wait3A_1052 = arith.constant 0 : i32
      %dma_wait3A_1053 = tpu.memref_slice %arg10[%mul3A_1043, %dma_wait3A_1052] : memref<10240x128xf32, #tpu.memory_space<vmem_shared>> -> memref<640x128xf32, #tpu.memory_space<vmem_shared>>
      tpu.wait_dma2 semaphore(%run_scoped3A : memref<!tpu.dma_semaphore, #tpu.memory_space<semaphore_mem>>) src(%dma_wait3A_1053 : memref<640x128xf32, #tpu.memory_space<vmem_shared>>) dst(%dma_wait3A_1051 : memref<640x128xf32, #tpu.memory_space<hbm>>)
      tpu.yield
    }) : () -> ()
    return
  }
}

#map = affine_map<(d0, d1) -> (0, 0)>
#map1 = affine_map<(d0, d1) -> (0)>
#map2 = affine_map<(d0, d1) -> (0, 0, 0)>
module attributes {stable_mosaic.version = 14 : i64} {
  func.func @_prop_kernel(%arg0: i32, %arg1: i32, %arg2: memref<10240x128xf32, #tpu.memory_space<hbm>>, %arg3: memref<327680xi32, #tpu.memory_space<hbm>>, %arg4: memref<327680xi32, #tpu.memory_space<hbm>>, %arg5: memref<2x10240x128xf32, #tpu.memory_space<hbm>>, %arg6: memref<256xi32, #tpu.memory_space<vmem>>, %arg7: memref<256xi32, #tpu.memory_space<vmem>>, %arg8: memref<256x128xf32, #tpu.memory_space<vmem>>, %arg9: memref<16x128xf32, #tpu.memory_space<vmem>>, %arg10: memref<10240x128xf32, #tpu.memory_space<vmem_shared>>) attributes {dimension_semantics = [#tpu.dimension_semantics<core_parallel>, #tpu.dimension_semantics<subcore_parallel>], iteration_bounds = array<i64: 2, 16>, scalar_prefetch = 0 : i64, scratch_operands = 5 : i64, tpu.core_type = #tpu.core_type<sc_vector_subcore>, window_params = [{transform_indices = #map}, {transform_indices = #map1}, {transform_indices = #map1}, {transform_indices = #map2}]} {
    %broadcast_in_dim3A = arith.constant 0.000000e+00 : f32
    %broadcast_in_dim3A_0 = vector.broadcast %broadcast_in_dim3A : f32 to vector<16xf32>
    %swap3A = arith.constant 0 : i32
    %swap3A_1 = arith.index_cast %swap3A : i32 to index
    %swap3A_2 = arith.constant 0 : index
    %swap3A_3 = tpu.vector_load %arg9[%swap3A_1, %swap3A_2] {strides = array<i32>} : memref<16x128xf32, #tpu.memory_space<vmem>>, vector<1x16xf32>,
    %swap3A_4 = vector.shape_cast %swap3A_3 : vector<1x16xf32> to vector<16xf32>
    %swap3A_5 = vector.shape_cast %broadcast_in_dim3A_0 : vector<16xf32> to vector<1x16xf32>
    tpu.vector_store %arg9[%swap3A_1, %swap3A_2], %swap3A_5 {strides = array<i32>} : memref<16x128xf32, #tpu.memory_space<vmem>>, vector<1x16xf32>,
    %broadcast_in_dim3A_6 = arith.constant 0.000000e+00 : f32
    %broadcast_in_dim3A_7 = vector.broadcast %broadcast_in_dim3A_6 : f32 to vector<16xf32>
    %swap3A_8 = arith.constant 0 : i32
    %swap3A_9 = arith.index_cast %swap3A_8 : i32 to index
    %swap3A_10 = arith.constant 16 : index
    %swap3A_11 = tpu.vector_load %arg9[%swap3A_9, %swap3A_10] {strides = array<i32>} : memref<16x128xf32, #tpu.memory_space<vmem>>, vector<1x16xf32>,
    %swap3A_12 = vector.shape_cast %swap3A_11 : vector<1x16xf32> to vector<16xf32>
    %swap3A_13 = vector.shape_cast %broadcast_in_dim3A_7 : vector<16xf32> to vector<1x16xf32>
    tpu.vector_store %arg9[%swap3A_9, %swap3A_10], %swap3A_13 {strides = array<i32>} : memref<16x128xf32, #tpu.memory_space<vmem>>, vector<1x16xf32>,
    %broadcast_in_dim3A_14 = arith.constant 0.000000e+00 : f32
    %broadcast_in_dim3A_15 = vector.broadcast %broadcast_in_dim3A_14 : f32 to vector<16xf32>
    %swap3A_16 = arith.constant 0 : i32
    %swap3A_17 = arith.index_cast %swap3A_16 : i32 to index
    %swap3A_18 = arith.constant 32 : index
    %swap3A_19 = tpu.vector_load %arg9[%swap3A_17, %swap3A_18] {strides = array<i32>} : memref<16x128xf32, #tpu.memory_space<vmem>>, vector<1x16xf32>,
    %swap3A_20 = vector.shape_cast %swap3A_19 : vector<1x16xf32> to vector<16xf32>
    %swap3A_21 = vector.shape_cast %broadcast_in_dim3A_15 : vector<16xf32> to vector<1x16xf32>
    tpu.vector_store %arg9[%swap3A_17, %swap3A_18], %swap3A_21 {strides = array<i32>} : memref<16x128xf32, #tpu.memory_space<vmem>>, vector<1x16xf32>,
    %broadcast_in_dim3A_22 = arith.constant 0.000000e+00 : f32
    %broadcast_in_dim3A_23 = vector.broadcast %broadcast_in_dim3A_22 : f32 to vector<16xf32>
    %swap3A_24 = arith.constant 0 : i32
    %swap3A_25 = arith.index_cast %swap3A_24 : i32 to index
    %swap3A_26 = arith.constant 48 : index
    %swap3A_27 = tpu.vector_load %arg9[%swap3A_25, %swap3A_26] {strides = array<i32>} : memref<16x128xf32, #tpu.memory_space<vmem>>, vector<1x16xf32>,
    %swap3A_28 = vector.shape_cast %swap3A_27 : vector<1x16xf32> to vector<16xf32>
    %swap3A_29 = vector.shape_cast %broadcast_in_dim3A_23 : vector<16xf32> to vector<1x16xf32>
    tpu.vector_store %arg9[%swap3A_25, %swap3A_26], %swap3A_29 {strides = array<i32>} : memref<16x128xf32, #tpu.memory_space<vmem>>, vector<1x16xf32>,
    %broadcast_in_dim3A_30 = arith.constant 0.000000e+00 : f32
    %broadcast_in_dim3A_31 = vector.broadcast %broadcast_in_dim3A_30 : f32 to vector<16xf32>
    %swap3A_32 = arith.constant 0 : i32
    %swap3A_33 = arith.index_cast %swap3A_32 : i32 to index
    %swap3A_34 = arith.constant 64 : index
    %swap3A_35 = tpu.vector_load %arg9[%swap3A_33, %swap3A_34] {strides = array<i32>} : memref<16x128xf32, #tpu.memory_space<vmem>>, vector<1x16xf32>,
    %swap3A_36 = vector.shape_cast %swap3A_35 : vector<1x16xf32> to vector<16xf32>
    %swap3A_37 = vector.shape_cast %broadcast_in_dim3A_31 : vector<16xf32> to vector<1x16xf32>
    tpu.vector_store %arg9[%swap3A_33, %swap3A_34], %swap3A_37 {strides = array<i32>} : memref<16x128xf32, #tpu.memory_space<vmem>>, vector<1x16xf32>,
    %broadcast_in_dim3A_38 = arith.constant 0.000000e+00 : f32
    %broadcast_in_dim3A_39 = vector.broadcast %broadcast_in_dim3A_38 : f32 to vector<16xf32>
    %swap3A_40 = arith.constant 0 : i32
    %swap3A_41 = arith.index_cast %swap3A_40 : i32 to index
    %swap3A_42 = arith.constant 80 : index
    %swap3A_43 = tpu.vector_load %arg9[%swap3A_41, %swap3A_42] {strides = array<i32>} : memref<16x128xf32, #tpu.memory_space<vmem>>, vector<1x16xf32>,
    %swap3A_44 = vector.shape_cast %swap3A_43 : vector<1x16xf32> to vector<16xf32>
    %swap3A_45 = vector.shape_cast %broadcast_in_dim3A_39 : vector<16xf32> to vector<1x16xf32>
    tpu.vector_store %arg9[%swap3A_41, %swap3A_42], %swap3A_45 {strides = array<i32>} : memref<16x128xf32, #tpu.memory_space<vmem>>, vector<1x16xf32>,
    %broadcast_in_dim3A_46 = arith.constant 0.000000e+00 : f32
    %broadcast_in_dim3A_47 = vector.broadcast %broadcast_in_dim3A_46 : f32 to vector<16xf32>
    %swap3A_48 = arith.constant 0 : i32
    %swap3A_49 = arith.index_cast %swap3A_48 : i32 to index
    %swap3A_50 = arith.constant 96 : index
    %swap3A_51 = tpu.vector_load %arg9[%swap3A_49, %swap3A_50] {strides = array<i32>} : memref<16x128xf32, #tpu.memory_space<vmem>>, vector<1x16xf32>,
    %swap3A_52 = vector.shape_cast %swap3A_51 : vector<1x16xf32> to vector<16xf32>
    %swap3A_53 = vector.shape_cast %broadcast_in_dim3A_47 : vector<16xf32> to vector<1x16xf32>
    tpu.vector_store %arg9[%swap3A_49, %swap3A_50], %swap3A_53 {strides = array<i32>} : memref<16x128xf32, #tpu.memory_space<vmem>>, vector<1x16xf32>,
    %broadcast_in_dim3A_54 = arith.constant 0.000000e+00 : f32
    %broadcast_in_dim3A_55 = vector.broadcast %broadcast_in_dim3A_54 : f32 to vector<16xf32>
    %swap3A_56 = arith.constant 0 : i32
    %swap3A_57 = arith.index_cast %swap3A_56 : i32 to index
    %swap3A_58 = arith.constant 112 : index
    %swap3A_59 = tpu.vector_load %arg9[%swap3A_57, %swap3A_58] {strides = array<i32>} : memref<16x128xf32, #tpu.memory_space<vmem>>, vector<1x16xf32>,
    %swap3A_60 = vector.shape_cast %swap3A_59 : vector<1x16xf32> to vector<16xf32>
    %swap3A_61 = vector.shape_cast %broadcast_in_dim3A_55 : vector<16xf32> to vector<1x16xf32>
    tpu.vector_store %arg9[%swap3A_57, %swap3A_58], %swap3A_61 {strides = array<i32>} : memref<16x128xf32, #tpu.memory_space<vmem>>, vector<1x16xf32>,
    %broadcast_in_dim3A_62 = arith.constant 0.000000e+00 : f32
    %broadcast_in_dim3A_63 = vector.broadcast %broadcast_in_dim3A_62 : f32 to vector<16xf32>
    %swap3A_64 = arith.constant 1 : i32
    %swap3A_65 = arith.index_cast %swap3A_64 : i32 to index
    %swap3A_66 = arith.constant 0 : index
    %swap3A_67 = tpu.vector_load %arg9[%swap3A_65, %swap3A_66] {strides = array<i32>} : memref<16x128xf32, #tpu.memory_space<vmem>>, vector<1x16xf32>,
    %swap3A_68 = vector.shape_cast %swap3A_67 : vector<1x16xf32> to vector<16xf32>
    %swap3A_69 = vector.shape_cast %broadcast_in_dim3A_63 : vector<16xf32> to vector<1x16xf32>
    tpu.vector_store %arg9[%swap3A_65, %swap3A_66], %swap3A_69 {strides = array<i32>} : memref<16x128xf32, #tpu.memory_space<vmem>>, vector<1x16xf32>,
    %broadcast_in_dim3A_70 = arith.constant 0.000000e+00 : f32
    %broadcast_in_dim3A_71 = vector.broadcast %broadcast_in_dim3A_70 : f32 to vector<16xf32>
    %swap3A_72 = arith.constant 1 : i32
    %swap3A_73 = arith.index_cast %swap3A_72 : i32 to index
    %swap3A_74 = arith.constant 16 : index
    %swap3A_75 = tpu.vector_load %arg9[%swap3A_73, %swap3A_74] {strides = array<i32>} : memref<16x128xf32, #tpu.memory_space<vmem>>, vector<1x16xf32>,
    %swap3A_76 = vector.shape_cast %swap3A_75 : vector<1x16xf32> to vector<16xf32>
    %swap3A_77 = vector.shape_cast %broadcast_in_dim3A_71 : vector<16xf32> to vector<1x16xf32>
    tpu.vector_store %arg9[%swap3A_73, %swap3A_74], %swap3A_77 {strides = array<i32>} : memref<16x128xf32, #tpu.memory_space<vmem>>, vector<1x16xf32>,
    %broadcast_in_dim3A_78 = arith.constant 0.000000e+00 : f32
    %broadcast_in_dim3A_79 = vector.broadcast %broadcast_in_dim3A_78 : f32 to vector<16xf32>
    %swap3A_80 = arith.constant 1 : i32
    %swap3A_81 = arith.index_cast %swap3A_80 : i32 to index
    %swap3A_82 = arith.constant 32 : index
    %swap3A_83 = tpu.vector_load %arg9[%swap3A_81, %swap3A_82] {strides = array<i32>} : memref<16x128xf32, #tpu.memory_space<vmem>>, vector<1x16xf32>,
    %swap3A_84 = vector.shape_cast %swap3A_83 : vector<1x16xf32> to vector<16xf32>
    %swap3A_85 = vector.shape_cast %broadcast_in_dim3A_79 : vector<16xf32> to vector<1x16xf32>
    tpu.vector_store %arg9[%swap3A_81, %swap3A_82], %swap3A_85 {strides = array<i32>} : memref<16x128xf32, #tpu.memory_space<vmem>>, vector<1x16xf32>,
    %broadcast_in_dim3A_86 = arith.constant 0.000000e+00 : f32
    %broadcast_in_dim3A_87 = vector.broadcast %broadcast_in_dim3A_86 : f32 to vector<16xf32>
    %swap3A_88 = arith.constant 1 : i32
    %swap3A_89 = arith.index_cast %swap3A_88 : i32 to index
    %swap3A_90 = arith.constant 48 : index
    %swap3A_91 = tpu.vector_load %arg9[%swap3A_89, %swap3A_90] {strides = array<i32>} : memref<16x128xf32, #tpu.memory_space<vmem>>, vector<1x16xf32>,
    %swap3A_92 = vector.shape_cast %swap3A_91 : vector<1x16xf32> to vector<16xf32>
    %swap3A_93 = vector.shape_cast %broadcast_in_dim3A_87 : vector<16xf32> to vector<1x16xf32>
    tpu.vector_store %arg9[%swap3A_89, %swap3A_90], %swap3A_93 {strides = array<i32>} : memref<16x128xf32, #tpu.memory_space<vmem>>, vector<1x16xf32>,
    %broadcast_in_dim3A_94 = arith.constant 0.000000e+00 : f32
    %broadcast_in_dim3A_95 = vector.broadcast %broadcast_in_dim3A_94 : f32 to vector<16xf32>
    %swap3A_96 = arith.constant 1 : i32
    %swap3A_97 = arith.index_cast %swap3A_96 : i32 to index
    %swap3A_98 = arith.constant 64 : index
    %swap3A_99 = tpu.vector_load %arg9[%swap3A_97, %swap3A_98] {strides = array<i32>} : memref<16x128xf32, #tpu.memory_space<vmem>>, vector<1x16xf32>,
    %swap3A_100 = vector.shape_cast %swap3A_99 : vector<1x16xf32> to vector<16xf32>
    %swap3A_101 = vector.shape_cast %broadcast_in_dim3A_95 : vector<16xf32> to vector<1x16xf32>
    tpu.vector_store %arg9[%swap3A_97, %swap3A_98], %swap3A_101 {strides = array<i32>} : memref<16x128xf32, #tpu.memory_space<vmem>>, vector<1x16xf32>,
    %broadcast_in_dim3A_102 = arith.constant 0.000000e+00 : f32
    %broadcast_in_dim3A_103 = vector.broadcast %broadcast_in_dim3A_102 : f32 to vector<16xf32>
    %swap3A_104 = arith.constant 1 : i32
    %swap3A_105 = arith.index_cast %swap3A_104 : i32 to index
    %swap3A_106 = arith.constant 80 : index
    %swap3A_107 = tpu.vector_load %arg9[%swap3A_105, %swap3A_106] {strides = array<i32>} : memref<16x128xf32, #tpu.memory_space<vmem>>, vector<1x16xf32>,
    %swap3A_108 = vector.shape_cast %swap3A_107 : vector<1x16xf32> to vector<16xf32>
    %swap3A_109 = vector.shape_cast %broadcast_in_dim3A_103 : vector<16xf32> to vector<1x16xf32>
    tpu.vector_store %arg9[%swap3A_105, %swap3A_106], %swap3A_109 {strides = array<i32>} : memref<16x128xf32, #tpu.memory_space<vmem>>, vector<1x16xf32>,
    %broadcast_in_dim3A_110 = arith.constant 0.000000e+00 : f32
    %broadcast_in_dim3A_111 = vector.broadcast %broadcast_in_dim3A_110 : f32 to vector<16xf32>
    %swap3A_112 = arith.constant 1 : i32
    %swap3A_113 = arith.index_cast %swap3A_112 : i32 to index
    %swap3A_114 = arith.constant 96 : index
    %swap3A_115 = tpu.vector_load %arg9[%swap3A_113, %swap3A_114] {strides = array<i32>} : memref<16x128xf32, #tpu.memory_space<vmem>>, vector<1x16xf32>,
    %swap3A_116 = vector.shape_cast %swap3A_115 : vector<1x16xf32> to vector<16xf32>
    %swap3A_117 = vector.shape_cast %broadcast_in_dim3A_111 : vector<16xf32> to vector<1x16xf32>
    tpu.vector_store %arg9[%swap3A_113, %swap3A_114], %swap3A_117 {strides = array<i32>} : memref<16x128xf32, #tpu.memory_space<vmem>>, vector<1x16xf32>,
    %broadcast_in_dim3A_118 = arith.constant 0.000000e+00 : f32
    %broadcast_in_dim3A_119 = vector.broadcast %broadcast_in_dim3A_118 : f32 to vector<16xf32>
    %swap3A_120 = arith.constant 1 : i32
    %swap3A_121 = arith.index_cast %swap3A_120 : i32 to index
    %swap3A_122 = arith.constant 112 : index
    %swap3A_123 = tpu.vector_load %arg9[%swap3A_121, %swap3A_122] {strides = array<i32>} : memref<16x128xf32, #tpu.memory_space<vmem>>, vector<1x16xf32>,
    %swap3A_124 = vector.shape_cast %swap3A_123 : vector<1x16xf32> to vector<16xf32>
    %swap3A_125 = vector.shape_cast %broadcast_in_dim3A_119 : vector<16xf32> to vector<1x16xf32>
    tpu.vector_store %arg9[%swap3A_121, %swap3A_122], %swap3A_125 {strides = array<i32>} : memref<16x128xf32, #tpu.memory_space<vmem>>, vector<1x16xf32>,
    %broadcast_in_dim3A_126 = arith.constant 0.000000e+00 : f32
    %broadcast_in_dim3A_127 = vector.broadcast %broadcast_in_dim3A_126 : f32 to vector<16xf32>
    %swap3A_128 = arith.constant 2 : i32
    %swap3A_129 = arith.index_cast %swap3A_128 : i32 to index
    %swap3A_130 = arith.constant 0 : index
    %swap3A_131 = tpu.vector_load %arg9[%swap3A_129, %swap3A_130] {strides = array<i32>} : memref<16x128xf32, #tpu.memory_space<vmem>>, vector<1x16xf32>,
    %swap3A_132 = vector.shape_cast %swap3A_131 : vector<1x16xf32> to vector<16xf32>
    %swap3A_133 = vector.shape_cast %broadcast_in_dim3A_127 : vector<16xf32> to vector<1x16xf32>
    tpu.vector_store %arg9[%swap3A_129, %swap3A_130], %swap3A_133 {strides = array<i32>} : memref<16x128xf32, #tpu.memory_space<vmem>>, vector<1x16xf32>,
    %broadcast_in_dim3A_134 = arith.constant 0.000000e+00 : f32
    %broadcast_in_dim3A_135 = vector.broadcast %broadcast_in_dim3A_134 : f32 to vector<16xf32>
    %swap3A_136 = arith.constant 2 : i32
    %swap3A_137 = arith.index_cast %swap3A_136 : i32 to index
    %swap3A_138 = arith.constant 16 : index
    %swap3A_139 = tpu.vector_load %arg9[%swap3A_137, %swap3A_138] {strides = array<i32>} : memref<16x128xf32, #tpu.memory_space<vmem>>, vector<1x16xf32>,
    %swap3A_140 = vector.shape_cast %swap3A_139 : vector<1x16xf32> to vector<16xf32>
    %swap3A_141 = vector.shape_cast %broadcast_in_dim3A_135 : vector<16xf32> to vector<1x16xf32>
    tpu.vector_store %arg9[%swap3A_137, %swap3A_138], %swap3A_141 {strides = array<i32>} : memref<16x128xf32, #tpu.memory_space<vmem>>, vector<1x16xf32>,
    %broadcast_in_dim3A_142 = arith.constant 0.000000e+00 : f32
    %broadcast_in_dim3A_143 = vector.broadcast %broadcast_in_dim3A_142 : f32 to vector<16xf32>
    %swap3A_144 = arith.constant 2 : i32
    %swap3A_145 = arith.index_cast %swap3A_144 : i32 to index
    %swap3A_146 = arith.constant 32 : index
    %swap3A_147 = tpu.vector_load %arg9[%swap3A_145, %swap3A_146] {strides = array<i32>} : memref<16x128xf32, #tpu.memory_space<vmem>>, vector<1x16xf32>,
    %swap3A_148 = vector.shape_cast %swap3A_147 : vector<1x16xf32> to vector<16xf32>
    %swap3A_149 = vector.shape_cast %broadcast_in_dim3A_143 : vector<16xf32> to vector<1x16xf32>
    tpu.vector_store %arg9[%swap3A_145, %swap3A_146], %swap3A_149 {strides = array<i32>} : memref<16x128xf32, #tpu.memory_space<vmem>>, vector<1x16xf32>,
    %broadcast_in_dim3A_150 = arith.constant 0.000000e+00 : f32
    %broadcast_in_dim3A_151 = vector.broadcast %broadcast_in_dim3A_150 : f32 to vector<16xf32>
    %swap3A_152 = arith.constant 2 : i32
    %swap3A_153 = arith.index_cast %swap3A_152 : i32 to index
    %swap3A_154 = arith.constant 48 : index
    %swap3A_155 = tpu.vector_load %arg9[%swap3A_153, %swap3A_154] {strides = array<i32>} : memref<16x128xf32, #tpu.memory_space<vmem>>, vector<1x16xf32>,
    %swap3A_156 = vector.shape_cast %swap3A_155 : vector<1x16xf32> to vector<16xf32>
    %swap3A_157 = vector.shape_cast %broadcast_in_dim3A_151 : vector<16xf32> to vector<1x16xf32>
    tpu.vector_store %arg9[%swap3A_153, %swap3A_154], %swap3A_157 {strides = array<i32>} : memref<16x128xf32, #tpu.memory_space<vmem>>, vector<1x16xf32>,
    %broadcast_in_dim3A_158 = arith.constant 0.000000e+00 : f32
    %broadcast_in_dim3A_159 = vector.broadcast %broadcast_in_dim3A_158 : f32 to vector<16xf32>
    %swap3A_160 = arith.constant 2 : i32
    %swap3A_161 = arith.index_cast %swap3A_160 : i32 to index
    %swap3A_162 = arith.constant 64 : index
    %swap3A_163 = tpu.vector_load %arg9[%swap3A_161, %swap3A_162] {strides = array<i32>} : memref<16x128xf32, #tpu.memory_space<vmem>>, vector<1x16xf32>,
    %swap3A_164 = vector.shape_cast %swap3A_163 : vector<1x16xf32> to vector<16xf32>
    %swap3A_165 = vector.shape_cast %broadcast_in_dim3A_159 : vector<16xf32> to vector<1x16xf32>
    tpu.vector_store %arg9[%swap3A_161, %swap3A_162], %swap3A_165 {strides = array<i32>} : memref<16x128xf32, #tpu.memory_space<vmem>>, vector<1x16xf32>,
    %broadcast_in_dim3A_166 = arith.constant 0.000000e+00 : f32
    %broadcast_in_dim3A_167 = vector.broadcast %broadcast_in_dim3A_166 : f32 to vector<16xf32>
    %swap3A_168 = arith.constant 2 : i32
    %swap3A_169 = arith.index_cast %swap3A_168 : i32 to index
    %swap3A_170 = arith.constant 80 : index
    %swap3A_171 = tpu.vector_load %arg9[%swap3A_169, %swap3A_170] {strides = array<i32>} : memref<16x128xf32, #tpu.memory_space<vmem>>, vector<1x16xf32>,
    %swap3A_172 = vector.shape_cast %swap3A_171 : vector<1x16xf32> to vector<16xf32>
    %swap3A_173 = vector.shape_cast %broadcast_in_dim3A_167 : vector<16xf32> to vector<1x16xf32>
    tpu.vector_store %arg9[%swap3A_169, %swap3A_170], %swap3A_173 {strides = array<i32>} : memref<16x128xf32, #tpu.memory_space<vmem>>, vector<1x16xf32>,
    %broadcast_in_dim3A_174 = arith.constant 0.000000e+00 : f32
    %broadcast_in_dim3A_175 = vector.broadcast %broadcast_in_dim3A_174 : f32 to vector<16xf32>
    %swap3A_176 = arith.constant 2 : i32
    %swap3A_177 = arith.index_cast %swap3A_176 : i32 to index
    %swap3A_178 = arith.constant 96 : index
    %swap3A_179 = tpu.vector_load %arg9[%swap3A_177, %swap3A_178] {strides = array<i32>} : memref<16x128xf32, #tpu.memory_space<vmem>>, vector<1x16xf32>,
    %swap3A_180 = vector.shape_cast %swap3A_179 : vector<1x16xf32> to vector<16xf32>
    %swap3A_181 = vector.shape_cast %broadcast_in_dim3A_175 : vector<16xf32> to vector<1x16xf32>
    tpu.vector_store %arg9[%swap3A_177, %swap3A_178], %swap3A_181 {strides = array<i32>} : memref<16x128xf32, #tpu.memory_space<vmem>>, vector<1x16xf32>,
    %broadcast_in_dim3A_182 = arith.constant 0.000000e+00 : f32
    %broadcast_in_dim3A_183 = vector.broadcast %broadcast_in_dim3A_182 : f32 to vector<16xf32>
    %swap3A_184 = arith.constant 2 : i32
    %swap3A_185 = arith.index_cast %swap3A_184 : i32 to index
    %swap3A_186 = arith.constant 112 : index
    %swap3A_187 = tpu.vector_load %arg9[%swap3A_185, %swap3A_186] {strides = array<i32>} : memref<16x128xf32, #tpu.memory_space<vmem>>, vector<1x16xf32>,
    %swap3A_188 = vector.shape_cast %swap3A_187 : vector<1x16xf32> to vector<16xf32>
    %swap3A_189 = vector.shape_cast %broadcast_in_dim3A_183 : vector<16xf32> to vector<1x16xf32>
    tpu.vector_store %arg9[%swap3A_185, %swap3A_186], %swap3A_189 {strides = array<i32>} : memref<16x128xf32, #tpu.memory_space<vmem>>, vector<1x16xf32>,
    %broadcast_in_dim3A_190 = arith.constant 0.000000e+00 : f32
    %broadcast_in_dim3A_191 = vector.broadcast %broadcast_in_dim3A_190 : f32 to vector<16xf32>
    %swap3A_192 = arith.constant 3 : i32
    %swap3A_193 = arith.index_cast %swap3A_192 : i32 to index
    %swap3A_194 = arith.constant 0 : index
    %swap3A_195 = tpu.vector_load %arg9[%swap3A_193, %swap3A_194] {strides = array<i32>} : memref<16x128xf32, #tpu.memory_space<vmem>>, vector<1x16xf32>,
    %swap3A_196 = vector.shape_cast %swap3A_195 : vector<1x16xf32> to vector<16xf32>
    %swap3A_197 = vector.shape_cast %broadcast_in_dim3A_191 : vector<16xf32> to vector<1x16xf32>
    tpu.vector_store %arg9[%swap3A_193, %swap3A_194], %swap3A_197 {strides = array<i32>} : memref<16x128xf32, #tpu.memory_space<vmem>>, vector<1x16xf32>,
    %broadcast_in_dim3A_198 = arith.constant 0.000000e+00 : f32
    %broadcast_in_dim3A_199 = vector.broadcast %broadcast_in_dim3A_198 : f32 to vector<16xf32>
    %swap3A_200 = arith.constant 3 : i32
    %swap3A_201 = arith.index_cast %swap3A_200 : i32 to index
    %swap3A_202 = arith.constant 16 : index
    %swap3A_203 = tpu.vector_load %arg9[%swap3A_201, %swap3A_202] {strides = array<i32>} : memref<16x128xf32, #tpu.memory_space<vmem>>, vector<1x16xf32>,
    %swap3A_204 = vector.shape_cast %swap3A_203 : vector<1x16xf32> to vector<16xf32>
    %swap3A_205 = vector.shape_cast %broadcast_in_dim3A_199 : vector<16xf32> to vector<1x16xf32>
    tpu.vector_store %arg9[%swap3A_201, %swap3A_202], %swap3A_205 {strides = array<i32>} : memref<16x128xf32, #tpu.memory_space<vmem>>, vector<1x16xf32>,
    %broadcast_in_dim3A_206 = arith.constant 0.000000e+00 : f32
    %broadcast_in_dim3A_207 = vector.broadcast %broadcast_in_dim3A_206 : f32 to vector<16xf32>
    %swap3A_208 = arith.constant 3 : i32
    %swap3A_209 = arith.index_cast %swap3A_208 : i32 to index
    %swap3A_210 = arith.constant 32 : index
    %swap3A_211 = tpu.vector_load %arg9[%swap3A_209, %swap3A_210] {strides = array<i32>} : memref<16x128xf32, #tpu.memory_space<vmem>>, vector<1x16xf32>,
    %swap3A_212 = vector.shape_cast %swap3A_211 : vector<1x16xf32> to vector<16xf32>
    %swap3A_213 = vector.shape_cast %broadcast_in_dim3A_207 : vector<16xf32> to vector<1x16xf32>
    tpu.vector_store %arg9[%swap3A_209, %swap3A_210], %swap3A_213 {strides = array<i32>} : memref<16x128xf32, #tpu.memory_space<vmem>>, vector<1x16xf32>,
    %broadcast_in_dim3A_214 = arith.constant 0.000000e+00 : f32
    %broadcast_in_dim3A_215 = vector.broadcast %broadcast_in_dim3A_214 : f32 to vector<16xf32>
    %swap3A_216 = arith.constant 3 : i32
    %swap3A_217 = arith.index_cast %swap3A_216 : i32 to index
    %swap3A_218 = arith.constant 48 : index
    %swap3A_219 = tpu.vector_load %arg9[%swap3A_217, %swap3A_218] {strides = array<i32>} : memref<16x128xf32, #tpu.memory_space<vmem>>, vector<1x16xf32>,
    %swap3A_220 = vector.shape_cast %swap3A_219 : vector<1x16xf32> to vector<16xf32>
    %swap3A_221 = vector.shape_cast %broadcast_in_dim3A_215 : vector<16xf32> to vector<1x16xf32>
    tpu.vector_store %arg9[%swap3A_217, %swap3A_218], %swap3A_221 {strides = array<i32>} : memref<16x128xf32, #tpu.memory_space<vmem>>, vector<1x16xf32>,
    %broadcast_in_dim3A_222 = arith.constant 0.000000e+00 : f32
    %broadcast_in_dim3A_223 = vector.broadcast %broadcast_in_dim3A_222 : f32 to vector<16xf32>
    %swap3A_224 = arith.constant 3 : i32
    %swap3A_225 = arith.index_cast %swap3A_224 : i32 to index
    %swap3A_226 = arith.constant 64 : index
    %swap3A_227 = tpu.vector_load %arg9[%swap3A_225, %swap3A_226] {strides = array<i32>} : memref<16x128xf32, #tpu.memory_space<vmem>>, vector<1x16xf32>,
    %swap3A_228 = vector.shape_cast %swap3A_227 : vector<1x16xf32> to vector<16xf32>
    %swap3A_229 = vector.shape_cast %broadcast_in_dim3A_223 : vector<16xf32> to vector<1x16xf32>
    tpu.vector_store %arg9[%swap3A_225, %swap3A_226], %swap3A_229 {strides = array<i32>} : memref<16x128xf32, #tpu.memory_space<vmem>>, vector<1x16xf32>,
    %broadcast_in_dim3A_230 = arith.constant 0.000000e+00 : f32
    %broadcast_in_dim3A_231 = vector.broadcast %broadcast_in_dim3A_230 : f32 to vector<16xf32>
    %swap3A_232 = arith.constant 3 : i32
    %swap3A_233 = arith.index_cast %swap3A_232 : i32 to index
    %swap3A_234 = arith.constant 80 : index
    %swap3A_235 = tpu.vector_load %arg9[%swap3A_233, %swap3A_234] {strides = array<i32>} : memref<16x128xf32, #tpu.memory_space<vmem>>, vector<1x16xf32>,
    %swap3A_236 = vector.shape_cast %swap3A_235 : vector<1x16xf32> to vector<16xf32>
    %swap3A_237 = vector.shape_cast %broadcast_in_dim3A_231 : vector<16xf32> to vector<1x16xf32>
    tpu.vector_store %arg9[%swap3A_233, %swap3A_234], %swap3A_237 {strides = array<i32>} : memref<16x128xf32, #tpu.memory_space<vmem>>, vector<1x16xf32>,
    %broadcast_in_dim3A_238 = arith.constant 0.000000e+00 : f32
    %broadcast_in_dim3A_239 = vector.broadcast %broadcast_in_dim3A_238 : f32 to vector<16xf32>
    %swap3A_240 = arith.constant 3 : i32
    %swap3A_241 = arith.index_cast %swap3A_240 : i32 to index
    %swap3A_242 = arith.constant 96 : index
    %swap3A_243 = tpu.vector_load %arg9[%swap3A_241, %swap3A_242] {strides = array<i32>} : memref<16x128xf32, #tpu.memory_space<vmem>>, vector<1x16xf32>,
    %swap3A_244 = vector.shape_cast %swap3A_243 : vector<1x16xf32> to vector<16xf32>
    %swap3A_245 = vector.shape_cast %broadcast_in_dim3A_239 : vector<16xf32> to vector<1x16xf32>
    tpu.vector_store %arg9[%swap3A_241, %swap3A_242], %swap3A_245 {strides = array<i32>} : memref<16x128xf32, #tpu.memory_space<vmem>>, vector<1x16xf32>,
    %broadcast_in_dim3A_246 = arith.constant 0.000000e+00 : f32
    %broadcast_in_dim3A_247 = vector.broadcast %broadcast_in_dim3A_246 : f32 to vector<16xf32>
    %swap3A_248 = arith.constant 3 : i32
    %swap3A_249 = arith.index_cast %swap3A_248 : i32 to index
    %swap3A_250 = arith.constant 112 : index
    %swap3A_251 = tpu.vector_load %arg9[%swap3A_249, %swap3A_250] {strides = array<i32>} : memref<16x128xf32, #tpu.memory_space<vmem>>, vector<1x16xf32>,
    %swap3A_252 = vector.shape_cast %swap3A_251 : vector<1x16xf32> to vector<16xf32>
    %swap3A_253 = vector.shape_cast %broadcast_in_dim3A_247 : vector<16xf32> to vector<1x16xf32>
    tpu.vector_store %arg9[%swap3A_249, %swap3A_250], %swap3A_253 {strides = array<i32>} : memref<16x128xf32, #tpu.memory_space<vmem>>, vector<1x16xf32>,
    %broadcast_in_dim3A_254 = arith.constant 0.000000e+00 : f32
    %broadcast_in_dim3A_255 = vector.broadcast %broadcast_in_dim3A_254 : f32 to vector<16xf32>
    %swap3A_256 = arith.constant 4 : i32
    %swap3A_257 = arith.index_cast %swap3A_256 : i32 to index
    %swap3A_258 = arith.constant 0 : index
    %swap3A_259 = tpu.vector_load %arg9[%swap3A_257, %swap3A_258] {strides = array<i32>} : memref<16x128xf32, #tpu.memory_space<vmem>>, vector<1x16xf32>,
    %swap3A_260 = vector.shape_cast %swap3A_259 : vector<1x16xf32> to vector<16xf32>
    %swap3A_261 = vector.shape_cast %broadcast_in_dim3A_255 : vector<16xf32> to vector<1x16xf32>
    tpu.vector_store %arg9[%swap3A_257, %swap3A_258], %swap3A_261 {strides = array<i32>} : memref<16x128xf32, #tpu.memory_space<vmem>>, vector<1x16xf32>,
    %broadcast_in_dim3A_262 = arith.constant 0.000000e+00 : f32
    %broadcast_in_dim3A_263 = vector.broadcast %broadcast_in_dim3A_262 : f32 to vector<16xf32>
    %swap3A_264 = arith.constant 4 : i32
    %swap3A_265 = arith.index_cast %swap3A_264 : i32 to index
    %swap3A_266 = arith.constant 16 : index
    %swap3A_267 = tpu.vector_load %arg9[%swap3A_265, %swap3A_266] {strides = array<i32>} : memref<16x128xf32, #tpu.memory_space<vmem>>, vector<1x16xf32>,
    %swap3A_268 = vector.shape_cast %swap3A_267 : vector<1x16xf32> to vector<16xf32>
    %swap3A_269 = vector.shape_cast %broadcast_in_dim3A_263 : vector<16xf32> to vector<1x16xf32>
    tpu.vector_store %arg9[%swap3A_265, %swap3A_266], %swap3A_269 {strides = array<i32>} : memref<16x128xf32, #tpu.memory_space<vmem>>, vector<1x16xf32>,
    %broadcast_in_dim3A_270 = arith.constant 0.000000e+00 : f32
    %broadcast_in_dim3A_271 = vector.broadcast %broadcast_in_dim3A_270 : f32 to vector<16xf32>
    %swap3A_272 = arith.constant 4 : i32
    %swap3A_273 = arith.index_cast %swap3A_272 : i32 to index
    %swap3A_274 = arith.constant 32 : index
    %swap3A_275 = tpu.vector_load %arg9[%swap3A_273, %swap3A_274] {strides = array<i32>} : memref<16x128xf32, #tpu.memory_space<vmem>>, vector<1x16xf32>,
    %swap3A_276 = vector.shape_cast %swap3A_275 : vector<1x16xf32> to vector<16xf32>
    %swap3A_277 = vector.shape_cast %broadcast_in_dim3A_271 : vector<16xf32> to vector<1x16xf32>
    tpu.vector_store %arg9[%swap3A_273, %swap3A_274], %swap3A_277 {strides = array<i32>} : memref<16x128xf32, #tpu.memory_space<vmem>>, vector<1x16xf32>,
    %broadcast_in_dim3A_278 = arith.constant 0.000000e+00 : f32
    %broadcast_in_dim3A_279 = vector.broadcast %broadcast_in_dim3A_278 : f32 to vector<16xf32>
    %swap3A_280 = arith.constant 4 : i32
    %swap3A_281 = arith.index_cast %swap3A_280 : i32 to index
    %swap3A_282 = arith.constant 48 : index
    %swap3A_283 = tpu.vector_load %arg9[%swap3A_281, %swap3A_282] {strides = array<i32>} : memref<16x128xf32, #tpu.memory_space<vmem>>, vector<1x16xf32>,
    %swap3A_284 = vector.shape_cast %swap3A_283 : vector<1x16xf32> to vector<16xf32>
    %swap3A_285 = vector.shape_cast %broadcast_in_dim3A_279 : vector<16xf32> to vector<1x16xf32>
    tpu.vector_store %arg9[%swap3A_281, %swap3A_282], %swap3A_285 {strides = array<i32>} : memref<16x128xf32, #tpu.memory_space<vmem>>, vector<1x16xf32>,
    %broadcast_in_dim3A_286 = arith.constant 0.000000e+00 : f32
    %broadcast_in_dim3A_287 = vector.broadcast %broadcast_in_dim3A_286 : f32 to vector<16xf32>
    %swap3A_288 = arith.constant 4 : i32
    %swap3A_289 = arith.index_cast %swap3A_288 : i32 to index
    %swap3A_290 = arith.constant 64 : index
    %swap3A_291 = tpu.vector_load %arg9[%swap3A_289, %swap3A_290] {strides = array<i32>} : memref<16x128xf32, #tpu.memory_space<vmem>>, vector<1x16xf32>,
    %swap3A_292 = vector.shape_cast %swap3A_291 : vector<1x16xf32> to vector<16xf32>
    %swap3A_293 = vector.shape_cast %broadcast_in_dim3A_287 : vector<16xf32> to vector<1x16xf32>
    tpu.vector_store %arg9[%swap3A_289, %swap3A_290], %swap3A_293 {strides = array<i32>} : memref<16x128xf32, #tpu.memory_space<vmem>>, vector<1x16xf32>,
    %broadcast_in_dim3A_294 = arith.constant 0.000000e+00 : f32
    %broadcast_in_dim3A_295 = vector.broadcast %broadcast_in_dim3A_294 : f32 to vector<16xf32>
    %swap3A_296 = arith.constant 4 : i32
    %swap3A_297 = arith.index_cast %swap3A_296 : i32 to index
    %swap3A_298 = arith.constant 80 : index
    %swap3A_299 = tpu.vector_load %arg9[%swap3A_297, %swap3A_298] {strides = array<i32>} : memref<16x128xf32, #tpu.memory_space<vmem>>, vector<1x16xf32>,
    %swap3A_300 = vector.shape_cast %swap3A_299 : vector<1x16xf32> to vector<16xf32>
    %swap3A_301 = vector.shape_cast %broadcast_in_dim3A_295 : vector<16xf32> to vector<1x16xf32>
    tpu.vector_store %arg9[%swap3A_297, %swap3A_298], %swap3A_301 {strides = array<i32>} : memref<16x128xf32, #tpu.memory_space<vmem>>, vector<1x16xf32>,
    %broadcast_in_dim3A_302 = arith.constant 0.000000e+00 : f32
    %broadcast_in_dim3A_303 = vector.broadcast %broadcast_in_dim3A_302 : f32 to vector<16xf32>
    %swap3A_304 = arith.constant 4 : i32
    %swap3A_305 = arith.index_cast %swap3A_304 : i32 to index
    %swap3A_306 = arith.constant 96 : index
    %swap3A_307 = tpu.vector_load %arg9[%swap3A_305, %swap3A_306] {strides = array<i32>} : memref<16x128xf32, #tpu.memory_space<vmem>>, vector<1x16xf32>,
    %swap3A_308 = vector.shape_cast %swap3A_307 : vector<1x16xf32> to vector<16xf32>
    %swap3A_309 = vector.shape_cast %broadcast_in_dim3A_303 : vector<16xf32> to vector<1x16xf32>
    tpu.vector_store %arg9[%swap3A_305, %swap3A_306], %swap3A_309 {strides = array<i32>} : memref<16x128xf32, #tpu.memory_space<vmem>>, vector<1x16xf32>,
    %broadcast_in_dim3A_310 = arith.constant 0.000000e+00 : f32
    %broadcast_in_dim3A_311 = vector.broadcast %broadcast_in_dim3A_310 : f32 to vector<16xf32>
    %swap3A_312 = arith.constant 4 : i32
    %swap3A_313 = arith.index_cast %swap3A_312 : i32 to index
    %swap3A_314 = arith.constant 112 : index
    %swap3A_315 = tpu.vector_load %arg9[%swap3A_313, %swap3A_314] {strides = array<i32>} : memref<16x128xf32, #tpu.memory_space<vmem>>, vector<1x16xf32>,
    %swap3A_316 = vector.shape_cast %swap3A_315 : vector<1x16xf32> to vector<16xf32>
    %swap3A_317 = vector.shape_cast %broadcast_in_dim3A_311 : vector<16xf32> to vector<1x16xf32>
    tpu.vector_store %arg9[%swap3A_313, %swap3A_314], %swap3A_317 {strides = array<i32>} : memref<16x128xf32, #tpu.memory_space<vmem>>, vector<1x16xf32>,
    %broadcast_in_dim3A_318 = arith.constant 0.000000e+00 : f32
    %broadcast_in_dim3A_319 = vector.broadcast %broadcast_in_dim3A_318 : f32 to vector<16xf32>
    %swap3A_320 = arith.constant 5 : i32
    %swap3A_321 = arith.index_cast %swap3A_320 : i32 to index
    %swap3A_322 = arith.constant 0 : index
    %swap3A_323 = tpu.vector_load %arg9[%swap3A_321, %swap3A_322] {strides = array<i32>} : memref<16x128xf32, #tpu.memory_space<vmem>>, vector<1x16xf32>,
    %swap3A_324 = vector.shape_cast %swap3A_323 : vector<1x16xf32> to vector<16xf32>
    %swap3A_325 = vector.shape_cast %broadcast_in_dim3A_319 : vector<16xf32> to vector<1x16xf32>
    tpu.vector_store %arg9[%swap3A_321, %swap3A_322], %swap3A_325 {strides = array<i32>} : memref<16x128xf32, #tpu.memory_space<vmem>>, vector<1x16xf32>,
    %broadcast_in_dim3A_326 = arith.constant 0.000000e+00 : f32
    %broadcast_in_dim3A_327 = vector.broadcast %broadcast_in_dim3A_326 : f32 to vector<16xf32>
    %swap3A_328 = arith.constant 5 : i32
    %swap3A_329 = arith.index_cast %swap3A_328 : i32 to index
    %swap3A_330 = arith.constant 16 : index
    %swap3A_331 = tpu.vector_load %arg9[%swap3A_329, %swap3A_330] {strides = array<i32>} : memref<16x128xf32, #tpu.memory_space<vmem>>, vector<1x16xf32>,
    %swap3A_332 = vector.shape_cast %swap3A_331 : vector<1x16xf32> to vector<16xf32>
    %swap3A_333 = vector.shape_cast %broadcast_in_dim3A_327 : vector<16xf32> to vector<1x16xf32>
    tpu.vector_store %arg9[%swap3A_329, %swap3A_330], %swap3A_333 {strides = array<i32>} : memref<16x128xf32, #tpu.memory_space<vmem>>, vector<1x16xf32>,
    %broadcast_in_dim3A_334 = arith.constant 0.000000e+00 : f32
    %broadcast_in_dim3A_335 = vector.broadcast %broadcast_in_dim3A_334 : f32 to vector<16xf32>
    %swap3A_336 = arith.constant 5 : i32
    %swap3A_337 = arith.index_cast %swap3A_336 : i32 to index
    %swap3A_338 = arith.constant 32 : index
    %swap3A_339 = tpu.vector_load %arg9[%swap3A_337, %swap3A_338] {strides = array<i32>} : memref<16x128xf32, #tpu.memory_space<vmem>>, vector<1x16xf32>,
    %swap3A_340 = vector.shape_cast %swap3A_339 : vector<1x16xf32> to vector<16xf32>
    %swap3A_341 = vector.shape_cast %broadcast_in_dim3A_335 : vector<16xf32> to vector<1x16xf32>
    tpu.vector_store %arg9[%swap3A_337, %swap3A_338], %swap3A_341 {strides = array<i32>} : memref<16x128xf32, #tpu.memory_space<vmem>>, vector<1x16xf32>,
    %broadcast_in_dim3A_342 = arith.constant 0.000000e+00 : f32
    %broadcast_in_dim3A_343 = vector.broadcast %broadcast_in_dim3A_342 : f32 to vector<16xf32>
    %swap3A_344 = arith.constant 5 : i32
    %swap3A_345 = arith.index_cast %swap3A_344 : i32 to index
    %swap3A_346 = arith.constant 48 : index
    %swap3A_347 = tpu.vector_load %arg9[%swap3A_345, %swap3A_346] {strides = array<i32>} : memref<16x128xf32, #tpu.memory_space<vmem>>, vector<1x16xf32>,
    %swap3A_348 = vector.shape_cast %swap3A_347 : vector<1x16xf32> to vector<16xf32>
    %swap3A_349 = vector.shape_cast %broadcast_in_dim3A_343 : vector<16xf32> to vector<1x16xf32>
    tpu.vector_store %arg9[%swap3A_345, %swap3A_346], %swap3A_349 {strides = array<i32>} : memref<16x128xf32, #tpu.memory_space<vmem>>, vector<1x16xf32>,
    %broadcast_in_dim3A_350 = arith.constant 0.000000e+00 : f32
    %broadcast_in_dim3A_351 = vector.broadcast %broadcast_in_dim3A_350 : f32 to vector<16xf32>
    %swap3A_352 = arith.constant 5 : i32
    %swap3A_353 = arith.index_cast %swap3A_352 : i32 to index
    %swap3A_354 = arith.constant 64 : index
    %swap3A_355 = tpu.vector_load %arg9[%swap3A_353, %swap3A_354] {strides = array<i32>} : memref<16x128xf32, #tpu.memory_space<vmem>>, vector<1x16xf32>,
    %swap3A_356 = vector.shape_cast %swap3A_355 : vector<1x16xf32> to vector<16xf32>
    %swap3A_357 = vector.shape_cast %broadcast_in_dim3A_351 : vector<16xf32> to vector<1x16xf32>
    tpu.vector_store %arg9[%swap3A_353, %swap3A_354], %swap3A_357 {strides = array<i32>} : memref<16x128xf32, #tpu.memory_space<vmem>>, vector<1x16xf32>,
    %broadcast_in_dim3A_358 = arith.constant 0.000000e+00 : f32
    %broadcast_in_dim3A_359 = vector.broadcast %broadcast_in_dim3A_358 : f32 to vector<16xf32>
    %swap3A_360 = arith.constant 5 : i32
    %swap3A_361 = arith.index_cast %swap3A_360 : i32 to index
    %swap3A_362 = arith.constant 80 : index
    %swap3A_363 = tpu.vector_load %arg9[%swap3A_361, %swap3A_362] {strides = array<i32>} : memref<16x128xf32, #tpu.memory_space<vmem>>, vector<1x16xf32>,
    %swap3A_364 = vector.shape_cast %swap3A_363 : vector<1x16xf32> to vector<16xf32>
    %swap3A_365 = vector.shape_cast %broadcast_in_dim3A_359 : vector<16xf32> to vector<1x16xf32>
    tpu.vector_store %arg9[%swap3A_361, %swap3A_362], %swap3A_365 {strides = array<i32>} : memref<16x128xf32, #tpu.memory_space<vmem>>, vector<1x16xf32>,
    %broadcast_in_dim3A_366 = arith.constant 0.000000e+00 : f32
    %broadcast_in_dim3A_367 = vector.broadcast %broadcast_in_dim3A_366 : f32 to vector<16xf32>
    %swap3A_368 = arith.constant 5 : i32
    %swap3A_369 = arith.index_cast %swap3A_368 : i32 to index
    %swap3A_370 = arith.constant 96 : index
    %swap3A_371 = tpu.vector_load %arg9[%swap3A_369, %swap3A_370] {strides = array<i32>} : memref<16x128xf32, #tpu.memory_space<vmem>>, vector<1x16xf32>,
    %swap3A_372 = vector.shape_cast %swap3A_371 : vector<1x16xf32> to vector<16xf32>
    %swap3A_373 = vector.shape_cast %broadcast_in_dim3A_367 : vector<16xf32> to vector<1x16xf32>
    tpu.vector_store %arg9[%swap3A_369, %swap3A_370], %swap3A_373 {strides = array<i32>} : memref<16x128xf32, #tpu.memory_space<vmem>>, vector<1x16xf32>,
    %broadcast_in_dim3A_374 = arith.constant 0.000000e+00 : f32
    %broadcast_in_dim3A_375 = vector.broadcast %broadcast_in_dim3A_374 : f32 to vector<16xf32>
    %swap3A_376 = arith.constant 5 : i32
    %swap3A_377 = arith.index_cast %swap3A_376 : i32 to index
    %swap3A_378 = arith.constant 112 : index
    %swap3A_379 = tpu.vector_load %arg9[%swap3A_377, %swap3A_378] {strides = array<i32>} : memref<16x128xf32, #tpu.memory_space<vmem>>, vector<1x16xf32>,
    %swap3A_380 = vector.shape_cast %swap3A_379 : vector<1x16xf32> to vector<16xf32>
    %swap3A_381 = vector.shape_cast %broadcast_in_dim3A_375 : vector<16xf32> to vector<1x16xf32>
    tpu.vector_store %arg9[%swap3A_377, %swap3A_378], %swap3A_381 {strides = array<i32>} : memref<16x128xf32, #tpu.memory_space<vmem>>, vector<1x16xf32>,
    %broadcast_in_dim3A_382 = arith.constant 0.000000e+00 : f32
    %broadcast_in_dim3A_383 = vector.broadcast %broadcast_in_dim3A_382 : f32 to vector<16xf32>
    %swap3A_384 = arith.constant 6 : i32
    %swap3A_385 = arith.index_cast %swap3A_384 : i32 to index
    %swap3A_386 = arith.constant 0 : index
    %swap3A_387 = tpu.vector_load %arg9[%swap3A_385, %swap3A_386] {strides = array<i32>} : memref<16x128xf32, #tpu.memory_space<vmem>>, vector<1x16xf32>,
    %swap3A_388 = vector.shape_cast %swap3A_387 : vector<1x16xf32> to vector<16xf32>
    %swap3A_389 = vector.shape_cast %broadcast_in_dim3A_383 : vector<16xf32> to vector<1x16xf32>
    tpu.vector_store %arg9[%swap3A_385, %swap3A_386], %swap3A_389 {strides = array<i32>} : memref<16x128xf32, #tpu.memory_space<vmem>>, vector<1x16xf32>,
    %broadcast_in_dim3A_390 = arith.constant 0.000000e+00 : f32
    %broadcast_in_dim3A_391 = vector.broadcast %broadcast_in_dim3A_390 : f32 to vector<16xf32>
    %swap3A_392 = arith.constant 6 : i32
    %swap3A_393 = arith.index_cast %swap3A_392 : i32 to index
    %swap3A_394 = arith.constant 16 : index
    %swap3A_395 = tpu.vector_load %arg9[%swap3A_393, %swap3A_394] {strides = array<i32>} : memref<16x128xf32, #tpu.memory_space<vmem>>, vector<1x16xf32>,
    %swap3A_396 = vector.shape_cast %swap3A_395 : vector<1x16xf32> to vector<16xf32>
    %swap3A_397 = vector.shape_cast %broadcast_in_dim3A_391 : vector<16xf32> to vector<1x16xf32>
    tpu.vector_store %arg9[%swap3A_393, %swap3A_394], %swap3A_397 {strides = array<i32>} : memref<16x128xf32, #tpu.memory_space<vmem>>, vector<1x16xf32>,
    %broadcast_in_dim3A_398 = arith.constant 0.000000e+00 : f32
    %broadcast_in_dim3A_399 = vector.broadcast %broadcast_in_dim3A_398 : f32 to vector<16xf32>
    %swap3A_400 = arith.constant 6 : i32
    %swap3A_401 = arith.index_cast %swap3A_400 : i32 to index
    %swap3A_402 = arith.constant 32 : index
    %swap3A_403 = tpu.vector_load %arg9[%swap3A_401, %swap3A_402] {strides = array<i32>} : memref<16x128xf32, #tpu.memory_space<vmem>>, vector<1x16xf32>,
    %swap3A_404 = vector.shape_cast %swap3A_403 : vector<1x16xf32> to vector<16xf32>
    %swap3A_405 = vector.shape_cast %broadcast_in_dim3A_399 : vector<16xf32> to vector<1x16xf32>
    tpu.vector_store %arg9[%swap3A_401, %swap3A_402], %swap3A_405 {strides = array<i32>} : memref<16x128xf32, #tpu.memory_space<vmem>>, vector<1x16xf32>,
    %broadcast_in_dim3A_406 = arith.constant 0.000000e+00 : f32
    %broadcast_in_dim3A_407 = vector.broadcast %broadcast_in_dim3A_406 : f32 to vector<16xf32>
    %swap3A_408 = arith.constant 6 : i32
    %swap3A_409 = arith.index_cast %swap3A_408 : i32 to index
    %swap3A_410 = arith.constant 48 : index
    %swap3A_411 = tpu.vector_load %arg9[%swap3A_409, %swap3A_410] {strides = array<i32>} : memref<16x128xf32, #tpu.memory_space<vmem>>, vector<1x16xf32>,
    %swap3A_412 = vector.shape_cast %swap3A_411 : vector<1x16xf32> to vector<16xf32>
    %swap3A_413 = vector.shape_cast %broadcast_in_dim3A_407 : vector<16xf32> to vector<1x16xf32>
    tpu.vector_store %arg9[%swap3A_409, %swap3A_410], %swap3A_413 {strides = array<i32>} : memref<16x128xf32, #tpu.memory_space<vmem>>, vector<1x16xf32>,
    %broadcast_in_dim3A_414 = arith.constant 0.000000e+00 : f32
    %broadcast_in_dim3A_415 = vector.broadcast %broadcast_in_dim3A_414 : f32 to vector<16xf32>
    %swap3A_416 = arith.constant 6 : i32
    %swap3A_417 = arith.index_cast %swap3A_416 : i32 to index
    %swap3A_418 = arith.constant 64 : index
    %swap3A_419 = tpu.vector_load %arg9[%swap3A_417, %swap3A_418] {strides = array<i32>} : memref<16x128xf32, #tpu.memory_space<vmem>>, vector<1x16xf32>,
    %swap3A_420 = vector.shape_cast %swap3A_419 : vector<1x16xf32> to vector<16xf32>
    %swap3A_421 = vector.shape_cast %broadcast_in_dim3A_415 : vector<16xf32> to vector<1x16xf32>
    tpu.vector_store %arg9[%swap3A_417, %swap3A_418], %swap3A_421 {strides = array<i32>} : memref<16x128xf32, #tpu.memory_space<vmem>>, vector<1x16xf32>,
    %broadcast_in_dim3A_422 = arith.constant 0.000000e+00 : f32
    %broadcast_in_dim3A_423 = vector.broadcast %broadcast_in_dim3A_422 : f32 to vector<16xf32>
    %swap3A_424 = arith.constant 6 : i32
    %swap3A_425 = arith.index_cast %swap3A_424 : i32 to index
    %swap3A_426 = arith.constant 80 : index
    %swap3A_427 = tpu.vector_load %arg9[%swap3A_425, %swap3A_426] {strides = array<i32>} : memref<16x128xf32, #tpu.memory_space<vmem>>, vector<1x16xf32>,
    %swap3A_428 = vector.shape_cast %swap3A_427 : vector<1x16xf32> to vector<16xf32>
    %swap3A_429 = vector.shape_cast %broadcast_in_dim3A_423 : vector<16xf32> to vector<1x16xf32>
    tpu.vector_store %arg9[%swap3A_425, %swap3A_426], %swap3A_429 {strides = array<i32>} : memref<16x128xf32, #tpu.memory_space<vmem>>, vector<1x16xf32>,
    %broadcast_in_dim3A_430 = arith.constant 0.000000e+00 : f32
    %broadcast_in_dim3A_431 = vector.broadcast %broadcast_in_dim3A_430 : f32 to vector<16xf32>
    %swap3A_432 = arith.constant 6 : i32
    %swap3A_433 = arith.index_cast %swap3A_432 : i32 to index
    %swap3A_434 = arith.constant 96 : index
    %swap3A_435 = tpu.vector_load %arg9[%swap3A_433, %swap3A_434] {strides = array<i32>} : memref<16x128xf32, #tpu.memory_space<vmem>>, vector<1x16xf32>,
    %swap3A_436 = vector.shape_cast %swap3A_435 : vector<1x16xf32> to vector<16xf32>
    %swap3A_437 = vector.shape_cast %broadcast_in_dim3A_431 : vector<16xf32> to vector<1x16xf32>
    tpu.vector_store %arg9[%swap3A_433, %swap3A_434], %swap3A_437 {strides = array<i32>} : memref<16x128xf32, #tpu.memory_space<vmem>>, vector<1x16xf32>,
    %broadcast_in_dim3A_438 = arith.constant 0.000000e+00 : f32
    %broadcast_in_dim3A_439 = vector.broadcast %broadcast_in_dim3A_438 : f32 to vector<16xf32>
    %swap3A_440 = arith.constant 6 : i32
    %swap3A_441 = arith.index_cast %swap3A_440 : i32 to index
    %swap3A_442 = arith.constant 112 : index
    %swap3A_443 = tpu.vector_load %arg9[%swap3A_441, %swap3A_442] {strides = array<i32>} : memref<16x128xf32, #tpu.memory_space<vmem>>, vector<1x16xf32>,
    %swap3A_444 = vector.shape_cast %swap3A_443 : vector<1x16xf32> to vector<16xf32>
    %swap3A_445 = vector.shape_cast %broadcast_in_dim3A_439 : vector<16xf32> to vector<1x16xf32>
    tpu.vector_store %arg9[%swap3A_441, %swap3A_442], %swap3A_445 {strides = array<i32>} : memref<16x128xf32, #tpu.memory_space<vmem>>, vector<1x16xf32>,
    %broadcast_in_dim3A_446 = arith.constant 0.000000e+00 : f32
    %broadcast_in_dim3A_447 = vector.broadcast %broadcast_in_dim3A_446 : f32 to vector<16xf32>
    %swap3A_448 = arith.constant 7 : i32
    %swap3A_449 = arith.index_cast %swap3A_448 : i32 to index
    %swap3A_450 = arith.constant 0 : index
    %swap3A_451 = tpu.vector_load %arg9[%swap3A_449, %swap3A_450] {strides = array<i32>} : memref<16x128xf32, #tpu.memory_space<vmem>>, vector<1x16xf32>,
    %swap3A_452 = vector.shape_cast %swap3A_451 : vector<1x16xf32> to vector<16xf32>
    %swap3A_453 = vector.shape_cast %broadcast_in_dim3A_447 : vector<16xf32> to vector<1x16xf32>
    tpu.vector_store %arg9[%swap3A_449, %swap3A_450], %swap3A_453 {strides = array<i32>} : memref<16x128xf32, #tpu.memory_space<vmem>>, vector<1x16xf32>,
    %broadcast_in_dim3A_454 = arith.constant 0.000000e+00 : f32
    %broadcast_in_dim3A_455 = vector.broadcast %broadcast_in_dim3A_454 : f32 to vector<16xf32>
    %swap3A_456 = arith.constant 7 : i32
    %swap3A_457 = arith.index_cast %swap3A_456 : i32 to index
    %swap3A_458 = arith.constant 16 : index
    %swap3A_459 = tpu.vector_load %arg9[%swap3A_457, %swap3A_458] {strides = array<i32>} : memref<16x128xf32, #tpu.memory_space<vmem>>, vector<1x16xf32>,
    %swap3A_460 = vector.shape_cast %swap3A_459 : vector<1x16xf32> to vector<16xf32>
    %swap3A_461 = vector.shape_cast %broadcast_in_dim3A_455 : vector<16xf32> to vector<1x16xf32>
    tpu.vector_store %arg9[%swap3A_457, %swap3A_458], %swap3A_461 {strides = array<i32>} : memref<16x128xf32, #tpu.memory_space<vmem>>, vector<1x16xf32>,
    %broadcast_in_dim3A_462 = arith.constant 0.000000e+00 : f32
    %broadcast_in_dim3A_463 = vector.broadcast %broadcast_in_dim3A_462 : f32 to vector<16xf32>
    %swap3A_464 = arith.constant 7 : i32
    %swap3A_465 = arith.index_cast %swap3A_464 : i32 to index
    %swap3A_466 = arith.constant 32 : index
    %swap3A_467 = tpu.vector_load %arg9[%swap3A_465, %swap3A_466] {strides = array<i32>} : memref<16x128xf32, #tpu.memory_space<vmem>>, vector<1x16xf32>,
    %swap3A_468 = vector.shape_cast %swap3A_467 : vector<1x16xf32> to vector<16xf32>
    %swap3A_469 = vector.shape_cast %broadcast_in_dim3A_463 : vector<16xf32> to vector<1x16xf32>
    tpu.vector_store %arg9[%swap3A_465, %swap3A_466], %swap3A_469 {strides = array<i32>} : memref<16x128xf32, #tpu.memory_space<vmem>>, vector<1x16xf32>,
    %broadcast_in_dim3A_470 = arith.constant 0.000000e+00 : f32
    %broadcast_in_dim3A_471 = vector.broadcast %broadcast_in_dim3A_470 : f32 to vector<16xf32>
    %swap3A_472 = arith.constant 7 : i32
    %swap3A_473 = arith.index_cast %swap3A_472 : i32 to index
    %swap3A_474 = arith.constant 48 : index
    %swap3A_475 = tpu.vector_load %arg9[%swap3A_473, %swap3A_474] {strides = array<i32>} : memref<16x128xf32, #tpu.memory_space<vmem>>, vector<1x16xf32>,
    %swap3A_476 = vector.shape_cast %swap3A_475 : vector<1x16xf32> to vector<16xf32>
    %swap3A_477 = vector.shape_cast %broadcast_in_dim3A_471 : vector<16xf32> to vector<1x16xf32>
    tpu.vector_store %arg9[%swap3A_473, %swap3A_474], %swap3A_477 {strides = array<i32>} : memref<16x128xf32, #tpu.memory_space<vmem>>, vector<1x16xf32>,
    %broadcast_in_dim3A_478 = arith.constant 0.000000e+00 : f32
    %broadcast_in_dim3A_479 = vector.broadcast %broadcast_in_dim3A_478 : f32 to vector<16xf32>
    %swap3A_480 = arith.constant 7 : i32
    %swap3A_481 = arith.index_cast %swap3A_480 : i32 to index
    %swap3A_482 = arith.constant 64 : index
    %swap3A_483 = tpu.vector_load %arg9[%swap3A_481, %swap3A_482] {strides = array<i32>} : memref<16x128xf32, #tpu.memory_space<vmem>>, vector<1x16xf32>,
    %swap3A_484 = vector.shape_cast %swap3A_483 : vector<1x16xf32> to vector<16xf32>
    %swap3A_485 = vector.shape_cast %broadcast_in_dim3A_479 : vector<16xf32> to vector<1x16xf32>
    tpu.vector_store %arg9[%swap3A_481, %swap3A_482], %swap3A_485 {strides = array<i32>} : memref<16x128xf32, #tpu.memory_space<vmem>>, vector<1x16xf32>,
    %broadcast_in_dim3A_486 = arith.constant 0.000000e+00 : f32
    %broadcast_in_dim3A_487 = vector.broadcast %broadcast_in_dim3A_486 : f32 to vector<16xf32>
    %swap3A_488 = arith.constant 7 : i32
    %swap3A_489 = arith.index_cast %swap3A_488 : i32 to index
    %swap3A_490 = arith.constant 80 : index
    %swap3A_491 = tpu.vector_load %arg9[%swap3A_489, %swap3A_490] {strides = array<i32>} : memref<16x128xf32, #tpu.memory_space<vmem>>, vector<1x16xf32>,
    %swap3A_492 = vector.shape_cast %swap3A_491 : vector<1x16xf32> to vector<16xf32>
    %swap3A_493 = vector.shape_cast %broadcast_in_dim3A_487 : vector<16xf32> to vector<1x16xf32>
    tpu.vector_store %arg9[%swap3A_489, %swap3A_490], %swap3A_493 {strides = array<i32>} : memref<16x128xf32, #tpu.memory_space<vmem>>, vector<1x16xf32>,
    %broadcast_in_dim3A_494 = arith.constant 0.000000e+00 : f32
    %broadcast_in_dim3A_495 = vector.broadcast %broadcast_in_dim3A_494 : f32 to vector<16xf32>
    %swap3A_496 = arith.constant 7 : i32
    %swap3A_497 = arith.index_cast %swap3A_496 : i32 to index
    %swap3A_498 = arith.constant 96 : index
    %swap3A_499 = tpu.vector_load %arg9[%swap3A_497, %swap3A_498] {strides = array<i32>} : memref<16x128xf32, #tpu.memory_space<vmem>>, vector<1x16xf32>,
    %swap3A_500 = vector.shape_cast %swap3A_499 : vector<1x16xf32> to vector<16xf32>
    %swap3A_501 = vector.shape_cast %broadcast_in_dim3A_495 : vector<16xf32> to vector<1x16xf32>
    tpu.vector_store %arg9[%swap3A_497, %swap3A_498], %swap3A_501 {strides = array<i32>} : memref<16x128xf32, #tpu.memory_space<vmem>>, vector<1x16xf32>,
    %broadcast_in_dim3A_502 = arith.constant 0.000000e+00 : f32
    %broadcast_in_dim3A_503 = vector.broadcast %broadcast_in_dim3A_502 : f32 to vector<16xf32>
    %swap3A_504 = arith.constant 7 : i32
    %swap3A_505 = arith.index_cast %swap3A_504 : i32 to index
    %swap3A_506 = arith.constant 112 : index
    %swap3A_507 = tpu.vector_load %arg9[%swap3A_505, %swap3A_506] {strides = array<i32>} : memref<16x128xf32, #tpu.memory_space<vmem>>, vector<1x16xf32>,
    %swap3A_508 = vector.shape_cast %swap3A_507 : vector<1x16xf32> to vector<16xf32>
    %swap3A_509 = vector.shape_cast %broadcast_in_dim3A_503 : vector<16xf32> to vector<1x16xf32>
    tpu.vector_store %arg9[%swap3A_505, %swap3A_506], %swap3A_509 {strides = array<i32>} : memref<16x128xf32, #tpu.memory_space<vmem>>, vector<1x16xf32>,
    %broadcast_in_dim3A_510 = arith.constant 0.000000e+00 : f32
    %broadcast_in_dim3A_511 = vector.broadcast %broadcast_in_dim3A_510 : f32 to vector<16xf32>
    %swap3A_512 = arith.constant 8 : i32
    %swap3A_513 = arith.index_cast %swap3A_512 : i32 to index
    %swap3A_514 = arith.constant 0 : index
    %swap3A_515 = tpu.vector_load %arg9[%swap3A_513, %swap3A_514] {strides = array<i32>} : memref<16x128xf32, #tpu.memory_space<vmem>>, vector<1x16xf32>,
    %swap3A_516 = vector.shape_cast %swap3A_515 : vector<1x16xf32> to vector<16xf32>
    %swap3A_517 = vector.shape_cast %broadcast_in_dim3A_511 : vector<16xf32> to vector<1x16xf32>
    tpu.vector_store %arg9[%swap3A_513, %swap3A_514], %swap3A_517 {strides = array<i32>} : memref<16x128xf32, #tpu.memory_space<vmem>>, vector<1x16xf32>,
    %broadcast_in_dim3A_518 = arith.constant 0.000000e+00 : f32
    %broadcast_in_dim3A_519 = vector.broadcast %broadcast_in_dim3A_518 : f32 to vector<16xf32>
    %swap3A_520 = arith.constant 8 : i32
    %swap3A_521 = arith.index_cast %swap3A_520 : i32 to index
    %swap3A_522 = arith.constant 16 : index
    %swap3A_523 = tpu.vector_load %arg9[%swap3A_521, %swap3A_522] {strides = array<i32>} : memref<16x128xf32, #tpu.memory_space<vmem>>, vector<1x16xf32>,
    %swap3A_524 = vector.shape_cast %swap3A_523 : vector<1x16xf32> to vector<16xf32>
    %swap3A_525 = vector.shape_cast %broadcast_in_dim3A_519 : vector<16xf32> to vector<1x16xf32>
    tpu.vector_store %arg9[%swap3A_521, %swap3A_522], %swap3A_525 {strides = array<i32>} : memref<16x128xf32, #tpu.memory_space<vmem>>, vector<1x16xf32>,
    %broadcast_in_dim3A_526 = arith.constant 0.000000e+00 : f32
    %broadcast_in_dim3A_527 = vector.broadcast %broadcast_in_dim3A_526 : f32 to vector<16xf32>
    %swap3A_528 = arith.constant 8 : i32
    %swap3A_529 = arith.index_cast %swap3A_528 : i32 to index
    %swap3A_530 = arith.constant 32 : index
    %swap3A_531 = tpu.vector_load %arg9[%swap3A_529, %swap3A_530] {strides = array<i32>} : memref<16x128xf32, #tpu.memory_space<vmem>>, vector<1x16xf32>,
    %swap3A_532 = vector.shape_cast %swap3A_531 : vector<1x16xf32> to vector<16xf32>
    %swap3A_533 = vector.shape_cast %broadcast_in_dim3A_527 : vector<16xf32> to vector<1x16xf32>
    tpu.vector_store %arg9[%swap3A_529, %swap3A_530], %swap3A_533 {strides = array<i32>} : memref<16x128xf32, #tpu.memory_space<vmem>>, vector<1x16xf32>,
    %broadcast_in_dim3A_534 = arith.constant 0.000000e+00 : f32
    %broadcast_in_dim3A_535 = vector.broadcast %broadcast_in_dim3A_534 : f32 to vector<16xf32>
    %swap3A_536 = arith.constant 8 : i32
    %swap3A_537 = arith.index_cast %swap3A_536 : i32 to index
    %swap3A_538 = arith.constant 48 : index
    %swap3A_539 = tpu.vector_load %arg9[%swap3A_537, %swap3A_538] {strides = array<i32>} : memref<16x128xf32, #tpu.memory_space<vmem>>, vector<1x16xf32>,
    %swap3A_540 = vector.shape_cast %swap3A_539 : vector<1x16xf32> to vector<16xf32>
    %swap3A_541 = vector.shape_cast %broadcast_in_dim3A_535 : vector<16xf32> to vector<1x16xf32>
    tpu.vector_store %arg9[%swap3A_537, %swap3A_538], %swap3A_541 {strides = array<i32>} : memref<16x128xf32, #tpu.memory_space<vmem>>, vector<1x16xf32>,
    %broadcast_in_dim3A_542 = arith.constant 0.000000e+00 : f32
    %broadcast_in_dim3A_543 = vector.broadcast %broadcast_in_dim3A_542 : f32 to vector<16xf32>
    %swap3A_544 = arith.constant 8 : i32
    %swap3A_545 = arith.index_cast %swap3A_544 : i32 to index
    %swap3A_546 = arith.constant 64 : index
    %swap3A_547 = tpu.vector_load %arg9[%swap3A_545, %swap3A_546] {strides = array<i32>} : memref<16x128xf32, #tpu.memory_space<vmem>>, vector<1x16xf32>,
    %swap3A_548 = vector.shape_cast %swap3A_547 : vector<1x16xf32> to vector<16xf32>
    %swap3A_549 = vector.shape_cast %broadcast_in_dim3A_543 : vector<16xf32> to vector<1x16xf32>
    tpu.vector_store %arg9[%swap3A_545, %swap3A_546], %swap3A_549 {strides = array<i32>} : memref<16x128xf32, #tpu.memory_space<vmem>>, vector<1x16xf32>,
    %broadcast_in_dim3A_550 = arith.constant 0.000000e+00 : f32
    %broadcast_in_dim3A_551 = vector.broadcast %broadcast_in_dim3A_550 : f32 to vector<16xf32>
    %swap3A_552 = arith.constant 8 : i32
    %swap3A_553 = arith.index_cast %swap3A_552 : i32 to index
    %swap3A_554 = arith.constant 80 : index
    %swap3A_555 = tpu.vector_load %arg9[%swap3A_553, %swap3A_554] {strides = array<i32>} : memref<16x128xf32, #tpu.memory_space<vmem>>, vector<1x16xf32>,
    %swap3A_556 = vector.shape_cast %swap3A_555 : vector<1x16xf32> to vector<16xf32>
    %swap3A_557 = vector.shape_cast %broadcast_in_dim3A_551 : vector<16xf32> to vector<1x16xf32>
    tpu.vector_store %arg9[%swap3A_553, %swap3A_554], %swap3A_557 {strides = array<i32>} : memref<16x128xf32, #tpu.memory_space<vmem>>, vector<1x16xf32>,
    %broadcast_in_dim3A_558 = arith.constant 0.000000e+00 : f32
    %broadcast_in_dim3A_559 = vector.broadcast %broadcast_in_dim3A_558 : f32 to vector<16xf32>
    %swap3A_560 = arith.constant 8 : i32
    %swap3A_561 = arith.index_cast %swap3A_560 : i32 to index
    %swap3A_562 = arith.constant 96 : index
    %swap3A_563 = tpu.vector_load %arg9[%swap3A_561, %swap3A_562] {strides = array<i32>} : memref<16x128xf32, #tpu.memory_space<vmem>>, vector<1x16xf32>,
    %swap3A_564 = vector.shape_cast %swap3A_563 : vector<1x16xf32> to vector<16xf32>
    %swap3A_565 = vector.shape_cast %broadcast_in_dim3A_559 : vector<16xf32> to vector<1x16xf32>
    tpu.vector_store %arg9[%swap3A_561, %swap3A_562], %swap3A_565 {strides = array<i32>} : memref<16x128xf32, #tpu.memory_space<vmem>>, vector<1x16xf32>,
    %broadcast_in_dim3A_566 = arith.constant 0.000000e+00 : f32
    %broadcast_in_dim3A_567 = vector.broadcast %broadcast_in_dim3A_566 : f32 to vector<16xf32>
    %swap3A_568 = arith.constant 8 : i32
    %swap3A_569 = arith.index_cast %swap3A_568 : i32 to index
    %swap3A_570 = arith.constant 112 : index
    %swap3A_571 = tpu.vector_load %arg9[%swap3A_569, %swap3A_570] {strides = array<i32>} : memref<16x128xf32, #tpu.memory_space<vmem>>, vector<1x16xf32>,
    %swap3A_572 = vector.shape_cast %swap3A_571 : vector<1x16xf32> to vector<16xf32>
    %swap3A_573 = vector.shape_cast %broadcast_in_dim3A_567 : vector<16xf32> to vector<1x16xf32>
    tpu.vector_store %arg9[%swap3A_569, %swap3A_570], %swap3A_573 {strides = array<i32>} : memref<16x128xf32, #tpu.memory_space<vmem>>, vector<1x16xf32>,
    %broadcast_in_dim3A_574 = arith.constant 0.000000e+00 : f32
    %broadcast_in_dim3A_575 = vector.broadcast %broadcast_in_dim3A_574 : f32 to vector<16xf32>
    %swap3A_576 = arith.constant 9 : i32
    %swap3A_577 = arith.index_cast %swap3A_576 : i32 to index
    %swap3A_578 = arith.constant 0 : index
    %swap3A_579 = tpu.vector_load %arg9[%swap3A_577, %swap3A_578] {strides = array<i32>} : memref<16x128xf32, #tpu.memory_space<vmem>>, vector<1x16xf32>,
    %swap3A_580 = vector.shape_cast %swap3A_579 : vector<1x16xf32> to vector<16xf32>
    %swap3A_581 = vector.shape_cast %broadcast_in_dim3A_575 : vector<16xf32> to vector<1x16xf32>
    tpu.vector_store %arg9[%swap3A_577, %swap3A_578], %swap3A_581 {strides = array<i32>} : memref<16x128xf32, #tpu.memory_space<vmem>>, vector<1x16xf32>,
    %broadcast_in_dim3A_582 = arith.constant 0.000000e+00 : f32
    %broadcast_in_dim3A_583 = vector.broadcast %broadcast_in_dim3A_582 : f32 to vector<16xf32>
    %swap3A_584 = arith.constant 9 : i32
    %swap3A_585 = arith.index_cast %swap3A_584 : i32 to index
    %swap3A_586 = arith.constant 16 : index
    %swap3A_587 = tpu.vector_load %arg9[%swap3A_585, %swap3A_586] {strides = array<i32>} : memref<16x128xf32, #tpu.memory_space<vmem>>, vector<1x16xf32>,
    %swap3A_588 = vector.shape_cast %swap3A_587 : vector<1x16xf32> to vector<16xf32>
    %swap3A_589 = vector.shape_cast %broadcast_in_dim3A_583 : vector<16xf32> to vector<1x16xf32>
    tpu.vector_store %arg9[%swap3A_585, %swap3A_586], %swap3A_589 {strides = array<i32>} : memref<16x128xf32, #tpu.memory_space<vmem>>, vector<1x16xf32>,
    %broadcast_in_dim3A_590 = arith.constant 0.000000e+00 : f32
    %broadcast_in_dim3A_591 = vector.broadcast %broadcast_in_dim3A_590 : f32 to vector<16xf32>
    %swap3A_592 = arith.constant 9 : i32
    %swap3A_593 = arith.index_cast %swap3A_592 : i32 to index
    %swap3A_594 = arith.constant 32 : index
    %swap3A_595 = tpu.vector_load %arg9[%swap3A_593, %swap3A_594] {strides = array<i32>} : memref<16x128xf32, #tpu.memory_space<vmem>>, vector<1x16xf32>,
    %swap3A_596 = vector.shape_cast %swap3A_595 : vector<1x16xf32> to vector<16xf32>
    %swap3A_597 = vector.shape_cast %broadcast_in_dim3A_591 : vector<16xf32> to vector<1x16xf32>
    tpu.vector_store %arg9[%swap3A_593, %swap3A_594], %swap3A_597 {strides = array<i32>} : memref<16x128xf32, #tpu.memory_space<vmem>>, vector<1x16xf32>,
    %broadcast_in_dim3A_598 = arith.constant 0.000000e+00 : f32
    %broadcast_in_dim3A_599 = vector.broadcast %broadcast_in_dim3A_598 : f32 to vector<16xf32>
    %swap3A_600 = arith.constant 9 : i32
    %swap3A_601 = arith.index_cast %swap3A_600 : i32 to index
    %swap3A_602 = arith.constant 48 : index
    %swap3A_603 = tpu.vector_load %arg9[%swap3A_601, %swap3A_602] {strides = array<i32>} : memref<16x128xf32, #tpu.memory_space<vmem>>, vector<1x16xf32>,
    %swap3A_604 = vector.shape_cast %swap3A_603 : vector<1x16xf32> to vector<16xf32>
    %swap3A_605 = vector.shape_cast %broadcast_in_dim3A_599 : vector<16xf32> to vector<1x16xf32>
    tpu.vector_store %arg9[%swap3A_601, %swap3A_602], %swap3A_605 {strides = array<i32>} : memref<16x128xf32, #tpu.memory_space<vmem>>, vector<1x16xf32>,
    %broadcast_in_dim3A_606 = arith.constant 0.000000e+00 : f32
    %broadcast_in_dim3A_607 = vector.broadcast %broadcast_in_dim3A_606 : f32 to vector<16xf32>
    %swap3A_608 = arith.constant 9 : i32
    %swap3A_609 = arith.index_cast %swap3A_608 : i32 to index
    %swap3A_610 = arith.constant 64 : index
    %swap3A_611 = tpu.vector_load %arg9[%swap3A_609, %swap3A_610] {strides = array<i32>} : memref<16x128xf32, #tpu.memory_space<vmem>>, vector<1x16xf32>,
    %swap3A_612 = vector.shape_cast %swap3A_611 : vector<1x16xf32> to vector<16xf32>
    %swap3A_613 = vector.shape_cast %broadcast_in_dim3A_607 : vector<16xf32> to vector<1x16xf32>
    tpu.vector_store %arg9[%swap3A_609, %swap3A_610], %swap3A_613 {strides = array<i32>} : memref<16x128xf32, #tpu.memory_space<vmem>>, vector<1x16xf32>,
    %broadcast_in_dim3A_614 = arith.constant 0.000000e+00 : f32
    %broadcast_in_dim3A_615 = vector.broadcast %broadcast_in_dim3A_614 : f32 to vector<16xf32>
    %swap3A_616 = arith.constant 9 : i32
    %swap3A_617 = arith.index_cast %swap3A_616 : i32 to index
    %swap3A_618 = arith.constant 80 : index
    %swap3A_619 = tpu.vector_load %arg9[%swap3A_617, %swap3A_618] {strides = array<i32>} : memref<16x128xf32, #tpu.memory_space<vmem>>, vector<1x16xf32>,
    %swap3A_620 = vector.shape_cast %swap3A_619 : vector<1x16xf32> to vector<16xf32>
    %swap3A_621 = vector.shape_cast %broadcast_in_dim3A_615 : vector<16xf32> to vector<1x16xf32>
    tpu.vector_store %arg9[%swap3A_617, %swap3A_618], %swap3A_621 {strides = array<i32>} : memref<16x128xf32, #tpu.memory_space<vmem>>, vector<1x16xf32>,
    %broadcast_in_dim3A_622 = arith.constant 0.000000e+00 : f32
    %broadcast_in_dim3A_623 = vector.broadcast %broadcast_in_dim3A_622 : f32 to vector<16xf32>
    %swap3A_624 = arith.constant 9 : i32
    %swap3A_625 = arith.index_cast %swap3A_624 : i32 to index
    %swap3A_626 = arith.constant 96 : index
    %swap3A_627 = tpu.vector_load %arg9[%swap3A_625, %swap3A_626] {strides = array<i32>} : memref<16x128xf32, #tpu.memory_space<vmem>>, vector<1x16xf32>,
    %swap3A_628 = vector.shape_cast %swap3A_627 : vector<1x16xf32> to vector<16xf32>
    %swap3A_629 = vector.shape_cast %broadcast_in_dim3A_623 : vector<16xf32> to vector<1x16xf32>
    tpu.vector_store %arg9[%swap3A_625, %swap3A_626], %swap3A_629 {strides = array<i32>} : memref<16x128xf32, #tpu.memory_space<vmem>>, vector<1x16xf32>,
    %broadcast_in_dim3A_630 = arith.constant 0.000000e+00 : f32
    %broadcast_in_dim3A_631 = vector.broadcast %broadcast_in_dim3A_630 : f32 to vector<16xf32>
    %swap3A_632 = arith.constant 9 : i32
    %swap3A_633 = arith.index_cast %swap3A_632 : i32 to index
    %swap3A_634 = arith.constant 112 : index
    %swap3A_635 = tpu.vector_load %arg9[%swap3A_633, %swap3A_634] {strides = array<i32>} : memref<16x128xf32, #tpu.memory_space<vmem>>, vector<1x16xf32>,
    %swap3A_636 = vector.shape_cast %swap3A_635 : vector<1x16xf32> to vector<16xf32>
    %swap3A_637 = vector.shape_cast %broadcast_in_dim3A_631 : vector<16xf32> to vector<1x16xf32>
    tpu.vector_store %arg9[%swap3A_633, %swap3A_634], %swap3A_637 {strides = array<i32>} : memref<16x128xf32, #tpu.memory_space<vmem>>, vector<1x16xf32>,
    %broadcast_in_dim3A_638 = arith.constant 0.000000e+00 : f32
    %broadcast_in_dim3A_639 = vector.broadcast %broadcast_in_dim3A_638 : f32 to vector<16xf32>
    %swap3A_640 = arith.constant 10 : i32
    %swap3A_641 = arith.index_cast %swap3A_640 : i32 to index
    %swap3A_642 = arith.constant 0 : index
    %swap3A_643 = tpu.vector_load %arg9[%swap3A_641, %swap3A_642] {strides = array<i32>} : memref<16x128xf32, #tpu.memory_space<vmem>>, vector<1x16xf32>,
    %swap3A_644 = vector.shape_cast %swap3A_643 : vector<1x16xf32> to vector<16xf32>
    %swap3A_645 = vector.shape_cast %broadcast_in_dim3A_639 : vector<16xf32> to vector<1x16xf32>
    tpu.vector_store %arg9[%swap3A_641, %swap3A_642], %swap3A_645 {strides = array<i32>} : memref<16x128xf32, #tpu.memory_space<vmem>>, vector<1x16xf32>,
    %broadcast_in_dim3A_646 = arith.constant 0.000000e+00 : f32
    %broadcast_in_dim3A_647 = vector.broadcast %broadcast_in_dim3A_646 : f32 to vector<16xf32>
    %swap3A_648 = arith.constant 10 : i32
    %swap3A_649 = arith.index_cast %swap3A_648 : i32 to index
    %swap3A_650 = arith.constant 16 : index
    %swap3A_651 = tpu.vector_load %arg9[%swap3A_649, %swap3A_650] {strides = array<i32>} : memref<16x128xf32, #tpu.memory_space<vmem>>, vector<1x16xf32>,
    %swap3A_652 = vector.shape_cast %swap3A_651 : vector<1x16xf32> to vector<16xf32>
    %swap3A_653 = vector.shape_cast %broadcast_in_dim3A_647 : vector<16xf32> to vector<1x16xf32>
    tpu.vector_store %arg9[%swap3A_649, %swap3A_650], %swap3A_653 {strides = array<i32>} : memref<16x128xf32, #tpu.memory_space<vmem>>, vector<1x16xf32>,
    %broadcast_in_dim3A_654 = arith.constant 0.000000e+00 : f32
    %broadcast_in_dim3A_655 = vector.broadcast %broadcast_in_dim3A_654 : f32 to vector<16xf32>
    %swap3A_656 = arith.constant 10 : i32
    %swap3A_657 = arith.index_cast %swap3A_656 : i32 to index
    %swap3A_658 = arith.constant 32 : index
    %swap3A_659 = tpu.vector_load %arg9[%swap3A_657, %swap3A_658] {strides = array<i32>} : memref<16x128xf32, #tpu.memory_space<vmem>>, vector<1x16xf32>,
    %swap3A_660 = vector.shape_cast %swap3A_659 : vector<1x16xf32> to vector<16xf32>
    %swap3A_661 = vector.shape_cast %broadcast_in_dim3A_655 : vector<16xf32> to vector<1x16xf32>
    tpu.vector_store %arg9[%swap3A_657, %swap3A_658], %swap3A_661 {strides = array<i32>} : memref<16x128xf32, #tpu.memory_space<vmem>>, vector<1x16xf32>,
    %broadcast_in_dim3A_662 = arith.constant 0.000000e+00 : f32
    %broadcast_in_dim3A_663 = vector.broadcast %broadcast_in_dim3A_662 : f32 to vector<16xf32>
    %swap3A_664 = arith.constant 10 : i32
    %swap3A_665 = arith.index_cast %swap3A_664 : i32 to index
    %swap3A_666 = arith.constant 48 : index
    %swap3A_667 = tpu.vector_load %arg9[%swap3A_665, %swap3A_666] {strides = array<i32>} : memref<16x128xf32, #tpu.memory_space<vmem>>, vector<1x16xf32>,
    %swap3A_668 = vector.shape_cast %swap3A_667 : vector<1x16xf32> to vector<16xf32>
    %swap3A_669 = vector.shape_cast %broadcast_in_dim3A_663 : vector<16xf32> to vector<1x16xf32>
    tpu.vector_store %arg9[%swap3A_665, %swap3A_666], %swap3A_669 {strides = array<i32>} : memref<16x128xf32, #tpu.memory_space<vmem>>, vector<1x16xf32>,
    %broadcast_in_dim3A_670 = arith.constant 0.000000e+00 : f32
    %broadcast_in_dim3A_671 = vector.broadcast %broadcast_in_dim3A_670 : f32 to vector<16xf32>
    %swap3A_672 = arith.constant 10 : i32
    %swap3A_673 = arith.index_cast %swap3A_672 : i32 to index
    %swap3A_674 = arith.constant 64 : index
    %swap3A_675 = tpu.vector_load %arg9[%swap3A_673, %swap3A_674] {strides = array<i32>} : memref<16x128xf32, #tpu.memory_space<vmem>>, vector<1x16xf32>,
    %swap3A_676 = vector.shape_cast %swap3A_675 : vector<1x16xf32> to vector<16xf32>
    %swap3A_677 = vector.shape_cast %broadcast_in_dim3A_671 : vector<16xf32> to vector<1x16xf32>
    tpu.vector_store %arg9[%swap3A_673, %swap3A_674], %swap3A_677 {strides = array<i32>} : memref<16x128xf32, #tpu.memory_space<vmem>>, vector<1x16xf32>,
    %broadcast_in_dim3A_678 = arith.constant 0.000000e+00 : f32
    %broadcast_in_dim3A_679 = vector.broadcast %broadcast_in_dim3A_678 : f32 to vector<16xf32>
    %swap3A_680 = arith.constant 10 : i32
    %swap3A_681 = arith.index_cast %swap3A_680 : i32 to index
    %swap3A_682 = arith.constant 80 : index
    %swap3A_683 = tpu.vector_load %arg9[%swap3A_681, %swap3A_682] {strides = array<i32>} : memref<16x128xf32, #tpu.memory_space<vmem>>, vector<1x16xf32>,
    %swap3A_684 = vector.shape_cast %swap3A_683 : vector<1x16xf32> to vector<16xf32>
    %swap3A_685 = vector.shape_cast %broadcast_in_dim3A_679 : vector<16xf32> to vector<1x16xf32>
    tpu.vector_store %arg9[%swap3A_681, %swap3A_682], %swap3A_685 {strides = array<i32>} : memref<16x128xf32, #tpu.memory_space<vmem>>, vector<1x16xf32>,
    %broadcast_in_dim3A_686 = arith.constant 0.000000e+00 : f32
    %broadcast_in_dim3A_687 = vector.broadcast %broadcast_in_dim3A_686 : f32 to vector<16xf32>
    %swap3A_688 = arith.constant 10 : i32
    %swap3A_689 = arith.index_cast %swap3A_688 : i32 to index
    %swap3A_690 = arith.constant 96 : index
    %swap3A_691 = tpu.vector_load %arg9[%swap3A_689, %swap3A_690] {strides = array<i32>} : memref<16x128xf32, #tpu.memory_space<vmem>>, vector<1x16xf32>,
    %swap3A_692 = vector.shape_cast %swap3A_691 : vector<1x16xf32> to vector<16xf32>
    %swap3A_693 = vector.shape_cast %broadcast_in_dim3A_687 : vector<16xf32> to vector<1x16xf32>
    tpu.vector_store %arg9[%swap3A_689, %swap3A_690], %swap3A_693 {strides = array<i32>} : memref<16x128xf32, #tpu.memory_space<vmem>>, vector<1x16xf32>,
    %broadcast_in_dim3A_694 = arith.constant 0.000000e+00 : f32
    %broadcast_in_dim3A_695 = vector.broadcast %broadcast_in_dim3A_694 : f32 to vector<16xf32>
    %swap3A_696 = arith.constant 10 : i32
    %swap3A_697 = arith.index_cast %swap3A_696 : i32 to index
    %swap3A_698 = arith.constant 112 : index
    %swap3A_699 = tpu.vector_load %arg9[%swap3A_697, %swap3A_698] {strides = array<i32>} : memref<16x128xf32, #tpu.memory_space<vmem>>, vector<1x16xf32>,
    %swap3A_700 = vector.shape_cast %swap3A_699 : vector<1x16xf32> to vector<16xf32>
    %swap3A_701 = vector.shape_cast %broadcast_in_dim3A_695 : vector<16xf32> to vector<1x16xf32>
    tpu.vector_store %arg9[%swap3A_697, %swap3A_698], %swap3A_701 {strides = array<i32>} : memref<16x128xf32, #tpu.memory_space<vmem>>, vector<1x16xf32>,
    %broadcast_in_dim3A_702 = arith.constant 0.000000e+00 : f32
    %broadcast_in_dim3A_703 = vector.broadcast %broadcast_in_dim3A_702 : f32 to vector<16xf32>
    %swap3A_704 = arith.constant 11 : i32
    %swap3A_705 = arith.index_cast %swap3A_704 : i32 to index
    %swap3A_706 = arith.constant 0 : index
    %swap3A_707 = tpu.vector_load %arg9[%swap3A_705, %swap3A_706] {strides = array<i32>} : memref<16x128xf32, #tpu.memory_space<vmem>>, vector<1x16xf32>,
    %swap3A_708 = vector.shape_cast %swap3A_707 : vector<1x16xf32> to vector<16xf32>
    %swap3A_709 = vector.shape_cast %broadcast_in_dim3A_703 : vector<16xf32> to vector<1x16xf32>
    tpu.vector_store %arg9[%swap3A_705, %swap3A_706], %swap3A_709 {strides = array<i32>} : memref<16x128xf32, #tpu.memory_space<vmem>>, vector<1x16xf32>,
    %broadcast_in_dim3A_710 = arith.constant 0.000000e+00 : f32
    %broadcast_in_dim3A_711 = vector.broadcast %broadcast_in_dim3A_710 : f32 to vector<16xf32>
    %swap3A_712 = arith.constant 11 : i32
    %swap3A_713 = arith.index_cast %swap3A_712 : i32 to index
    %swap3A_714 = arith.constant 16 : index
    %swap3A_715 = tpu.vector_load %arg9[%swap3A_713, %swap3A_714] {strides = array<i32>} : memref<16x128xf32, #tpu.memory_space<vmem>>, vector<1x16xf32>,
    %swap3A_716 = vector.shape_cast %swap3A_715 : vector<1x16xf32> to vector<16xf32>
    %swap3A_717 = vector.shape_cast %broadcast_in_dim3A_711 : vector<16xf32> to vector<1x16xf32>
    tpu.vector_store %arg9[%swap3A_713, %swap3A_714], %swap3A_717 {strides = array<i32>} : memref<16x128xf32, #tpu.memory_space<vmem>>, vector<1x16xf32>,
    %broadcast_in_dim3A_718 = arith.constant 0.000000e+00 : f32
    %broadcast_in_dim3A_719 = vector.broadcast %broadcast_in_dim3A_718 : f32 to vector<16xf32>
    %swap3A_720 = arith.constant 11 : i32
    %swap3A_721 = arith.index_cast %swap3A_720 : i32 to index
    %swap3A_722 = arith.constant 32 : index
    %swap3A_723 = tpu.vector_load %arg9[%swap3A_721, %swap3A_722] {strides = array<i32>} : memref<16x128xf32, #tpu.memory_space<vmem>>, vector<1x16xf32>,
    %swap3A_724 = vector.shape_cast %swap3A_723 : vector<1x16xf32> to vector<16xf32>
    %swap3A_725 = vector.shape_cast %broadcast_in_dim3A_719 : vector<16xf32> to vector<1x16xf32>
    tpu.vector_store %arg9[%swap3A_721, %swap3A_722], %swap3A_725 {strides = array<i32>} : memref<16x128xf32, #tpu.memory_space<vmem>>, vector<1x16xf32>,
    %broadcast_in_dim3A_726 = arith.constant 0.000000e+00 : f32
    %broadcast_in_dim3A_727 = vector.broadcast %broadcast_in_dim3A_726 : f32 to vector<16xf32>
    %swap3A_728 = arith.constant 11 : i32
    %swap3A_729 = arith.index_cast %swap3A_728 : i32 to index
    %swap3A_730 = arith.constant 48 : index
    %swap3A_731 = tpu.vector_load %arg9[%swap3A_729, %swap3A_730] {strides = array<i32>} : memref<16x128xf32, #tpu.memory_space<vmem>>, vector<1x16xf32>,
    %swap3A_732 = vector.shape_cast %swap3A_731 : vector<1x16xf32> to vector<16xf32>
    %swap3A_733 = vector.shape_cast %broadcast_in_dim3A_727 : vector<16xf32> to vector<1x16xf32>
    tpu.vector_store %arg9[%swap3A_729, %swap3A_730], %swap3A_733 {strides = array<i32>} : memref<16x128xf32, #tpu.memory_space<vmem>>, vector<1x16xf32>,
    %broadcast_in_dim3A_734 = arith.constant 0.000000e+00 : f32
    %broadcast_in_dim3A_735 = vector.broadcast %broadcast_in_dim3A_734 : f32 to vector<16xf32>
    %swap3A_736 = arith.constant 11 : i32
    %swap3A_737 = arith.index_cast %swap3A_736 : i32 to index
    %swap3A_738 = arith.constant 64 : index
    %swap3A_739 = tpu.vector_load %arg9[%swap3A_737, %swap3A_738] {strides = array<i32>} : memref<16x128xf32, #tpu.memory_space<vmem>>, vector<1x16xf32>,
    %swap3A_740 = vector.shape_cast %swap3A_739 : vector<1x16xf32> to vector<16xf32>
    %swap3A_741 = vector.shape_cast %broadcast_in_dim3A_735 : vector<16xf32> to vector<1x16xf32>
    tpu.vector_store %arg9[%swap3A_737, %swap3A_738], %swap3A_741 {strides = array<i32>} : memref<16x128xf32, #tpu.memory_space<vmem>>, vector<1x16xf32>,
    %broadcast_in_dim3A_742 = arith.constant 0.000000e+00 : f32
    %broadcast_in_dim3A_743 = vector.broadcast %broadcast_in_dim3A_742 : f32 to vector<16xf32>
    %swap3A_744 = arith.constant 11 : i32
    %swap3A_745 = arith.index_cast %swap3A_744 : i32 to index
    %swap3A_746 = arith.constant 80 : index
    %swap3A_747 = tpu.vector_load %arg9[%swap3A_745, %swap3A_746] {strides = array<i32>} : memref<16x128xf32, #tpu.memory_space<vmem>>, vector<1x16xf32>,
    %swap3A_748 = vector.shape_cast %swap3A_747 : vector<1x16xf32> to vector<16xf32>
    %swap3A_749 = vector.shape_cast %broadcast_in_dim3A_743 : vector<16xf32> to vector<1x16xf32>
    tpu.vector_store %arg9[%swap3A_745, %swap3A_746], %swap3A_749 {strides = array<i32>} : memref<16x128xf32, #tpu.memory_space<vmem>>, vector<1x16xf32>,
    %broadcast_in_dim3A_750 = arith.constant 0.000000e+00 : f32
    %broadcast_in_dim3A_751 = vector.broadcast %broadcast_in_dim3A_750 : f32 to vector<16xf32>
    %swap3A_752 = arith.constant 11 : i32
    %swap3A_753 = arith.index_cast %swap3A_752 : i32 to index
    %swap3A_754 = arith.constant 96 : index
    %swap3A_755 = tpu.vector_load %arg9[%swap3A_753, %swap3A_754] {strides = array<i32>} : memref<16x128xf32, #tpu.memory_space<vmem>>, vector<1x16xf32>,
    %swap3A_756 = vector.shape_cast %swap3A_755 : vector<1x16xf32> to vector<16xf32>
    %swap3A_757 = vector.shape_cast %broadcast_in_dim3A_751 : vector<16xf32> to vector<1x16xf32>
    tpu.vector_store %arg9[%swap3A_753, %swap3A_754], %swap3A_757 {strides = array<i32>} : memref<16x128xf32, #tpu.memory_space<vmem>>, vector<1x16xf32>,
    %broadcast_in_dim3A_758 = arith.constant 0.000000e+00 : f32
    %broadcast_in_dim3A_759 = vector.broadcast %broadcast_in_dim3A_758 : f32 to vector<16xf32>
    %swap3A_760 = arith.constant 11 : i32
    %swap3A_761 = arith.index_cast %swap3A_760 : i32 to index
    %swap3A_762 = arith.constant 112 : index
    %swap3A_763 = tpu.vector_load %arg9[%swap3A_761, %swap3A_762] {strides = array<i32>} : memref<16x128xf32, #tpu.memory_space<vmem>>, vector<1x16xf32>,
    %swap3A_764 = vector.shape_cast %swap3A_763 : vector<1x16xf32> to vector<16xf32>
    %swap3A_765 = vector.shape_cast %broadcast_in_dim3A_759 : vector<16xf32> to vector<1x16xf32>
    tpu.vector_store %arg9[%swap3A_761, %swap3A_762], %swap3A_765 {strides = array<i32>} : memref<16x128xf32, #tpu.memory_space<vmem>>, vector<1x16xf32>,
    %broadcast_in_dim3A_766 = arith.constant 0.000000e+00 : f32
    %broadcast_in_dim3A_767 = vector.broadcast %broadcast_in_dim3A_766 : f32 to vector<16xf32>
    %swap3A_768 = arith.constant 12 : i32
    %swap3A_769 = arith.index_cast %swap3A_768 : i32 to index
    %swap3A_770 = arith.constant 0 : index
    %swap3A_771 = tpu.vector_load %arg9[%swap3A_769, %swap3A_770] {strides = array<i32>} : memref<16x128xf32, #tpu.memory_space<vmem>>, vector<1x16xf32>,
    %swap3A_772 = vector.shape_cast %swap3A_771 : vector<1x16xf32> to vector<16xf32>
    %swap3A_773 = vector.shape_cast %broadcast_in_dim3A_767 : vector<16xf32> to vector<1x16xf32>
    tpu.vector_store %arg9[%swap3A_769, %swap3A_770], %swap3A_773 {strides = array<i32>} : memref<16x128xf32, #tpu.memory_space<vmem>>, vector<1x16xf32>,
    %broadcast_in_dim3A_774 = arith.constant 0.000000e+00 : f32
    %broadcast_in_dim3A_775 = vector.broadcast %broadcast_in_dim3A_774 : f32 to vector<16xf32>
    %swap3A_776 = arith.constant 12 : i32
    %swap3A_777 = arith.index_cast %swap3A_776 : i32 to index
    %swap3A_778 = arith.constant 16 : index
    %swap3A_779 = tpu.vector_load %arg9[%swap3A_777, %swap3A_778] {strides = array<i32>} : memref<16x128xf32, #tpu.memory_space<vmem>>, vector<1x16xf32>,
    %swap3A_780 = vector.shape_cast %swap3A_779 : vector<1x16xf32> to vector<16xf32>
    %swap3A_781 = vector.shape_cast %broadcast_in_dim3A_775 : vector<16xf32> to vector<1x16xf32>
    tpu.vector_store %arg9[%swap3A_777, %swap3A_778], %swap3A_781 {strides = array<i32>} : memref<16x128xf32, #tpu.memory_space<vmem>>, vector<1x16xf32>,
    %broadcast_in_dim3A_782 = arith.constant 0.000000e+00 : f32
    %broadcast_in_dim3A_783 = vector.broadcast %broadcast_in_dim3A_782 : f32 to vector<16xf32>
    %swap3A_784 = arith.constant 12 : i32
    %swap3A_785 = arith.index_cast %swap3A_784 : i32 to index
    %swap3A_786 = arith.constant 32 : index
    %swap3A_787 = tpu.vector_load %arg9[%swap3A_785, %swap3A_786] {strides = array<i32>} : memref<16x128xf32, #tpu.memory_space<vmem>>, vector<1x16xf32>,
    %swap3A_788 = vector.shape_cast %swap3A_787 : vector<1x16xf32> to vector<16xf32>
    %swap3A_789 = vector.shape_cast %broadcast_in_dim3A_783 : vector<16xf32> to vector<1x16xf32>
    tpu.vector_store %arg9[%swap3A_785, %swap3A_786], %swap3A_789 {strides = array<i32>} : memref<16x128xf32, #tpu.memory_space<vmem>>, vector<1x16xf32>,
    %broadcast_in_dim3A_790 = arith.constant 0.000000e+00 : f32
    %broadcast_in_dim3A_791 = vector.broadcast %broadcast_in_dim3A_790 : f32 to vector<16xf32>
    %swap3A_792 = arith.constant 12 : i32
    %swap3A_793 = arith.index_cast %swap3A_792 : i32 to index
    %swap3A_794 = arith.constant 48 : index
    %swap3A_795 = tpu.vector_load %arg9[%swap3A_793, %swap3A_794] {strides = array<i32>} : memref<16x128xf32, #tpu.memory_space<vmem>>, vector<1x16xf32>,
    %swap3A_796 = vector.shape_cast %swap3A_795 : vector<1x16xf32> to vector<16xf32>
    %swap3A_797 = vector.shape_cast %broadcast_in_dim3A_791 : vector<16xf32> to vector<1x16xf32>
    tpu.vector_store %arg9[%swap3A_793, %swap3A_794], %swap3A_797 {strides = array<i32>} : memref<16x128xf32, #tpu.memory_space<vmem>>, vector<1x16xf32>,
    %broadcast_in_dim3A_798 = arith.constant 0.000000e+00 : f32
    %broadcast_in_dim3A_799 = vector.broadcast %broadcast_in_dim3A_798 : f32 to vector<16xf32>
    %swap3A_800 = arith.constant 12 : i32
    %swap3A_801 = arith.index_cast %swap3A_800 : i32 to index
    %swap3A_802 = arith.constant 64 : index
    %swap3A_803 = tpu.vector_load %arg9[%swap3A_801, %swap3A_802] {strides = array<i32>} : memref<16x128xf32, #tpu.memory_space<vmem>>, vector<1x16xf32>,
    %swap3A_804 = vector.shape_cast %swap3A_803 : vector<1x16xf32> to vector<16xf32>
    %swap3A_805 = vector.shape_cast %broadcast_in_dim3A_799 : vector<16xf32> to vector<1x16xf32>
    tpu.vector_store %arg9[%swap3A_801, %swap3A_802], %swap3A_805 {strides = array<i32>} : memref<16x128xf32, #tpu.memory_space<vmem>>, vector<1x16xf32>,
    %broadcast_in_dim3A_806 = arith.constant 0.000000e+00 : f32
    %broadcast_in_dim3A_807 = vector.broadcast %broadcast_in_dim3A_806 : f32 to vector<16xf32>
    %swap3A_808 = arith.constant 12 : i32
    %swap3A_809 = arith.index_cast %swap3A_808 : i32 to index
    %swap3A_810 = arith.constant 80 : index
    %swap3A_811 = tpu.vector_load %arg9[%swap3A_809, %swap3A_810] {strides = array<i32>} : memref<16x128xf32, #tpu.memory_space<vmem>>, vector<1x16xf32>,
    %swap3A_812 = vector.shape_cast %swap3A_811 : vector<1x16xf32> to vector<16xf32>
    %swap3A_813 = vector.shape_cast %broadcast_in_dim3A_807 : vector<16xf32> to vector<1x16xf32>
    tpu.vector_store %arg9[%swap3A_809, %swap3A_810], %swap3A_813 {strides = array<i32>} : memref<16x128xf32, #tpu.memory_space<vmem>>, vector<1x16xf32>,
    %broadcast_in_dim3A_814 = arith.constant 0.000000e+00 : f32
    %broadcast_in_dim3A_815 = vector.broadcast %broadcast_in_dim3A_814 : f32 to vector<16xf32>
    %swap3A_816 = arith.constant 12 : i32
    %swap3A_817 = arith.index_cast %swap3A_816 : i32 to index
    %swap3A_818 = arith.constant 96 : index
    %swap3A_819 = tpu.vector_load %arg9[%swap3A_817, %swap3A_818] {strides = array<i32>} : memref<16x128xf32, #tpu.memory_space<vmem>>, vector<1x16xf32>,
    %swap3A_820 = vector.shape_cast %swap3A_819 : vector<1x16xf32> to vector<16xf32>
    %swap3A_821 = vector.shape_cast %broadcast_in_dim3A_815 : vector<16xf32> to vector<1x16xf32>
    tpu.vector_store %arg9[%swap3A_817, %swap3A_818], %swap3A_821 {strides = array<i32>} : memref<16x128xf32, #tpu.memory_space<vmem>>, vector<1x16xf32>,
    %broadcast_in_dim3A_822 = arith.constant 0.000000e+00 : f32
    %broadcast_in_dim3A_823 = vector.broadcast %broadcast_in_dim3A_822 : f32 to vector<16xf32>
    %swap3A_824 = arith.constant 12 : i32
    %swap3A_825 = arith.index_cast %swap3A_824 : i32 to index
    %swap3A_826 = arith.constant 112 : index
    %swap3A_827 = tpu.vector_load %arg9[%swap3A_825, %swap3A_826] {strides = array<i32>} : memref<16x128xf32, #tpu.memory_space<vmem>>, vector<1x16xf32>,
    %swap3A_828 = vector.shape_cast %swap3A_827 : vector<1x16xf32> to vector<16xf32>
    %swap3A_829 = vector.shape_cast %broadcast_in_dim3A_823 : vector<16xf32> to vector<1x16xf32>
    tpu.vector_store %arg9[%swap3A_825, %swap3A_826], %swap3A_829 {strides = array<i32>} : memref<16x128xf32, #tpu.memory_space<vmem>>, vector<1x16xf32>,
    %broadcast_in_dim3A_830 = arith.constant 0.000000e+00 : f32
    %broadcast_in_dim3A_831 = vector.broadcast %broadcast_in_dim3A_830 : f32 to vector<16xf32>
    %swap3A_832 = arith.constant 13 : i32
    %swap3A_833 = arith.index_cast %swap3A_832 : i32 to index
    %swap3A_834 = arith.constant 0 : index
    %swap3A_835 = tpu.vector_load %arg9[%swap3A_833, %swap3A_834] {strides = array<i32>} : memref<16x128xf32, #tpu.memory_space<vmem>>, vector<1x16xf32>,
    %swap3A_836 = vector.shape_cast %swap3A_835 : vector<1x16xf32> to vector<16xf32>
    %swap3A_837 = vector.shape_cast %broadcast_in_dim3A_831 : vector<16xf32> to vector<1x16xf32>
    tpu.vector_store %arg9[%swap3A_833, %swap3A_834], %swap3A_837 {strides = array<i32>} : memref<16x128xf32, #tpu.memory_space<vmem>>, vector<1x16xf32>,
    %broadcast_in_dim3A_838 = arith.constant 0.000000e+00 : f32
    %broadcast_in_dim3A_839 = vector.broadcast %broadcast_in_dim3A_838 : f32 to vector<16xf32>
    %swap3A_840 = arith.constant 13 : i32
    %swap3A_841 = arith.index_cast %swap3A_840 : i32 to index
    %swap3A_842 = arith.constant 16 : index
    %swap3A_843 = tpu.vector_load %arg9[%swap3A_841, %swap3A_842] {strides = array<i32>} : memref<16x128xf32, #tpu.memory_space<vmem>>, vector<1x16xf32>,
    %swap3A_844 = vector.shape_cast %swap3A_843 : vector<1x16xf32> to vector<16xf32>
    %swap3A_845 = vector.shape_cast %broadcast_in_dim3A_839 : vector<16xf32> to vector<1x16xf32>
    tpu.vector_store %arg9[%swap3A_841, %swap3A_842], %swap3A_845 {strides = array<i32>} : memref<16x128xf32, #tpu.memory_space<vmem>>, vector<1x16xf32>,
    %broadcast_in_dim3A_846 = arith.constant 0.000000e+00 : f32
    %broadcast_in_dim3A_847 = vector.broadcast %broadcast_in_dim3A_846 : f32 to vector<16xf32>
    %swap3A_848 = arith.constant 13 : i32
    %swap3A_849 = arith.index_cast %swap3A_848 : i32 to index
    %swap3A_850 = arith.constant 32 : index
    %swap3A_851 = tpu.vector_load %arg9[%swap3A_849, %swap3A_850] {strides = array<i32>} : memref<16x128xf32, #tpu.memory_space<vmem>>, vector<1x16xf32>,
    %swap3A_852 = vector.shape_cast %swap3A_851 : vector<1x16xf32> to vector<16xf32>
    %swap3A_853 = vector.shape_cast %broadcast_in_dim3A_847 : vector<16xf32> to vector<1x16xf32>
    tpu.vector_store %arg9[%swap3A_849, %swap3A_850], %swap3A_853 {strides = array<i32>} : memref<16x128xf32, #tpu.memory_space<vmem>>, vector<1x16xf32>,
    %broadcast_in_dim3A_854 = arith.constant 0.000000e+00 : f32
    %broadcast_in_dim3A_855 = vector.broadcast %broadcast_in_dim3A_854 : f32 to vector<16xf32>
    %swap3A_856 = arith.constant 13 : i32
    %swap3A_857 = arith.index_cast %swap3A_856 : i32 to index
    %swap3A_858 = arith.constant 48 : index
    %swap3A_859 = tpu.vector_load %arg9[%swap3A_857, %swap3A_858] {strides = array<i32>} : memref<16x128xf32, #tpu.memory_space<vmem>>, vector<1x16xf32>,
    %swap3A_860 = vector.shape_cast %swap3A_859 : vector<1x16xf32> to vector<16xf32>
    %swap3A_861 = vector.shape_cast %broadcast_in_dim3A_855 : vector<16xf32> to vector<1x16xf32>
    tpu.vector_store %arg9[%swap3A_857, %swap3A_858], %swap3A_861 {strides = array<i32>} : memref<16x128xf32, #tpu.memory_space<vmem>>, vector<1x16xf32>,
    %broadcast_in_dim3A_862 = arith.constant 0.000000e+00 : f32
    %broadcast_in_dim3A_863 = vector.broadcast %broadcast_in_dim3A_862 : f32 to vector<16xf32>
    %swap3A_864 = arith.constant 13 : i32
    %swap3A_865 = arith.index_cast %swap3A_864 : i32 to index
    %swap3A_866 = arith.constant 64 : index
    %swap3A_867 = tpu.vector_load %arg9[%swap3A_865, %swap3A_866] {strides = array<i32>} : memref<16x128xf32, #tpu.memory_space<vmem>>, vector<1x16xf32>,
    %swap3A_868 = vector.shape_cast %swap3A_867 : vector<1x16xf32> to vector<16xf32>
    %swap3A_869 = vector.shape_cast %broadcast_in_dim3A_863 : vector<16xf32> to vector<1x16xf32>
    tpu.vector_store %arg9[%swap3A_865, %swap3A_866], %swap3A_869 {strides = array<i32>} : memref<16x128xf32, #tpu.memory_space<vmem>>, vector<1x16xf32>,
    %broadcast_in_dim3A_870 = arith.constant 0.000000e+00 : f32
    %broadcast_in_dim3A_871 = vector.broadcast %broadcast_in_dim3A_870 : f32 to vector<16xf32>
    %swap3A_872 = arith.constant 13 : i32
    %swap3A_873 = arith.index_cast %swap3A_872 : i32 to index
    %swap3A_874 = arith.constant 80 : index
    %swap3A_875 = tpu.vector_load %arg9[%swap3A_873, %swap3A_874] {strides = array<i32>} : memref<16x128xf32, #tpu.memory_space<vmem>>, vector<1x16xf32>,
    %swap3A_876 = vector.shape_cast %swap3A_875 : vector<1x16xf32> to vector<16xf32>
    %swap3A_877 = vector.shape_cast %broadcast_in_dim3A_871 : vector<16xf32> to vector<1x16xf32>
    tpu.vector_store %arg9[%swap3A_873, %swap3A_874], %swap3A_877 {strides = array<i32>} : memref<16x128xf32, #tpu.memory_space<vmem>>, vector<1x16xf32>,
    %broadcast_in_dim3A_878 = arith.constant 0.000000e+00 : f32
    %broadcast_in_dim3A_879 = vector.broadcast %broadcast_in_dim3A_878 : f32 to vector<16xf32>
    %swap3A_880 = arith.constant 13 : i32
    %swap3A_881 = arith.index_cast %swap3A_880 : i32 to index
    %swap3A_882 = arith.constant 96 : index
    %swap3A_883 = tpu.vector_load %arg9[%swap3A_881, %swap3A_882] {strides = array<i32>} : memref<16x128xf32, #tpu.memory_space<vmem>>, vector<1x16xf32>,
    %swap3A_884 = vector.shape_cast %swap3A_883 : vector<1x16xf32> to vector<16xf32>
    %swap3A_885 = vector.shape_cast %broadcast_in_dim3A_879 : vector<16xf32> to vector<1x16xf32>
    tpu.vector_store %arg9[%swap3A_881, %swap3A_882], %swap3A_885 {strides = array<i32>} : memref<16x128xf32, #tpu.memory_space<vmem>>, vector<1x16xf32>,
    %broadcast_in_dim3A_886 = arith.constant 0.000000e+00 : f32
    %broadcast_in_dim3A_887 = vector.broadcast %broadcast_in_dim3A_886 : f32 to vector<16xf32>
    %swap3A_888 = arith.constant 13 : i32
    %swap3A_889 = arith.index_cast %swap3A_888 : i32 to index
    %swap3A_890 = arith.constant 112 : index
    %swap3A_891 = tpu.vector_load %arg9[%swap3A_889, %swap3A_890] {strides = array<i32>} : memref<16x128xf32, #tpu.memory_space<vmem>>, vector<1x16xf32>,
    %swap3A_892 = vector.shape_cast %swap3A_891 : vector<1x16xf32> to vector<16xf32>
    %swap3A_893 = vector.shape_cast %broadcast_in_dim3A_887 : vector<16xf32> to vector<1x16xf32>
    tpu.vector_store %arg9[%swap3A_889, %swap3A_890], %swap3A_893 {strides = array<i32>} : memref<16x128xf32, #tpu.memory_space<vmem>>, vector<1x16xf32>,
    %broadcast_in_dim3A_894 = arith.constant 0.000000e+00 : f32
    %broadcast_in_dim3A_895 = vector.broadcast %broadcast_in_dim3A_894 : f32 to vector<16xf32>
    %swap3A_896 = arith.constant 14 : i32
    %swap3A_897 = arith.index_cast %swap3A_896 : i32 to index
    %swap3A_898 = arith.constant 0 : index
    %swap3A_899 = tpu.vector_load %arg9[%swap3A_897, %swap3A_898] {strides = array<i32>} : memref<16x128xf32, #tpu.memory_space<vmem>>, vector<1x16xf32>,
    %swap3A_900 = vector.shape_cast %swap3A_899 : vector<1x16xf32> to vector<16xf32>
    %swap3A_901 = vector.shape_cast %broadcast_in_dim3A_895 : vector<16xf32> to vector<1x16xf32>
    tpu.vector_store %arg9[%swap3A_897, %swap3A_898], %swap3A_901 {strides = array<i32>} : memref<16x128xf32, #tpu.memory_space<vmem>>, vector<1x16xf32>,
    %broadcast_in_dim3A_902 = arith.constant 0.000000e+00 : f32
    %broadcast_in_dim3A_903 = vector.broadcast %broadcast_in_dim3A_902 : f32 to vector<16xf32>
    %swap3A_904 = arith.constant 14 : i32
    %swap3A_905 = arith.index_cast %swap3A_904 : i32 to index
    %swap3A_906 = arith.constant 16 : index
    %swap3A_907 = tpu.vector_load %arg9[%swap3A_905, %swap3A_906] {strides = array<i32>} : memref<16x128xf32, #tpu.memory_space<vmem>>, vector<1x16xf32>,
    %swap3A_908 = vector.shape_cast %swap3A_907 : vector<1x16xf32> to vector<16xf32>
    %swap3A_909 = vector.shape_cast %broadcast_in_dim3A_903 : vector<16xf32> to vector<1x16xf32>
    tpu.vector_store %arg9[%swap3A_905, %swap3A_906], %swap3A_909 {strides = array<i32>} : memref<16x128xf32, #tpu.memory_space<vmem>>, vector<1x16xf32>,
    %broadcast_in_dim3A_910 = arith.constant 0.000000e+00 : f32
    %broadcast_in_dim3A_911 = vector.broadcast %broadcast_in_dim3A_910 : f32 to vector<16xf32>
    %swap3A_912 = arith.constant 14 : i32
    %swap3A_913 = arith.index_cast %swap3A_912 : i32 to index
    %swap3A_914 = arith.constant 32 : index
    %swap3A_915 = tpu.vector_load %arg9[%swap3A_913, %swap3A_914] {strides = array<i32>} : memref<16x128xf32, #tpu.memory_space<vmem>>, vector<1x16xf32>,
    %swap3A_916 = vector.shape_cast %swap3A_915 : vector<1x16xf32> to vector<16xf32>
    %swap3A_917 = vector.shape_cast %broadcast_in_dim3A_911 : vector<16xf32> to vector<1x16xf32>
    tpu.vector_store %arg9[%swap3A_913, %swap3A_914], %swap3A_917 {strides = array<i32>} : memref<16x128xf32, #tpu.memory_space<vmem>>, vector<1x16xf32>,
    %broadcast_in_dim3A_918 = arith.constant 0.000000e+00 : f32
    %broadcast_in_dim3A_919 = vector.broadcast %broadcast_in_dim3A_918 : f32 to vector<16xf32>
    %swap3A_920 = arith.constant 14 : i32
    %swap3A_921 = arith.index_cast %swap3A_920 : i32 to index
    %swap3A_922 = arith.constant 48 : index
    %swap3A_923 = tpu.vector_load %arg9[%swap3A_921, %swap3A_922] {strides = array<i32>} : memref<16x128xf32, #tpu.memory_space<vmem>>, vector<1x16xf32>,
    %swap3A_924 = vector.shape_cast %swap3A_923 : vector<1x16xf32> to vector<16xf32>
    %swap3A_925 = vector.shape_cast %broadcast_in_dim3A_919 : vector<16xf32> to vector<1x16xf32>
    tpu.vector_store %arg9[%swap3A_921, %swap3A_922], %swap3A_925 {strides = array<i32>} : memref<16x128xf32, #tpu.memory_space<vmem>>, vector<1x16xf32>,
    %broadcast_in_dim3A_926 = arith.constant 0.000000e+00 : f32
    %broadcast_in_dim3A_927 = vector.broadcast %broadcast_in_dim3A_926 : f32 to vector<16xf32>
    %swap3A_928 = arith.constant 14 : i32
    %swap3A_929 = arith.index_cast %swap3A_928 : i32 to index
    %swap3A_930 = arith.constant 64 : index
    %swap3A_931 = tpu.vector_load %arg9[%swap3A_929, %swap3A_930] {strides = array<i32>} : memref<16x128xf32, #tpu.memory_space<vmem>>, vector<1x16xf32>,
    %swap3A_932 = vector.shape_cast %swap3A_931 : vector<1x16xf32> to vector<16xf32>
    %swap3A_933 = vector.shape_cast %broadcast_in_dim3A_927 : vector<16xf32> to vector<1x16xf32>
    tpu.vector_store %arg9[%swap3A_929, %swap3A_930], %swap3A_933 {strides = array<i32>} : memref<16x128xf32, #tpu.memory_space<vmem>>, vector<1x16xf32>,
    %broadcast_in_dim3A_934 = arith.constant 0.000000e+00 : f32
    %broadcast_in_dim3A_935 = vector.broadcast %broadcast_in_dim3A_934 : f32 to vector<16xf32>
    %swap3A_936 = arith.constant 14 : i32
    %swap3A_937 = arith.index_cast %swap3A_936 : i32 to index
    %swap3A_938 = arith.constant 80 : index
    %swap3A_939 = tpu.vector_load %arg9[%swap3A_937, %swap3A_938] {strides = array<i32>} : memref<16x128xf32, #tpu.memory_space<vmem>>, vector<1x16xf32>,
    %swap3A_940 = vector.shape_cast %swap3A_939 : vector<1x16xf32> to vector<16xf32>
    %swap3A_941 = vector.shape_cast %broadcast_in_dim3A_935 : vector<16xf32> to vector<1x16xf32>
    tpu.vector_store %arg9[%swap3A_937, %swap3A_938], %swap3A_941 {strides = array<i32>} : memref<16x128xf32, #tpu.memory_space<vmem>>, vector<1x16xf32>,
    %broadcast_in_dim3A_942 = arith.constant 0.000000e+00 : f32
    %broadcast_in_dim3A_943 = vector.broadcast %broadcast_in_dim3A_942 : f32 to vector<16xf32>
    %swap3A_944 = arith.constant 14 : i32
    %swap3A_945 = arith.index_cast %swap3A_944 : i32 to index
    %swap3A_946 = arith.constant 96 : index
    %swap3A_947 = tpu.vector_load %arg9[%swap3A_945, %swap3A_946] {strides = array<i32>} : memref<16x128xf32, #tpu.memory_space<vmem>>, vector<1x16xf32>,
    %swap3A_948 = vector.shape_cast %swap3A_947 : vector<1x16xf32> to vector<16xf32>
    %swap3A_949 = vector.shape_cast %broadcast_in_dim3A_943 : vector<16xf32> to vector<1x16xf32>
    tpu.vector_store %arg9[%swap3A_945, %swap3A_946], %swap3A_949 {strides = array<i32>} : memref<16x128xf32, #tpu.memory_space<vmem>>, vector<1x16xf32>,
    %broadcast_in_dim3A_950 = arith.constant 0.000000e+00 : f32
    %broadcast_in_dim3A_951 = vector.broadcast %broadcast_in_dim3A_950 : f32 to vector<16xf32>
    %swap3A_952 = arith.constant 14 : i32
    %swap3A_953 = arith.index_cast %swap3A_952 : i32 to index
    %swap3A_954 = arith.constant 112 : index
    %swap3A_955 = tpu.vector_load %arg9[%swap3A_953, %swap3A_954] {strides = array<i32>} : memref<16x128xf32, #tpu.memory_space<vmem>>, vector<1x16xf32>,
    %swap3A_956 = vector.shape_cast %swap3A_955 : vector<1x16xf32> to vector<16xf32>
    %swap3A_957 = vector.shape_cast %broadcast_in_dim3A_951 : vector<16xf32> to vector<1x16xf32>
    tpu.vector_store %arg9[%swap3A_953, %swap3A_954], %swap3A_957 {strides = array<i32>} : memref<16x128xf32, #tpu.memory_space<vmem>>, vector<1x16xf32>,
    %broadcast_in_dim3A_958 = arith.constant 0.000000e+00 : f32
    %broadcast_in_dim3A_959 = vector.broadcast %broadcast_in_dim3A_958 : f32 to vector<16xf32>
    %swap3A_960 = arith.constant 15 : i32
    %swap3A_961 = arith.index_cast %swap3A_960 : i32 to index
    %swap3A_962 = arith.constant 0 : index
    %swap3A_963 = tpu.vector_load %arg9[%swap3A_961, %swap3A_962] {strides = array<i32>} : memref<16x128xf32, #tpu.memory_space<vmem>>, vector<1x16xf32>,
    %swap3A_964 = vector.shape_cast %swap3A_963 : vector<1x16xf32> to vector<16xf32>
    %swap3A_965 = vector.shape_cast %broadcast_in_dim3A_959 : vector<16xf32> to vector<1x16xf32>
    tpu.vector_store %arg9[%swap3A_961, %swap3A_962], %swap3A_965 {strides = array<i32>} : memref<16x128xf32, #tpu.memory_space<vmem>>, vector<1x16xf32>,
    %broadcast_in_dim3A_966 = arith.constant 0.000000e+00 : f32
    %broadcast_in_dim3A_967 = vector.broadcast %broadcast_in_dim3A_966 : f32 to vector<16xf32>
    %swap3A_968 = arith.constant 15 : i32
    %swap3A_969 = arith.index_cast %swap3A_968 : i32 to index
    %swap3A_970 = arith.constant 16 : index
    %swap3A_971 = tpu.vector_load %arg9[%swap3A_969, %swap3A_970] {strides = array<i32>} : memref<16x128xf32, #tpu.memory_space<vmem>>, vector<1x16xf32>,
    %swap3A_972 = vector.shape_cast %swap3A_971 : vector<1x16xf32> to vector<16xf32>
    %swap3A_973 = vector.shape_cast %broadcast_in_dim3A_967 : vector<16xf32> to vector<1x16xf32>
    tpu.vector_store %arg9[%swap3A_969, %swap3A_970], %swap3A_973 {strides = array<i32>} : memref<16x128xf32, #tpu.memory_space<vmem>>, vector<1x16xf32>,
    %broadcast_in_dim3A_974 = arith.constant 0.000000e+00 : f32
    %broadcast_in_dim3A_975 = vector.broadcast %broadcast_in_dim3A_974 : f32 to vector<16xf32>
    %swap3A_976 = arith.constant 15 : i32
    %swap3A_977 = arith.index_cast %swap3A_976 : i32 to index
    %swap3A_978 = arith.constant 32 : index
    %swap3A_979 = tpu.vector_load %arg9[%swap3A_977, %swap3A_978] {strides = array<i32>} : memref<16x128xf32, #tpu.memory_space<vmem>>, vector<1x16xf32>,
    %swap3A_980 = vector.shape_cast %swap3A_979 : vector<1x16xf32> to vector<16xf32>
    %swap3A_981 = vector.shape_cast %broadcast_in_dim3A_975 : vector<16xf32> to vector<1x16xf32>
    tpu.vector_store %arg9[%swap3A_977, %swap3A_978], %swap3A_981 {strides = array<i32>} : memref<16x128xf32, #tpu.memory_space<vmem>>, vector<1x16xf32>,
    %broadcast_in_dim3A_982 = arith.constant 0.000000e+00 : f32
    %broadcast_in_dim3A_983 = vector.broadcast %broadcast_in_dim3A_982 : f32 to vector<16xf32>
    %swap3A_984 = arith.constant 15 : i32
    %swap3A_985 = arith.index_cast %swap3A_984 : i32 to index
    %swap3A_986 = arith.constant 48 : index
    %swap3A_987 = tpu.vector_load %arg9[%swap3A_985, %swap3A_986] {strides = array<i32>} : memref<16x128xf32, #tpu.memory_space<vmem>>, vector<1x16xf32>,
    %swap3A_988 = vector.shape_cast %swap3A_987 : vector<1x16xf32> to vector<16xf32>
    %swap3A_989 = vector.shape_cast %broadcast_in_dim3A_983 : vector<16xf32> to vector<1x16xf32>
    tpu.vector_store %arg9[%swap3A_985, %swap3A_986], %swap3A_989 {strides = array<i32>} : memref<16x128xf32, #tpu.memory_space<vmem>>, vector<1x16xf32>,
    %broadcast_in_dim3A_990 = arith.constant 0.000000e+00 : f32
    %broadcast_in_dim3A_991 = vector.broadcast %broadcast_in_dim3A_990 : f32 to vector<16xf32>
    %swap3A_992 = arith.constant 15 : i32
    %swap3A_993 = arith.index_cast %swap3A_992 : i32 to index
    %swap3A_994 = arith.constant 64 : index
    %swap3A_995 = tpu.vector_load %arg9[%swap3A_993, %swap3A_994] {strides = array<i32>} : memref<16x128xf32, #tpu.memory_space<vmem>>, vector<1x16xf32>,
    %swap3A_996 = vector.shape_cast %swap3A_995 : vector<1x16xf32> to vector<16xf32>
    %swap3A_997 = vector.shape_cast %broadcast_in_dim3A_991 : vector<16xf32> to vector<1x16xf32>
    tpu.vector_store %arg9[%swap3A_993, %swap3A_994], %swap3A_997 {strides = array<i32>} : memref<16x128xf32, #tpu.memory_space<vmem>>, vector<1x16xf32>,
    %broadcast_in_dim3A_998 = arith.constant 0.000000e+00 : f32
    %broadcast_in_dim3A_999 = vector.broadcast %broadcast_in_dim3A_998 : f32 to vector<16xf32>
    %swap3A_1000 = arith.constant 15 : i32
    %swap3A_1001 = arith.index_cast %swap3A_1000 : i32 to index
    %swap3A_1002 = arith.constant 80 : index
    %swap3A_1003 = tpu.vector_load %arg9[%swap3A_1001, %swap3A_1002] {strides = array<i32>} : memref<16x128xf32, #tpu.memory_space<vmem>>, vector<1x16xf32>,
    %swap3A_1004 = vector.shape_cast %swap3A_1003 : vector<1x16xf32> to vector<16xf32>
    %swap3A_1005 = vector.shape_cast %broadcast_in_dim3A_999 : vector<16xf32> to vector<1x16xf32>
    tpu.vector_store %arg9[%swap3A_1001, %swap3A_1002], %swap3A_1005 {strides = array<i32>} : memref<16x128xf32, #tpu.memory_space<vmem>>, vector<1x16xf32>,
    %broadcast_in_dim3A_1006 = arith.constant 0.000000e+00 : f32
    %broadcast_in_dim3A_1007 = vector.broadcast %broadcast_in_dim3A_1006 : f32 to vector<16xf32>
    %swap3A_1008 = arith.constant 15 : i32
    %swap3A_1009 = arith.index_cast %swap3A_1008 : i32 to index
    %swap3A_1010 = arith.constant 96 : index
    %swap3A_1011 = tpu.vector_load %arg9[%swap3A_1009, %swap3A_1010] {strides = array<i32>} : memref<16x128xf32, #tpu.memory_space<vmem>>, vector<1x16xf32>,
    %swap3A_1012 = vector.shape_cast %swap3A_1011 : vector<1x16xf32> to vector<16xf32>
    %swap3A_1013 = vector.shape_cast %broadcast_in_dim3A_1007 : vector<16xf32> to vector<1x16xf32>
    tpu.vector_store %arg9[%swap3A_1009, %swap3A_1010], %swap3A_1013 {strides = array<i32>} : memref<16x128xf32, #tpu.memory_space<vmem>>, vector<1x16xf32>,
    %broadcast_in_dim3A_1014 = arith.constant 0.000000e+00 : f32
    %broadcast_in_dim3A_1015 = vector.broadcast %broadcast_in_dim3A_1014 : f32 to vector<16xf32>
    %swap3A_1016 = arith.constant 15 : i32
    %swap3A_1017 = arith.index_cast %swap3A_1016 : i32 to index
    %swap3A_1018 = arith.constant 112 : index
    %swap3A_1019 = tpu.vector_load %arg9[%swap3A_1017, %swap3A_1018] {strides = array<i32>} : memref<16x128xf32, #tpu.memory_space<vmem>>, vector<1x16xf32>,
    %swap3A_1020 = vector.shape_cast %swap3A_1019 : vector<1x16xf32> to vector<16xf32>
    %swap3A_1021 = vector.shape_cast %broadcast_in_dim3A_1015 : vector<16xf32> to vector<1x16xf32>
    tpu.vector_store %arg9[%swap3A_1017, %swap3A_1018], %swap3A_1021 {strides = array<i32>} : memref<16x128xf32, #tpu.memory_space<vmem>>, vector<1x16xf32>,
    %scan3A = arith.constant 0 : i32
    %scan3A_1022 = arith.constant 0 : i32
    %scan3A_1023 = arith.constant 40 : i32
    %scan3A_1024 = arith.addi %scan3A_1022, %scan3A_1023 : i32
    %scan3A_1025 = arith.constant 1 : i32
    scf.for %scan3A_1046 = %scan3A_1022 to %scan3A_1024 step %scan3A_1025  : i32 {
      %mul3A_1047 = arith.constant 640 : i32
      %mul3A_1048 = arith.muli %arg1, %mul3A_1047 : i32
      %mul3A_1049 = arith.constant 16 : i32
      %mul3A_1050 = arith.muli %scan3A_1046, %mul3A_1049 : i32
      %add3A_1051 = arith.addi %mul3A_1048, %mul3A_1050 : i32
      "tpu.region"() ({
        %run_scoped3A = tpu.sem_alloc : memref<!tpu.dma_semaphore, #tpu.memory_space<semaphore_mem>>
        %dma_start3A = arith.constant 0 : i32
        %dma_start3A_1052 = tpu.memref_slice %arg10[%add3A_1051, %dma_start3A] : memref<10240x128xf32, #tpu.memory_space<vmem_shared>> -> memref<16x128xf32, #tpu.memory_space<vmem_shared>>
        %dma_start3A_1053 = arith.constant 0 : i32
        %dma_start3A_1054 = tpu.memref_slice %arg10[%add3A_1051, %dma_start3A_1053] : memref<10240x128xf32, #tpu.memory_space<vmem_shared>> -> memref<16x128xf32, #tpu.memory_space<vmem_shared>>
        tpu.enqueue_dma source(%arg9 : memref<16x128xf32, #tpu.memory_space<vmem>>) target(%dma_start3A_1054 : memref<16x128xf32, #tpu.memory_space<vmem_shared>>) target_semaphore(%run_scoped3A : memref<!tpu.dma_semaphore, #tpu.memory_space<semaphore_mem>>)
        %dma_wait3A = arith.constant 0 : i32
        %dma_wait3A_1055 = tpu.memref_slice %arg10[%add3A_1051, %dma_wait3A] : memref<10240x128xf32, #tpu.memory_space<vmem_shared>> -> memref<16x128xf32, #tpu.memory_space<vmem_shared>>
        %dma_wait3A_1056 = arith.constant 0 : i32
        %dma_wait3A_1057 = tpu.memref_slice %arg10[%add3A_1051, %dma_wait3A_1056] : memref<10240x128xf32, #tpu.memory_space<vmem_shared>> -> memref<16x128xf32, #tpu.memory_space<vmem_shared>>
        tpu.wait_dma2 semaphore(%run_scoped3A : memref<!tpu.dma_semaphore, #tpu.memory_space<semaphore_mem>>) src(%arg9 : memref<16x128xf32, #tpu.memory_space<vmem>>) dst(%dma_wait3A_1057 : memref<16x128xf32, #tpu.memory_space<vmem_shared>>)
        tpu.yield
      }) : () -> ()
    }
    %scan3A_1026 = arith.constant 40 : i32
    %barrier3A = arith.constant 0 : index
    tpu.barrier barrier_id(%barrier3A)
    %eq3A = arith.constant 0 : i32
    %eq3A_1027 = arith.cmpi eq, %arg0, %eq3A : i32
    %jit3A = arith.constant 60 : i32
    %jit3A_1028 = arith.constant 20 : i32
    %select_n3A = arith.select %eq3A_1027, %jit3A, %jit3A_1028 : i32
    %mul3A = arith.constant 20480 : i32
    %mul3A_1029 = arith.muli %arg1, %mul3A : i32
    %eq3A_1030 = arith.constant 0 : i32
    %eq3A_1031 = arith.cmpi eq, %arg0, %eq3A_1030 : i32
    %jit3A_1032 = arith.constant 5120 : i32
    %jit3A_1033 = arith.constant 0 : i32
    %select_n3A_1034 = arith.select %eq3A_1031, %jit3A_1032, %jit3A_1033 : i32
    %add3A = arith.addi %mul3A_1029, %select_n3A_1034 : i32
    %scan3A_1035 = arith.constant 0 : i32
    %scan3A_1036 = arith.constant 0 : i32
    %scan3A_1037 = arith.constant 60 : i32
    %scan3A_1038 = arith.addi %scan3A_1036, %scan3A_1037 : i32
    %scan3A_1039 = arith.constant 1 : i32
    scf.for %scan3A_1046 = %scan3A_1036 to %scan3A_1038 step %scan3A_1039  : i32 {
      %lt3A = arith.cmpi slt, %scan3A_1046, %select_n3A : i32
      %convert_element_type3A = arith.extui %lt3A : i1 to i32
      %cond3A = arith.constant 0 : i32
      %cond3A_1047 = arith.cmpi ne, %convert_element_type3A, %cond3A : i32
      scf.if %cond3A_1047 {
        %mul3A_1048 = arith.constant 256 : i32
        %mul3A_1049 = arith.muli %scan3A_1046, %mul3A_1048 : i32
        %add3A_1050 = arith.addi %add3A, %mul3A_1049 : i32
        "tpu.region"() ({
          %run_scoped3A = tpu.sem_alloc : memref<!tpu.dma_semaphore, #tpu.memory_space<semaphore_mem>>
          %dma_start3A = tpu.memref_slice %arg3[%add3A_1050] : memref<327680xi32, #tpu.memory_space<hbm>> -> memref<256xi32, #tpu.memory_space<hbm>>
          %dma_start3A_1051 = tpu.memref_slice %arg3[%add3A_1050] : memref<327680xi32, #tpu.memory_space<hbm>> -> memref<256xi32, #tpu.memory_space<hbm>>
          tpu.enqueue_dma source(%dma_start3A_1051 : memref<256xi32, #tpu.memory_space<hbm>>) target(%arg6 : memref<256xi32, #tpu.memory_space<vmem>>) target_semaphore(%run_scoped3A : memref<!tpu.dma_semaphore, #tpu.memory_space<semaphore_mem>>)
          %dma_wait3A = tpu.memref_slice %arg3[%add3A_1050] : memref<327680xi32, #tpu.memory_space<hbm>> -> memref<256xi32, #tpu.memory_space<hbm>>
          %dma_wait3A_1052 = tpu.memref_slice %arg3[%add3A_1050] : memref<327680xi32, #tpu.memory_space<hbm>> -> memref<256xi32, #tpu.memory_space<hbm>>
          tpu.wait_dma2 semaphore(%run_scoped3A : memref<!tpu.dma_semaphore, #tpu.memory_space<semaphore_mem>>) src(%dma_wait3A_1052 : memref<256xi32, #tpu.memory_space<hbm>>) dst(%arg6 : memref<256xi32, #tpu.memory_space<vmem>>)
          tpu.yield
        }) : () -> ()
        "tpu.region"() ({
          %run_scoped3A = tpu.sem_alloc : memref<!tpu.dma_semaphore, #tpu.memory_space<semaphore_mem>>
          %dma_start3A = tpu.memref_slice %arg4[%add3A_1050] : memref<327680xi32, #tpu.memory_space<hbm>> -> memref<256xi32, #tpu.memory_space<hbm>>
          %dma_start3A_1051 = tpu.memref_slice %arg4[%add3A_1050] : memref<327680xi32, #tpu.memory_space<hbm>> -> memref<256xi32, #tpu.memory_space<hbm>>
          tpu.enqueue_dma source(%dma_start3A_1051 : memref<256xi32, #tpu.memory_space<hbm>>) target(%arg7 : memref<256xi32, #tpu.memory_space<vmem>>) target_semaphore(%run_scoped3A : memref<!tpu.dma_semaphore, #tpu.memory_space<semaphore_mem>>)
          %dma_wait3A = tpu.memref_slice %arg4[%add3A_1050] : memref<327680xi32, #tpu.memory_space<hbm>> -> memref<256xi32, #tpu.memory_space<hbm>>
          %dma_wait3A_1052 = tpu.memref_slice %arg4[%add3A_1050] : memref<327680xi32, #tpu.memory_space<hbm>> -> memref<256xi32, #tpu.memory_space<hbm>>
          tpu.wait_dma2 semaphore(%run_scoped3A : memref<!tpu.dma_semaphore, #tpu.memory_space<semaphore_mem>>) src(%dma_wait3A_1052 : memref<256xi32, #tpu.memory_space<hbm>>) dst(%arg7 : memref<256xi32, #tpu.memory_space<vmem>>)
          tpu.yield
        }) : () -> ()
        "tpu.region"() ({
          %run_scoped3A = tpu.sem_alloc : memref<!tpu.dma_semaphore, #tpu.memory_space<semaphore_mem>>
          %dma_start3A = arith.constant 0 : i32
          %dma_start3A_1051 = arith.constant 0 : i32
          %dma_start3A_1052 = tpu.memref_slice %arg2[%dma_start3A, %dma_start3A_1051] : memref<10240x128xf32, #tpu.memory_space<hbm>> -> memref<10240x128xf32, #tpu.memory_space<hbm>>
          tpu.enqueue_indirect_dma source(%dma_start3A_1052 : memref<10240x128xf32, #tpu.memory_space<hbm>>) target(%arg8 : memref<256x128xf32, #tpu.memory_space<vmem>>) offsets(%arg6 : memref<256xi32, #tpu.memory_space<vmem>>) semaphore(%run_scoped3A : memref<!tpu.dma_semaphore, #tpu.memory_space<semaphore_mem>>)
          %dma_wait3A = arith.constant 0 : i32
          %dma_wait3A_1053 = arith.constant 0 : i32
          %dma_wait3A_1054 = tpu.memref_slice %arg2[%dma_wait3A, %dma_wait3A_1053] : memref<10240x128xf32, #tpu.memory_space<hbm>> -> memref<10240x128xf32, #tpu.memory_space<hbm>>
          tpu.wait_indirect_dma semaphore(%run_scoped3A : memref<!tpu.dma_semaphore, #tpu.memory_space<semaphore_mem>>) src(%dma_wait3A_1054 : memref<10240x128xf32, #tpu.memory_space<hbm>>) dst(%arg8 : memref<256x128xf32, #tpu.memory_space<vmem>>)
          tpu.yield
        }) : () -> ()
        "tpu.region"() ({
          %run_scoped3A = tpu.sem_alloc : memref<!tpu.dma_semaphore, #tpu.memory_space<semaphore_mem>>
          %dma_start3A = arith.constant 0 : i32
          %dma_start3A_1051 = arith.constant 0 : i32
          %dma_start3A_1052 = tpu.memref_slice %arg10[%dma_start3A, %dma_start3A_1051] : memref<10240x128xf32, #tpu.memory_space<vmem_shared>> -> memref<10240x128xf32, #tpu.memory_space<vmem_shared>>
          tpu.enqueue_indirect_dma source(%arg8 : memref<256x128xf32, #tpu.memory_space<vmem>>) target(%dma_start3A_1052 : memref<10240x128xf32, #tpu.memory_space<vmem_shared>>) offsets(%arg7 : memref<256xi32, #tpu.memory_space<vmem>>) semaphore(%run_scoped3A : memref<!tpu.dma_semaphore, #tpu.memory_space<semaphore_mem>>) {add = true}
          %dma_wait3A = arith.constant 0 : i32
          %dma_wait3A_1053 = arith.constant 0 : i32
          %dma_wait3A_1054 = tpu.memref_slice %arg10[%dma_wait3A, %dma_wait3A_1053] : memref<10240x128xf32, #tpu.memory_space<vmem_shared>> -> memref<10240x128xf32, #tpu.memory_space<vmem_shared>>
          tpu.wait_indirect_dma semaphore(%run_scoped3A : memref<!tpu.dma_semaphore, #tpu.memory_space<semaphore_mem>>) src(%arg8 : memref<256x128xf32, #tpu.memory_space<vmem>>) dst(%dma_wait3A_1054 : memref<10240x128xf32, #tpu.memory_space<vmem_shared>>)
          tpu.yield
        }) : () -> ()
      } else {
      }
    }
    %scan3A_1040 = arith.constant 60 : i32
    %barrier3A_1041 = arith.constant 0 : index
    tpu.barrier barrier_id(%barrier3A_1041)
    %mul3A_1042 = arith.constant 640 : i32
    %mul3A_1043 = arith.muli %arg1, %mul3A_1042 : i32
    %mul3A_1044 = arith.constant 640 : i32
    %mul3A_1045 = arith.muli %arg1, %mul3A_1044 : i32
    "tpu.region"() ({
      %run_scoped3A = tpu.sem_alloc : memref<!tpu.dma_semaphore, #tpu.memory_space<semaphore_mem>>
      %dma_start3A = arith.constant 0 : i32
      %dma_start3A_1046 = tpu.memref_slice %arg5[%arg0, %mul3A_1045, %dma_start3A] : memref<2x10240x128xf32, #tpu.memory_space<hbm>> -> memref<1x640x128xf32, #tpu.memory_space<hbm>>
      %dma_start3A_1047 = tpu.memref_squeeze %dma_start3A_1046 : memref<1x640x128xf32, #tpu.memory_space<hbm>> -> memref<640x128xf32, #tpu.memory_space<hbm>>
      %dma_start3A_1048 = arith.constant 0 : i32
      %dma_start3A_1049 = tpu.memref_slice %arg10[%mul3A_1043, %dma_start3A_1048] : memref<10240x128xf32, #tpu.memory_space<vmem_shared>> -> memref<640x128xf32, #tpu.memory_space<vmem_shared>>
      tpu.enqueue_dma source(%dma_start3A_1049 : memref<640x128xf32, #tpu.memory_space<vmem_shared>>) target(%dma_start3A_1047 : memref<640x128xf32, #tpu.memory_space<hbm>>) target_semaphore(%run_scoped3A : memref<!tpu.dma_semaphore, #tpu.memory_space<semaphore_mem>>)
      %dma_wait3A = arith.constant 0 : i32
      %dma_wait3A_1050 = tpu.memref_slice %arg5[%arg0, %mul3A_1045, %dma_wait3A] : memref<2x10240x128xf32, #tpu.memory_space<hbm>> -> memref<1x640x128xf32, #tpu.memory_space<hbm>>
      %dma_wait3A_1051 = tpu.memref_squeeze %dma_wait3A_1050 : memref<1x640x128xf32, #tpu.memory_space<hbm>> -> memref<640x128xf32, #tpu.memory_space<hbm>>
      %dma_wait3A_1052 = arith.constant 0 : i32
      %dma_wait3A_1053 = tpu.memref_slice %arg10[%mul3A_1043, %dma_wait3A_1052] : memref<10240x128xf32, #tpu.memory_space<vmem_shared>> -> memref<640x128xf32, #tpu.memory_space<vmem_shared>>
      tpu.wait_dma2 semaphore(%run_scoped3A : memref<!tpu.dma_semaphore, #tpu.memory_space<semaphore_mem>>) src(%dma_wait3A_1053 : memref<640x128xf32, #tpu.memory_space<vmem_shared>>) dst(%dma_wait3A_1051 : memref<640x128xf32, #tpu.memory_space<hbm>>)
      tpu.yield
    }) : () -> ()
    return
  }
}

module attributes {stable_mosaic.version = 14 : i64} {
  func.func @_tc_pre_body(%arg0: memref<10240x128xf32, #tpu.memory_space<vmem>>, %arg1: memref<10240x4xf32, #tpu.memory_space<vmem>>, %arg2: memref<128x128xf32, #tpu.memory_space<vmem>>, %arg3: memref<10240x128xf32, #tpu.memory_space<vmem>>) attributes {dimension_semantics = [], scalar_prefetch = 0 : i64, scratch_operands = 0 : i64, tpu.core_type = #tpu.core_type<tc>} {
    %get3A = arith.constant 0 : index
    %get3A_0 = arith.constant 0 : index
    %get3A_1 = vector.load %arg1[%get3A, %get3A_0] : memref<10240x4xf32, #tpu.memory_space<vmem>>, vector<10240x1xf32>
    %get3A_2 = arith.constant 0 : index
    %get3A_3 = arith.constant 2 : index
    %get3A_4 = vector.load %arg1[%get3A_2, %get3A_3] : memref<10240x4xf32, #tpu.memory_space<vmem>>, vector<10240x1xf32>
    %add3A = arith.addf %get3A_1, %get3A_4 : vector<10240x1xf32>
    %max3A = arith.constant 1.000000e+00 : f32
    %max3A_5 = vector.broadcast %max3A : f32 to vector<10240x1xf32>
    %max3A_6 = arith.maximumf %add3A, %max3A_5 : vector<10240x1xf32>
    %rsqrt3A = math.rsqrt %max3A_6 : vector<10240x1xf32>
    %get3A_7 = arith.constant 0 : index
    %get3A_8 = arith.constant 0 : index
    %get3A_9 = vector.load %arg0[%get3A_7, %get3A_8] : memref<10240x128xf32, #tpu.memory_space<vmem>>, vector<10240x128xf32>
    %mul3A = vector.broadcast %rsqrt3A : vector<10240x1xf32> to vector<10240x128xf32>
    %mul3A_10 = arith.mulf %get3A_9, %mul3A : vector<10240x128xf32>
    %get3A_11 = arith.constant 0 : index
    %get3A_12 = arith.constant 0 : index
    %get3A_13 = vector.load %arg2[%get3A_11, %get3A_12] : memref<128x128xf32, #tpu.memory_space<vmem>>, vector<128x128xf32>
    %dot_general3A = arith.constant dense<0.000000e+00> : vector<10240x128xf32>
    %dot_general3A_14 = tpu.matmul %mul3A_10, %get3A_13, %dot_general3A {dimension_numbers = #tpu.dot_dimension_numbers<[1], [0], [0], [1], [0, 0, 1, 1], [], []>, transpose_lhs_hint = false} : vector<10240x128xf32>, vector<128x128xf32>, vector<10240x128xf32> -> vector<10240x128xf32>
    %swap3A = arith.constant 0 : index
    %swap3A_15 = arith.constant 0 : index
    %swap3A_16 = vector.load %arg3[%swap3A, %swap3A_15] : memref<10240x128xf32, #tpu.memory_space<vmem>>, vector<10240x128xf32>
    tpu.vector_store %arg3[%swap3A, %swap3A_15], %dot_general3A_14 {strides = array<i32>} : memref<10240x128xf32, #tpu.memory_space<vmem>>, vector<10240x128xf32>,
    return
  }
}

module attributes {stable_mosaic.version = 14 : i64} {
  func.func @_tc_mid_body(%arg0: memref<2x10240x128xf32, #tpu.memory_space<vmem>>, %arg1: memref<10240x4xf32, #tpu.memory_space<vmem>>, %arg2: memref<1x128xf32, #tpu.memory_space<vmem>>, %arg3: memref<128x128xf32, #tpu.memory_space<vmem>>, %arg4: memref<10240x128xf32, #tpu.memory_space<vmem>>) attributes {dimension_semantics = [], scalar_prefetch = 0 : i64, scratch_operands = 0 : i64, tpu.core_type = #tpu.core_type<tc>} {
    %get3A = arith.constant 0 : index
    %get3A_0 = arith.constant 0 : index
    %get3A_1 = vector.load %arg1[%get3A, %get3A_0] : memref<10240x4xf32, #tpu.memory_space<vmem>>, vector<10240x1xf32>
    %get3A_2 = arith.constant 0 : index
    %get3A_3 = arith.constant 2 : index
    %get3A_4 = vector.load %arg1[%get3A_2, %get3A_3] : memref<10240x4xf32, #tpu.memory_space<vmem>>, vector<10240x1xf32>
    %add3A = arith.addf %get3A_1, %get3A_4 : vector<10240x1xf32>
    %get3A_5 = arith.constant 0 : index
    %get3A_6 = arith.constant 1 : index
    %get3A_7 = vector.load %arg1[%get3A_5, %get3A_6] : memref<10240x4xf32, #tpu.memory_space<vmem>>, vector<10240x1xf32>
    %get3A_8 = arith.constant 0 : index
    %get3A_9 = arith.constant 3 : index
    %get3A_10 = vector.load %arg1[%get3A_8, %get3A_9] : memref<10240x4xf32, #tpu.memory_space<vmem>>, vector<10240x1xf32>
    %add3A_11 = arith.addf %get3A_7, %get3A_10 : vector<10240x1xf32>
    %max3A = arith.constant 1.000000e+00 : f32
    %max3A_12 = vector.broadcast %max3A : f32 to vector<10240x1xf32>
    %max3A_13 = arith.maximumf %add3A, %max3A_12 : vector<10240x1xf32>
    %rsqrt3A = math.rsqrt %max3A_13 : vector<10240x1xf32>
    %max3A_14 = arith.constant 1.000000e+00 : f32
    %max3A_15 = vector.broadcast %max3A_14 : f32 to vector<10240x1xf32>
    %max3A_16 = arith.maximumf %add3A_11, %max3A_15 : vector<10240x1xf32>
    %rsqrt3A_17 = math.rsqrt %max3A_16 : vector<10240x1xf32>
    %get3A_18 = arith.constant 0 : index
    %get3A_19 = arith.constant 0 : index
    %get3A_20 = arith.constant 0 : index
    %get3A_21 = vector.load %arg0[%get3A_18, %get3A_19, %get3A_20] : memref<2x10240x128xf32, #tpu.memory_space<vmem>>, vector<1x10240x128xf32>
    %get3A_22 = vector.shape_cast %get3A_21 : vector<1x10240x128xf32> to vector<10240x128xf32>
    %get3A_23 = arith.constant 1 : index
    %get3A_24 = arith.constant 0 : index
    %get3A_25 = arith.constant 0 : index
    %get3A_26 = vector.load %arg0[%get3A_23, %get3A_24, %get3A_25] : memref<2x10240x128xf32, #tpu.memory_space<vmem>>, vector<1x10240x128xf32>
    %get3A_27 = vector.shape_cast %get3A_26 : vector<1x10240x128xf32> to vector<10240x128xf32>
    %add3A_28 = arith.addf %get3A_22, %get3A_27 : vector<10240x128xf32>
    %mul3A = vector.broadcast %rsqrt3A_17 : vector<10240x1xf32> to vector<10240x128xf32>
    %mul3A_29 = arith.mulf %add3A_28, %mul3A : vector<10240x128xf32>
    %get3A_30 = arith.constant 0 : index
    %get3A_31 = arith.constant 0 : index
    %get3A_32 = vector.load %arg2[%get3A_30, %get3A_31] : memref<1x128xf32, #tpu.memory_space<vmem>>, vector<1x128xf32>
    %add3A_33 = vector.broadcast %get3A_32 : vector<1x128xf32> to vector<10240x128xf32>
    %add3A_34 = arith.addf %mul3A_29, %add3A_33 : vector<10240x128xf32>
    %max3A_35 = arith.constant 0.000000e+00 : f32
    %max3A_36 = vector.broadcast %max3A_35 : f32 to vector<10240x128xf32>
    %max3A_37 = arith.maximumf %add3A_34, %max3A_36 : vector<10240x128xf32>
    %mul3A_38 = vector.broadcast %rsqrt3A : vector<10240x1xf32> to vector<10240x128xf32>
    %mul3A_39 = arith.mulf %max3A_37, %mul3A_38 : vector<10240x128xf32>
    %get3A_40 = arith.constant 0 : index
    %get3A_41 = arith.constant 0 : index
    %get3A_42 = vector.load %arg3[%get3A_40, %get3A_41] : memref<128x128xf32, #tpu.memory_space<vmem>>, vector<128x128xf32>
    %dot_general3A = arith.constant dense<0.000000e+00> : vector<10240x128xf32>
    %dot_general3A_43 = tpu.matmul %mul3A_39, %get3A_42, %dot_general3A {dimension_numbers = #tpu.dot_dimension_numbers<[1], [0], [0], [1], [0, 0, 1, 1], [], []>, transpose_lhs_hint = false} : vector<10240x128xf32>, vector<128x128xf32>, vector<10240x128xf32> -> vector<10240x128xf32>
    %swap3A = arith.constant 0 : index
    %swap3A_44 = arith.constant 0 : index
    %swap3A_45 = vector.load %arg4[%swap3A, %swap3A_44] : memref<10240x128xf32, #tpu.memory_space<vmem>>, vector<10240x128xf32>
    tpu.vector_store %arg4[%swap3A, %swap3A_44], %dot_general3A_43 {strides = array<i32>} : memref<10240x128xf32, #tpu.memory_space<vmem>>, vector<10240x128xf32>,
    return
  }
}

module attributes {stable_mosaic.version = 14 : i64} {
  func.func @_tc_post_body(%arg0: memref<2x10240x128xf32, #tpu.memory_space<vmem>>, %arg1: memref<10240x4xf32, #tpu.memory_space<vmem>>, %arg2: memref<1x128xf32, #tpu.memory_space<vmem>>, %arg3: memref<10240x128xf32, #tpu.memory_space<vmem>>) attributes {dimension_semantics = [], scalar_prefetch = 0 : i64, scratch_operands = 0 : i64, tpu.core_type = #tpu.core_type<tc>} {
    %get3A = arith.constant 0 : index
    %get3A_0 = arith.constant 1 : index
    %get3A_1 = vector.load %arg1[%get3A, %get3A_0] : memref<10240x4xf32, #tpu.memory_space<vmem>>, vector<10240x1xf32>
    %get3A_2 = arith.constant 0 : index
    %get3A_3 = arith.constant 3 : index
    %get3A_4 = vector.load %arg1[%get3A_2, %get3A_3] : memref<10240x4xf32, #tpu.memory_space<vmem>>, vector<10240x1xf32>
    %add3A = arith.addf %get3A_1, %get3A_4 : vector<10240x1xf32>
    %max3A = arith.constant 1.000000e+00 : f32
    %max3A_5 = vector.broadcast %max3A : f32 to vector<10240x1xf32>
    %max3A_6 = arith.maximumf %add3A, %max3A_5 : vector<10240x1xf32>
    %rsqrt3A = math.rsqrt %max3A_6 : vector<10240x1xf32>
    %get3A_7 = arith.constant 0 : index
    %get3A_8 = arith.constant 0 : index
    %get3A_9 = arith.constant 0 : index
    %get3A_10 = vector.load %arg0[%get3A_7, %get3A_8, %get3A_9] : memref<2x10240x128xf32, #tpu.memory_space<vmem>>, vector<1x10240x128xf32>
    %get3A_11 = vector.shape_cast %get3A_10 : vector<1x10240x128xf32> to vector<10240x128xf32>
    %get3A_12 = arith.constant 1 : index
    %get3A_13 = arith.constant 0 : index
    %get3A_14 = arith.constant 0 : index
    %get3A_15 = vector.load %arg0[%get3A_12, %get3A_13, %get3A_14] : memref<2x10240x128xf32, #tpu.memory_space<vmem>>, vector<1x10240x128xf32>
    %get3A_16 = vector.shape_cast %get3A_15 : vector<1x10240x128xf32> to vector<10240x128xf32>
    %add3A_17 = arith.addf %get3A_11, %get3A_16 : vector<10240x128xf32>
    %mul3A = vector.broadcast %rsqrt3A : vector<10240x1xf32> to vector<10240x128xf32>
    %mul3A_18 = arith.mulf %add3A_17, %mul3A : vector<10240x128xf32>
    %get3A_19 = arith.constant 0 : index
    %get3A_20 = arith.constant 0 : index
    %get3A_21 = vector.load %arg2[%get3A_19, %get3A_20] : memref<1x128xf32, #tpu.memory_space<vmem>>, vector<1x128xf32>
    %add3A_22 = vector.broadcast %get3A_21 : vector<1x128xf32> to vector<10240x128xf32>
    %add3A_23 = arith.addf %mul3A_18, %add3A_22 : vector<10240x128xf32>
    %max3A_24 = arith.constant 0.000000e+00 : f32
    %max3A_25 = vector.broadcast %max3A_24 : f32 to vector<10240x128xf32>
    %max3A_26 = arith.maximumf %add3A_23, %max3A_25 : vector<10240x128xf32>
    %swap3A = arith.constant 0 : index
    %swap3A_27 = arith.constant 0 : index
    %swap3A_28 = vector.load %arg3[%swap3A, %swap3A_27] : memref<10240x128xf32, #tpu.memory_space<vmem>>, vector<10240x128xf32>
    tpu.vector_store %arg3[%swap3A, %swap3A_27], %max3A_26 {strides = array<i32>} : memref<10240x128xf32, #tpu.memory_space<vmem>>, vector<10240x128xf32>,
    return
  }
}

</mosaic_0001>

<sc_bundles>
// kernel: kernel.11.cloned.1.call-start
scs
__scs_entry_jumppad:
0x0: {  	(pc) =	sbr.rel $0x88, $3  }
0x1: {  	(tag) =	ssettag $0x0;
	lr =	simm.s32 $0x1  }
0x2: {  	[smem:$0x3F9B] =	sst lr;
	_ =	strace $0xD0000000  }
0x3: {  	_ = 	snop  }
0x4: {  	_ = 	snop  }
0x5: {  	_ = 	snop  }
0x6: {  	_ = 	snop  }
0x7: {  	_ = 	snop  }
__scs_overlays_trampoline_lowered:
0x8: {  	[smem:$0x3FAA] =	sst s0  }
0x9: {  	[smem:$0x3FAB] =	sst s1  }
0xa: {  	[smem:$0x3FAC] =	sst s2  }
0xb: {  	[smem:$0x3FAD] =	sst s3  }
0xc: {  	[smem:$0x3FAE] =	sst s4  }
0xd: {  	[smem:$0x3FAF] =	sst s5  }
0xe: {  	[smem:$0x3FB0] =	sst s6  }
0xf: {  	[smem:$0x3FB1] =	sst s7  }
0x10: {  	[smem:$0x3FB2] =	sst s8  }
0x11: {  	[smem:$0x3FB3] =	sst s9;
	s0 =	simm.s32 @!p0 $0x0  }
0x12: {  	s1 =	sld [smem:$0x3F99];
	s0 =	simm.s32 @p0 $0x1  }
0x13: {  	[smem:$0x3FB4] =	sst s0;
	s0 =	simm.s32 @!p1 $0x0  }
0x14: {  	s2 =	sld [smem:$0x3F98];
	s0 =	simm.s32 @p1 $0x1  }
0x15: {  	[smem:$0x3FB5] =	sst s0;
	s0 =	simm.s32 @!p2 $0x0  }
0x16: {  	s3 =	sld [smem:$0x3FDB];
	s0 =	simm.s32 @p2 $0x1  }
0x17: {  	s4 =	simm.s32 $0x1BF5;
	[smem:$0x3FB7] =	sst s0  }
0x18: {  	s0 =	sld [smem:$0x3F9A];
	_ =	swait.ge [sflag:s4], $0x0  }
0x19: {  	s7 =	sld [smem:$0x3F9B]  }
0x1a: {  	s8 =	sadd.s32 $0xFFFFE003, lr  }
0x1b: {  	s9 =	sadd.s32 $0xFFFFFEF7, lr;
	s5 =	simm.s32 $0xFFFFFFFF;
	p2 =	slt.u32 s8, $0xFFFFF086  }
0x1c: {  	p1 =	slt.u32 s9, $0xF7A;
	s5 =	simm.s32 @!p2 $0x0  }
0x1d: {  	s5 =	simm.s32 @p1 $0x1;
	p0 =	seq.s32 s7, s2  }
0x1e: {  	s7 =	smul.u32 @!p0 $0xF7A, s2;
	p2 =	seq.s32 @!p0 s5, $0x0  }
0x1f: {  	s9 =	smul.u32 $0xF7A, s1;
	s8 =	simm.s32 @!p0 $0x1BF5;
	p2 =	por !p2, p0  }
0x20: {  	[sflag:s8] =	ssyncset.s32 @!p0 $0xFFFFF086;
	s6 =	sadd.s32 @!p0 s3, s7;
	s7 =	simm.s32 @!p0 $0x108  }
0x21: {  	s3 =	sadd.s32 s3, s9;
	s6 =	sadd.s32 @!p0 $0x88, s6;
	s7 =	simm.s32 @p2 $0x1082  }
0x22: {  	[simem:s7], [sflag:s8] =	dma.local @!p0 [hbm:s6], $0xF7A  }
0x23: {  	s9 =	sor.u32 $0xD0000000, s2;
	s6 =	simm.s32 $0x108;
	_ =	swait.ge @!p0 [sflag:s8], $0x0  }
0x24: {  	s3 =	sadd.s32 $0x88, s3;
	s6 =	simm.s32 @!p1 $0x1082;
	[sflag:s4] =	ssyncset.s32 $0xFFFFF086  }
0x25: {  	[simem:s6], [sflag:s4] =	dma.local [hbm:s3], $0xF7A  }
0x26: {  	[smem:$0x3F9B] =	sst s1;
	(tag) =	ssettag s2;
	_ =	strace s9  }
0x27: {  	s1 =	sld [smem:$0x3FAB]  }
0x28: {  	s2 =	sld [smem:$0x3FAC]  }
0x29: {  	s4 =	sld [smem:$0x3FAE]  }
0x2a: {  	p0 =	seq.s32 s5, $0x0;
	s5 =	sld [smem:$0x3FAF]  }
0x2b: {  	s6 =	sld [smem:$0x3FB0]  }
0x2c: {  	s7 =	sld [smem:$0x3FB1]  }
0x2d: {  	s3 =	simm.s32 $0x108;
	s8 =	sld [smem:$0x3FB2]  }
0x2e: {  	s3 =	simm.s32 @!p0 $0x1082;
	s9 =	sld [smem:$0x3FB3]  }
0x2f: {  	lr =	sadd.s32 s0, s3;
	s0 =	sld [smem:$0x3FAA]  }
0x30: {  	s3 =	sld [smem:$0x3FAD]  }
0x31: {  	[smem:$0x3FB6] =	sst s10  }
0x32: {  	s10 =	sld [smem:$0x3FB4];
	_ =	sdelay $0x3  }
0x33: {  	p0 =	seq.s32 s10, $0x1;
	s10 =	sld [smem:$0x3FB6];
	_ =	sdelay $0x3  }
0x34: {  	[smem:$0x3FB6] =	sst s10  }
0x35: {  	s10 =	sld [smem:$0x3FB5];
	_ =	sdelay $0x3  }
0x36: {  	p1 =	seq.s32 s10, $0x1;
	s10 =	sld [smem:$0x3FB6];
	_ =	sdelay $0x3  }
0x37: {  	[smem:$0x3FB6] =	sst s10  }
0x38: {  	s10 =	sld [smem:$0x3FB7]  }
0x39: {  	_ = 	snop;
	(pc) =	sbr.ind lr, $3  }
0x3a: {  	_ = 	snop  }
0x3b: {  	_ = 	snop  }
0x3c: {  	p2 =	seq.s32 s10, $0x1;
	s10 =	sld [smem:$0x3FB6]  }
0x3d: {  	_ =	shalt  }
0x3e: {  	_ =	shalt  }
0x3f: {  	_ =	shalt  }
0x40: {  	_ =	shalt  }
0x41: {  	_ =	shalt  }
0x42: {  	_ =	shalt  }
0x43: {  	_ =	shalt  }
0x44: {  	_ =	shalt  }
0x45: {  	_ =	shalt  }
0x46: {  	_ =	shalt  }
0x47: {  	_ =	shalt  }
0x48: {  	_ =	shalt  }
0x49: {  	_ =	shalt  }
0x4a: {  	_ =	shalt  }
0x4b: {  	_ =	shalt  }
0x4c: {  	_ =	shalt  }
0x4d: {  	_ =	shalt  }
0x4e: {  	_ =	shalt  }
0x4f: {  	_ =	shalt  }
0x50: {  	_ =	shalt  }
0x51: {  	_ =	shalt  }
0x52: {  	_ =	shalt  }
0x53: {  	_ =	shalt  }
0x54: {  	_ =	shalt  }
0x55: {  	_ =	shalt  }
0x56: {  	_ =	shalt  }
0x57: {  	_ =	shalt  }
0x58: {  	_ =	shalt  }
0x59: {  	_ =	shalt  }
0x5a: {  	_ =	shalt  }
0x5b: {  	_ =	shalt  }
0x5c: {  	_ =	shalt  }
0x5d: {  	_ =	shalt  }
0x5e: {  	_ =	shalt  }
0x5f: {  	_ =	shalt  }
0x60: {  	_ =	shalt  }
0x61: {  	_ =	shalt  }
0x62: {  	_ =	shalt  }
0x63: {  	_ =	shalt  }
0x64: {  	_ =	shalt  }
0x65: {  	_ =	shalt  }
0x66: {  	_ =	shalt  }
0x67: {  	_ =	shalt  }
0x68: {  	_ =	shalt  }
0x69: {  	_ =	shalt  }
0x6a: {  	_ =	shalt  }
0x6b: {  	_ =	shalt  }
0x6c: {  	_ =	shalt  }
0x6d: {  	_ =	shalt  }
0x6e: {  	_ =	shalt  }
0x6f: {  	_ =	shalt  }
0x70: {  	_ =	shalt  }
0x71: {  	_ =	shalt  }
0x72: {  	_ =	shalt  }
0x73: {  	_ =	shalt  }
0x74: {  	_ =	shalt  }
0x75: {  	_ =	shalt  }
0x76: {  	_ =	shalt  }
0x77: {  	_ =	shalt  }
0x78: {  	_ =	shalt  }
0x79: {  	_ =	shalt  }
0x7a: {  	_ =	shalt  }
0x7b: {  	_ =	shalt  }
0x7c: {  	_ =	shalt  }
0x7d: {  	_ =	shalt  }
0x7e: {  	_ =	shalt  }
0x7f: {  	_ =	shalt  }
0x80: {  	_ =	shalt  }
0x81: {  	_ =	shalt  }
0x82: {  	_ =	shalt  }
0x83: {  	_ =	shalt  }
0x84: {  	_ =	shalt  }
0x85: {  	_ =	shalt  }
0x86: {  	_ =	shalt  }
0x87: {  	_ =	shalt  }
.Lfunc_end0:
.L_simem_size_0:
called_computation.1_lowered:
.L_overlay_start_0:
0x88: {  	s2 =	sld [smem:$0x3FD9]  }
0x89: {  	s3 =	sld [smem:$0x3FFE];
	_ =	sdelay $0x1  }
0x8a: {  	s1 =	srdreg.scid  }
0x8b: {  	s0 =	sand.u32 $0x1, s1  }
0x8c: {  	s17 =	sshll.u32 s0, $0xA;
	s2 =	sadd.s32 s3, s2  }
0x8d: {  	s2 =	sadd.s32 s2, s17  }
0x8e: {  	[smem:$0x3FC2] =	sst s2  }
0x8f: {  	_ = 	snop  }
0x90: {  	s2 =	sld [smem:$0x3FD0];
	(tm) =	ssettm $0x1  }
0x91: {  	s18 =	sld [smem:$0x3FFB];
	_ =	sdelay $0x3  }
0x92: {  	_ =	strace s18  }
0x93: {  	s3 =	sld [smem:$0x3FFC];
	_ =	sdelay $0x3  }
0x94: {  	_ =	strace s3  }
0x95: {  	s3 =	sld [smem:$0x3FFD];
	_ =	sdelay $0x3  }
0x96: {  	_ =	strace s3  }
0x97: {  	_ =	strace $0x8FFFFFFF  }
0x98: {  	s19 =	sld [smem:$0x3FDB];
	_ =	sdelay $0x1  }
0x99: {  	s4 =	simm.s32 $_scs_section_size  }
0x9a: {  	s5 =	simm.s32 $_size__tile_overlayer_lowered;
	s6 =	simm.s32 $_tile_overlayer_lowered  }
0x9b: {  	s22 =	simm.s32 $0x1BFF;
	s21 =	sshll.u32 s6, $0x1;
	s3 =	sadd.s32 s4, s19  }
0x9c: {  	s7 =	simm.s32 $0x0;
	s20 =	sshll.u32 s5, $0x1;
	s5 =	sadd.s32 s21, s3  }
0x9d: {  	[timem:s7], [sflag:s22] =	dma.local [hbm:s5], s20  }
0x9e: {  	_ =	swait.ge [sflag:s22], s20  }
0x9f: {  	s4 =	ssub.s32 $0x0, s20;
	[sflag:s22] =	ssyncset.done $0x0  }
0xa0: {  	[sflag:s22] =	ssyncadd.s32 s4;
	_ =	sdelay $0x1  }
0xa1: {  	s23 =	simm.s32 $0x1B8B  }
0xa2: {  	_ =	swait.ge [sflag:s23], $0x1  }
0xa3: {  	[sflag:s23] =	ssyncset.done $0x0  }
0xa4: {  	s25 =	simm.s32 $0x1B8E;
	s24 =	sld [smem:$0x3FFE];
	[sflag:s23] =	ssyncadd.s32 $0xFFFFFFFF  }
0xa5: {  	s26 =	simm.s32 $execute0_lowered;
	[smem:$0x3FD2] =	sst s25  }
0xa6: {  	s5 =	sshll.u32 s26, $0x1;
	_ =	strace $0x80000049;
	[dreg:$0x1] =	wrdreg $0xFFFFFFFF  }
0xa7: {  	s28 =	simm.s32 $_size_execute0_lowered;
	s3 =	sadd.s32 s3, s5;
	[dreg:$0x0] =	wrdreg $0x0  }
0xa8: {  	s5 =	sshll.u32 s28, $0x1;
	[dreg:$0x2] =	wrdreg s3  }
0xa9: {  	[dreg:$0x3] =	wrdreg s5  }
0xaa: {  	[dreg:$0x4] =	wrdreg $0xC0  }
0xab: {  	_ =	task [dreg:s7], $0x5FFFF  }
0xac: {  	[dreg:$0x1] =	wrdreg $0xFFFFFFFF  }
0xad: {  	[dreg:$0x0] =	wrdreg $0x60  }
0xae: {  	[dreg:$0x2] =	wrdreg s24  }
0xaf: {  	[dreg:$0x3] =	wrdreg s2  }
0xb0: {  	[dreg:$0x4] =	wrdreg $0x8A000  }
0xb1: {  	[dreg:$0x5] =	wrdreg $0x9  }
0xb2: {  	_ =	task.clear_ibuf [dreg:s7], $0x6FFFF;
	_ =	strace $0x90000049  }
0xb3: {  	s29 =	simm.s32 $0x9;
	_ =	strace $0x8000004B  }
0xb4: {  	_ =	swait.ge [sflag:s29], $0x1  }
0xb5: {  	[sflag:s29] =	ssyncadd.s32 $0xFFFFFFFF  }
0xb6: {  	_ =	strace $0x9000004B  }
0xb7: {  	_ =	sfence  }
0xb8: {  	s30 =	sld [smem:$0x0];
	_ =	sdelay $0x2  }
0xb9: {  	s31 =	sshll.u32 s1, $0xD;
	s1 =	sshrl.u32 s1, $0x2  }
0xba: {  	s3 =	sand.u32 $0x4000, s31;
	s1 =	sadd.s32 s1, s30  }
0xbb: {  	s0 =	sor.u32 s3, s0;
	s1 =	sshll.u32 s1, $0x11  }
0xbc: {  	s0 =	sor.u32 s1, s0  }
0xbd: {  	s0 =	sadd.s32 $0x8F2B, s0  }
0xbe: {  	[sflag:s0] =	ssyncadd.remote.s32 $0x1  }
0xbf: {  	_ =	sfence.sel $0xFFFF  }
0xc0: {  	[dreg:$0x0] =	wrdreg $0xFFFFFFFF;
	(pc) =	sbr.abs _section_cstart, $3  }
0xc1: {  	[dreg:$0x1] =	wrdreg $0xFFFFFFFF  }
0xc2: {  	_ =	task.clear_ibuf [dreg:s7], $0x2FFFF;
	_ =	strace $0x9FFFFFFF  }
0xc3: {  	(tm) =	ssettm $0x7FFFFFFF  }
tec
execute0_lowered:
.L_overlay_start_1:
0x0: {  	(tag) =	ssettag $0x1  }
0x1: {  	s5 =	rddreg [dreg:$0x0]  }
0x2: {  	s9 =	rddreg [dreg:$0x1]  }
0x3: {  	s2 =	rddreg [dreg:$0x2]  }
0x4: {  	s0 =	rddreg [dreg:$0x3];
	s3 =	simm.s32 $0x0;
	s1 =	stileid.u32  }
0x5: {  	s4 =	srdreg.scid;
	s8 =	simm.s32 $0x1400;
	s7 =	smul.u32 $0x5000, s1  }
0x6: {  	[smem:$0x7FF] =	sst s3;
	s6 =	sand.u32 $0x1, s4;
	s11 =	smul.u32 $0x14000, s1  }
0x7: {  	s4 =	sadd.s32 $0x1FE00, s5;
	s28 =	smul.u32 $0x50000, s1;
	s13 =	sshll.u32 s1, $0x6  }
0x8: {  	p0 =	seq.s32 s6, $0x0;
	s10 =	smul.u32 $0x140000, s6;
	_ =	strace $0x8000004A  }
0x9: {  	s6 =	ssub.s32 $0x2, s6;
	s13 =	sor.u32 $0x1C01, s13;
	s8 =	simm.s32 @!p0 $0x0  }
0xa: {  	s30 =	sshrl.u32 s6, $0x1;
	s7 =	sadd.s32 s7, s8;
	s26 =	sadd.s32 s11, s10  }
0xb: {  	s8 =	sshrl.u32 s28, $0x2;
	s31 =	ssub.s32 s6, s30;
	s6 =	simm.s32 $0x3C  }
0xc: {  	s11 =	simm.s32 $0x8200;
	s12 =	sshrl.u32 s7, $0x3;
	s7 =	sshrl.u32 s26, $0x3  }
0xd: {  	s6 =	simm.s32 @!p0 $0x14;
	s29 =	sadd.s32 s12, s5;
	s7 =	sadd.s32 s7, s5  }
0xe: {  	s5 =	sadd.s32 s8, s2;
	s8 =	smax.u32 s31, $0x1;
	s9 =	sadd.s32 s12, s9  }
0xf: {  	v0 =	vimm.f32 $0.0e+00;
	s12 =	simm.s32 $0x1;
	s7 =	sadd.s32 $0x47E00, s7;
	s10 =	sadd.s32 $0x15E00, s29  }
.LBB2_1:
0x10: {  	[tilespmem:$0x8200] =	vst v0  }
0x11: {  	[tilespmem:$0x8210] =	vst v0  }
0x12: {  	[tilespmem:$0x8220] =	vst v0  }
0x13: {  	[tilespmem:$0x8230] =	vst v0  }
0x14: {  	[tilespmem:$0x8240] =	vst v0  }
0x15: {  	[tilespmem:$0x8250] =	vst v0  }
0x16: {  	[tilespmem:$0x8260] =	vst v0  }
0x17: {  	[tilespmem:$0x8270] =	vst v0  }
0x18: {  	[tilespmem:$0x8280] =	vst v0  }
0x19: {  	[tilespmem:$0x8290] =	vst v0  }
0x1a: {  	[tilespmem:$0x82A0] =	vst v0  }
0x1b: {  	[tilespmem:$0x82B0] =	vst v0  }
0x1c: {  	[tilespmem:$0x82C0] =	vst v0  }
0x1d: {  	[tilespmem:$0x82D0] =	vst v0  }
0x1e: {  	[tilespmem:$0x82E0] =	vst v0  }
0x1f: {  	[tilespmem:$0x82F0] =	vst v0  }
0x20: {  	[tilespmem:$0x8300] =	vst v0  }
0x21: {  	[tilespmem:$0x8310] =	vst v0  }
0x22: {  	[tilespmem:$0x8320] =	vst v0  }
0x23: {  	[tilespmem:$0x8330] =	vst v0  }
0x24: {  	[tilespmem:$0x8340] =	vst v0  }
0x25: {  	[tilespmem:$0x8350] =	vst v0  }
0x26: {  	[tilespmem:$0x8360] =	vst v0  }
0x27: {  	[tilespmem:$0x8370] =	vst v0  }
0x28: {  	[tilespmem:$0x8380] =	vst v0  }
0x29: {  	[tilespmem:$0x8390] =	vst v0  }
0x2a: {  	[tilespmem:$0x83A0] =	vst v0  }
0x2b: {  	[tilespmem:$0x83B0] =	vst v0  }
0x2c: {  	[tilespmem:$0x83C0] =	vst v0  }
0x2d: {  	[tilespmem:$0x83D0] =	vst v0  }
0x2e: {  	[tilespmem:$0x83E0] =	vst v0  }
0x2f: {  	[tilespmem:$0x83F0] =	vst v0  }
0x30: {  	[tilespmem:$0x8400] =	vst v0  }
0x31: {  	[tilespmem:$0x8410] =	vst v0  }
0x32: {  	[tilespmem:$0x8420] =	vst v0  }
0x33: {  	[tilespmem:$0x8430] =	vst v0  }
0x34: {  	[tilespmem:$0x8440] =	vst v0  }
0x35: {  	[tilespmem:$0x8450] =	vst v0  }
0x36: {  	[tilespmem:$0x8460] =	vst v0  }
0x37: {  	[tilespmem:$0x8470] =	vst v0  }
0x38: {  	[tilespmem:$0x8480] =	vst v0  }
0x39: {  	[tilespmem:$0x8490] =	vst v0  }
0x3a: {  	[tilespmem:$0x84A0] =	vst v0  }
0x3b: {  	[tilespmem:$0x84B0] =	vst v0  }
0x3c: {  	[tilespmem:$0x84C0] =	vst v0  }
0x3d: {  	[tilespmem:$0x84D0] =	vst v0  }
0x3e: {  	[tilespmem:$0x84E0] =	vst v0  }
0x3f: {  	[tilespmem:$0x84F0] =	vst v0  }
0x40: {  	[tilespmem:$0x8500] =	vst v0  }
0x41: {  	[tilespmem:$0x8510] =	vst v0  }
0x42: {  	[tilespmem:$0x8520] =	vst v0  }
0x43: {  	[tilespmem:$0x8530] =	vst v0  }
0x44: {  	[tilespmem:$0x8540] =	vst v0  }
0x45: {  	[tilespmem:$0x8550] =	vst v0  }
0x46: {  	[tilespmem:$0x8560] =	vst v0  }
0x47: {  	[tilespmem:$0x8570] =	vst v0  }
0x48: {  	[tilespmem:$0x8580] =	vst v0  }
0x49: {  	[tilespmem:$0x8590] =	vst v0  }
0x4a: {  	[tilespmem:$0x85A0] =	vst v0  }
0x4b: {  	[tilespmem:$0x85B0] =	vst v0  }
0x4c: {  	[tilespmem:$0x85C0] =	vst v0  }
0x4d: {  	[tilespmem:$0x85D0] =	vst v0  }
0x4e: {  	[tilespmem:$0x85E0] =	vst v0  }
0x4f: {  	[tilespmem:$0x85F0] =	vst v0  }
0x50: {  	[tilespmem:$0x8600] =	vst v0  }
0x51: {  	[tilespmem:$0x8610] =	vst v0  }
0x52: {  	[tilespmem:$0x8620] =	vst v0  }
0x53: {  	[tilespmem:$0x8630] =	vst v0  }
0x54: {  	[tilespmem:$0x8640] =	vst v0  }
0x55: {  	[tilespmem:$0x8650] =	vst v0  }
0x56: {  	[tilespmem:$0x8660] =	vst v0  }
0x57: {  	[tilespmem:$0x8670] =	vst v0  }
0x58: {  	[tilespmem:$0x8680] =	vst v0  }
0x59: {  	[tilespmem:$0x8690] =	vst v0  }
0x5a: {  	[tilespmem:$0x86A0] =	vst v0  }
0x5b: {  	[tilespmem:$0x86B0] =	vst v0  }
0x5c: {  	[tilespmem:$0x86C0] =	vst v0  }
0x5d: {  	[tilespmem:$0x86D0] =	vst v0  }
0x5e: {  	[tilespmem:$0x86E0] =	vst v0  }
0x5f: {  	[tilespmem:$0x86F0] =	vst v0  }
0x60: {  	[tilespmem:$0x8700] =	vst v0  }
0x61: {  	[tilespmem:$0x8710] =	vst v0  }
0x62: {  	[tilespmem:$0x8720] =	vst v0  }
0x63: {  	[tilespmem:$0x8730] =	vst v0  }
0x64: {  	[tilespmem:$0x8740] =	vst v0  }
0x65: {  	[tilespmem:$0x8750] =	vst v0  }
0x66: {  	[tilespmem:$0x8760] =	vst v0  }
0x67: {  	[tilespmem:$0x8770] =	vst v0  }
0x68: {  	[tilespmem:$0x8780] =	vst v0  }
0x69: {  	[tilespmem:$0x8790] =	vst v0  }
0x6a: {  	[tilespmem:$0x87A0] =	vst v0  }
0x6b: {  	[tilespmem:$0x87B0] =	vst v0  }
0x6c: {  	[tilespmem:$0x87C0] =	vst v0  }
0x6d: {  	[tilespmem:$0x87D0] =	vst v0  }
0x6e: {  	[tilespmem:$0x87E0] =	vst v0  }
0x6f: {  	[tilespmem:$0x87F0] =	vst v0  }
0x70: {  	[tilespmem:$0x8800] =	vst v0  }
0x71: {  	[tilespmem:$0x8810] =	vst v0  }
0x72: {  	[tilespmem:$0x8820] =	vst v0  }
0x73: {  	[tilespmem:$0x8830] =	vst v0  }
0x74: {  	[tilespmem:$0x8840] =	vst v0  }
0x75: {  	[tilespmem:$0x8850] =	vst v0  }
0x76: {  	[tilespmem:$0x8860] =	vst v0  }
0x77: {  	[tilespmem:$0x8870] =	vst v0  }
0x78: {  	[tilespmem:$0x8880] =	vst v0  }
0x79: {  	[tilespmem:$0x8890] =	vst v0  }
0x7a: {  	[tilespmem:$0x88A0] =	vst v0  }
0x7b: {  	[tilespmem:$0x88B0] =	vst v0  }
0x7c: {  	[tilespmem:$0x88C0] =	vst v0  }
0x7d: {  	[tilespmem:$0x88D0] =	vst v0  }
0x7e: {  	[tilespmem:$0x88E0] =	vst v0  }
0x7f: {  	[tilespmem:$0x88F0] =	vst v0  }
0x80: {  	[tilespmem:$0x8900] =	vst v0  }
0x81: {  	[tilespmem:$0x8910] =	vst v0  }
0x82: {  	[tilespmem:$0x8920] =	vst v0  }
0x83: {  	[tilespmem:$0x8930] =	vst v0  }
0x84: {  	[tilespmem:$0x8940] =	vst v0  }
0x85: {  	[tilespmem:$0x8950] =	vst v0  }
0x86: {  	[tilespmem:$0x8960] =	vst v0  }
0x87: {  	[tilespmem:$0x8970] =	vst v0  }
0x88: {  	[tilespmem:$0x8980] =	vst v0  }
0x89: {  	[tilespmem:$0x8990] =	vst v0  }
0x8a: {  	[tilespmem:$0x89A0] =	vst v0  }
0x8b: {  	[tilespmem:$0x89B0] =	vst v0  }
0x8c: {  	[tilespmem:$0x89C0] =	vst v0  }
0x8d: {  	[tilespmem:$0x89D0] =	vst v0  }
0x8e: {  	[tilespmem:$0x89E0] =	vst v0  }
0x8f: {  	[tilespmem:$0x89F0] =	vst v0;
	s14 =	sadd.s32 $0x0, s5  }
0x90: {  	[spmem:s14] =	stream.linear.scatter [tilespmem:s11], [sflag:$0x1], $0x800, $0x38;
	[tilespmem:$0x1CA00] =	vst v63  }
0x91: {  	s14 =	simm.s32 $0x2000;
	_ =	swait.ge [sflag:s12], $0x800  }
.LBB2_2:
0x92: {  	s15 =	sshra.s32 s14, $0x2;
	[sflag:s12] =	ssyncset.done $0x0;
	p0 =	sne.s32 s14, $0x4E000  }
.Ltmp0:
0x93: {  	s15 =	sadd.s32 s15, s5;
	[sflag:s12] =	ssyncadd.s32 $0xFFFFF800;
	(pc) =	sbr.rel @p0 .LBB2_2-.Ltmp0, $3  }
0x94: {  	[spmem:s15] =	stream.linear.scatter [tilespmem:s11], [sflag:$0x1], $0x800, $0x38;
	[tilespmem:$0x1CA00] =	vst v63  }
0x95: {  	s14 =	sadd.s32 $0x2000, s14;
	_ =	sdelay $0x1  }
0x96: {  	_ =	swait.ge [sflag:s12], $0x800  }
0x97: {  	[sflag:s12] =	ssyncset.done $0x0  }
0x98: {  	p0 =	sle.u32 s6, $0x0;
	[sflag:s12] =	ssyncadd.s32 $0xFFFFF800  }
0x99: {  	s14 =	simm.s32 @!p0 $0x0;
	s15 =	simm.s32 @!p0 $0x2;
	[bflag:$0x0] =	sbarrier.arrive $0xFFFF  }
0x9a: {  	[tilespmem:s14], [sflag:$0x2] =	stream.linear.gather @!p0 [hbm4b:s10+s14], $0x100, $0x38;
	[tilespmem:$0x1CA00] =	vst v63  }
0x9b: {  	_ =	swait.ge @!p0 [sflag:s15], $0x100  }
0x9c: {  	[sflag:s15] =	ssyncset.done @!p0 $0x0;
	p0 =	por p0, p0  }
0x9d: {  	[sflag:s15] =	ssyncadd.s32 @!p0 $0xFFFFFF00;
	s16 =	simm.s32 @!p0 $0x100  }
0x9e: {  	[tilespmem:s16], [sflag:$0x2] =	stream.linear.gather @!p0 [hbm4b:s9+s14], $0x100, $0x38;
	[tilespmem:$0x1CA00] =	vst v63  }
0x9f: {  	_ =	swait.ge @!p0 [sflag:s15], $0x100  }
0xa0: {  	[sflag:s15] =	ssyncset.done @!p0 $0x0  }
0xa1: {  	s18 =	simm.s32 @!p0 $0x200;
	[sflag:s15] =	ssyncadd.s32 @!p0 $0xFFFFFF00  }
0xa2: {  	[tilespmem:s18], [sflag:$0x2] =	stream.indirect.gather @!p0 [hbm4b:s4+s16], $0x80, s14, s16, $0xb8;
	[tilespmem:$0x1CA00] =	vst v63  }
0xa3: {  	_ =	swait.ge @!p0 [sflag:s15], $0x8000  }
0xa4: {  	[sflag:s15] =	ssyncset.done @!p0 $0x0  }
0xa5: {  	s17 =	simm.s32 @!p0 $0x1;
	[sflag:s15] =	ssyncadd.s32 @!p0 $0xFFFF8000  }
0xa6: {  	[spmem:s2] =	stream.indirect.scatter.add.f32 @!p0 [tilespmem:s18], [sflag:$0x1], $0x80, s16, s16, $0xb8;
	[tilespmem:$0x1CA00] =	vst v63  }
0xa7: {  	p2 =	sle.u32 s6, $0x1;
	s14 =	sadd.s32 $0x20, s9;
	_ =	swait.ge @!p0 [sflag:s17], $0x8000  }
0xa8: {  	s15 =	sadd.s32 $0x20, s10;
	s16 =	simm.s32 $0x2;
	[sflag:s17] =	ssyncset.done @!p0 $0x0  }
.LBB2_4:
0xa9: {  	s18 =	simm.s32 @!p2 $0x0;
	s19 =	simm.s32 @!p2 $0x2;
	[sflag:s17] =	ssyncadd.s32 @!p0 $0xFFFF8000  }
0xaa: {  	[tilespmem:s18], [sflag:$0x2] =	stream.linear.gather @!p2 [hbm4b:s15+s18], $0x100, $0x38;
	[tilespmem:$0x1CA00] =	vst v63  }
0xab: {  	s20 =	smov.u32 s16;
	s16 =	sadd.s32 $0x1, s16;
	_ =	swait.ge @!p2 [sflag:s19], $0x100  }
0xac: {  	p0 =	por p2, p2;
	p1 =	sne.s32 s16, $0x3C;
	[sflag:s19] =	ssyncset.done @!p2 $0x0  }
0xad: {  	s21 =	simm.s32 @!p0 $0x100;
	[sflag:s19] =	ssyncadd.s32 @!p0 $0xFFFFFF00  }
0xae: {  	[tilespmem:s21], [sflag:$0x2] =	stream.linear.gather @!p0 [hbm4b:s14+s18], $0x100, $0x38;
	[tilespmem:$0x1CA00] =	vst v63  }
0xaf: {  	_ =	swait.ge @!p0 [sflag:s19], $0x100  }
0xb0: {  	[sflag:s19] =	ssyncset.done @!p0 $0x0  }
0xb1: {  	s22 =	simm.s32 @!p0 $0x200;
	[sflag:s19] =	ssyncadd.s32 @!p0 $0xFFFFFF00  }
0xb2: {  	[tilespmem:s22], [sflag:$0x2] =	stream.indirect.gather @!p0 [hbm4b:s4+s21], $0x80, s18, s21, $0xb8;
	[tilespmem:$0x1CA00] =	vst v63  }
0xb3: {  	_ =	swait.ge @!p0 [sflag:s19], $0x8000  }
.Ltmp1:
0xb4: {  	[sflag:s19] =	ssyncset.done @!p0 $0x0;
	(pc) =	sbr.rel @p1 .LBB2_4-.Ltmp1, $4  }
0xb5: {  	s17 =	simm.s32 @!p0 $0x1;
	[sflag:s19] =	ssyncadd.s32 @!p0 $0xFFFF8000  }
0xb6: {  	[spmem:s2] =	stream.indirect.scatter.add.f32 @!p0 [tilespmem:s22], [sflag:$0x1], $0x80, s21, s21, $0xb8;
	[tilespmem:$0x1CA00] =	vst v63  }
0xb7: {  	s15 =	sadd.s32 $0x20, s15;
	_ =	swait.ge @!p0 [sflag:s17], $0x8000  }
0xb8: {  	p2 =	sge.u32 s20, s6;
	s14 =	sadd.s32 $0x20, s14;
	[sflag:s17] =	ssyncset.done @!p0 $0x0  }
0xb9: {  	s16 =	simm.s32 @!p2 $0x0;
	s18 =	simm.s32 @!p2 $0x2;
	[sflag:s17] =	ssyncadd.s32 @!p0 $0xFFFF8000  }
0xba: {  	[tilespmem:s16], [sflag:$0x2] =	stream.linear.gather @!p2 [hbm4b:s15+s16], $0x100, $0x38;
	[tilespmem:$0x1CA00] =	vst v63  }
0xbb: {  	_ =	swait.ge @!p2 [sflag:s18], $0x100  }
0xbc: {  	p0 =	por p2, p2;
	[sflag:s18] =	ssyncset.done @!p2 $0x0  }
0xbd: {  	s15 =	simm.s32 @!p0 $0x100;
	[sflag:s18] =	ssyncadd.s32 @!p0 $0xFFFFFF00  }
0xbe: {  	[tilespmem:s15], [sflag:$0x2] =	stream.linear.gather @!p0 [hbm4b:s14+s16], $0x100, $0x38;
	[tilespmem:$0x1CA00] =	vst v63  }
0xbf: {  	_ =	swait.ge @!p0 [sflag:s18], $0x100  }
0xc0: {  	[sflag:s18] =	ssyncset.done @!p0 $0x0  }
0xc1: {  	s14 =	simm.s32 @!p0 $0x200;
	[sflag:s18] =	ssyncadd.s32 @!p0 $0xFFFFFF00  }
0xc2: {  	[tilespmem:s14], [sflag:$0x2] =	stream.indirect.gather @!p0 [hbm4b:s4+s15], $0x80, s16, s15, $0xb8;
	[tilespmem:$0x1CA00] =	vst v63  }
0xc3: {  	_ =	swait.ge @!p0 [sflag:s18], $0x8000  }
0xc4: {  	[sflag:s18] =	ssyncset.done @!p0 $0x0  }
0xc5: {  	s16 =	simm.s32 @!p0 $0x1;
	[sflag:s18] =	ssyncadd.s32 @!p0 $0xFFFF8000  }
0xc6: {  	[spmem:s2] =	stream.indirect.scatter.add.f32 @!p0 [tilespmem:s14], [sflag:$0x1], $0x80, s15, s15, $0xb8;
	[tilespmem:$0x1CA00] =	vst v63  }
0xc7: {  	_ =	swait.ge @!p0 [sflag:s16], $0x8000  }
0xc8: {  	s3 =	sadd.s32 $0x1, s3;
	[sflag:s16] =	ssyncset.done @!p0 $0x0  }
0xc9: {  	[sflag:s16] =	ssyncadd.s32 @!p0 $0xFFFF8000;
	p0 =	sne.s32 s3, s8  }
.Ltmp2:
0xca: {  	s31 =	sshrl.u32 s5, $0x3;
	[bflag:$0x0] =	sbarrier.arrive $0xFFFF;
	(pc) =	sbr.rel @p0 .LBB2_1-.Ltmp2, $4  }
0xcb: {  	[hbm:s7], [sflag:s13] =	dma.local [spmem:s31], $0x2800  }
0xcc: {  	_ =	swait.ge [sflag:s12], $0x2800  }
0xcd: {  	[sflag:s12] =	ssyncset.done $0x0  }
0xce: {  	[sflag:s12] =	ssyncadd.s32 $0xFFFFD800  }
0xcf: {  	_ =	sfence.sel $0x180000  }
0xd0: {  	[bflag:$0x0] =	sbarrier.arrive $0xFFFF  }
0xd1: {  	p0 =	sne.s32 s1, $0x0;
	_ =	strace $0x9000004A  }
0xd2: {  	s0 =	sadd.s32 @!p0 $0x100000, s0;
	[bflag:$0x2] =	sbarrier.arrive $0xFFFF  }
0xd3: {  	[sflag:s0] =	ssyncadd.tile.s32 @!p0 $0x1;
	_ =	shalt  }
.Lfunc_end2:
_tile_overlayer_lowered:
.L_overlay_start_2:
0xd4: {  	(tag) =	ssettag $0x2  }
0xd5: {  	s0 =	rddreg [dreg:$0x0];
	s2 =	stileid.u32  }
0xd6: {  	s1 =	rddreg [dreg:$0x1];
	p0 =	sne.s32 s2, $0x0  }
0xd7: {  	s3 =	rddreg [dreg:$0x2];
	[bflag:$0x3] =	sbarrier.arrive $0xFFFF;
	s2 =	simm.s32 @!p0 $0x1C01  }
0xd8: {  	[timem:s3], [sflag:s2] =	dma.local @!p0 [hbm:s0], s1  }
0xd9: {  	s0 =	simm.s32 @!p0 $0x1  }
0xda: {  	_ =	swait.ge @!p0 [sflag:s0], s1  }
0xdb: {  	s1 =	ssub.s32 @!p0 $0x0, s1;
	[sflag:s0] =	ssyncset.done @!p0 $0x0  }
0xdc: {  	[sflag:s0] =	ssyncadd.s32 @!p0 s1  }
0xdd: {  	[bflag:$0x3] =	sbarrier.arrive $0xFFFF  }
0xde: {  	_ =	shalt  }

// kernel: kernel.14.cloned.1.call-start
scs
__scs_entry_jumppad:
0x0: {  	(pc) =	sbr.rel $0x88, $3  }
0x1: {  	(tag) =	ssettag $0x0;
	lr =	simm.s32 $0x1  }
0x2: {  	[smem:$0x3F9B] =	sst lr;
	_ =	strace $0xD0000000  }
0x3: {  	_ = 	snop  }
0x4: {  	_ = 	snop  }
0x5: {  	_ = 	snop  }
0x6: {  	_ = 	snop  }
0x7: {  	_ = 	snop  }
__scs_overlays_trampoline_lowered:
0x8: {  	[smem:$0x3FAA] =	sst s0  }
0x9: {  	[smem:$0x3FAB] =	sst s1  }
0xa: {  	[smem:$0x3FAC] =	sst s2  }
0xb: {  	[smem:$0x3FAD] =	sst s3  }
0xc: {  	[smem:$0x3FAE] =	sst s4  }
0xd: {  	[smem:$0x3FAF] =	sst s5  }
0xe: {  	[smem:$0x3FB0] =	sst s6  }
0xf: {  	[smem:$0x3FB1] =	sst s7  }
0x10: {  	[smem:$0x3FB2] =	sst s8  }
0x11: {  	[smem:$0x3FB3] =	sst s9;
	s0 =	simm.s32 @!p0 $0x0  }
0x12: {  	s1 =	sld [smem:$0x3F99];
	s0 =	simm.s32 @p0 $0x1  }
0x13: {  	[smem:$0x3FB4] =	sst s0;
	s0 =	simm.s32 @!p1 $0x0  }
0x14: {  	s2 =	sld [smem:$0x3F98];
	s0 =	simm.s32 @p1 $0x1  }
0x15: {  	[smem:$0x3FB5] =	sst s0;
	s0 =	simm.s32 @!p2 $0x0  }
0x16: {  	s3 =	sld [smem:$0x3FDB];
	s0 =	simm.s32 @p2 $0x1  }
0x17: {  	s4 =	simm.s32 $0x1BF5;
	[smem:$0x3FB7] =	sst s0  }
0x18: {  	s0 =	sld [smem:$0x3F9A];
	_ =	swait.ge [sflag:s4], $0x0  }
0x19: {  	s7 =	sld [smem:$0x3F9B]  }
0x1a: {  	s8 =	sadd.s32 $0xFFFFE003, lr  }
0x1b: {  	s9 =	sadd.s32 $0xFFFFFEF7, lr;
	s5 =	simm.s32 $0xFFFFFFFF;
	p2 =	slt.u32 s8, $0xFFFFF086  }
0x1c: {  	p1 =	slt.u32 s9, $0xF7A;
	s5 =	simm.s32 @!p2 $0x0  }
0x1d: {  	s5 =	simm.s32 @p1 $0x1;
	p0 =	seq.s32 s7, s2  }
0x1e: {  	s7 =	smul.u32 @!p0 $0xF7A, s2;
	p2 =	seq.s32 @!p0 s5, $0x0  }
0x1f: {  	s9 =	smul.u32 $0xF7A, s1;
	s8 =	simm.s32 @!p0 $0x1BF5;
	p2 =	por !p2, p0  }
0x20: {  	[sflag:s8] =	ssyncset.s32 @!p0 $0xFFFFF086;
	s6 =	sadd.s32 @!p0 s3, s7;
	s7 =	simm.s32 @!p0 $0x108  }
0x21: {  	s3 =	sadd.s32 s3, s9;
	s6 =	sadd.s32 @!p0 $0x88, s6;
	s7 =	simm.s32 @p2 $0x1082  }
0x22: {  	[simem:s7], [sflag:s8] =	dma.local @!p0 [hbm:s6], $0xF7A  }
0x23: {  	s9 =	sor.u32 $0xD0000000, s2;
	s6 =	simm.s32 $0x108;
	_ =	swait.ge @!p0 [sflag:s8], $0x0  }
0x24: {  	s3 =	sadd.s32 $0x88, s3;
	s6 =	simm.s32 @!p1 $0x1082;
	[sflag:s4] =	ssyncset.s32 $0xFFFFF086  }
0x25: {  	[simem:s6], [sflag:s4] =	dma.local [hbm:s3], $0xF7A  }
0x26: {  	[smem:$0x3F9B] =	sst s1;
	(tag) =	ssettag s2;
	_ =	strace s9  }
0x27: {  	s1 =	sld [smem:$0x3FAB]  }
0x28: {  	s2 =	sld [smem:$0x3FAC]  }
0x29: {  	s4 =	sld [smem:$0x3FAE]  }
0x2a: {  	p0 =	seq.s32 s5, $0x0;
	s5 =	sld [smem:$0x3FAF]  }
0x2b: {  	s6 =	sld [smem:$0x3FB0]  }
0x2c: {  	s7 =	sld [smem:$0x3FB1]  }
0x2d: {  	s3 =	simm.s32 $0x108;
	s8 =	sld [smem:$0x3FB2]  }
0x2e: {  	s3 =	simm.s32 @!p0 $0x1082;
	s9 =	sld [smem:$0x3FB3]  }
0x2f: {  	lr =	sadd.s32 s0, s3;
	s0 =	sld [smem:$0x3FAA]  }
0x30: {  	s3 =	sld [smem:$0x3FAD]  }
0x31: {  	[smem:$0x3FB6] =	sst s10  }
0x32: {  	s10 =	sld [smem:$0x3FB4];
	_ =	sdelay $0x3  }
0x33: {  	p0 =	seq.s32 s10, $0x1;
	s10 =	sld [smem:$0x3FB6];
	_ =	sdelay $0x3  }
0x34: {  	[smem:$0x3FB6] =	sst s10  }
0x35: {  	s10 =	sld [smem:$0x3FB5];
	_ =	sdelay $0x3  }
0x36: {  	p1 =	seq.s32 s10, $0x1;
	s10 =	sld [smem:$0x3FB6];
	_ =	sdelay $0x3  }
0x37: {  	[smem:$0x3FB6] =	sst s10  }
0x38: {  	s10 =	sld [smem:$0x3FB7]  }
0x39: {  	_ = 	snop;
	(pc) =	sbr.ind lr, $3  }
0x3a: {  	_ = 	snop  }
0x3b: {  	_ = 	snop  }
0x3c: {  	p2 =	seq.s32 s10, $0x1;
	s10 =	sld [smem:$0x3FB6]  }
0x3d: {  	_ =	shalt  }
0x3e: {  	_ =	shalt  }
0x3f: {  	_ =	shalt  }
0x40: {  	_ =	shalt  }
0x41: {  	_ =	shalt  }
0x42: {  	_ =	shalt  }
0x43: {  	_ =	shalt  }
0x44: {  	_ =	shalt  }
0x45: {  	_ =	shalt  }
0x46: {  	_ =	shalt  }
0x47: {  	_ =	shalt  }
0x48: {  	_ =	shalt  }
0x49: {  	_ =	shalt  }
0x4a: {  	_ =	shalt  }
0x4b: {  	_ =	shalt  }
0x4c: {  	_ =	shalt  }
0x4d: {  	_ =	shalt  }
0x4e: {  	_ =	shalt  }
0x4f: {  	_ =	shalt  }
0x50: {  	_ =	shalt  }
0x51: {  	_ =	shalt  }
0x52: {  	_ =	shalt  }
0x53: {  	_ =	shalt  }
0x54: {  	_ =	shalt  }
0x55: {  	_ =	shalt  }
0x56: {  	_ =	shalt  }
0x57: {  	_ =	shalt  }
0x58: {  	_ =	shalt  }
0x59: {  	_ =	shalt  }
0x5a: {  	_ =	shalt  }
0x5b: {  	_ =	shalt  }
0x5c: {  	_ =	shalt  }
0x5d: {  	_ =	shalt  }
0x5e: {  	_ =	shalt  }
0x5f: {  	_ =	shalt  }
0x60: {  	_ =	shalt  }
0x61: {  	_ =	shalt  }
0x62: {  	_ =	shalt  }
0x63: {  	_ =	shalt  }
0x64: {  	_ =	shalt  }
0x65: {  	_ =	shalt  }
0x66: {  	_ =	shalt  }
0x67: {  	_ =	shalt  }
0x68: {  	_ =	shalt  }
0x69: {  	_ =	shalt  }
0x6a: {  	_ =	shalt  }
0x6b: {  	_ =	shalt  }
0x6c: {  	_ =	shalt  }
0x6d: {  	_ =	shalt  }
0x6e: {  	_ =	shalt  }
0x6f: {  	_ =	shalt  }
0x70: {  	_ =	shalt  }
0x71: {  	_ =	shalt  }
0x72: {  	_ =	shalt  }
0x73: {  	_ =	shalt  }
0x74: {  	_ =	shalt  }
0x75: {  	_ =	shalt  }
0x76: {  	_ =	shalt  }
0x77: {  	_ =	shalt  }
0x78: {  	_ =	shalt  }
0x79: {  	_ =	shalt  }
0x7a: {  	_ =	shalt  }
0x7b: {  	_ =	shalt  }
0x7c: {  	_ =	shalt  }
0x7d: {  	_ =	shalt  }
0x7e: {  	_ =	shalt  }
0x7f: {  	_ =	shalt  }
0x80: {  	_ =	shalt  }
0x81: {  	_ =	shalt  }
0x82: {  	_ =	shalt  }
0x83: {  	_ =	shalt  }
0x84: {  	_ =	shalt  }
0x85: {  	_ =	shalt  }
0x86: {  	_ =	shalt  }
0x87: {  	_ =	shalt  }
.Lfunc_end0:
.L_simem_size_0:
called_computation.2_lowered:
.L_overlay_start_0:
0x88: {  	s2 =	sld [smem:$0x3FD9]  }
0x89: {  	s3 =	sld [smem:$0x3FFE];
	_ =	sdelay $0x1  }
0x8a: {  	s1 =	srdreg.scid  }
0x8b: {  	s0 =	sand.u32 $0x1, s1  }
0x8c: {  	s17 =	sshll.u32 s0, $0xA;
	s2 =	sadd.s32 s3, s2  }
0x8d: {  	s2 =	sadd.s32 s2, s17  }
0x8e: {  	[smem:$0x3FC2] =	sst s2  }
0x8f: {  	_ = 	snop  }
0x90: {  	s2 =	sld [smem:$0x3FD0];
	(tm) =	ssettm $0x1  }
0x91: {  	s18 =	sld [smem:$0x3FFB];
	_ =	sdelay $0x3  }
0x92: {  	_ =	strace s18  }
0x93: {  	s3 =	sld [smem:$0x3FFC];
	_ =	sdelay $0x3  }
0x94: {  	_ =	strace s3  }
0x95: {  	s3 =	sld [smem:$0x3FFD];
	_ =	sdelay $0x3  }
0x96: {  	_ =	strace s3  }
0x97: {  	_ =	strace $0x8FFFFFFF  }
0x98: {  	s19 =	sld [smem:$0x3FDB];
	_ =	sdelay $0x1  }
0x99: {  	s4 =	simm.s32 $_scs_section_size  }
0x9a: {  	s5 =	simm.s32 $_size__tile_overlayer_lowered;
	s6 =	simm.s32 $_tile_overlayer_lowered  }
0x9b: {  	s22 =	simm.s32 $0x1BFF;
	s21 =	sshll.u32 s6, $0x1;
	s3 =	sadd.s32 s4, s19  }
0x9c: {  	s7 =	simm.s32 $0x0;
	s20 =	sshll.u32 s5, $0x1;
	s5 =	sadd.s32 s21, s3  }
0x9d: {  	[timem:s7], [sflag:s22] =	dma.local [hbm:s5], s20  }
0x9e: {  	_ =	swait.ge [sflag:s22], s20  }
0x9f: {  	s4 =	ssub.s32 $0x0, s20;
	[sflag:s22] =	ssyncset.done $0x0  }
0xa0: {  	[sflag:s22] =	ssyncadd.s32 s4;
	_ =	sdelay $0x1  }
0xa1: {  	s23 =	simm.s32 $0x1B8B  }
0xa2: {  	_ =	swait.ge [sflag:s23], $0x1  }
0xa3: {  	[sflag:s23] =	ssyncset.done $0x0  }
0xa4: {  	s25 =	simm.s32 $0x1B8E;
	s24 =	sld [smem:$0x3FFE];
	[sflag:s23] =	ssyncadd.s32 $0xFFFFFFFF  }
0xa5: {  	s26 =	simm.s32 $execute0_lowered;
	[smem:$0x3FD2] =	sst s25  }
0xa6: {  	s5 =	sshll.u32 s26, $0x1;
	_ =	strace $0x8000004C;
	[dreg:$0x1] =	wrdreg $0xFFFFFFFF  }
0xa7: {  	s28 =	simm.s32 $_size_execute0_lowered;
	s3 =	sadd.s32 s3, s5;
	[dreg:$0x0] =	wrdreg $0x0  }
0xa8: {  	s5 =	sshll.u32 s28, $0x1;
	[dreg:$0x2] =	wrdreg s3  }
0xa9: {  	[dreg:$0x3] =	wrdreg s5  }
0xaa: {  	[dreg:$0x4] =	wrdreg $0xC0  }
0xab: {  	_ =	task [dreg:s7], $0x5FFFF  }
0xac: {  	[dreg:$0x1] =	wrdreg $0xFFFFFFFF  }
0xad: {  	[dreg:$0x0] =	wrdreg $0x60  }
0xae: {  	[dreg:$0x2] =	wrdreg s24  }
0xaf: {  	[dreg:$0x3] =	wrdreg s2  }
0xb0: {  	[dreg:$0x4] =	wrdreg $0x8A000  }
0xb1: {  	[dreg:$0x5] =	wrdreg $0x9  }
0xb2: {  	_ =	task.clear_ibuf [dreg:s7], $0x6FFFF;
	_ =	strace $0x9000004C  }
0xb3: {  	s29 =	simm.s32 $0x9;
	_ =	strace $0x8000004E  }
0xb4: {  	_ =	swait.ge [sflag:s29], $0x1  }
0xb5: {  	[sflag:s29] =	ssyncadd.s32 $0xFFFFFFFF  }
0xb6: {  	_ =	strace $0x9000004E  }
0xb7: {  	_ =	sfence  }
0xb8: {  	s30 =	sld [smem:$0x0];
	_ =	sdelay $0x2  }
0xb9: {  	s31 =	sshll.u32 s1, $0xD;
	s1 =	sshrl.u32 s1, $0x2  }
0xba: {  	s3 =	sand.u32 $0x4000, s31;
	s1 =	sadd.s32 s1, s30  }
0xbb: {  	s0 =	sor.u32 s3, s0;
	s1 =	sshll.u32 s1, $0x11  }
0xbc: {  	s0 =	sor.u32 s1, s0  }
0xbd: {  	s0 =	sadd.s32 $0x8F2B, s0  }
0xbe: {  	[sflag:s0] =	ssyncadd.remote.s32 $0x1  }
0xbf: {  	_ =	sfence.sel $0xFFFF  }
0xc0: {  	[dreg:$0x0] =	wrdreg $0xFFFFFFFF;
	(pc) =	sbr.abs _section_cstart, $3  }
0xc1: {  	[dreg:$0x1] =	wrdreg $0xFFFFFFFF  }
0xc2: {  	_ =	task.clear_ibuf [dreg:s7], $0x2FFFF;
	_ =	strace $0x9FFFFFFF  }
0xc3: {  	(tm) =	ssettm $0x7FFFFFFF  }
tec
execute0_lowered:
.L_overlay_start_1:
0x0: {  	(tag) =	ssettag $0x1  }
0x1: {  	s5 =	rddreg [dreg:$0x0]  }
0x2: {  	s9 =	rddreg [dreg:$0x1]  }
0x3: {  	s2 =	rddreg [dreg:$0x2]  }
0x4: {  	s0 =	rddreg [dreg:$0x3];
	s3 =	simm.s32 $0x0;
	s1 =	stileid.u32  }
0x5: {  	s4 =	srdreg.scid;
	s8 =	simm.s32 $0x1400;
	s7 =	smul.u32 $0x5000, s1  }
0x6: {  	[smem:$0x7FF] =	sst s3;
	s6 =	sand.u32 $0x1, s4;
	s11 =	smul.u32 $0x14000, s1  }
0x7: {  	s4 =	sadd.s32 $0x1FE00, s5;
	s28 =	smul.u32 $0x50000, s1;
	s13 =	sshll.u32 s1, $0x6  }
0x8: {  	p0 =	seq.s32 s6, $0x0;
	s10 =	smul.u32 $0x140000, s6;
	_ =	strace $0x8000004D  }
0x9: {  	s6 =	ssub.s32 $0x2, s6;
	s13 =	sor.u32 $0x1C01, s13;
	s8 =	simm.s32 @!p0 $0x0  }
0xa: {  	s30 =	sshrl.u32 s6, $0x1;
	s7 =	sadd.s32 s7, s8;
	s26 =	sadd.s32 s11, s10  }
0xb: {  	s8 =	sshrl.u32 s28, $0x2;
	s31 =	ssub.s32 s6, s30;
	s6 =	simm.s32 $0x3C  }
0xc: {  	s11 =	simm.s32 $0x8200;
	s12 =	sshrl.u32 s7, $0x3;
	s7 =	sshrl.u32 s26, $0x3  }
0xd: {  	s6 =	simm.s32 @!p0 $0x14;
	s29 =	sadd.s32 s12, s5;
	s7 =	sadd.s32 s7, s5  }
0xe: {  	s5 =	sadd.s32 s8, s2;
	s8 =	smax.u32 s31, $0x1;
	s9 =	sadd.s32 s12, s9  }
0xf: {  	v0 =	vimm.f32 $0.0e+00;
	s12 =	simm.s32 $0x1;
	s7 =	sadd.s32 $0x47E00, s7;
	s10 =	sadd.s32 $0x15E00, s29  }
.LBB2_1:
0x10: {  	[tilespmem:$0x8200] =	vst v0  }
0x11: {  	[tilespmem:$0x8210] =	vst v0  }
0x12: {  	[tilespmem:$0x8220] =	vst v0  }
0x13: {  	[tilespmem:$0x8230] =	vst v0  }
0x14: {  	[tilespmem:$0x8240] =	vst v0  }
0x15: {  	[tilespmem:$0x8250] =	vst v0  }
0x16: {  	[tilespmem:$0x8260] =	vst v0  }
0x17: {  	[tilespmem:$0x8270] =	vst v0  }
0x18: {  	[tilespmem:$0x8280] =	vst v0  }
0x19: {  	[tilespmem:$0x8290] =	vst v0  }
0x1a: {  	[tilespmem:$0x82A0] =	vst v0  }
0x1b: {  	[tilespmem:$0x82B0] =	vst v0  }
0x1c: {  	[tilespmem:$0x82C0] =	vst v0  }
0x1d: {  	[tilespmem:$0x82D0] =	vst v0  }
0x1e: {  	[tilespmem:$0x82E0] =	vst v0  }
0x1f: {  	[tilespmem:$0x82F0] =	vst v0  }
0x20: {  	[tilespmem:$0x8300] =	vst v0  }
0x21: {  	[tilespmem:$0x8310] =	vst v0  }
0x22: {  	[tilespmem:$0x8320] =	vst v0  }
0x23: {  	[tilespmem:$0x8330] =	vst v0  }
0x24: {  	[tilespmem:$0x8340] =	vst v0  }
0x25: {  	[tilespmem:$0x8350] =	vst v0  }
0x26: {  	[tilespmem:$0x8360] =	vst v0  }
0x27: {  	[tilespmem:$0x8370] =	vst v0  }
0x28: {  	[tilespmem:$0x8380] =	vst v0  }
0x29: {  	[tilespmem:$0x8390] =	vst v0  }
0x2a: {  	[tilespmem:$0x83A0] =	vst v0  }
0x2b: {  	[tilespmem:$0x83B0] =	vst v0  }
0x2c: {  	[tilespmem:$0x83C0] =	vst v0  }
0x2d: {  	[tilespmem:$0x83D0] =	vst v0  }
0x2e: {  	[tilespmem:$0x83E0] =	vst v0  }
0x2f: {  	[tilespmem:$0x83F0] =	vst v0  }
0x30: {  	[tilespmem:$0x8400] =	vst v0  }
0x31: {  	[tilespmem:$0x8410] =	vst v0  }
0x32: {  	[tilespmem:$0x8420] =	vst v0  }
0x33: {  	[tilespmem:$0x8430] =	vst v0  }
0x34: {  	[tilespmem:$0x8440] =	vst v0  }
0x35: {  	[tilespmem:$0x8450] =	vst v0  }
0x36: {  	[tilespmem:$0x8460] =	vst v0  }
0x37: {  	[tilespmem:$0x8470] =	vst v0  }
0x38: {  	[tilespmem:$0x8480] =	vst v0  }
0x39: {  	[tilespmem:$0x8490] =	vst v0  }
0x3a: {  	[tilespmem:$0x84A0] =	vst v0  }
0x3b: {  	[tilespmem:$0x84B0] =	vst v0  }
0x3c: {  	[tilespmem:$0x84C0] =	vst v0  }
0x3d: {  	[tilespmem:$0x84D0] =	vst v0  }
0x3e: {  	[tilespmem:$0x84E0] =	vst v0  }
0x3f: {  	[tilespmem:$0x84F0] =	vst v0  }
0x40: {  	[tilespmem:$0x8500] =	vst v0  }
0x41: {  	[tilespmem:$0x8510] =	vst v0  }
0x42: {  	[tilespmem:$0x8520] =	vst v0  }
0x43: {  	[tilespmem:$0x8530] =	vst v0  }
0x44: {  	[tilespmem:$0x8540] =	vst v0  }
0x45: {  	[tilespmem:$0x8550] =	vst v0  }
0x46: {  	[tilespmem:$0x8560] =	vst v0  }
0x47: {  	[tilespmem:$0x8570] =	vst v0  }
0x48: {  	[tilespmem:$0x8580] =	vst v0  }
0x49: {  	[tilespmem:$0x8590] =	vst v0  }
0x4a: {  	[tilespmem:$0x85A0] =	vst v0  }
0x4b: {  	[tilespmem:$0x85B0] =	vst v0  }
0x4c: {  	[tilespmem:$0x85C0] =	vst v0  }
0x4d: {  	[tilespmem:$0x85D0] =	vst v0  }
0x4e: {  	[tilespmem:$0x85E0] =	vst v0  }
0x4f: {  	[tilespmem:$0x85F0] =	vst v0  }
0x50: {  	[tilespmem:$0x8600] =	vst v0  }
0x51: {  	[tilespmem:$0x8610] =	vst v0  }
0x52: {  	[tilespmem:$0x8620] =	vst v0  }
0x53: {  	[tilespmem:$0x8630] =	vst v0  }
0x54: {  	[tilespmem:$0x8640] =	vst v0  }
0x55: {  	[tilespmem:$0x8650] =	vst v0  }
0x56: {  	[tilespmem:$0x8660] =	vst v0  }
0x57: {  	[tilespmem:$0x8670] =	vst v0  }
0x58: {  	[tilespmem:$0x8680] =	vst v0  }
0x59: {  	[tilespmem:$0x8690] =	vst v0  }
0x5a: {  	[tilespmem:$0x86A0] =	vst v0  }
0x5b: {  	[tilespmem:$0x86B0] =	vst v0  }
0x5c: {  	[tilespmem:$0x86C0] =	vst v0  }
0x5d: {  	[tilespmem:$0x86D0] =	vst v0  }
0x5e: {  	[tilespmem:$0x86E0] =	vst v0  }
0x5f: {  	[tilespmem:$0x86F0] =	vst v0  }
0x60: {  	[tilespmem:$0x8700] =	vst v0  }
0x61: {  	[tilespmem:$0x8710] =	vst v0  }
0x62: {  	[tilespmem:$0x8720] =	vst v0  }
0x63: {  	[tilespmem:$0x8730] =	vst v0  }
0x64: {  	[tilespmem:$0x8740] =	vst v0  }
0x65: {  	[tilespmem:$0x8750] =	vst v0  }
0x66: {  	[tilespmem:$0x8760] =	vst v0  }
0x67: {  	[tilespmem:$0x8770] =	vst v0  }
0x68: {  	[tilespmem:$0x8780] =	vst v0  }
0x69: {  	[tilespmem:$0x8790] =	vst v0  }
0x6a: {  	[tilespmem:$0x87A0] =	vst v0  }
0x6b: {  	[tilespmem:$0x87B0] =	vst v0  }
0x6c: {  	[tilespmem:$0x87C0] =	vst v0  }
0x6d: {  	[tilespmem:$0x87D0] =	vst v0  }
0x6e: {  	[tilespmem:$0x87E0] =	vst v0  }
0x6f: {  	[tilespmem:$0x87F0] =	vst v0  }
0x70: {  	[tilespmem:$0x8800] =	vst v0  }
0x71: {  	[tilespmem:$0x8810] =	vst v0  }
0x72: {  	[tilespmem:$0x8820] =	vst v0  }
0x73: {  	[tilespmem:$0x8830] =	vst v0  }
0x74: {  	[tilespmem:$0x8840] =	vst v0  }
0x75: {  	[tilespmem:$0x8850] =	vst v0  }
0x76: {  	[tilespmem:$0x8860] =	vst v0  }
0x77: {  	[tilespmem:$0x8870] =	vst v0  }
0x78: {  	[tilespmem:$0x8880] =	vst v0  }
0x79: {  	[tilespmem:$0x8890] =	vst v0  }
0x7a: {  	[tilespmem:$0x88A0] =	vst v0  }
0x7b: {  	[tilespmem:$0x88B0] =	vst v0  }
0x7c: {  	[tilespmem:$0x88C0] =	vst v0  }
0x7d: {  	[tilespmem:$0x88D0] =	vst v0  }
0x7e: {  	[tilespmem:$0x88E0] =	vst v0  }
0x7f: {  	[tilespmem:$0x88F0] =	vst v0  }
0x80: {  	[tilespmem:$0x8900] =	vst v0  }
0x81: {  	[tilespmem:$0x8910] =	vst v0  }
0x82: {  	[tilespmem:$0x8920] =	vst v0  }
0x83: {  	[tilespmem:$0x8930] =	vst v0  }
0x84: {  	[tilespmem:$0x8940] =	vst v0  }
0x85: {  	[tilespmem:$0x8950] =	vst v0  }
0x86: {  	[tilespmem:$0x8960] =	vst v0  }
0x87: {  	[tilespmem:$0x8970] =	vst v0  }
0x88: {  	[tilespmem:$0x8980] =	vst v0  }
0x89: {  	[tilespmem:$0x8990] =	vst v0  }
0x8a: {  	[tilespmem:$0x89A0] =	vst v0  }
0x8b: {  	[tilespmem:$0x89B0] =	vst v0  }
0x8c: {  	[tilespmem:$0x89C0] =	vst v0  }
0x8d: {  	[tilespmem:$0x89D0] =	vst v0  }
0x8e: {  	[tilespmem:$0x89E0] =	vst v0  }
0x8f: {  	[tilespmem:$0x89F0] =	vst v0;
	s14 =	sadd.s32 $0x0, s5  }
0x90: {  	[spmem:s14] =	stream.linear.scatter [tilespmem:s11], [sflag:$0x1], $0x800, $0x38;
	[tilespmem:$0x1CA00] =	vst v63  }
0x91: {  	s14 =	simm.s32 $0x2000;
	_ =	swait.ge [sflag:s12], $0x800  }
.LBB2_2:
0x92: {  	s15 =	sshra.s32 s14, $0x2;
	[sflag:s12] =	ssyncset.done $0x0;
	p0 =	sne.s32 s14, $0x4E000  }
.Ltmp0:
0x93: {  	s15 =	sadd.s32 s15, s5;
	[sflag:s12] =	ssyncadd.s32 $0xFFFFF800;
	(pc) =	sbr.rel @p0 .LBB2_2-.Ltmp0, $3  }
0x94: {  	[spmem:s15] =	stream.linear.scatter [tilespmem:s11], [sflag:$0x1], $0x800, $0x38;
	[tilespmem:$0x1CA00] =	vst v63  }
0x95: {  	s14 =	sadd.s32 $0x2000, s14;
	_ =	sdelay $0x1  }
0x96: {  	_ =	swait.ge [sflag:s12], $0x800  }
0x97: {  	[sflag:s12] =	ssyncset.done $0x0  }
0x98: {  	p0 =	sle.u32 s6, $0x0;
	[sflag:s12] =	ssyncadd.s32 $0xFFFFF800  }
0x99: {  	s14 =	simm.s32 @!p0 $0x0;
	s15 =	simm.s32 @!p0 $0x2;
	[bflag:$0x0] =	sbarrier.arrive $0xFFFF  }
0x9a: {  	[tilespmem:s14], [sflag:$0x2] =	stream.linear.gather @!p0 [hbm4b:s10+s14], $0x100, $0x38;
	[tilespmem:$0x1CA00] =	vst v63  }
0x9b: {  	_ =	swait.ge @!p0 [sflag:s15], $0x100  }
0x9c: {  	[sflag:s15] =	ssyncset.done @!p0 $0x0;
	p0 =	por p0, p0  }
0x9d: {  	[sflag:s15] =	ssyncadd.s32 @!p0 $0xFFFFFF00;
	s16 =	simm.s32 @!p0 $0x100  }
0x9e: {  	[tilespmem:s16], [sflag:$0x2] =	stream.linear.gather @!p0 [hbm4b:s9+s14], $0x100, $0x38;
	[tilespmem:$0x1CA00] =	vst v63  }
0x9f: {  	_ =	swait.ge @!p0 [sflag:s15], $0x100  }
0xa0: {  	[sflag:s15] =	ssyncset.done @!p0 $0x0  }
0xa1: {  	s18 =	simm.s32 @!p0 $0x200;
	[sflag:s15] =	ssyncadd.s32 @!p0 $0xFFFFFF00  }
0xa2: {  	[tilespmem:s18], [sflag:$0x2] =	stream.indirect.gather @!p0 [hbm4b:s4+s16], $0x80, s14, s16, $0xb8;
	[tilespmem:$0x1CA00] =	vst v63  }
0xa3: {  	_ =	swait.ge @!p0 [sflag:s15], $0x8000  }
0xa4: {  	[sflag:s15] =	ssyncset.done @!p0 $0x0  }
0xa5: {  	s17 =	simm.s32 @!p0 $0x1;
	[sflag:s15] =	ssyncadd.s32 @!p0 $0xFFFF8000  }
0xa6: {  	[spmem:s2] =	stream.indirect.scatter.add.f32 @!p0 [tilespmem:s18], [sflag:$0x1], $0x80, s16, s16, $0xb8;
	[tilespmem:$0x1CA00] =	vst v63  }
0xa7: {  	p2 =	sle.u32 s6, $0x1;
	s14 =	sadd.s32 $0x20, s9;
	_ =	swait.ge @!p0 [sflag:s17], $0x8000  }
0xa8: {  	s15 =	sadd.s32 $0x20, s10;
	s16 =	simm.s32 $0x2;
	[sflag:s17] =	ssyncset.done @!p0 $0x0  }
.LBB2_4:
0xa9: {  	s18 =	simm.s32 @!p2 $0x0;
	s19 =	simm.s32 @!p2 $0x2;
	[sflag:s17] =	ssyncadd.s32 @!p0 $0xFFFF8000  }
0xaa: {  	[tilespmem:s18], [sflag:$0x2] =	stream.linear.gather @!p2 [hbm4b:s15+s18], $0x100, $0x38;
	[tilespmem:$0x1CA00] =	vst v63  }
0xab: {  	s20 =	smov.u32 s16;
	s16 =	sadd.s32 $0x1, s16;
	_ =	swait.ge @!p2 [sflag:s19], $0x100  }
0xac: {  	p0 =	por p2, p2;
	p1 =	sne.s32 s16, $0x3C;
	[sflag:s19] =	ssyncset.done @!p2 $0x0  }
0xad: {  	s21 =	simm.s32 @!p0 $0x100;
	[sflag:s19] =	ssyncadd.s32 @!p0 $0xFFFFFF00  }
0xae: {  	[tilespmem:s21], [sflag:$0x2] =	stream.linear.gather @!p0 [hbm4b:s14+s18], $0x100, $0x38;
	[tilespmem:$0x1CA00] =	vst v63  }
0xaf: {  	_ =	swait.ge @!p0 [sflag:s19], $0x100  }
0xb0: {  	[sflag:s19] =	ssyncset.done @!p0 $0x0  }
0xb1: {  	s22 =	simm.s32 @!p0 $0x200;
	[sflag:s19] =	ssyncadd.s32 @!p0 $0xFFFFFF00  }
0xb2: {  	[tilespmem:s22], [sflag:$0x2] =	stream.indirect.gather @!p0 [hbm4b:s4+s21], $0x80, s18, s21, $0xb8;
	[tilespmem:$0x1CA00] =	vst v63  }
0xb3: {  	_ =	swait.ge @!p0 [sflag:s19], $0x8000  }
.Ltmp1:
0xb4: {  	[sflag:s19] =	ssyncset.done @!p0 $0x0;
	(pc) =	sbr.rel @p1 .LBB2_4-.Ltmp1, $4  }
0xb5: {  	s17 =	simm.s32 @!p0 $0x1;
	[sflag:s19] =	ssyncadd.s32 @!p0 $0xFFFF8000  }
0xb6: {  	[spmem:s2] =	stream.indirect.scatter.add.f32 @!p0 [tilespmem:s22], [sflag:$0x1], $0x80, s21, s21, $0xb8;
	[tilespmem:$0x1CA00] =	vst v63  }
0xb7: {  	s15 =	sadd.s32 $0x20, s15;
	_ =	swait.ge @!p0 [sflag:s17], $0x8000  }
0xb8: {  	p2 =	sge.u32 s20, s6;
	s14 =	sadd.s32 $0x20, s14;
	[sflag:s17] =	ssyncset.done @!p0 $0x0  }
0xb9: {  	s16 =	simm.s32 @!p2 $0x0;
	s18 =	simm.s32 @!p2 $0x2;
	[sflag:s17] =	ssyncadd.s32 @!p0 $0xFFFF8000  }
0xba: {  	[tilespmem:s16], [sflag:$0x2] =	stream.linear.gather @!p2 [hbm4b:s15+s16], $0x100, $0x38;
	[tilespmem:$0x1CA00] =	vst v63  }
0xbb: {  	_ =	swait.ge @!p2 [sflag:s18], $0x100  }
0xbc: {  	p0 =	por p2, p2;
	[sflag:s18] =	ssyncset.done @!p2 $0x0  }
0xbd: {  	s15 =	simm.s32 @!p0 $0x100;
	[sflag:s18] =	ssyncadd.s32 @!p0 $0xFFFFFF00  }
0xbe: {  	[tilespmem:s15], [sflag:$0x2] =	stream.linear.gather @!p0 [hbm4b:s14+s16], $0x100, $0x38;
	[tilespmem:$0x1CA00] =	vst v63  }
0xbf: {  	_ =	swait.ge @!p0 [sflag:s18], $0x100  }
0xc0: {  	[sflag:s18] =	ssyncset.done @!p0 $0x0  }
0xc1: {  	s14 =	simm.s32 @!p0 $0x200;
	[sflag:s18] =	ssyncadd.s32 @!p0 $0xFFFFFF00  }
0xc2: {  	[tilespmem:s14], [sflag:$0x2] =	stream.indirect.gather @!p0 [hbm4b:s4+s15], $0x80, s16, s15, $0xb8;
	[tilespmem:$0x1CA00] =	vst v63  }
0xc3: {  	_ =	swait.ge @!p0 [sflag:s18], $0x8000  }
0xc4: {  	[sflag:s18] =	ssyncset.done @!p0 $0x0  }
0xc5: {  	s16 =	simm.s32 @!p0 $0x1;
	[sflag:s18] =	ssyncadd.s32 @!p0 $0xFFFF8000  }
0xc6: {  	[spmem:s2] =	stream.indirect.scatter.add.f32 @!p0 [tilespmem:s14], [sflag:$0x1], $0x80, s15, s15, $0xb8;
	[tilespmem:$0x1CA00] =	vst v63  }
0xc7: {  	_ =	swait.ge @!p0 [sflag:s16], $0x8000  }
0xc8: {  	s3 =	sadd.s32 $0x1, s3;
	[sflag:s16] =	ssyncset.done @!p0 $0x0  }
0xc9: {  	[sflag:s16] =	ssyncadd.s32 @!p0 $0xFFFF8000;
	p0 =	sne.s32 s3, s8  }
.Ltmp2:
0xca: {  	s31 =	sshrl.u32 s5, $0x3;
	[bflag:$0x0] =	sbarrier.arrive $0xFFFF;
	(pc) =	sbr.rel @p0 .LBB2_1-.Ltmp2, $4  }
0xcb: {  	[hbm:s7], [sflag:s13] =	dma.local [spmem:s31], $0x2800  }
0xcc: {  	_ =	swait.ge [sflag:s12], $0x2800  }
0xcd: {  	[sflag:s12] =	ssyncset.done $0x0  }
0xce: {  	[sflag:s12] =	ssyncadd.s32 $0xFFFFD800  }
0xcf: {  	_ =	sfence.sel $0x180000  }
0xd0: {  	[bflag:$0x0] =	sbarrier.arrive $0xFFFF  }
0xd1: {  	p0 =	sne.s32 s1, $0x0;
	_ =	strace $0x9000004D  }
0xd2: {  	s0 =	sadd.s32 @!p0 $0x100000, s0;
	[bflag:$0x2] =	sbarrier.arrive $0xFFFF  }
0xd3: {  	[sflag:s0] =	ssyncadd.tile.s32 @!p0 $0x1;
	_ =	shalt  }
.Lfunc_end2:
_tile_overlayer_lowered:
.L_overlay_start_2:
0xd4: {  	(tag) =	ssettag $0x2  }
0xd5: {  	s0 =	rddreg [dreg:$0x0];
	s2 =	stileid.u32  }
0xd6: {  	s1 =	rddreg [dreg:$0x1];
	p0 =	sne.s32 s2, $0x0  }
0xd7: {  	s3 =	rddreg [dreg:$0x2];
	[bflag:$0x3] =	sbarrier.arrive $0xFFFF;
	s2 =	simm.s32 @!p0 $0x1C01  }
0xd8: {  	[timem:s3], [sflag:s2] =	dma.local @!p0 [hbm:s0], s1  }
0xd9: {  	s0 =	simm.s32 @!p0 $0x1  }
0xda: {  	_ =	swait.ge @!p0 [sflag:s0], s1  }
0xdb: {  	s1 =	ssub.s32 @!p0 $0x0, s1;
	[sflag:s0] =	ssyncset.done @!p0 $0x0  }
0xdc: {  	[sflag:s0] =	ssyncadd.s32 @!p0 s1  }
0xdd: {  	[bflag:$0x3] =	sbarrier.arrive $0xFFFF  }
0xde: {  	_ =	shalt  }

// kernel: kernel.8.cloned.1.call-start
scs
__scs_entry_jumppad:
0x0: {  	(pc) =	sbr.rel $0x88, $3  }
0x1: {  	(tag) =	ssettag $0x0;
	lr =	simm.s32 $0x1  }
0x2: {  	[smem:$0x3F9B] =	sst lr;
	_ =	strace $0xD0000000  }
0x3: {  	_ = 	snop  }
0x4: {  	_ = 	snop  }
0x5: {  	_ = 	snop  }
0x6: {  	_ = 	snop  }
0x7: {  	_ = 	snop  }
__scs_overlays_trampoline_lowered:
0x8: {  	[smem:$0x3FAA] =	sst s0  }
0x9: {  	[smem:$0x3FAB] =	sst s1  }
0xa: {  	[smem:$0x3FAC] =	sst s2  }
0xb: {  	[smem:$0x3FAD] =	sst s3  }
0xc: {  	[smem:$0x3FAE] =	sst s4  }
0xd: {  	[smem:$0x3FAF] =	sst s5  }
0xe: {  	[smem:$0x3FB0] =	sst s6  }
0xf: {  	[smem:$0x3FB1] =	sst s7  }
0x10: {  	[smem:$0x3FB2] =	sst s8  }
0x11: {  	[smem:$0x3FB3] =	sst s9;
	s0 =	simm.s32 @!p0 $0x0  }
0x12: {  	s1 =	sld [smem:$0x3F99];
	s0 =	simm.s32 @p0 $0x1  }
0x13: {  	[smem:$0x3FB4] =	sst s0;
	s0 =	simm.s32 @!p1 $0x0  }
0x14: {  	s2 =	sld [smem:$0x3F98];
	s0 =	simm.s32 @p1 $0x1  }
0x15: {  	[smem:$0x3FB5] =	sst s0;
	s0 =	simm.s32 @!p2 $0x0  }
0x16: {  	s3 =	sld [smem:$0x3FDB];
	s0 =	simm.s32 @p2 $0x1  }
0x17: {  	s4 =	simm.s32 $0x1BF5;
	[smem:$0x3FB7] =	sst s0  }
0x18: {  	s0 =	sld [smem:$0x3F9A];
	_ =	swait.ge [sflag:s4], $0x0  }
0x19: {  	s7 =	sld [smem:$0x3F9B]  }
0x1a: {  	s8 =	sadd.s32 $0xFFFFE003, lr  }
0x1b: {  	s9 =	sadd.s32 $0xFFFFFEF7, lr;
	s5 =	simm.s32 $0xFFFFFFFF;
	p2 =	slt.u32 s8, $0xFFFFF086  }
0x1c: {  	p1 =	slt.u32 s9, $0xF7A;
	s5 =	simm.s32 @!p2 $0x0  }
0x1d: {  	s5 =	simm.s32 @p1 $0x1;
	p0 =	seq.s32 s7, s2  }
0x1e: {  	s7 =	smul.u32 @!p0 $0xF7A, s2;
	p2 =	seq.s32 @!p0 s5, $0x0  }
0x1f: {  	s9 =	smul.u32 $0xF7A, s1;
	s8 =	simm.s32 @!p0 $0x1BF5;
	p2 =	por !p2, p0  }
0x20: {  	[sflag:s8] =	ssyncset.s32 @!p0 $0xFFFFF086;
	s6 =	sadd.s32 @!p0 s3, s7;
	s7 =	simm.s32 @!p0 $0x108  }
0x21: {  	s3 =	sadd.s32 s3, s9;
	s6 =	sadd.s32 @!p0 $0x88, s6;
	s7 =	simm.s32 @p2 $0x1082  }
0x22: {  	[simem:s7], [sflag:s8] =	dma.local @!p0 [hbm:s6], $0xF7A  }
0x23: {  	s9 =	sor.u32 $0xD0000000, s2;
	s6 =	simm.s32 $0x108;
	_ =	swait.ge @!p0 [sflag:s8], $0x0  }
0x24: {  	s3 =	sadd.s32 $0x88, s3;
	s6 =	simm.s32 @!p1 $0x1082;
	[sflag:s4] =	ssyncset.s32 $0xFFFFF086  }
0x25: {  	[simem:s6], [sflag:s4] =	dma.local [hbm:s3], $0xF7A  }
0x26: {  	[smem:$0x3F9B] =	sst s1;
	(tag) =	ssettag s2;
	_ =	strace s9  }
0x27: {  	s1 =	sld [smem:$0x3FAB]  }
0x28: {  	s2 =	sld [smem:$0x3FAC]  }
0x29: {  	s4 =	sld [smem:$0x3FAE]  }
0x2a: {  	p0 =	seq.s32 s5, $0x0;
	s5 =	sld [smem:$0x3FAF]  }
0x2b: {  	s6 =	sld [smem:$0x3FB0]  }
0x2c: {  	s7 =	sld [smem:$0x3FB1]  }
0x2d: {  	s3 =	simm.s32 $0x108;
	s8 =	sld [smem:$0x3FB2]  }
0x2e: {  	s3 =	simm.s32 @!p0 $0x1082;
	s9 =	sld [smem:$0x3FB3]  }
0x2f: {  	lr =	sadd.s32 s0, s3;
	s0 =	sld [smem:$0x3FAA]  }
0x30: {  	s3 =	sld [smem:$0x3FAD]  }
0x31: {  	[smem:$0x3FB6] =	sst s10  }
0x32: {  	s10 =	sld [smem:$0x3FB4];
	_ =	sdelay $0x3  }
0x33: {  	p0 =	seq.s32 s10, $0x1;
	s10 =	sld [smem:$0x3FB6];
	_ =	sdelay $0x3  }
0x34: {  	[smem:$0x3FB6] =	sst s10  }
0x35: {  	s10 =	sld [smem:$0x3FB5];
	_ =	sdelay $0x3  }
0x36: {  	p1 =	seq.s32 s10, $0x1;
	s10 =	sld [smem:$0x3FB6];
	_ =	sdelay $0x3  }
0x37: {  	[smem:$0x3FB6] =	sst s10  }
0x38: {  	s10 =	sld [smem:$0x3FB7]  }
0x39: {  	_ = 	snop;
	(pc) =	sbr.ind lr, $3  }
0x3a: {  	_ = 	snop  }
0x3b: {  	_ = 	snop  }
0x3c: {  	p2 =	seq.s32 s10, $0x1;
	s10 =	sld [smem:$0x3FB6]  }
0x3d: {  	_ =	shalt  }
0x3e: {  	_ =	shalt  }
0x3f: {  	_ =	shalt  }
0x40: {  	_ =	shalt  }
0x41: {  	_ =	shalt  }
0x42: {  	_ =	shalt  }
0x43: {  	_ =	shalt  }
0x44: {  	_ =	shalt  }
0x45: {  	_ =	shalt  }
0x46: {  	_ =	shalt  }
0x47: {  	_ =	shalt  }
0x48: {  	_ =	shalt  }
0x49: {  	_ =	shalt  }
0x4a: {  	_ =	shalt  }
0x4b: {  	_ =	shalt  }
0x4c: {  	_ =	shalt  }
0x4d: {  	_ =	shalt  }
0x4e: {  	_ =	shalt  }
0x4f: {  	_ =	shalt  }
0x50: {  	_ =	shalt  }
0x51: {  	_ =	shalt  }
0x52: {  	_ =	shalt  }
0x53: {  	_ =	shalt  }
0x54: {  	_ =	shalt  }
0x55: {  	_ =	shalt  }
0x56: {  	_ =	shalt  }
0x57: {  	_ =	shalt  }
0x58: {  	_ =	shalt  }
0x59: {  	_ =	shalt  }
0x5a: {  	_ =	shalt  }
0x5b: {  	_ =	shalt  }
0x5c: {  	_ =	shalt  }
0x5d: {  	_ =	shalt  }
0x5e: {  	_ =	shalt  }
0x5f: {  	_ =	shalt  }
0x60: {  	_ =	shalt  }
0x61: {  	_ =	shalt  }
0x62: {  	_ =	shalt  }
0x63: {  	_ =	shalt  }
0x64: {  	_ =	shalt  }
0x65: {  	_ =	shalt  }
0x66: {  	_ =	shalt  }
0x67: {  	_ =	shalt  }
0x68: {  	_ =	shalt  }
0x69: {  	_ =	shalt  }
0x6a: {  	_ =	shalt  }
0x6b: {  	_ =	shalt  }
0x6c: {  	_ =	shalt  }
0x6d: {  	_ =	shalt  }
0x6e: {  	_ =	shalt  }
0x6f: {  	_ =	shalt  }
0x70: {  	_ =	shalt  }
0x71: {  	_ =	shalt  }
0x72: {  	_ =	shalt  }
0x73: {  	_ =	shalt  }
0x74: {  	_ =	shalt  }
0x75: {  	_ =	shalt  }
0x76: {  	_ =	shalt  }
0x77: {  	_ =	shalt  }
0x78: {  	_ =	shalt  }
0x79: {  	_ =	shalt  }
0x7a: {  	_ =	shalt  }
0x7b: {  	_ =	shalt  }
0x7c: {  	_ =	shalt  }
0x7d: {  	_ =	shalt  }
0x7e: {  	_ =	shalt  }
0x7f: {  	_ =	shalt  }
0x80: {  	_ =	shalt  }
0x81: {  	_ =	shalt  }
0x82: {  	_ =	shalt  }
0x83: {  	_ =	shalt  }
0x84: {  	_ =	shalt  }
0x85: {  	_ =	shalt  }
0x86: {  	_ =	shalt  }
0x87: {  	_ =	shalt  }
.Lfunc_end0:
.L_simem_size_0:
called_computation_lowered:
.L_overlay_start_0:
0x88: {  	s2 =	sld [smem:$0x3FD9]  }
0x89: {  	s3 =	sld [smem:$0x3FFE];
	_ =	sdelay $0x1  }
0x8a: {  	s1 =	srdreg.scid  }
0x8b: {  	s0 =	sand.u32 $0x1, s1  }
0x8c: {  	s16 =	sshll.u32 s0, $0xA;
	s2 =	sadd.s32 s3, s2  }
0x8d: {  	s2 =	sadd.s32 s2, s16  }
0x8e: {  	[smem:$0x3FC2] =	sst s2  }
0x8f: {  	_ = 	snop  }
0x90: {  	(tm) =	ssettm $0x1  }
0x91: {  	s17 =	sld [smem:$0x3FFB];
	_ =	sdelay $0x3  }
0x92: {  	_ =	strace s17  }
0x93: {  	s2 =	sld [smem:$0x3FFC];
	_ =	sdelay $0x3  }
0x94: {  	_ =	strace s2  }
0x95: {  	s2 =	sld [smem:$0x3FFD];
	_ =	sdelay $0x3  }
0x96: {  	_ =	strace s2  }
0x97: {  	_ =	strace $0x8FFFFFFF  }
0x98: {  	s18 =	sld [smem:$0x3FDB];
	_ =	sdelay $0x1  }
0x99: {  	s19 =	simm.s32 $_scs_section_size  }
0x9a: {  	s4 =	simm.s32 $_size__tile_overlayer_lowered;
	s5 =	simm.s32 $_tile_overlayer_lowered  }
0x9b: {  	s22 =	simm.s32 $0x1BFF;
	s21 =	sshll.u32 s5, $0x1;
	s2 =	sadd.s32 s19, s18  }
0x9c: {  	s6 =	simm.s32 $0x0;
	s20 =	sshll.u32 s4, $0x1;
	s4 =	sadd.s32 s21, s2  }
0x9d: {  	[timem:s6], [sflag:s22] =	dma.local [hbm:s4], s20  }
0x9e: {  	_ =	swait.ge [sflag:s22], s20  }
0x9f: {  	s3 =	ssub.s32 $0x0, s20;
	[sflag:s22] =	ssyncset.done $0x0  }
0xa0: {  	[sflag:s22] =	ssyncadd.s32 s3;
	_ =	sdelay $0x1  }
0xa1: {  	s23 =	simm.s32 $0x1B8B  }
0xa2: {  	_ =	swait.ge [sflag:s23], $0x1  }
0xa3: {  	[sflag:s23] =	ssyncset.done $0x0  }
0xa4: {  	s25 =	simm.s32 $0x1B8E;
	s24 =	sld [smem:$0x3FFE];
	[sflag:s23] =	ssyncadd.s32 $0xFFFFFFFF  }
0xa5: {  	s26 =	simm.s32 $execute0_lowered;
	[smem:$0x3FD2] =	sst s25  }
0xa6: {  	s4 =	sshll.u32 s26, $0x1;
	_ =	strace $0x80000046;
	[dreg:$0x1] =	wrdreg $0xFFFFFFFF  }
0xa7: {  	s28 =	simm.s32 $_size_execute0_lowered;
	s2 =	sadd.s32 s2, s4;
	[dreg:$0x0] =	wrdreg $0x0  }
0xa8: {  	s4 =	sshll.u32 s28, $0x1;
	[dreg:$0x2] =	wrdreg s2  }
0xa9: {  	[dreg:$0x3] =	wrdreg s4  }
0xaa: {  	[dreg:$0x4] =	wrdreg $0xC0  }
0xab: {  	_ =	task [dreg:s6], $0x5FFFF  }
0xac: {  	[dreg:$0x1] =	wrdreg $0xFFFFFFFF  }
0xad: {  	[dreg:$0x0] =	wrdreg $0x60  }
0xae: {  	[dreg:$0x2] =	wrdreg s24  }
0xaf: {  	[dreg:$0x3] =	wrdreg $0x29000  }
0xb0: {  	[dreg:$0x4] =	wrdreg $0x2B800  }
0xb1: {  	[dreg:$0x5] =	wrdreg $0x9  }
0xb2: {  	_ =	task.clear_ibuf [dreg:s6], $0x6FFFF;
	_ =	strace $0x90000046  }
0xb3: {  	s29 =	simm.s32 $0x9;
	_ =	strace $0x80000048  }
0xb4: {  	_ =	swait.ge [sflag:s29], $0x1  }
0xb5: {  	[sflag:s29] =	ssyncadd.s32 $0xFFFFFFFF  }
0xb6: {  	_ =	strace $0x90000048  }
0xb7: {  	_ =	sfence  }
0xb8: {  	s30 =	sld [smem:$0x0];
	_ =	sdelay $0x2  }
0xb9: {  	s31 =	sshll.u32 s1, $0xD;
	s1 =	sshrl.u32 s1, $0x2  }
0xba: {  	s3 =	sand.u32 $0x4000, s31;
	s1 =	sadd.s32 s1, s30  }
0xbb: {  	s0 =	sor.u32 s3, s0;
	s1 =	sshll.u32 s1, $0x11  }
0xbc: {  	s0 =	sor.u32 s1, s0  }
0xbd: {  	s0 =	sadd.s32 $0x8F2B, s0  }
0xbe: {  	[sflag:s0] =	ssyncadd.remote.s32 $0x1  }
0xbf: {  	_ =	sfence.sel $0xFFFF  }
0xc0: {  	[dreg:$0x0] =	wrdreg $0xFFFFFFFF;
	(pc) =	sbr.abs _section_cstart, $3  }
0xc1: {  	[dreg:$0x1] =	wrdreg $0xFFFFFFFF  }
0xc2: {  	_ =	task.clear_ibuf [dreg:s6], $0x2FFFF;
	_ =	strace $0x9FFFFFFF  }
0xc3: {  	(tm) =	ssettm $0x7FFFFFFF  }
tec
execute0_lowered:
.L_overlay_start_1:
0x0: {  	(tag) =	ssettag $0x1  }
0x1: {  	s5 =	rddreg [dreg:$0x0]  }
0x2: {  	s1 =	rddreg [dreg:$0x1]  }
0x3: {  	s3 =	rddreg [dreg:$0x2];
	s2 =	srdreg.scid  }
0x4: {  	s0 =	rddreg [dreg:$0x3];
	s4 =	simm.s32 $0x0;
	s20 =	simm.s32 $0x2880  }
0x5: {  	s21 =	simm.s32 $0x1;
	s22 =	simm.s32 $0x80;
	s23 =	simm.s32 $0x2800  }
0x6: {  	s24 =	simm.s32 $0x20;
	s25 =	simm.s32 $0x10;
	s6 =	sand.u32 $0x1, s2  }
0x7: {  	s26 =	simm.s32 $0x0;
	s2 =	stileid.u32;
	s7 =	smul.u32 $0x5000, s6  }
0x8: {  	[smem:$0x7FF] =	sst s4;
	s8 =	sshll.u32 s2, $0x1;
	s9 =	smul.u32 $0x500, s2  }
0x9: {  	_ =	strace $0x80000047;
	s12 =	smul.u32 $0x280, s2;
	s8 =	sor.u32 s6, s8  }
0xa: {  	s6 =	ssub.s32 $0x2, s6;
	s8 =	smul.u32 $0x500, s8;
	s7 =	sadd.s32 s9, s7  }
0xb: {  	s30 =	sshrl.u32 s6, $0x1;
	s31 =	sadd.s32 $0x80, s12;
	s10 =	sadd.s32 $0x100, s12  }
0xc: {  	s13 =	sadd.s32 $0x180, s12;
	s14 =	sadd.s32 $0x200, s12;
	s7 =	sshrl.u32 s7, $0x3  }
0xd: {  	s19 =	ssub.s32 s6, s30;
	s6 =	sadd.s32 s12, s3;
	s9 =	sadd.s32 s10, s1  }
0xe: {  	s10 =	sadd.s32 s10, s3;
	s11 =	sadd.s32 s13, s1;
	s16 =	sadd.s32 s8, s5  }
0xf: {  	s18 =	sadd.s32 s7, s5;
	s5 =	sadd.s32 s12, s1;
	s7 =	sadd.s32 s31, s1  }
0x10: {  	s8 =	sadd.s32 s31, s3;
	s12 =	sadd.s32 s13, s3;
	s13 =	sadd.s32 s14, s1  }
0x11: {  	s14 =	sadd.s32 s14, s3;
	s19 =	smax.u32 s19, $0x1;
	s15 =	sadd.s32 $0xBE00, s16  }
0x12: {  	v0 =	vimm.f32 $1.000000000e+00;
	v1 =	vimm.f32 $0.0e+00;
	s16 =	sadd.s32 $0x1E00, s16;
	s17 =	sadd.s32 $0x1FE00, s18;
	s18 =	sadd.s32 $0x1FE10, s18  }
.LBB2_1:
0x13: {  	[tilespmem:$0x2800] =	vst v0  }
0x14: {  	[tilespmem:$0x2880] =	vst v1  }
0x15: {  	[tilespmem:$0x2810] =	vst v0  }
0x16: {  	[tilespmem:$0x2890] =	vst v1  }
0x17: {  	[tilespmem:$0x2820] =	vst v0  }
0x18: {  	[tilespmem:$0x28A0] =	vst v1  }
0x19: {  	[tilespmem:$0x2830] =	vst v0  }
0x1a: {  	[tilespmem:$0x28B0] =	vst v1  }
0x1b: {  	[tilespmem:$0x2840] =	vst v0  }
0x1c: {  	[tilespmem:$0x28C0] =	vst v1  }
0x1d: {  	[tilespmem:$0x2850] =	vst v0  }
0x1e: {  	[tilespmem:$0x28D0] =	vst v1  }
0x1f: {  	[tilespmem:$0x2860] =	vst v0  }
0x20: {  	[tilespmem:$0x28E0] =	vst v1  }
0x21: {  	[tilespmem:$0x2870] =	vst v0  }
0x22: {  	[tilespmem:$0x28F0] =	vst v1  }
0x23: {  	[spmem:s5] =	stream.linear.scatter [tilespmem:s20], [sflag:$0x1], $0x80, $0x38;
	[tilespmem:$0x2E00] =	vst v63  }
0x24: {  	_ =	swait.ge [sflag:s21], $0x80  }
0x25: {  	[sflag:s21] =	ssyncset.done $0x0  }
0x26: {  	[sflag:s21] =	ssyncadd.s32 $0xFFFFFF80  }
0x27: {  	[spmem:s6] =	stream.linear.scatter [tilespmem:s20], [sflag:$0x1], $0x80, $0x38;
	[tilespmem:$0x2E00] =	vst v63  }
0x28: {  	_ =	swait.ge [sflag:s21], $0x80  }
0x29: {  	[sflag:s21] =	ssyncset.done $0x0  }
0x2a: {  	[sflag:s21] =	ssyncadd.s32 $0xFFFFFF80  }
0x2b: {  	[spmem:s7] =	stream.linear.scatter [tilespmem:s20], [sflag:$0x1], $0x80, $0x38;
	[tilespmem:$0x2E00] =	vst v63  }
0x2c: {  	_ =	swait.ge [sflag:s21], $0x80  }
0x2d: {  	[sflag:s21] =	ssyncset.done $0x0  }
0x2e: {  	[sflag:s21] =	ssyncadd.s32 $0xFFFFFF80  }
0x2f: {  	[spmem:s8] =	stream.linear.scatter [tilespmem:s20], [sflag:$0x1], $0x80, $0x38;
	[tilespmem:$0x2E00] =	vst v63  }
0x30: {  	_ =	swait.ge [sflag:s21], $0x80  }
0x31: {  	[sflag:s21] =	ssyncset.done $0x0  }
0x32: {  	[sflag:s21] =	ssyncadd.s32 $0xFFFFFF80  }
0x33: {  	[spmem:s9] =	stream.linear.scatter [tilespmem:s20], [sflag:$0x1], $0x80, $0x38;
	[tilespmem:$0x2E00] =	vst v63  }
0x34: {  	_ =	swait.ge [sflag:s21], $0x80  }
0x35: {  	[sflag:s21] =	ssyncset.done $0x0  }
0x36: {  	[sflag:s21] =	ssyncadd.s32 $0xFFFFFF80  }
0x37: {  	[spmem:s10] =	stream.linear.scatter [tilespmem:s20], [sflag:$0x1], $0x80, $0x38;
	[tilespmem:$0x2E00] =	vst v63  }
0x38: {  	_ =	swait.ge [sflag:s21], $0x80  }
0x39: {  	[sflag:s21] =	ssyncset.done $0x0  }
0x3a: {  	[sflag:s21] =	ssyncadd.s32 $0xFFFFFF80  }
0x3b: {  	[spmem:s11] =	stream.linear.scatter [tilespmem:s20], [sflag:$0x1], $0x80, $0x38;
	[tilespmem:$0x2E00] =	vst v63  }
0x3c: {  	_ =	swait.ge [sflag:s21], $0x80  }
0x3d: {  	[sflag:s21] =	ssyncset.done $0x0  }
0x3e: {  	[sflag:s21] =	ssyncadd.s32 $0xFFFFFF80  }
0x3f: {  	[spmem:s12] =	stream.linear.scatter [tilespmem:s20], [sflag:$0x1], $0x80, $0x38;
	[tilespmem:$0x2E00] =	vst v63  }
0x40: {  	_ =	swait.ge [sflag:s21], $0x80  }
0x41: {  	[sflag:s21] =	ssyncset.done $0x0  }
0x42: {  	[sflag:s21] =	ssyncadd.s32 $0xFFFFFF80  }
0x43: {  	[spmem:s13] =	stream.linear.scatter [tilespmem:s20], [sflag:$0x1], $0x80, $0x38;
	[tilespmem:$0x2E00] =	vst v63  }
0x44: {  	_ =	swait.ge [sflag:s21], $0x80  }
0x45: {  	[sflag:s21] =	ssyncset.done $0x0  }
0x46: {  	[sflag:s21] =	ssyncadd.s32 $0xFFFFFF80  }
0x47: {  	[spmem:s14] =	stream.linear.scatter [tilespmem:s20], [sflag:$0x1], $0x80, $0x38;
	[tilespmem:$0x2E00] =	vst v63  }
0x48: {  	_ =	swait.ge [sflag:s21], $0x80  }
0x49: {  	[sflag:s21] =	ssyncset.done $0x0  }
0x4a: {  	[sflag:s21] =	ssyncadd.s32 $0xFFFFFF80  }
0x4b: {  	[bflag:$0x0] =	sbarrier.arrive $0xFFFF  }
0x4c: {  	[tilespmem:s4], [sflag:$0x1] =	stream.linear.gather [hbm4b:s15+s4], $0x2800, $0x38;
	[tilespmem:$0x2E00] =	vst v63  }
0x4d: {  	_ =	swait.ge [sflag:s21], $0x2800  }
0x4e: {  	[sflag:s21] =	ssyncset.done $0x0  }
0x4f: {  	s28 =	simm.s32 $0x0;
	[sflag:s21] =	ssyncadd.s32 $0xFFFFD800  }
0x50: {  	[spmem:s1] =	stream.indirect.scatter.add.f32 [tilespmem:s23], [sflag:$0x1], $0x1, s28, s22, $0xb8;
	[tilespmem:$0x2E00] =	vst v63  }
0x51: {  	_ =	swait.ge [sflag:s21], $0x80  }
0x52: {  	s28 =	simm.s32 $0x200;
	[sflag:s21] =	ssyncset.done $0x0  }
.LBB2_2:
0x53: {  	s29 =	sshra.s32 s28, $0x2;
	[sflag:s21] =	ssyncadd.s32 $0xFFFFFF80;
	p0 =	sne.s32 s28, $0x9E00  }
0x54: {  	[spmem:s1] =	stream.indirect.scatter.add.f32 [tilespmem:s23], [sflag:$0x1], $0x1, s29, s22, $0xb8;
	[tilespmem:$0x2E00] =	vst v63  }
.Ltmp0:
0x55: {  	_ = 	snop;
	(pc) =	sbr.rel @p0 .LBB2_2-.Ltmp0, $4  }
0x56: {  	_ = 	snop  }
0x57: {  	s28 =	sadd.s32 $0x200, s28  }
0x58: {  	_ =	swait.ge [sflag:s21], $0x80  }
0x59: {  	[sflag:s21] =	ssyncset.done $0x0  }
0x5a: {  	[sflag:s21] =	ssyncadd.s32 $0xFFFFFF80;
	s28 =	simm.s32 $0x0  }
0x5b: {  	[tilespmem:s28], [sflag:$0x1] =	stream.linear.gather [hbm4b:s16+s28], $0x2800, $0x38;
	[tilespmem:$0x2E00] =	vst v63  }
0x5c: {  	_ =	swait.ge [sflag:s21], $0x2800  }
0x5d: {  	[sflag:s21] =	ssyncset.done $0x0  }
0x5e: {  	s28 =	simm.s32 $0x0;
	[sflag:s21] =	ssyncadd.s32 $0xFFFFD800  }
0x5f: {  	[spmem:s3] =	stream.indirect.scatter.add.f32 [tilespmem:s23], [sflag:$0x1], $0x1, s28, s22, $0xb8;
	[tilespmem:$0x2E00] =	vst v63  }
0x60: {  	_ =	swait.ge [sflag:s21], $0x80  }
0x61: {  	s28 =	simm.s32 $0x200;
	[sflag:s21] =	ssyncset.done $0x0  }
.LBB2_4:
0x62: {  	s29 =	sshra.s32 s28, $0x2;
	[sflag:s21] =	ssyncadd.s32 $0xFFFFFF80;
	p0 =	sne.s32 s28, $0x9E00  }
0x63: {  	[spmem:s3] =	stream.indirect.scatter.add.f32 [tilespmem:s23], [sflag:$0x1], $0x1, s29, s22, $0xb8;
	[tilespmem:$0x2E00] =	vst v63  }
.Ltmp1:
0x64: {  	_ = 	snop;
	(pc) =	sbr.rel @p0 .LBB2_4-.Ltmp1, $4  }
0x65: {  	_ = 	snop  }
0x66: {  	s28 =	sadd.s32 $0x200, s28  }
0x67: {  	_ =	swait.ge [sflag:s21], $0x80  }
0x68: {  	[sflag:s21] =	ssyncset.done $0x0  }
0x69: {  	[sflag:s21] =	ssyncadd.s32 $0xFFFFFF80;
	s28 =	sshll.u32 s2, $0x6  }
0x6a: {  	s29 =	sshrl.u32 s5, $0x3;
	[bflag:$0x0] =	sbarrier.arrive $0xFFFF;
	s28 =	sor.u32 $0x1C01, s28  }
0x6b: {  	[hbm:s17@s24], [sflag:s28] =	dma.strided [spmem:s29@s25], $0x50, s21, $0x10   }
0x6c: {  	s26 =	sadd.s32 $0x1, s26;
	_ =	swait.ge [sflag:s21], $0x50  }
0x6d: {  	p0 =	sne.s32 s26, s19;
	[sflag:s21] =	ssyncset.done $0x0  }
.Ltmp2:
0x6e: {  	s31 =	sshrl.u32 s6, $0x3;
	[sflag:s21] =	ssyncadd.s32 $0xFFFFFFB0;
	(pc) =	sbr.rel @p0 .LBB2_1-.Ltmp2, $4  }
0x6f: {  	[hbm:s18@s24], [sflag:s28] =	dma.strided [spmem:s31@s25], $0x50, s21, $0x10   }
0x70: {  	_ =	swait.ge [sflag:s21], $0x50  }
0x71: {  	[sflag:s21] =	ssyncset.done $0x0  }
0x72: {  	[sflag:s21] =	ssyncadd.s32 $0xFFFFFFB0  }
0x73: {  	_ =	sfence.sel $0x180000  }
0x74: {  	[bflag:$0x0] =	sbarrier.arrive $0xFFFF  }
0x75: {  	p0 =	sne.s32 s2, $0x0;
	_ =	strace $0x90000047  }
0x76: {  	s0 =	sadd.s32 @!p0 $0x100000, s0;
	[bflag:$0x2] =	sbarrier.arrive $0xFFFF  }
0x77: {  	[sflag:s0] =	ssyncadd.tile.s32 @!p0 $0x1;
	_ =	shalt  }
.Lfunc_end2:
_tile_overlayer_lowered:
.L_overlay_start_2:
0x78: {  	(tag) =	ssettag $0x2  }
0x79: {  	s0 =	rddreg [dreg:$0x0];
	s2 =	stileid.u32  }
0x7a: {  	s1 =	rddreg [dreg:$0x1];
	p0 =	sne.s32 s2, $0x0  }
0x7b: {  	s3 =	rddreg [dreg:$0x2];
	[bflag:$0x3] =	sbarrier.arrive $0xFFFF;
	s2 =	simm.s32 @!p0 $0x1C01  }
0x7c: {  	[timem:s3], [sflag:s2] =	dma.local @!p0 [hbm:s0], s1  }
0x7d: {  	s0 =	simm.s32 @!p0 $0x1  }
0x7e: {  	_ =	swait.ge @!p0 [sflag:s0], s1  }
0x7f: {  	s1 =	ssub.s32 @!p0 $0x0, s1;
	[sflag:s0] =	ssyncset.done @!p0 $0x0  }
0x80: {  	[sflag:s0] =	ssyncadd.s32 @!p0 s1  }
0x81: {  	[bflag:$0x3] =	sbarrier.arrive $0xFFFF  }
0x82: {  	_ =	shalt  }

</sc_bundles>
